<compile_context>
chip_gen: v7x
topology: tpu7x:2x2x1
jax: 0.10.2.dev20260603
libtpu: 0.0.44.dev20260713+nightly
codegen_flags: <defaults>
</compile_context>

<pallas_src>
import functools

import jax
import jax.numpy as jnp
from jax import lax
from jax.experimental import pallas as pl
from jax.experimental.pallas import tpu as pltpu
from jax.experimental.pallas import tpu_sc as plsc


def kernel(row_embed, col_embed):
    H, D2 = row_embed.shape
    W = col_embed.shape[0]

    NW = 32
    RPW = H // NW
    L = 16
    NV = D2 // L
    BR = 8

    mesh = plsc.VectorSubcoreMesh(core_axis_name="c", subcore_axis_name="s")

    @functools.partial(
        pl.kernel,
        mesh=mesh,
        out_type=jax.ShapeDtypeStruct((H * W, 2 * D2), jnp.float32),
        scratch_types=[
            pltpu.VMEM((RPW, D2), jnp.float32),
            pltpu.VMEM((BR, D2), jnp.float32),
            pltpu.VMEM((BR, D2), jnp.float32),
            pltpu.SemaphoreType.DMA,
        ],
    )
    def row_half_kernel(row_hbm, out_hbm, myrows_v, b0, b1, wsem):
        wid = lax.axis_index("s") * 2 + lax.axis_index("c")
        base_i = wid * RPW
        pltpu.sync_copy(row_hbm.at[pl.ds(base_i, RPW)], myrows_v)
        writes = []
        bufs = (b0, b1)
        for t in range(RPW):
            bcast = bufs[t]
            vals = [myrows_v[t, pl.ds(v * L, L)] for v in range(NV)]
            for r in range(BR):
                for v in range(NV):
                    bcast[r, pl.ds(v * L, L)] = vals[v]
            row0 = (base_i + t) * W
            for q in range(W // BR):
                writes.append(
                    pltpu.async_copy(
                        bcast,
                        out_hbm.at[pl.ds(row0 + q * BR, BR), pl.ds(0, D2)],
                        wsem,
                    )
                )
        for wcp in writes:
            wcp.wait()

    sc_out = row_half_kernel(row_embed)

    BLK = 32

    def col_half_body(col_ref, _, out_ref):
        for k in range(BLK):
            out_ref[k * W:(k + 1) * W, :] = col_ref[...]

    out = pl.pallas_call(
        col_half_body,
        grid=(H // BLK,),
        in_specs=[
            pl.BlockSpec((W, D2), lambda i: (0, 0)),
            pl.BlockSpec(memory_space=pl.ANY),
        ],
        out_specs=pl.BlockSpec((BLK * W, D2), lambda i: (i, 1)),
        out_shape=jax.ShapeDtypeStruct((H * W, 2 * D2), jnp.float32),
        input_output_aliases={1: 0},
    )(col_embed, sc_out)
    return out

# --- scband reference (transcript-rebuilt; emitter-appended) ---
"""Pipeline reference for scband-learned2-dpos-embed-40269613367558 (READ-ONLY COPY).

The authoritative reference and input builder live on the scoring server;
editing this copy changes nothing except your own understanding.
"""

import jax, jax.numpy as jnp
import numpy as np

HEIGHT = 64
WIDTH = 64
MODEL_DIM = 768


def setup_inputs(seed: int = 0) -> dict:
    key = jax.random.key(seed)
    k1, k2 = jax.random.split(key)
    row_embed = jax.random.uniform(k1, (HEIGHT, MODEL_DIM // 2), dtype=jnp.float32)
    col_embed = jax.random.uniform(k2, (WIDTH, MODEL_DIM // 2), dtype=jnp.float32)
    return {"row_embed": row_embed, "col_embed": col_embed}


def reference(row_embed, col_embed):
    H = row_embed.shape[0]
    W = col_embed.shape[0]
    # embedding lookup over full arange of indices (gather)
    h = jnp.take(row_embed, jnp.arange(H), axis=0)
    w = jnp.take(col_embed, jnp.arange(W), axis=0)
    pos = jnp.concatenate(
        [
            jnp.broadcast_to(h[:, None, :], (H, W, h.shape[-1])),
            jnp.broadcast_to(w[None, :, :], (H, W, w.shape[-1])),
        ],
        axis=-1,
    )
    pos = jnp.reshape(pos, (-1, pos.shape[-1]))
    return pos

if __name__ == "__main__":
    import jax
    _d = setup_inputs()
    print(jax.jit(kernel)(*tuple(_d.values())))

</pallas_src>

<mosaic_0001>
#map = affine_map<(d0, d1) -> (0, 0)>
module attributes {stable_mosaic.version = 14 : i64} {
  func.func @row_half_kernel(%arg0: i32, %arg1: i32, %arg2: memref<64x384xf32, #tpu.memory_space<hbm>>, %arg3: memref<4096x768xf32, #tpu.memory_space<hbm>>, %arg4: memref<2x384xf32, #tpu.memory_space<vmem>>, %arg5: memref<8x384xf32, #tpu.memory_space<vmem>>, %arg6: memref<8x384xf32, #tpu.memory_space<vmem>>, %arg7: memref<!tpu.dma_semaphore, #tpu.memory_space<semaphore_mem>>) attributes {dimension_semantics = [#tpu.dimension_semantics<core_parallel>, #tpu.dimension_semantics<subcore_parallel>], iteration_bounds = array<i64: 2, 16>, scalar_prefetch = 0 : i64, scratch_operands = 4 : i64, tpu.core_type = #tpu.core_type<sc_vector_subcore>, window_params = [{transform_indices = #map}, {transform_indices = #map}]} {
    %mul3A = arith.constant 2 : i32
    %mul3A_0 = arith.muli %arg1, %mul3A : i32
    %add3A = arith.addi %mul3A_0, %arg0 : i32
    %mul3A_1 = arith.constant 2 : i32
    %mul3A_2 = arith.muli %add3A, %mul3A_1 : i32
    "tpu.region"() ({
      %run_scoped3A = tpu.sem_alloc : memref<!tpu.dma_semaphore, #tpu.memory_space<semaphore_mem>>
      %dma_start3A_2711 = arith.constant 0 : i32
      %dma_start3A_2712 = tpu.memref_slice %arg2[%mul3A_2, %dma_start3A_2711] : memref<64x384xf32, #tpu.memory_space<hbm>> -> memref<2x384xf32, #tpu.memory_space<hbm>>
      %dma_start3A_2713 = arith.constant 0 : i32
      %dma_start3A_2714 = tpu.memref_slice %arg2[%mul3A_2, %dma_start3A_2713] : memref<64x384xf32, #tpu.memory_space<hbm>> -> memref<2x384xf32, #tpu.memory_space<hbm>>
      tpu.enqueue_dma source(%dma_start3A_2714 : memref<2x384xf32, #tpu.memory_space<hbm>>) target(%arg4 : memref<2x384xf32, #tpu.memory_space<vmem>>) target_semaphore(%run_scoped3A : memref<!tpu.dma_semaphore, #tpu.memory_space<semaphore_mem>>)
      %dma_wait3A_2715 = arith.constant 0 : i32
      %dma_wait3A_2716 = tpu.memref_slice %arg2[%mul3A_2, %dma_wait3A_2715] : memref<64x384xf32, #tpu.memory_space<hbm>> -> memref<2x384xf32, #tpu.memory_space<hbm>>
      %dma_wait3A_2717 = arith.constant 0 : i32
      %dma_wait3A_2718 = tpu.memref_slice %arg2[%mul3A_2, %dma_wait3A_2717] : memref<64x384xf32, #tpu.memory_space<hbm>> -> memref<2x384xf32, #tpu.memory_space<hbm>>
      tpu.wait_dma2 semaphore(%run_scoped3A : memref<!tpu.dma_semaphore, #tpu.memory_space<semaphore_mem>>) src(%dma_wait3A_2718 : memref<2x384xf32, #tpu.memory_space<hbm>>) dst(%arg4 : memref<2x384xf32, #tpu.memory_space<vmem>>)
      tpu.yield
    }) : () -> ()
    %get3A = arith.constant 0 : i32
    %get3A_3 = arith.index_cast %get3A : i32 to index
    %get3A_4 = arith.constant 0 : index
    %get3A_5 = tpu.vector_load %arg4[%get3A_3, %get3A_4] {strides = array<i32>} : memref<2x384xf32, #tpu.memory_space<vmem>>, vector<1x16xf32>,
    %get3A_6 = vector.shape_cast %get3A_5 : vector<1x16xf32> to vector<16xf32>
    %get3A_7 = arith.constant 0 : i32
    %get3A_8 = arith.index_cast %get3A_7 : i32 to index
    %get3A_9 = arith.constant 16 : index
    %get3A_10 = tpu.vector_load %arg4[%get3A_8, %get3A_9] {strides = array<i32>} : memref<2x384xf32, #tpu.memory_space<vmem>>, vector<1x16xf32>,
    %get3A_11 = vector.shape_cast %get3A_10 : vector<1x16xf32> to vector<16xf32>
    %get3A_12 = arith.constant 0 : i32
    %get3A_13 = arith.index_cast %get3A_12 : i32 to index
    %get3A_14 = arith.constant 32 : index
    %get3A_15 = tpu.vector_load %arg4[%get3A_13, %get3A_14] {strides = array<i32>} : memref<2x384xf32, #tpu.memory_space<vmem>>, vector<1x16xf32>,
    %get3A_16 = vector.shape_cast %get3A_15 : vector<1x16xf32> to vector<16xf32>
    %get3A_17 = arith.constant 0 : i32
    %get3A_18 = arith.index_cast %get3A_17 : i32 to index
    %get3A_19 = arith.constant 48 : index
    %get3A_20 = tpu.vector_load %arg4[%get3A_18, %get3A_19] {strides = array<i32>} : memref<2x384xf32, #tpu.memory_space<vmem>>, vector<1x16xf32>,
    %get3A_21 = vector.shape_cast %get3A_20 : vector<1x16xf32> to vector<16xf32>
    %get3A_22 = arith.constant 0 : i32
    %get3A_23 = arith.index_cast %get3A_22 : i32 to index
    %get3A_24 = arith.constant 64 : index
    %get3A_25 = tpu.vector_load %arg4[%get3A_23, %get3A_24] {strides = array<i32>} : memref<2x384xf32, #tpu.memory_space<vmem>>, vector<1x16xf32>,
    %get3A_26 = vector.shape_cast %get3A_25 : vector<1x16xf32> to vector<16xf32>
    %get3A_27 = arith.constant 0 : i32
    %get3A_28 = arith.index_cast %get3A_27 : i32 to index
    %get3A_29 = arith.constant 80 : index
    %get3A_30 = tpu.vector_load %arg4[%get3A_28, %get3A_29] {strides = array<i32>} : memref<2x384xf32, #tpu.memory_space<vmem>>, vector<1x16xf32>,
    %get3A_31 = vector.shape_cast %get3A_30 : vector<1x16xf32> to vector<16xf32>
    %get3A_32 = arith.constant 0 : i32
    %get3A_33 = arith.index_cast %get3A_32 : i32 to index
    %get3A_34 = arith.constant 96 : index
    %get3A_35 = tpu.vector_load %arg4[%get3A_33, %get3A_34] {strides = array<i32>} : memref<2x384xf32, #tpu.memory_space<vmem>>, vector<1x16xf32>,
    %get3A_36 = vector.shape_cast %get3A_35 : vector<1x16xf32> to vector<16xf32>
    %get3A_37 = arith.constant 0 : i32
    %get3A_38 = arith.index_cast %get3A_37 : i32 to index
    %get3A_39 = arith.constant 112 : index
    %get3A_40 = tpu.vector_load %arg4[%get3A_38, %get3A_39] {strides = array<i32>} : memref<2x384xf32, #tpu.memory_space<vmem>>, vector<1x16xf32>,
    %get3A_41 = vector.shape_cast %get3A_40 : vector<1x16xf32> to vector<16xf32>
    %get3A_42 = arith.constant 0 : i32
    %get3A_43 = arith.index_cast %get3A_42 : i32 to index
    %get3A_44 = arith.constant 128 : index
    %get3A_45 = tpu.vector_load %arg4[%get3A_43, %get3A_44] {strides = array<i32>} : memref<2x384xf32, #tpu.memory_space<vmem>>, vector<1x16xf32>,
    %get3A_46 = vector.shape_cast %get3A_45 : vector<1x16xf32> to vector<16xf32>
    %get3A_47 = arith.constant 0 : i32
    %get3A_48 = arith.index_cast %get3A_47 : i32 to index
    %get3A_49 = arith.constant 144 : index
    %get3A_50 = tpu.vector_load %arg4[%get3A_48, %get3A_49] {strides = array<i32>} : memref<2x384xf32, #tpu.memory_space<vmem>>, vector<1x16xf32>,
    %get3A_51 = vector.shape_cast %get3A_50 : vector<1x16xf32> to vector<16xf32>
    %get3A_52 = arith.constant 0 : i32
    %get3A_53 = arith.index_cast %get3A_52 : i32 to index
    %get3A_54 = arith.constant 160 : index
    %get3A_55 = tpu.vector_load %arg4[%get3A_53, %get3A_54] {strides = array<i32>} : memref<2x384xf32, #tpu.memory_space<vmem>>, vector<1x16xf32>,
    %get3A_56 = vector.shape_cast %get3A_55 : vector<1x16xf32> to vector<16xf32>
    %get3A_57 = arith.constant 0 : i32
    %get3A_58 = arith.index_cast %get3A_57 : i32 to index
    %get3A_59 = arith.constant 176 : index
    %get3A_60 = tpu.vector_load %arg4[%get3A_58, %get3A_59] {strides = array<i32>} : memref<2x384xf32, #tpu.memory_space<vmem>>, vector<1x16xf32>,
    %get3A_61 = vector.shape_cast %get3A_60 : vector<1x16xf32> to vector<16xf32>
    %get3A_62 = arith.constant 0 : i32
    %get3A_63 = arith.index_cast %get3A_62 : i32 to index
    %get3A_64 = arith.constant 192 : index
    %get3A_65 = tpu.vector_load %arg4[%get3A_63, %get3A_64] {strides = array<i32>} : memref<2x384xf32, #tpu.memory_space<vmem>>, vector<1x16xf32>,
    %get3A_66 = vector.shape_cast %get3A_65 : vector<1x16xf32> to vector<16xf32>
    %get3A_67 = arith.constant 0 : i32
    %get3A_68 = arith.index_cast %get3A_67 : i32 to index
    %get3A_69 = arith.constant 208 : index
    %get3A_70 = tpu.vector_load %arg4[%get3A_68, %get3A_69] {strides = array<i32>} : memref<2x384xf32, #tpu.memory_space<vmem>>, vector<1x16xf32>,
    %get3A_71 = vector.shape_cast %get3A_70 : vector<1x16xf32> to vector<16xf32>
    %get3A_72 = arith.constant 0 : i32
    %get3A_73 = arith.index_cast %get3A_72 : i32 to index
    %get3A_74 = arith.constant 224 : index
    %get3A_75 = tpu.vector_load %arg4[%get3A_73, %get3A_74] {strides = array<i32>} : memref<2x384xf32, #tpu.memory_space<vmem>>, vector<1x16xf32>,
    %get3A_76 = vector.shape_cast %get3A_75 : vector<1x16xf32> to vector<16xf32>
    %get3A_77 = arith.constant 0 : i32
    %get3A_78 = arith.index_cast %get3A_77 : i32 to index
    %get3A_79 = arith.constant 240 : index
    %get3A_80 = tpu.vector_load %arg4[%get3A_78, %get3A_79] {strides = array<i32>} : memref<2x384xf32, #tpu.memory_space<vmem>>, vector<1x16xf32>,
    %get3A_81 = vector.shape_cast %get3A_80 : vector<1x16xf32> to vector<16xf32>
    %get3A_82 = arith.constant 0 : i32
    %get3A_83 = arith.index_cast %get3A_82 : i32 to index
    %get3A_84 = arith.constant 256 : index
    %get3A_85 = tpu.vector_load %arg4[%get3A_83, %get3A_84] {strides = array<i32>} : memref<2x384xf32, #tpu.memory_space<vmem>>, vector<1x16xf32>,
    %get3A_86 = vector.shape_cast %get3A_85 : vector<1x16xf32> to vector<16xf32>
    %get3A_87 = arith.constant 0 : i32
    %get3A_88 = arith.index_cast %get3A_87 : i32 to index
    %get3A_89 = arith.constant 272 : index
    %get3A_90 = tpu.vector_load %arg4[%get3A_88, %get3A_89] {strides = array<i32>} : memref<2x384xf32, #tpu.memory_space<vmem>>, vector<1x16xf32>,
    %get3A_91 = vector.shape_cast %get3A_90 : vector<1x16xf32> to vector<16xf32>
    %get3A_92 = arith.constant 0 : i32
    %get3A_93 = arith.index_cast %get3A_92 : i32 to index
    %get3A_94 = arith.constant 288 : index
    %get3A_95 = tpu.vector_load %arg4[%get3A_93, %get3A_94] {strides = array<i32>} : memref<2x384xf32, #tpu.memory_space<vmem>>, vector<1x16xf32>,
    %get3A_96 = vector.shape_cast %get3A_95 : vector<1x16xf32> to vector<16xf32>
    %get3A_97 = arith.constant 0 : i32
    %get3A_98 = arith.index_cast %get3A_97 : i32 to index
    %get3A_99 = arith.constant 304 : index
    %get3A_100 = tpu.vector_load %arg4[%get3A_98, %get3A_99] {strides = array<i32>} : memref<2x384xf32, #tpu.memory_space<vmem>>, vector<1x16xf32>,
    %get3A_101 = vector.shape_cast %get3A_100 : vector<1x16xf32> to vector<16xf32>
    %get3A_102 = arith.constant 0 : i32
    %get3A_103 = arith.index_cast %get3A_102 : i32 to index
    %get3A_104 = arith.constant 320 : index
    %get3A_105 = tpu.vector_load %arg4[%get3A_103, %get3A_104] {strides = array<i32>} : memref<2x384xf32, #tpu.memory_space<vmem>>, vector<1x16xf32>,
    %get3A_106 = vector.shape_cast %get3A_105 : vector<1x16xf32> to vector<16xf32>
    %get3A_107 = arith.constant 0 : i32
    %get3A_108 = arith.index_cast %get3A_107 : i32 to index
    %get3A_109 = arith.constant 336 : index
    %get3A_110 = tpu.vector_load %arg4[%get3A_108, %get3A_109] {strides = array<i32>} : memref<2x384xf32, #tpu.memory_space<vmem>>, vector<1x16xf32>,
    %get3A_111 = vector.shape_cast %get3A_110 : vector<1x16xf32> to vector<16xf32>
    %get3A_112 = arith.constant 0 : i32
    %get3A_113 = arith.index_cast %get3A_112 : i32 to index
    %get3A_114 = arith.constant 352 : index
    %get3A_115 = tpu.vector_load %arg4[%get3A_113, %get3A_114] {strides = array<i32>} : memref<2x384xf32, #tpu.memory_space<vmem>>, vector<1x16xf32>,
    %get3A_116 = vector.shape_cast %get3A_115 : vector<1x16xf32> to vector<16xf32>
    %get3A_117 = arith.constant 0 : i32
    %get3A_118 = arith.index_cast %get3A_117 : i32 to index
    %get3A_119 = arith.constant 368 : index
    %get3A_120 = tpu.vector_load %arg4[%get3A_118, %get3A_119] {strides = array<i32>} : memref<2x384xf32, #tpu.memory_space<vmem>>, vector<1x16xf32>,
    %get3A_121 = vector.shape_cast %get3A_120 : vector<1x16xf32> to vector<16xf32>
    %swap3A = arith.constant 0 : i32
    %swap3A_122 = arith.index_cast %swap3A : i32 to index
    %swap3A_123 = arith.constant 0 : index
    %swap3A_124 = tpu.vector_load %arg5[%swap3A_122, %swap3A_123] {strides = array<i32>} : memref<8x384xf32, #tpu.memory_space<vmem>>, vector<1x16xf32>,
    %swap3A_125 = vector.shape_cast %swap3A_124 : vector<1x16xf32> to vector<16xf32>
    %swap3A_126 = vector.shape_cast %get3A_6 : vector<16xf32> to vector<1x16xf32>
    tpu.vector_store %arg5[%swap3A_122, %swap3A_123], %swap3A_126 {strides = array<i32>} : memref<8x384xf32, #tpu.memory_space<vmem>>, vector<1x16xf32>,
    %swap3A_127 = arith.constant 0 : i32
    %swap3A_128 = arith.index_cast %swap3A_127 : i32 to index
    %swap3A_129 = arith.constant 16 : index
    %swap3A_130 = tpu.vector_load %arg5[%swap3A_128, %swap3A_129] {strides = array<i32>} : memref<8x384xf32, #tpu.memory_space<vmem>>, vector<1x16xf32>,
    %swap3A_131 = vector.shape_cast %swap3A_130 : vector<1x16xf32> to vector<16xf32>
    %swap3A_132 = vector.shape_cast %get3A_11 : vector<16xf32> to vector<1x16xf32>
    tpu.vector_store %arg5[%swap3A_128, %swap3A_129], %swap3A_132 {strides = array<i32>} : memref<8x384xf32, #tpu.memory_space<vmem>>, vector<1x16xf32>,
    %swap3A_133 = arith.constant 0 : i32
    %swap3A_134 = arith.index_cast %swap3A_133 : i32 to index
    %swap3A_135 = arith.constant 32 : index
    %swap3A_136 = tpu.vector_load %arg5[%swap3A_134, %swap3A_135] {strides = array<i32>} : memref<8x384xf32, #tpu.memory_space<vmem>>, vector<1x16xf32>,
    %swap3A_137 = vector.shape_cast %swap3A_136 : vector<1x16xf32> to vector<16xf32>
    %swap3A_138 = vector.shape_cast %get3A_16 : vector<16xf32> to vector<1x16xf32>
    tpu.vector_store %arg5[%swap3A_134, %swap3A_135], %swap3A_138 {strides = array<i32>} : memref<8x384xf32, #tpu.memory_space<vmem>>, vector<1x16xf32>,
    %swap3A_139 = arith.constant 0 : i32
    %swap3A_140 = arith.index_cast %swap3A_139 : i32 to index
    %swap3A_141 = arith.constant 48 : index
    %swap3A_142 = tpu.vector_load %arg5[%swap3A_140, %swap3A_141] {strides = array<i32>} : memref<8x384xf32, #tpu.memory_space<vmem>>, vector<1x16xf32>,
    %swap3A_143 = vector.shape_cast %swap3A_142 : vector<1x16xf32> to vector<16xf32>
    %swap3A_144 = vector.shape_cast %get3A_21 : vector<16xf32> to vector<1x16xf32>
    tpu.vector_store %arg5[%swap3A_140, %swap3A_141], %swap3A_144 {strides = array<i32>} : memref<8x384xf32, #tpu.memory_space<vmem>>, vector<1x16xf32>,
    %swap3A_145 = arith.constant 0 : i32
    %swap3A_146 = arith.index_cast %swap3A_145 : i32 to index
    %swap3A_147 = arith.constant 64 : index
    %swap3A_148 = tpu.vector_load %arg5[%swap3A_146, %swap3A_147] {strides = array<i32>} : memref<8x384xf32, #tpu.memory_space<vmem>>, vector<1x16xf32>,
    %swap3A_149 = vector.shape_cast %swap3A_148 : vector<1x16xf32> to vector<16xf32>
    %swap3A_150 = vector.shape_cast %get3A_26 : vector<16xf32> to vector<1x16xf32>
    tpu.vector_store %arg5[%swap3A_146, %swap3A_147], %swap3A_150 {strides = array<i32>} : memref<8x384xf32, #tpu.memory_space<vmem>>, vector<1x16xf32>,
    %swap3A_151 = arith.constant 0 : i32
    %swap3A_152 = arith.index_cast %swap3A_151 : i32 to index
    %swap3A_153 = arith.constant 80 : index
    %swap3A_154 = tpu.vector_load %arg5[%swap3A_152, %swap3A_153] {strides = array<i32>} : memref<8x384xf32, #tpu.memory_space<vmem>>, vector<1x16xf32>,
    %swap3A_155 = vector.shape_cast %swap3A_154 : vector<1x16xf32> to vector<16xf32>
    %swap3A_156 = vector.shape_cast %get3A_31 : vector<16xf32> to vector<1x16xf32>
    tpu.vector_store %arg5[%swap3A_152, %swap3A_153], %swap3A_156 {strides = array<i32>} : memref<8x384xf32, #tpu.memory_space<vmem>>, vector<1x16xf32>,
    %swap3A_157 = arith.constant 0 : i32
    %swap3A_158 = arith.index_cast %swap3A_157 : i32 to index
    %swap3A_159 = arith.constant 96 : index
    %swap3A_160 = tpu.vector_load %arg5[%swap3A_158, %swap3A_159] {strides = array<i32>} : memref<8x384xf32, #tpu.memory_space<vmem>>, vector<1x16xf32>,
    %swap3A_161 = vector.shape_cast %swap3A_160 : vector<1x16xf32> to vector<16xf32>
    %swap3A_162 = vector.shape_cast %get3A_36 : vector<16xf32> to vector<1x16xf32>
    tpu.vector_store %arg5[%swap3A_158, %swap3A_159], %swap3A_162 {strides = array<i32>} : memref<8x384xf32, #tpu.memory_space<vmem>>, vector<1x16xf32>,
    %swap3A_163 = arith.constant 0 : i32
    %swap3A_164 = arith.index_cast %swap3A_163 : i32 to index
    %swap3A_165 = arith.constant 112 : index
    %swap3A_166 = tpu.vector_load %arg5[%swap3A_164, %swap3A_165] {strides = array<i32>} : memref<8x384xf32, #tpu.memory_space<vmem>>, vector<1x16xf32>,
    %swap3A_167 = vector.shape_cast %swap3A_166 : vector<1x16xf32> to vector<16xf32>
    %swap3A_168 = vector.shape_cast %get3A_41 : vector<16xf32> to vector<1x16xf32>
    tpu.vector_store %arg5[%swap3A_164, %swap3A_165], %swap3A_168 {strides = array<i32>} : memref<8x384xf32, #tpu.memory_space<vmem>>, vector<1x16xf32>,
    %swap3A_169 = arith.constant 0 : i32
    %swap3A_170 = arith.index_cast %swap3A_169 : i32 to index
    %swap3A_171 = arith.constant 128 : index
    %swap3A_172 = tpu.vector_load %arg5[%swap3A_170, %swap3A_171] {strides = array<i32>} : memref<8x384xf32, #tpu.memory_space<vmem>>, vector<1x16xf32>,
    %swap3A_173 = vector.shape_cast %swap3A_172 : vector<1x16xf32> to vector<16xf32>
    %swap3A_174 = vector.shape_cast %get3A_46 : vector<16xf32> to vector<1x16xf32>
    tpu.vector_store %arg5[%swap3A_170, %swap3A_171], %swap3A_174 {strides = array<i32>} : memref<8x384xf32, #tpu.memory_space<vmem>>, vector<1x16xf32>,
    %swap3A_175 = arith.constant 0 : i32
    %swap3A_176 = arith.index_cast %swap3A_175 : i32 to index
    %swap3A_177 = arith.constant 144 : index
    %swap3A_178 = tpu.vector_load %arg5[%swap3A_176, %swap3A_177] {strides = array<i32>} : memref<8x384xf32, #tpu.memory_space<vmem>>, vector<1x16xf32>,
    %swap3A_179 = vector.shape_cast %swap3A_178 : vector<1x16xf32> to vector<16xf32>
    %swap3A_180 = vector.shape_cast %get3A_51 : vector<16xf32> to vector<1x16xf32>
    tpu.vector_store %arg5[%swap3A_176, %swap3A_177], %swap3A_180 {strides = array<i32>} : memref<8x384xf32, #tpu.memory_space<vmem>>, vector<1x16xf32>,
    %swap3A_181 = arith.constant 0 : i32
    %swap3A_182 = arith.index_cast %swap3A_181 : i32 to index
    %swap3A_183 = arith.constant 160 : index
    %swap3A_184 = tpu.vector_load %arg5[%swap3A_182, %swap3A_183] {strides = array<i32>} : memref<8x384xf32, #tpu.memory_space<vmem>>, vector<1x16xf32>,
    %swap3A_185 = vector.shape_cast %swap3A_184 : vector<1x16xf32> to vector<16xf32>
    %swap3A_186 = vector.shape_cast %get3A_56 : vector<16xf32> to vector<1x16xf32>
    tpu.vector_store %arg5[%swap3A_182, %swap3A_183], %swap3A_186 {strides = array<i32>} : memref<8x384xf32, #tpu.memory_space<vmem>>, vector<1x16xf32>,
    %swap3A_187 = arith.constant 0 : i32
    %swap3A_188 = arith.index_cast %swap3A_187 : i32 to index
    %swap3A_189 = arith.constant 176 : index
    %swap3A_190 = tpu.vector_load %arg5[%swap3A_188, %swap3A_189] {strides = array<i32>} : memref<8x384xf32, #tpu.memory_space<vmem>>, vector<1x16xf32>,
    %swap3A_191 = vector.shape_cast %swap3A_190 : vector<1x16xf32> to vector<16xf32>
    %swap3A_192 = vector.shape_cast %get3A_61 : vector<16xf32> to vector<1x16xf32>
    tpu.vector_store %arg5[%swap3A_188, %swap3A_189], %swap3A_192 {strides = array<i32>} : memref<8x384xf32, #tpu.memory_space<vmem>>, vector<1x16xf32>,
    %swap3A_193 = arith.constant 0 : i32
    %swap3A_194 = arith.index_cast %swap3A_193 : i32 to index
    %swap3A_195 = arith.constant 192 : index
    %swap3A_196 = tpu.vector_load %arg5[%swap3A_194, %swap3A_195] {strides = array<i32>} : memref<8x384xf32, #tpu.memory_space<vmem>>, vector<1x16xf32>,
    %swap3A_197 = vector.shape_cast %swap3A_196 : vector<1x16xf32> to vector<16xf32>
    %swap3A_198 = vector.shape_cast %get3A_66 : vector<16xf32> to vector<1x16xf32>
    tpu.vector_store %arg5[%swap3A_194, %swap3A_195], %swap3A_198 {strides = array<i32>} : memref<8x384xf32, #tpu.memory_space<vmem>>, vector<1x16xf32>,
    %swap3A_199 = arith.constant 0 : i32
    %swap3A_200 = arith.index_cast %swap3A_199 : i32 to index
    %swap3A_201 = arith.constant 208 : index
    %swap3A_202 = tpu.vector_load %arg5[%swap3A_200, %swap3A_201] {strides = array<i32>} : memref<8x384xf32, #tpu.memory_space<vmem>>, vector<1x16xf32>,
    %swap3A_203 = vector.shape_cast %swap3A_202 : vector<1x16xf32> to vector<16xf32>
    %swap3A_204 = vector.shape_cast %get3A_71 : vector<16xf32> to vector<1x16xf32>
    tpu.vector_store %arg5[%swap3A_200, %swap3A_201], %swap3A_204 {strides = array<i32>} : memref<8x384xf32, #tpu.memory_space<vmem>>, vector<1x16xf32>,
    %swap3A_205 = arith.constant 0 : i32
    %swap3A_206 = arith.index_cast %swap3A_205 : i32 to index
    %swap3A_207 = arith.constant 224 : index
    %swap3A_208 = tpu.vector_load %arg5[%swap3A_206, %swap3A_207] {strides = array<i32>} : memref<8x384xf32, #tpu.memory_space<vmem>>, vector<1x16xf32>,
    %swap3A_209 = vector.shape_cast %swap3A_208 : vector<1x16xf32> to vector<16xf32>
    %swap3A_210 = vector.shape_cast %get3A_76 : vector<16xf32> to vector<1x16xf32>
    tpu.vector_store %arg5[%swap3A_206, %swap3A_207], %swap3A_210 {strides = array<i32>} : memref<8x384xf32, #tpu.memory_space<vmem>>, vector<1x16xf32>,
    %swap3A_211 = arith.constant 0 : i32
    %swap3A_212 = arith.index_cast %swap3A_211 : i32 to index
    %swap3A_213 = arith.constant 240 : index
    %swap3A_214 = tpu.vector_load %arg5[%swap3A_212, %swap3A_213] {strides = array<i32>} : memref<8x384xf32, #tpu.memory_space<vmem>>, vector<1x16xf32>,
    %swap3A_215 = vector.shape_cast %swap3A_214 : vector<1x16xf32> to vector<16xf32>
    %swap3A_216 = vector.shape_cast %get3A_81 : vector<16xf32> to vector<1x16xf32>
    tpu.vector_store %arg5[%swap3A_212, %swap3A_213], %swap3A_216 {strides = array<i32>} : memref<8x384xf32, #tpu.memory_space<vmem>>, vector<1x16xf32>,
    %swap3A_217 = arith.constant 0 : i32
    %swap3A_218 = arith.index_cast %swap3A_217 : i32 to index
    %swap3A_219 = arith.constant 256 : index
    %swap3A_220 = tpu.vector_load %arg5[%swap3A_218, %swap3A_219] {strides = array<i32>} : memref<8x384xf32, #tpu.memory_space<vmem>>, vector<1x16xf32>,
    %swap3A_221 = vector.shape_cast %swap3A_220 : vector<1x16xf32> to vector<16xf32>
    %swap3A_222 = vector.shape_cast %get3A_86 : vector<16xf32> to vector<1x16xf32>
    tpu.vector_store %arg5[%swap3A_218, %swap3A_219], %swap3A_222 {strides = array<i32>} : memref<8x384xf32, #tpu.memory_space<vmem>>, vector<1x16xf32>,
    %swap3A_223 = arith.constant 0 : i32
    %swap3A_224 = arith.index_cast %swap3A_223 : i32 to index
    %swap3A_225 = arith.constant 272 : index
    %swap3A_226 = tpu.vector_load %arg5[%swap3A_224, %swap3A_225] {strides = array<i32>} : memref<8x384xf32, #tpu.memory_space<vmem>>, vector<1x16xf32>,
    %swap3A_227 = vector.shape_cast %swap3A_226 : vector<1x16xf32> to vector<16xf32>
    %swap3A_228 = vector.shape_cast %get3A_91 : vector<16xf32> to vector<1x16xf32>
    tpu.vector_store %arg5[%swap3A_224, %swap3A_225], %swap3A_228 {strides = array<i32>} : memref<8x384xf32, #tpu.memory_space<vmem>>, vector<1x16xf32>,
    %swap3A_229 = arith.constant 0 : i32
    %swap3A_230 = arith.index_cast %swap3A_229 : i32 to index
    %swap3A_231 = arith.constant 288 : index
    %swap3A_232 = tpu.vector_load %arg5[%swap3A_230, %swap3A_231] {strides = array<i32>} : memref<8x384xf32, #tpu.memory_space<vmem>>, vector<1x16xf32>,
    %swap3A_233 = vector.shape_cast %swap3A_232 : vector<1x16xf32> to vector<16xf32>
    %swap3A_234 = vector.shape_cast %get3A_96 : vector<16xf32> to vector<1x16xf32>
    tpu.vector_store %arg5[%swap3A_230, %swap3A_231], %swap3A_234 {strides = array<i32>} : memref<8x384xf32, #tpu.memory_space<vmem>>, vector<1x16xf32>,
    %swap3A_235 = arith.constant 0 : i32
    %swap3A_236 = arith.index_cast %swap3A_235 : i32 to index
    %swap3A_237 = arith.constant 304 : index
    %swap3A_238 = tpu.vector_load %arg5[%swap3A_236, %swap3A_237] {strides = array<i32>} : memref<8x384xf32, #tpu.memory_space<vmem>>, vector<1x16xf32>,
    %swap3A_239 = vector.shape_cast %swap3A_238 : vector<1x16xf32> to vector<16xf32>
    %swap3A_240 = vector.shape_cast %get3A_101 : vector<16xf32> to vector<1x16xf32>
    tpu.vector_store %arg5[%swap3A_236, %swap3A_237], %swap3A_240 {strides = array<i32>} : memref<8x384xf32, #tpu.memory_space<vmem>>, vector<1x16xf32>,
    %swap3A_241 = arith.constant 0 : i32
    %swap3A_242 = arith.index_cast %swap3A_241 : i32 to index
    %swap3A_243 = arith.constant 320 : index
    %swap3A_244 = tpu.vector_load %arg5[%swap3A_242, %swap3A_243] {strides = array<i32>} : memref<8x384xf32, #tpu.memory_space<vmem>>, vector<1x16xf32>,
    %swap3A_245 = vector.shape_cast %swap3A_244 : vector<1x16xf32> to vector<16xf32>
    %swap3A_246 = vector.shape_cast %get3A_106 : vector<16xf32> to vector<1x16xf32>
    tpu.vector_store %arg5[%swap3A_242, %swap3A_243], %swap3A_246 {strides = array<i32>} : memref<8x384xf32, #tpu.memory_space<vmem>>, vector<1x16xf32>,
    %swap3A_247 = arith.constant 0 : i32
    %swap3A_248 = arith.index_cast %swap3A_247 : i32 to index
    %swap3A_249 = arith.constant 336 : index
    %swap3A_250 = tpu.vector_load %arg5[%swap3A_248, %swap3A_249] {strides = array<i32>} : memref<8x384xf32, #tpu.memory_space<vmem>>, vector<1x16xf32>,
    %swap3A_251 = vector.shape_cast %swap3A_250 : vector<1x16xf32> to vector<16xf32>
    %swap3A_252 = vector.shape_cast %get3A_111 : vector<16xf32> to vector<1x16xf32>
    tpu.vector_store %arg5[%swap3A_248, %swap3A_249], %swap3A_252 {strides = array<i32>} : memref<8x384xf32, #tpu.memory_space<vmem>>, vector<1x16xf32>,
    %swap3A_253 = arith.constant 0 : i32
    %swap3A_254 = arith.index_cast %swap3A_253 : i32 to index
    %swap3A_255 = arith.constant 352 : index
    %swap3A_256 = tpu.vector_load %arg5[%swap3A_254, %swap3A_255] {strides = array<i32>} : memref<8x384xf32, #tpu.memory_space<vmem>>, vector<1x16xf32>,
    %swap3A_257 = vector.shape_cast %swap3A_256 : vector<1x16xf32> to vector<16xf32>
    %swap3A_258 = vector.shape_cast %get3A_116 : vector<16xf32> to vector<1x16xf32>
    tpu.vector_store %arg5[%swap3A_254, %swap3A_255], %swap3A_258 {strides = array<i32>} : memref<8x384xf32, #tpu.memory_space<vmem>>, vector<1x16xf32>,
    %swap3A_259 = arith.constant 0 : i32
    %swap3A_260 = arith.index_cast %swap3A_259 : i32 to index
    %swap3A_261 = arith.constant 368 : index
    %swap3A_262 = tpu.vector_load %arg5[%swap3A_260, %swap3A_261] {strides = array<i32>} : memref<8x384xf32, #tpu.memory_space<vmem>>, vector<1x16xf32>,
    %swap3A_263 = vector.shape_cast %swap3A_262 : vector<1x16xf32> to vector<16xf32>
    %swap3A_264 = vector.shape_cast %get3A_121 : vector<16xf32> to vector<1x16xf32>
    tpu.vector_store %arg5[%swap3A_260, %swap3A_261], %swap3A_264 {strides = array<i32>} : memref<8x384xf32, #tpu.memory_space<vmem>>, vector<1x16xf32>,
    %swap3A_265 = arith.constant 1 : i32
    %swap3A_266 = arith.index_cast %swap3A_265 : i32 to index
    %swap3A_267 = arith.constant 0 : index
    %swap3A_268 = tpu.vector_load %arg5[%swap3A_266, %swap3A_267] {strides = array<i32>} : memref<8x384xf32, #tpu.memory_space<vmem>>, vector<1x16xf32>,
    %swap3A_269 = vector.shape_cast %swap3A_268 : vector<1x16xf32> to vector<16xf32>
    %swap3A_270 = vector.shape_cast %get3A_6 : vector<16xf32> to vector<1x16xf32>
    tpu.vector_store %arg5[%swap3A_266, %swap3A_267], %swap3A_270 {strides = array<i32>} : memref<8x384xf32, #tpu.memory_space<vmem>>, vector<1x16xf32>,
    %swap3A_271 = arith.constant 1 : i32
    %swap3A_272 = arith.index_cast %swap3A_271 : i32 to index
    %swap3A_273 = arith.constant 16 : index
    %swap3A_274 = tpu.vector_load %arg5[%swap3A_272, %swap3A_273] {strides = array<i32>} : memref<8x384xf32, #tpu.memory_space<vmem>>, vector<1x16xf32>,
    %swap3A_275 = vector.shape_cast %swap3A_274 : vector<1x16xf32> to vector<16xf32>
    %swap3A_276 = vector.shape_cast %get3A_11 : vector<16xf32> to vector<1x16xf32>
    tpu.vector_store %arg5[%swap3A_272, %swap3A_273], %swap3A_276 {strides = array<i32>} : memref<8x384xf32, #tpu.memory_space<vmem>>, vector<1x16xf32>,
    %swap3A_277 = arith.constant 1 : i32
    %swap3A_278 = arith.index_cast %swap3A_277 : i32 to index
    %swap3A_279 = arith.constant 32 : index
    %swap3A_280 = tpu.vector_load %arg5[%swap3A_278, %swap3A_279] {strides = array<i32>} : memref<8x384xf32, #tpu.memory_space<vmem>>, vector<1x16xf32>,
    %swap3A_281 = vector.shape_cast %swap3A_280 : vector<1x16xf32> to vector<16xf32>
    %swap3A_282 = vector.shape_cast %get3A_16 : vector<16xf32> to vector<1x16xf32>
    tpu.vector_store %arg5[%swap3A_278, %swap3A_279], %swap3A_282 {strides = array<i32>} : memref<8x384xf32, #tpu.memory_space<vmem>>, vector<1x16xf32>,
    %swap3A_283 = arith.constant 1 : i32
    %swap3A_284 = arith.index_cast %swap3A_283 : i32 to index
    %swap3A_285 = arith.constant 48 : index
    %swap3A_286 = tpu.vector_load %arg5[%swap3A_284, %swap3A_285] {strides = array<i32>} : memref<8x384xf32, #tpu.memory_space<vmem>>, vector<1x16xf32>,
    %swap3A_287 = vector.shape_cast %swap3A_286 : vector<1x16xf32> to vector<16xf32>
    %swap3A_288 = vector.shape_cast %get3A_21 : vector<16xf32> to vector<1x16xf32>
    tpu.vector_store %arg5[%swap3A_284, %swap3A_285], %swap3A_288 {strides = array<i32>} : memref<8x384xf32, #tpu.memory_space<vmem>>, vector<1x16xf32>,
    %swap3A_289 = arith.constant 1 : i32
    %swap3A_290 = arith.index_cast %swap3A_289 : i32 to index
    %swap3A_291 = arith.constant 64 : index
    %swap3A_292 = tpu.vector_load %arg5[%swap3A_290, %swap3A_291] {strides = array<i32>} : memref<8x384xf32, #tpu.memory_space<vmem>>, vector<1x16xf32>,
    %swap3A_293 = vector.shape_cast %swap3A_292 : vector<1x16xf32> to vector<16xf32>
    %swap3A_294 = vector.shape_cast %get3A_26 : vector<16xf32> to vector<1x16xf32>
    tpu.vector_store %arg5[%swap3A_290, %swap3A_291], %swap3A_294 {strides = array<i32>} : memref<8x384xf32, #tpu.memory_space<vmem>>, vector<1x16xf32>,
    %swap3A_295 = arith.constant 1 : i32
    %swap3A_296 = arith.index_cast %swap3A_295 : i32 to index
    %swap3A_297 = arith.constant 80 : index
    %swap3A_298 = tpu.vector_load %arg5[%swap3A_296, %swap3A_297] {strides = array<i32>} : memref<8x384xf32, #tpu.memory_space<vmem>>, vector<1x16xf32>,
    %swap3A_299 = vector.shape_cast %swap3A_298 : vector<1x16xf32> to vector<16xf32>
    %swap3A_300 = vector.shape_cast %get3A_31 : vector<16xf32> to vector<1x16xf32>
    tpu.vector_store %arg5[%swap3A_296, %swap3A_297], %swap3A_300 {strides = array<i32>} : memref<8x384xf32, #tpu.memory_space<vmem>>, vector<1x16xf32>,
    %swap3A_301 = arith.constant 1 : i32
    %swap3A_302 = arith.index_cast %swap3A_301 : i32 to index
    %swap3A_303 = arith.constant 96 : index
    %swap3A_304 = tpu.vector_load %arg5[%swap3A_302, %swap3A_303] {strides = array<i32>} : memref<8x384xf32, #tpu.memory_space<vmem>>, vector<1x16xf32>,
    %swap3A_305 = vector.shape_cast %swap3A_304 : vector<1x16xf32> to vector<16xf32>
    %swap3A_306 = vector.shape_cast %get3A_36 : vector<16xf32> to vector<1x16xf32>
    tpu.vector_store %arg5[%swap3A_302, %swap3A_303], %swap3A_306 {strides = array<i32>} : memref<8x384xf32, #tpu.memory_space<vmem>>, vector<1x16xf32>,
    %swap3A_307 = arith.constant 1 : i32
    %swap3A_308 = arith.index_cast %swap3A_307 : i32 to index
    %swap3A_309 = arith.constant 112 : index
    %swap3A_310 = tpu.vector_load %arg5[%swap3A_308, %swap3A_309] {strides = array<i32>} : memref<8x384xf32, #tpu.memory_space<vmem>>, vector<1x16xf32>,
    %swap3A_311 = vector.shape_cast %swap3A_310 : vector<1x16xf32> to vector<16xf32>
    %swap3A_312 = vector.shape_cast %get3A_41 : vector<16xf32> to vector<1x16xf32>
    tpu.vector_store %arg5[%swap3A_308, %swap3A_309], %swap3A_312 {strides = array<i32>} : memref<8x384xf32, #tpu.memory_space<vmem>>, vector<1x16xf32>,
    %swap3A_313 = arith.constant 1 : i32
    %swap3A_314 = arith.index_cast %swap3A_313 : i32 to index
    %swap3A_315 = arith.constant 128 : index
    %swap3A_316 = tpu.vector_load %arg5[%swap3A_314, %swap3A_315] {strides = array<i32>} : memref<8x384xf32, #tpu.memory_space<vmem>>, vector<1x16xf32>,
    %swap3A_317 = vector.shape_cast %swap3A_316 : vector<1x16xf32> to vector<16xf32>
    %swap3A_318 = vector.shape_cast %get3A_46 : vector<16xf32> to vector<1x16xf32>
    tpu.vector_store %arg5[%swap3A_314, %swap3A_315], %swap3A_318 {strides = array<i32>} : memref<8x384xf32, #tpu.memory_space<vmem>>, vector<1x16xf32>,
    %swap3A_319 = arith.constant 1 : i32
    %swap3A_320 = arith.index_cast %swap3A_319 : i32 to index
    %swap3A_321 = arith.constant 144 : index
    %swap3A_322 = tpu.vector_load %arg5[%swap3A_320, %swap3A_321] {strides = array<i32>} : memref<8x384xf32, #tpu.memory_space<vmem>>, vector<1x16xf32>,
    %swap3A_323 = vector.shape_cast %swap3A_322 : vector<1x16xf32> to vector<16xf32>
    %swap3A_324 = vector.shape_cast %get3A_51 : vector<16xf32> to vector<1x16xf32>
    tpu.vector_store %arg5[%swap3A_320, %swap3A_321], %swap3A_324 {strides = array<i32>} : memref<8x384xf32, #tpu.memory_space<vmem>>, vector<1x16xf32>,
    %swap3A_325 = arith.constant 1 : i32
    %swap3A_326 = arith.index_cast %swap3A_325 : i32 to index
    %swap3A_327 = arith.constant 160 : index
    %swap3A_328 = tpu.vector_load %arg5[%swap3A_326, %swap3A_327] {strides = array<i32>} : memref<8x384xf32, #tpu.memory_space<vmem>>, vector<1x16xf32>,
    %swap3A_329 = vector.shape_cast %swap3A_328 : vector<1x16xf32> to vector<16xf32>
    %swap3A_330 = vector.shape_cast %get3A_56 : vector<16xf32> to vector<1x16xf32>
    tpu.vector_store %arg5[%swap3A_326, %swap3A_327], %swap3A_330 {strides = array<i32>} : memref<8x384xf32, #tpu.memory_space<vmem>>, vector<1x16xf32>,
    %swap3A_331 = arith.constant 1 : i32
    %swap3A_332 = arith.index_cast %swap3A_331 : i32 to index
    %swap3A_333 = arith.constant 176 : index
    %swap3A_334 = tpu.vector_load %arg5[%swap3A_332, %swap3A_333] {strides = array<i32>} : memref<8x384xf32, #tpu.memory_space<vmem>>, vector<1x16xf32>,
    %swap3A_335 = vector.shape_cast %swap3A_334 : vector<1x16xf32> to vector<16xf32>
    %swap3A_336 = vector.shape_cast %get3A_61 : vector<16xf32> to vector<1x16xf32>
    tpu.vector_store %arg5[%swap3A_332, %swap3A_333], %swap3A_336 {strides = array<i32>} : memref<8x384xf32, #tpu.memory_space<vmem>>, vector<1x16xf32>,
    %swap3A_337 = arith.constant 1 : i32
    %swap3A_338 = arith.index_cast %swap3A_337 : i32 to index
    %swap3A_339 = arith.constant 192 : index
    %swap3A_340 = tpu.vector_load %arg5[%swap3A_338, %swap3A_339] {strides = array<i32>} : memref<8x384xf32, #tpu.memory_space<vmem>>, vector<1x16xf32>,
    %swap3A_341 = vector.shape_cast %swap3A_340 : vector<1x16xf32> to vector<16xf32>
    %swap3A_342 = vector.shape_cast %get3A_66 : vector<16xf32> to vector<1x16xf32>
    tpu.vector_store %arg5[%swap3A_338, %swap3A_339], %swap3A_342 {strides = array<i32>} : memref<8x384xf32, #tpu.memory_space<vmem>>, vector<1x16xf32>,
    %swap3A_343 = arith.constant 1 : i32
    %swap3A_344 = arith.index_cast %swap3A_343 : i32 to index
    %swap3A_345 = arith.constant 208 : index
    %swap3A_346 = tpu.vector_load %arg5[%swap3A_344, %swap3A_345] {strides = array<i32>} : memref<8x384xf32, #tpu.memory_space<vmem>>, vector<1x16xf32>,
    %swap3A_347 = vector.shape_cast %swap3A_346 : vector<1x16xf32> to vector<16xf32>
    %swap3A_348 = vector.shape_cast %get3A_71 : vector<16xf32> to vector<1x16xf32>
    tpu.vector_store %arg5[%swap3A_344, %swap3A_345], %swap3A_348 {strides = array<i32>} : memref<8x384xf32, #tpu.memory_space<vmem>>, vector<1x16xf32>,
    %swap3A_349 = arith.constant 1 : i32
    %swap3A_350 = arith.index_cast %swap3A_349 : i32 to index
    %swap3A_351 = arith.constant 224 : index
    %swap3A_352 = tpu.vector_load %arg5[%swap3A_350, %swap3A_351] {strides = array<i32>} : memref<8x384xf32, #tpu.memory_space<vmem>>, vector<1x16xf32>,
    %swap3A_353 = vector.shape_cast %swap3A_352 : vector<1x16xf32> to vector<16xf32>
    %swap3A_354 = vector.shape_cast %get3A_76 : vector<16xf32> to vector<1x16xf32>
    tpu.vector_store %arg5[%swap3A_350, %swap3A_351], %swap3A_354 {strides = array<i32>} : memref<8x384xf32, #tpu.memory_space<vmem>>, vector<1x16xf32>,
    %swap3A_355 = arith.constant 1 : i32
    %swap3A_356 = arith.index_cast %swap3A_355 : i32 to index
    %swap3A_357 = arith.constant 240 : index
    %swap3A_358 = tpu.vector_load %arg5[%swap3A_356, %swap3A_357] {strides = array<i32>} : memref<8x384xf32, #tpu.memory_space<vmem>>, vector<1x16xf32>,
    %swap3A_359 = vector.shape_cast %swap3A_358 : vector<1x16xf32> to vector<16xf32>
    %swap3A_360 = vector.shape_cast %get3A_81 : vector<16xf32> to vector<1x16xf32>
    tpu.vector_store %arg5[%swap3A_356, %swap3A_357], %swap3A_360 {strides = array<i32>} : memref<8x384xf32, #tpu.memory_space<vmem>>, vector<1x16xf32>,
    %swap3A_361 = arith.constant 1 : i32
    %swap3A_362 = arith.index_cast %swap3A_361 : i32 to index
    %swap3A_363 = arith.constant 256 : index
    %swap3A_364 = tpu.vector_load %arg5[%swap3A_362, %swap3A_363] {strides = array<i32>} : memref<8x384xf32, #tpu.memory_space<vmem>>, vector<1x16xf32>,
    %swap3A_365 = vector.shape_cast %swap3A_364 : vector<1x16xf32> to vector<16xf32>
    %swap3A_366 = vector.shape_cast %get3A_86 : vector<16xf32> to vector<1x16xf32>
    tpu.vector_store %arg5[%swap3A_362, %swap3A_363], %swap3A_366 {strides = array<i32>} : memref<8x384xf32, #tpu.memory_space<vmem>>, vector<1x16xf32>,
    %swap3A_367 = arith.constant 1 : i32
    %swap3A_368 = arith.index_cast %swap3A_367 : i32 to index
    %swap3A_369 = arith.constant 272 : index
    %swap3A_370 = tpu.vector_load %arg5[%swap3A_368, %swap3A_369] {strides = array<i32>} : memref<8x384xf32, #tpu.memory_space<vmem>>, vector<1x16xf32>,
    %swap3A_371 = vector.shape_cast %swap3A_370 : vector<1x16xf32> to vector<16xf32>
    %swap3A_372 = vector.shape_cast %get3A_91 : vector<16xf32> to vector<1x16xf32>
    tpu.vector_store %arg5[%swap3A_368, %swap3A_369], %swap3A_372 {strides = array<i32>} : memref<8x384xf32, #tpu.memory_space<vmem>>, vector<1x16xf32>,
    %swap3A_373 = arith.constant 1 : i32
    %swap3A_374 = arith.index_cast %swap3A_373 : i32 to index
    %swap3A_375 = arith.constant 288 : index
    %swap3A_376 = tpu.vector_load %arg5[%swap3A_374, %swap3A_375] {strides = array<i32>} : memref<8x384xf32, #tpu.memory_space<vmem>>, vector<1x16xf32>,
    %swap3A_377 = vector.shape_cast %swap3A_376 : vector<1x16xf32> to vector<16xf32>
    %swap3A_378 = vector.shape_cast %get3A_96 : vector<16xf32> to vector<1x16xf32>
    tpu.vector_store %arg5[%swap3A_374, %swap3A_375], %swap3A_378 {strides = array<i32>} : memref<8x384xf32, #tpu.memory_space<vmem>>, vector<1x16xf32>,
    %swap3A_379 = arith.constant 1 : i32
    %swap3A_380 = arith.index_cast %swap3A_379 : i32 to index
    %swap3A_381 = arith.constant 304 : index
    %swap3A_382 = tpu.vector_load %arg5[%swap3A_380, %swap3A_381] {strides = array<i32>} : memref<8x384xf32, #tpu.memory_space<vmem>>, vector<1x16xf32>,
    %swap3A_383 = vector.shape_cast %swap3A_382 : vector<1x16xf32> to vector<16xf32>
    %swap3A_384 = vector.shape_cast %get3A_101 : vector<16xf32> to vector<1x16xf32>
    tpu.vector_store %arg5[%swap3A_380, %swap3A_381], %swap3A_384 {strides = array<i32>} : memref<8x384xf32, #tpu.memory_space<vmem>>, vector<1x16xf32>,
    %swap3A_385 = arith.constant 1 : i32
    %swap3A_386 = arith.index_cast %swap3A_385 : i32 to index
    %swap3A_387 = arith.constant 320 : index
    %swap3A_388 = tpu.vector_load %arg5[%swap3A_386, %swap3A_387] {strides = array<i32>} : memref<8x384xf32, #tpu.memory_space<vmem>>, vector<1x16xf32>,
    %swap3A_389 = vector.shape_cast %swap3A_388 : vector<1x16xf32> to vector<16xf32>
    %swap3A_390 = vector.shape_cast %get3A_106 : vector<16xf32> to vector<1x16xf32>
    tpu.vector_store %arg5[%swap3A_386, %swap3A_387], %swap3A_390 {strides = array<i32>} : memref<8x384xf32, #tpu.memory_space<vmem>>, vector<1x16xf32>,
    %swap3A_391 = arith.constant 1 : i32
    %swap3A_392 = arith.index_cast %swap3A_391 : i32 to index
    %swap3A_393 = arith.constant 336 : index
    %swap3A_394 = tpu.vector_load %arg5[%swap3A_392, %swap3A_393] {strides = array<i32>} : memref<8x384xf32, #tpu.memory_space<vmem>>, vector<1x16xf32>,
    %swap3A_395 = vector.shape_cast %swap3A_394 : vector<1x16xf32> to vector<16xf32>
    %swap3A_396 = vector.shape_cast %get3A_111 : vector<16xf32> to vector<1x16xf32>
    tpu.vector_store %arg5[%swap3A_392, %swap3A_393], %swap3A_396 {strides = array<i32>} : memref<8x384xf32, #tpu.memory_space<vmem>>, vector<1x16xf32>,
    %swap3A_397 = arith.constant 1 : i32
    %swap3A_398 = arith.index_cast %swap3A_397 : i32 to index
    %swap3A_399 = arith.constant 352 : index
    %swap3A_400 = tpu.vector_load %arg5[%swap3A_398, %swap3A_399] {strides = array<i32>} : memref<8x384xf32, #tpu.memory_space<vmem>>, vector<1x16xf32>,
    %swap3A_401 = vector.shape_cast %swap3A_400 : vector<1x16xf32> to vector<16xf32>
    %swap3A_402 = vector.shape_cast %get3A_116 : vector<16xf32> to vector<1x16xf32>
    tpu.vector_store %arg5[%swap3A_398, %swap3A_399], %swap3A_402 {strides = array<i32>} : memref<8x384xf32, #tpu.memory_space<vmem>>, vector<1x16xf32>,
    %swap3A_403 = arith.constant 1 : i32
    %swap3A_404 = arith.index_cast %swap3A_403 : i32 to index
    %swap3A_405 = arith.constant 368 : index
    %swap3A_406 = tpu.vector_load %arg5[%swap3A_404, %swap3A_405] {strides = array<i32>} : memref<8x384xf32, #tpu.memory_space<vmem>>, vector<1x16xf32>,
    %swap3A_407 = vector.shape_cast %swap3A_406 : vector<1x16xf32> to vector<16xf32>
    %swap3A_408 = vector.shape_cast %get3A_121 : vector<16xf32> to vector<1x16xf32>
    tpu.vector_store %arg5[%swap3A_404, %swap3A_405], %swap3A_408 {strides = array<i32>} : memref<8x384xf32, #tpu.memory_space<vmem>>, vector<1x16xf32>,
    %swap3A_409 = arith.constant 2 : i32
    %swap3A_410 = arith.index_cast %swap3A_409 : i32 to index
    %swap3A_411 = arith.constant 0 : index
    %swap3A_412 = tpu.vector_load %arg5[%swap3A_410, %swap3A_411] {strides = array<i32>} : memref<8x384xf32, #tpu.memory_space<vmem>>, vector<1x16xf32>,
    %swap3A_413 = vector.shape_cast %swap3A_412 : vector<1x16xf32> to vector<16xf32>
    %swap3A_414 = vector.shape_cast %get3A_6 : vector<16xf32> to vector<1x16xf32>
    tpu.vector_store %arg5[%swap3A_410, %swap3A_411], %swap3A_414 {strides = array<i32>} : memref<8x384xf32, #tpu.memory_space<vmem>>, vector<1x16xf32>,
    %swap3A_415 = arith.constant 2 : i32
    %swap3A_416 = arith.index_cast %swap3A_415 : i32 to index
    %swap3A_417 = arith.constant 16 : index
    %swap3A_418 = tpu.vector_load %arg5[%swap3A_416, %swap3A_417] {strides = array<i32>} : memref<8x384xf32, #tpu.memory_space<vmem>>, vector<1x16xf32>,
    %swap3A_419 = vector.shape_cast %swap3A_418 : vector<1x16xf32> to vector<16xf32>
    %swap3A_420 = vector.shape_cast %get3A_11 : vector<16xf32> to vector<1x16xf32>
    tpu.vector_store %arg5[%swap3A_416, %swap3A_417], %swap3A_420 {strides = array<i32>} : memref<8x384xf32, #tpu.memory_space<vmem>>, vector<1x16xf32>,
    %swap3A_421 = arith.constant 2 : i32
    %swap3A_422 = arith.index_cast %swap3A_421 : i32 to index
    %swap3A_423 = arith.constant 32 : index
    %swap3A_424 = tpu.vector_load %arg5[%swap3A_422, %swap3A_423] {strides = array<i32>} : memref<8x384xf32, #tpu.memory_space<vmem>>, vector<1x16xf32>,
    %swap3A_425 = vector.shape_cast %swap3A_424 : vector<1x16xf32> to vector<16xf32>
    %swap3A_426 = vector.shape_cast %get3A_16 : vector<16xf32> to vector<1x16xf32>
    tpu.vector_store %arg5[%swap3A_422, %swap3A_423], %swap3A_426 {strides = array<i32>} : memref<8x384xf32, #tpu.memory_space<vmem>>, vector<1x16xf32>,
    %swap3A_427 = arith.constant 2 : i32
    %swap3A_428 = arith.index_cast %swap3A_427 : i32 to index
    %swap3A_429 = arith.constant 48 : index
    %swap3A_430 = tpu.vector_load %arg5[%swap3A_428, %swap3A_429] {strides = array<i32>} : memref<8x384xf32, #tpu.memory_space<vmem>>, vector<1x16xf32>,
    %swap3A_431 = vector.shape_cast %swap3A_430 : vector<1x16xf32> to vector<16xf32>
    %swap3A_432 = vector.shape_cast %get3A_21 : vector<16xf32> to vector<1x16xf32>
    tpu.vector_store %arg5[%swap3A_428, %swap3A_429], %swap3A_432 {strides = array<i32>} : memref<8x384xf32, #tpu.memory_space<vmem>>, vector<1x16xf32>,
    %swap3A_433 = arith.constant 2 : i32
    %swap3A_434 = arith.index_cast %swap3A_433 : i32 to index
    %swap3A_435 = arith.constant 64 : index
    %swap3A_436 = tpu.vector_load %arg5[%swap3A_434, %swap3A_435] {strides = array<i32>} : memref<8x384xf32, #tpu.memory_space<vmem>>, vector<1x16xf32>,
    %swap3A_437 = vector.shape_cast %swap3A_436 : vector<1x16xf32> to vector<16xf32>
    %swap3A_438 = vector.shape_cast %get3A_26 : vector<16xf32> to vector<1x16xf32>
    tpu.vector_store %arg5[%swap3A_434, %swap3A_435], %swap3A_438 {strides = array<i32>} : memref<8x384xf32, #tpu.memory_space<vmem>>, vector<1x16xf32>,
    %swap3A_439 = arith.constant 2 : i32
    %swap3A_440 = arith.index_cast %swap3A_439 : i32 to index
    %swap3A_441 = arith.constant 80 : index
    %swap3A_442 = tpu.vector_load %arg5[%swap3A_440, %swap3A_441] {strides = array<i32>} : memref<8x384xf32, #tpu.memory_space<vmem>>, vector<1x16xf32>,
    %swap3A_443 = vector.shape_cast %swap3A_442 : vector<1x16xf32> to vector<16xf32>
    %swap3A_444 = vector.shape_cast %get3A_31 : vector<16xf32> to vector<1x16xf32>
    tpu.vector_store %arg5[%swap3A_440, %swap3A_441], %swap3A_444 {strides = array<i32>} : memref<8x384xf32, #tpu.memory_space<vmem>>, vector<1x16xf32>,
    %swap3A_445 = arith.constant 2 : i32
    %swap3A_446 = arith.index_cast %swap3A_445 : i32 to index
    %swap3A_447 = arith.constant 96 : index
    %swap3A_448 = tpu.vector_load %arg5[%swap3A_446, %swap3A_447] {strides = array<i32>} : memref<8x384xf32, #tpu.memory_space<vmem>>, vector<1x16xf32>,
    %swap3A_449 = vector.shape_cast %swap3A_448 : vector<1x16xf32> to vector<16xf32>
    %swap3A_450 = vector.shape_cast %get3A_36 : vector<16xf32> to vector<1x16xf32>
    tpu.vector_store %arg5[%swap3A_446, %swap3A_447], %swap3A_450 {strides = array<i32>} : memref<8x384xf32, #tpu.memory_space<vmem>>, vector<1x16xf32>,
    %swap3A_451 = arith.constant 2 : i32
    %swap3A_452 = arith.index_cast %swap3A_451 : i32 to index
    %swap3A_453 = arith.constant 112 : index
    %swap3A_454 = tpu.vector_load %arg5[%swap3A_452, %swap3A_453] {strides = array<i32>} : memref<8x384xf32, #tpu.memory_space<vmem>>, vector<1x16xf32>,
    %swap3A_455 = vector.shape_cast %swap3A_454 : vector<1x16xf32> to vector<16xf32>
    %swap3A_456 = vector.shape_cast %get3A_41 : vector<16xf32> to vector<1x16xf32>
    tpu.vector_store %arg5[%swap3A_452, %swap3A_453], %swap3A_456 {strides = array<i32>} : memref<8x384xf32, #tpu.memory_space<vmem>>, vector<1x16xf32>,
    %swap3A_457 = arith.constant 2 : i32
    %swap3A_458 = arith.index_cast %swap3A_457 : i32 to index
    %swap3A_459 = arith.constant 128 : index
    %swap3A_460 = tpu.vector_load %arg5[%swap3A_458, %swap3A_459] {strides = array<i32>} : memref<8x384xf32, #tpu.memory_space<vmem>>, vector<1x16xf32>,
    %swap3A_461 = vector.shape_cast %swap3A_460 : vector<1x16xf32> to vector<16xf32>
    %swap3A_462 = vector.shape_cast %get3A_46 : vector<16xf32> to vector<1x16xf32>
    tpu.vector_store %arg5[%swap3A_458, %swap3A_459], %swap3A_462 {strides = array<i32>} : memref<8x384xf32, #tpu.memory_space<vmem>>, vector<1x16xf32>,
    %swap3A_463 = arith.constant 2 : i32
    %swap3A_464 = arith.index_cast %swap3A_463 : i32 to index
    %swap3A_465 = arith.constant 144 : index
    %swap3A_466 = tpu.vector_load %arg5[%swap3A_464, %swap3A_465] {strides = array<i32>} : memref<8x384xf32, #tpu.memory_space<vmem>>, vector<1x16xf32>,
    %swap3A_467 = vector.shape_cast %swap3A_466 : vector<1x16xf32> to vector<16xf32>
    %swap3A_468 = vector.shape_cast %get3A_51 : vector<16xf32> to vector<1x16xf32>
    tpu.vector_store %arg5[%swap3A_464, %swap3A_465], %swap3A_468 {strides = array<i32>} : memref<8x384xf32, #tpu.memory_space<vmem>>, vector<1x16xf32>,
    %swap3A_469 = arith.constant 2 : i32
    %swap3A_470 = arith.index_cast %swap3A_469 : i32 to index
    %swap3A_471 = arith.constant 160 : index
    %swap3A_472 = tpu.vector_load %arg5[%swap3A_470, %swap3A_471] {strides = array<i32>} : memref<8x384xf32, #tpu.memory_space<vmem>>, vector<1x16xf32>,
    %swap3A_473 = vector.shape_cast %swap3A_472 : vector<1x16xf32> to vector<16xf32>
    %swap3A_474 = vector.shape_cast %get3A_56 : vector<16xf32> to vector<1x16xf32>
    tpu.vector_store %arg5[%swap3A_470, %swap3A_471], %swap3A_474 {strides = array<i32>} : memref<8x384xf32, #tpu.memory_space<vmem>>, vector<1x16xf32>,
    %swap3A_475 = arith.constant 2 : i32
    %swap3A_476 = arith.index_cast %swap3A_475 : i32 to index
    %swap3A_477 = arith.constant 176 : index
    %swap3A_478 = tpu.vector_load %arg5[%swap3A_476, %swap3A_477] {strides = array<i32>} : memref<8x384xf32, #tpu.memory_space<vmem>>, vector<1x16xf32>,
    %swap3A_479 = vector.shape_cast %swap3A_478 : vector<1x16xf32> to vector<16xf32>
    %swap3A_480 = vector.shape_cast %get3A_61 : vector<16xf32> to vector<1x16xf32>
    tpu.vector_store %arg5[%swap3A_476, %swap3A_477], %swap3A_480 {strides = array<i32>} : memref<8x384xf32, #tpu.memory_space<vmem>>, vector<1x16xf32>,
    %swap3A_481 = arith.constant 2 : i32
    %swap3A_482 = arith.index_cast %swap3A_481 : i32 to index
    %swap3A_483 = arith.constant 192 : index
    %swap3A_484 = tpu.vector_load %arg5[%swap3A_482, %swap3A_483] {strides = array<i32>} : memref<8x384xf32, #tpu.memory_space<vmem>>, vector<1x16xf32>,
    %swap3A_485 = vector.shape_cast %swap3A_484 : vector<1x16xf32> to vector<16xf32>
    %swap3A_486 = vector.shape_cast %get3A_66 : vector<16xf32> to vector<1x16xf32>
    tpu.vector_store %arg5[%swap3A_482, %swap3A_483], %swap3A_486 {strides = array<i32>} : memref<8x384xf32, #tpu.memory_space<vmem>>, vector<1x16xf32>,
    %swap3A_487 = arith.constant 2 : i32
    %swap3A_488 = arith.index_cast %swap3A_487 : i32 to index
    %swap3A_489 = arith.constant 208 : index
    %swap3A_490 = tpu.vector_load %arg5[%swap3A_488, %swap3A_489] {strides = array<i32>} : memref<8x384xf32, #tpu.memory_space<vmem>>, vector<1x16xf32>,
    %swap3A_491 = vector.shape_cast %swap3A_490 : vector<1x16xf32> to vector<16xf32>
    %swap3A_492 = vector.shape_cast %get3A_71 : vector<16xf32> to vector<1x16xf32>
    tpu.vector_store %arg5[%swap3A_488, %swap3A_489], %swap3A_492 {strides = array<i32>} : memref<8x384xf32, #tpu.memory_space<vmem>>, vector<1x16xf32>,
    %swap3A_493 = arith.constant 2 : i32
    %swap3A_494 = arith.index_cast %swap3A_493 : i32 to index
    %swap3A_495 = arith.constant 224 : index
    %swap3A_496 = tpu.vector_load %arg5[%swap3A_494, %swap3A_495] {strides = array<i32>} : memref<8x384xf32, #tpu.memory_space<vmem>>, vector<1x16xf32>,
    %swap3A_497 = vector.shape_cast %swap3A_496 : vector<1x16xf32> to vector<16xf32>
    %swap3A_498 = vector.shape_cast %get3A_76 : vector<16xf32> to vector<1x16xf32>
    tpu.vector_store %arg5[%swap3A_494, %swap3A_495], %swap3A_498 {strides = array<i32>} : memref<8x384xf32, #tpu.memory_space<vmem>>, vector<1x16xf32>,
    %swap3A_499 = arith.constant 2 : i32
    %swap3A_500 = arith.index_cast %swap3A_499 : i32 to index
    %swap3A_501 = arith.constant 240 : index
    %swap3A_502 = tpu.vector_load %arg5[%swap3A_500, %swap3A_501] {strides = array<i32>} : memref<8x384xf32, #tpu.memory_space<vmem>>, vector<1x16xf32>,
    %swap3A_503 = vector.shape_cast %swap3A_502 : vector<1x16xf32> to vector<16xf32>
    %swap3A_504 = vector.shape_cast %get3A_81 : vector<16xf32> to vector<1x16xf32>
    tpu.vector_store %arg5[%swap3A_500, %swap3A_501], %swap3A_504 {strides = array<i32>} : memref<8x384xf32, #tpu.memory_space<vmem>>, vector<1x16xf32>,
    %swap3A_505 = arith.constant 2 : i32
    %swap3A_506 = arith.index_cast %swap3A_505 : i32 to index
    %swap3A_507 = arith.constant 256 : index
    %swap3A_508 = tpu.vector_load %arg5[%swap3A_506, %swap3A_507] {strides = array<i32>} : memref<8x384xf32, #tpu.memory_space<vmem>>, vector<1x16xf32>,
    %swap3A_509 = vector.shape_cast %swap3A_508 : vector<1x16xf32> to vector<16xf32>
    %swap3A_510 = vector.shape_cast %get3A_86 : vector<16xf32> to vector<1x16xf32>
    tpu.vector_store %arg5[%swap3A_506, %swap3A_507], %swap3A_510 {strides = array<i32>} : memref<8x384xf32, #tpu.memory_space<vmem>>, vector<1x16xf32>,
    %swap3A_511 = arith.constant 2 : i32
    %swap3A_512 = arith.index_cast %swap3A_511 : i32 to index
    %swap3A_513 = arith.constant 272 : index
    %swap3A_514 = tpu.vector_load %arg5[%swap3A_512, %swap3A_513] {strides = array<i32>} : memref<8x384xf32, #tpu.memory_space<vmem>>, vector<1x16xf32>,
    %swap3A_515 = vector.shape_cast %swap3A_514 : vector<1x16xf32> to vector<16xf32>
    %swap3A_516 = vector.shape_cast %get3A_91 : vector<16xf32> to vector<1x16xf32>
    tpu.vector_store %arg5[%swap3A_512, %swap3A_513], %swap3A_516 {strides = array<i32>} : memref<8x384xf32, #tpu.memory_space<vmem>>, vector<1x16xf32>,
    %swap3A_517 = arith.constant 2 : i32
    %swap3A_518 = arith.index_cast %swap3A_517 : i32 to index
    %swap3A_519 = arith.constant 288 : index
    %swap3A_520 = tpu.vector_load %arg5[%swap3A_518, %swap3A_519] {strides = array<i32>} : memref<8x384xf32, #tpu.memory_space<vmem>>, vector<1x16xf32>,
    %swap3A_521 = vector.shape_cast %swap3A_520 : vector<1x16xf32> to vector<16xf32>
    %swap3A_522 = vector.shape_cast %get3A_96 : vector<16xf32> to vector<1x16xf32>
    tpu.vector_store %arg5[%swap3A_518, %swap3A_519], %swap3A_522 {strides = array<i32>} : memref<8x384xf32, #tpu.memory_space<vmem>>, vector<1x16xf32>,
    %swap3A_523 = arith.constant 2 : i32
    %swap3A_524 = arith.index_cast %swap3A_523 : i32 to index
    %swap3A_525 = arith.constant 304 : index
    %swap3A_526 = tpu.vector_load %arg5[%swap3A_524, %swap3A_525] {strides = array<i32>} : memref<8x384xf32, #tpu.memory_space<vmem>>, vector<1x16xf32>,
    %swap3A_527 = vector.shape_cast %swap3A_526 : vector<1x16xf32> to vector<16xf32>
    %swap3A_528 = vector.shape_cast %get3A_101 : vector<16xf32> to vector<1x16xf32>
    tpu.vector_store %arg5[%swap3A_524, %swap3A_525], %swap3A_528 {strides = array<i32>} : memref<8x384xf32, #tpu.memory_space<vmem>>, vector<1x16xf32>,
    %swap3A_529 = arith.constant 2 : i32
    %swap3A_530 = arith.index_cast %swap3A_529 : i32 to index
    %swap3A_531 = arith.constant 320 : index
    %swap3A_532 = tpu.vector_load %arg5[%swap3A_530, %swap3A_531] {strides = array<i32>} : memref<8x384xf32, #tpu.memory_space<vmem>>, vector<1x16xf32>,
    %swap3A_533 = vector.shape_cast %swap3A_532 : vector<1x16xf32> to vector<16xf32>
    %swap3A_534 = vector.shape_cast %get3A_106 : vector<16xf32> to vector<1x16xf32>
    tpu.vector_store %arg5[%swap3A_530, %swap3A_531], %swap3A_534 {strides = array<i32>} : memref<8x384xf32, #tpu.memory_space<vmem>>, vector<1x16xf32>,
    %swap3A_535 = arith.constant 2 : i32
    %swap3A_536 = arith.index_cast %swap3A_535 : i32 to index
    %swap3A_537 = arith.constant 336 : index
    %swap3A_538 = tpu.vector_load %arg5[%swap3A_536, %swap3A_537] {strides = array<i32>} : memref<8x384xf32, #tpu.memory_space<vmem>>, vector<1x16xf32>,
    %swap3A_539 = vector.shape_cast %swap3A_538 : vector<1x16xf32> to vector<16xf32>
    %swap3A_540 = vector.shape_cast %get3A_111 : vector<16xf32> to vector<1x16xf32>
    tpu.vector_store %arg5[%swap3A_536, %swap3A_537], %swap3A_540 {strides = array<i32>} : memref<8x384xf32, #tpu.memory_space<vmem>>, vector<1x16xf32>,
    %swap3A_541 = arith.constant 2 : i32
    %swap3A_542 = arith.index_cast %swap3A_541 : i32 to index
    %swap3A_543 = arith.constant 352 : index
    %swap3A_544 = tpu.vector_load %arg5[%swap3A_542, %swap3A_543] {strides = array<i32>} : memref<8x384xf32, #tpu.memory_space<vmem>>, vector<1x16xf32>,
    %swap3A_545 = vector.shape_cast %swap3A_544 : vector<1x16xf32> to vector<16xf32>
    %swap3A_546 = vector.shape_cast %get3A_116 : vector<16xf32> to vector<1x16xf32>
    tpu.vector_store %arg5[%swap3A_542, %swap3A_543], %swap3A_546 {strides = array<i32>} : memref<8x384xf32, #tpu.memory_space<vmem>>, vector<1x16xf32>,
    %swap3A_547 = arith.constant 2 : i32
    %swap3A_548 = arith.index_cast %swap3A_547 : i32 to index
    %swap3A_549 = arith.constant 368 : index
    %swap3A_550 = tpu.vector_load %arg5[%swap3A_548, %swap3A_549] {strides = array<i32>} : memref<8x384xf32, #tpu.memory_space<vmem>>, vector<1x16xf32>,
    %swap3A_551 = vector.shape_cast %swap3A_550 : vector<1x16xf32> to vector<16xf32>
    %swap3A_552 = vector.shape_cast %get3A_121 : vector<16xf32> to vector<1x16xf32>
    tpu.vector_store %arg5[%swap3A_548, %swap3A_549], %swap3A_552 {strides = array<i32>} : memref<8x384xf32, #tpu.memory_space<vmem>>, vector<1x16xf32>,
    %swap3A_553 = arith.constant 3 : i32
    %swap3A_554 = arith.index_cast %swap3A_553 : i32 to index
    %swap3A_555 = arith.constant 0 : index
    %swap3A_556 = tpu.vector_load %arg5[%swap3A_554, %swap3A_555] {strides = array<i32>} : memref<8x384xf32, #tpu.memory_space<vmem>>, vector<1x16xf32>,
    %swap3A_557 = vector.shape_cast %swap3A_556 : vector<1x16xf32> to vector<16xf32>
    %swap3A_558 = vector.shape_cast %get3A_6 : vector<16xf32> to vector<1x16xf32>
    tpu.vector_store %arg5[%swap3A_554, %swap3A_555], %swap3A_558 {strides = array<i32>} : memref<8x384xf32, #tpu.memory_space<vmem>>, vector<1x16xf32>,
    %swap3A_559 = arith.constant 3 : i32
    %swap3A_560 = arith.index_cast %swap3A_559 : i32 to index
    %swap3A_561 = arith.constant 16 : index
    %swap3A_562 = tpu.vector_load %arg5[%swap3A_560, %swap3A_561] {strides = array<i32>} : memref<8x384xf32, #tpu.memory_space<vmem>>, vector<1x16xf32>,
    %swap3A_563 = vector.shape_cast %swap3A_562 : vector<1x16xf32> to vector<16xf32>
    %swap3A_564 = vector.shape_cast %get3A_11 : vector<16xf32> to vector<1x16xf32>
    tpu.vector_store %arg5[%swap3A_560, %swap3A_561], %swap3A_564 {strides = array<i32>} : memref<8x384xf32, #tpu.memory_space<vmem>>, vector<1x16xf32>,
    %swap3A_565 = arith.constant 3 : i32
    %swap3A_566 = arith.index_cast %swap3A_565 : i32 to index
    %swap3A_567 = arith.constant 32 : index
    %swap3A_568 = tpu.vector_load %arg5[%swap3A_566, %swap3A_567] {strides = array<i32>} : memref<8x384xf32, #tpu.memory_space<vmem>>, vector<1x16xf32>,
    %swap3A_569 = vector.shape_cast %swap3A_568 : vector<1x16xf32> to vector<16xf32>
    %swap3A_570 = vector.shape_cast %get3A_16 : vector<16xf32> to vector<1x16xf32>
    tpu.vector_store %arg5[%swap3A_566, %swap3A_567], %swap3A_570 {strides = array<i32>} : memref<8x384xf32, #tpu.memory_space<vmem>>, vector<1x16xf32>,
    %swap3A_571 = arith.constant 3 : i32
    %swap3A_572 = arith.index_cast %swap3A_571 : i32 to index
    %swap3A_573 = arith.constant 48 : index
    %swap3A_574 = tpu.vector_load %arg5[%swap3A_572, %swap3A_573] {strides = array<i32>} : memref<8x384xf32, #tpu.memory_space<vmem>>, vector<1x16xf32>,
    %swap3A_575 = vector.shape_cast %swap3A_574 : vector<1x16xf32> to vector<16xf32>
    %swap3A_576 = vector.shape_cast %get3A_21 : vector<16xf32> to vector<1x16xf32>
    tpu.vector_store %arg5[%swap3A_572, %swap3A_573], %swap3A_576 {strides = array<i32>} : memref<8x384xf32, #tpu.memory_space<vmem>>, vector<1x16xf32>,
    %swap3A_577 = arith.constant 3 : i32
    %swap3A_578 = arith.index_cast %swap3A_577 : i32 to index
    %swap3A_579 = arith.constant 64 : index
    %swap3A_580 = tpu.vector_load %arg5[%swap3A_578, %swap3A_579] {strides = array<i32>} : memref<8x384xf32, #tpu.memory_space<vmem>>, vector<1x16xf32>,
    %swap3A_581 = vector.shape_cast %swap3A_580 : vector<1x16xf32> to vector<16xf32>
    %swap3A_582 = vector.shape_cast %get3A_26 : vector<16xf32> to vector<1x16xf32>
    tpu.vector_store %arg5[%swap3A_578, %swap3A_579], %swap3A_582 {strides = array<i32>} : memref<8x384xf32, #tpu.memory_space<vmem>>, vector<1x16xf32>,
    %swap3A_583 = arith.constant 3 : i32
    %swap3A_584 = arith.index_cast %swap3A_583 : i32 to index
    %swap3A_585 = arith.constant 80 : index
    %swap3A_586 = tpu.vector_load %arg5[%swap3A_584, %swap3A_585] {strides = array<i32>} : memref<8x384xf32, #tpu.memory_space<vmem>>, vector<1x16xf32>,
    %swap3A_587 = vector.shape_cast %swap3A_586 : vector<1x16xf32> to vector<16xf32>
    %swap3A_588 = vector.shape_cast %get3A_31 : vector<16xf32> to vector<1x16xf32>
    tpu.vector_store %arg5[%swap3A_584, %swap3A_585], %swap3A_588 {strides = array<i32>} : memref<8x384xf32, #tpu.memory_space<vmem>>, vector<1x16xf32>,
    %swap3A_589 = arith.constant 3 : i32
    %swap3A_590 = arith.index_cast %swap3A_589 : i32 to index
    %swap3A_591 = arith.constant 96 : index
    %swap3A_592 = tpu.vector_load %arg5[%swap3A_590, %swap3A_591] {strides = array<i32>} : memref<8x384xf32, #tpu.memory_space<vmem>>, vector<1x16xf32>,
    %swap3A_593 = vector.shape_cast %swap3A_592 : vector<1x16xf32> to vector<16xf32>
    %swap3A_594 = vector.shape_cast %get3A_36 : vector<16xf32> to vector<1x16xf32>
    tpu.vector_store %arg5[%swap3A_590, %swap3A_591], %swap3A_594 {strides = array<i32>} : memref<8x384xf32, #tpu.memory_space<vmem>>, vector<1x16xf32>,
    %swap3A_595 = arith.constant 3 : i32
    %swap3A_596 = arith.index_cast %swap3A_595 : i32 to index
    %swap3A_597 = arith.constant 112 : index
    %swap3A_598 = tpu.vector_load %arg5[%swap3A_596, %swap3A_597] {strides = array<i32>} : memref<8x384xf32, #tpu.memory_space<vmem>>, vector<1x16xf32>,
    %swap3A_599 = vector.shape_cast %swap3A_598 : vector<1x16xf32> to vector<16xf32>
    %swap3A_600 = vector.shape_cast %get3A_41 : vector<16xf32> to vector<1x16xf32>
    tpu.vector_store %arg5[%swap3A_596, %swap3A_597], %swap3A_600 {strides = array<i32>} : memref<8x384xf32, #tpu.memory_space<vmem>>, vector<1x16xf32>,
    %swap3A_601 = arith.constant 3 : i32
    %swap3A_602 = arith.index_cast %swap3A_601 : i32 to index
    %swap3A_603 = arith.constant 128 : index
    %swap3A_604 = tpu.vector_load %arg5[%swap3A_602, %swap3A_603] {strides = array<i32>} : memref<8x384xf32, #tpu.memory_space<vmem>>, vector<1x16xf32>,
    %swap3A_605 = vector.shape_cast %swap3A_604 : vector<1x16xf32> to vector<16xf32>
    %swap3A_606 = vector.shape_cast %get3A_46 : vector<16xf32> to vector<1x16xf32>
    tpu.vector_store %arg5[%swap3A_602, %swap3A_603], %swap3A_606 {strides = array<i32>} : memref<8x384xf32, #tpu.memory_space<vmem>>, vector<1x16xf32>,
    %swap3A_607 = arith.constant 3 : i32
    %swap3A_608 = arith.index_cast %swap3A_607 : i32 to index
    %swap3A_609 = arith.constant 144 : index
    %swap3A_610 = tpu.vector_load %arg5[%swap3A_608, %swap3A_609] {strides = array<i32>} : memref<8x384xf32, #tpu.memory_space<vmem>>, vector<1x16xf32>,
    %swap3A_611 = vector.shape_cast %swap3A_610 : vector<1x16xf32> to vector<16xf32>
    %swap3A_612 = vector.shape_cast %get3A_51 : vector<16xf32> to vector<1x16xf32>
    tpu.vector_store %arg5[%swap3A_608, %swap3A_609], %swap3A_612 {strides = array<i32>} : memref<8x384xf32, #tpu.memory_space<vmem>>, vector<1x16xf32>,
    %swap3A_613 = arith.constant 3 : i32
    %swap3A_614 = arith.index_cast %swap3A_613 : i32 to index
    %swap3A_615 = arith.constant 160 : index
    %swap3A_616 = tpu.vector_load %arg5[%swap3A_614, %swap3A_615] {strides = array<i32>} : memref<8x384xf32, #tpu.memory_space<vmem>>, vector<1x16xf32>,
    %swap3A_617 = vector.shape_cast %swap3A_616 : vector<1x16xf32> to vector<16xf32>
    %swap3A_618 = vector.shape_cast %get3A_56 : vector<16xf32> to vector<1x16xf32>
    tpu.vector_store %arg5[%swap3A_614, %swap3A_615], %swap3A_618 {strides = array<i32>} : memref<8x384xf32, #tpu.memory_space<vmem>>, vector<1x16xf32>,
    %swap3A_619 = arith.constant 3 : i32
    %swap3A_620 = arith.index_cast %swap3A_619 : i32 to index
    %swap3A_621 = arith.constant 176 : index
    %swap3A_622 = tpu.vector_load %arg5[%swap3A_620, %swap3A_621] {strides = array<i32>} : memref<8x384xf32, #tpu.memory_space<vmem>>, vector<1x16xf32>,
    %swap3A_623 = vector.shape_cast %swap3A_622 : vector<1x16xf32> to vector<16xf32>
    %swap3A_624 = vector.shape_cast %get3A_61 : vector<16xf32> to vector<1x16xf32>
    tpu.vector_store %arg5[%swap3A_620, %swap3A_621], %swap3A_624 {strides = array<i32>} : memref<8x384xf32, #tpu.memory_space<vmem>>, vector<1x16xf32>,
    %swap3A_625 = arith.constant 3 : i32
    %swap3A_626 = arith.index_cast %swap3A_625 : i32 to index
    %swap3A_627 = arith.constant 192 : index
    %swap3A_628 = tpu.vector_load %arg5[%swap3A_626, %swap3A_627] {strides = array<i32>} : memref<8x384xf32, #tpu.memory_space<vmem>>, vector<1x16xf32>,
    %swap3A_629 = vector.shape_cast %swap3A_628 : vector<1x16xf32> to vector<16xf32>
    %swap3A_630 = vector.shape_cast %get3A_66 : vector<16xf32> to vector<1x16xf32>
    tpu.vector_store %arg5[%swap3A_626, %swap3A_627], %swap3A_630 {strides = array<i32>} : memref<8x384xf32, #tpu.memory_space<vmem>>, vector<1x16xf32>,
    %swap3A_631 = arith.constant 3 : i32
    %swap3A_632 = arith.index_cast %swap3A_631 : i32 to index
    %swap3A_633 = arith.constant 208 : index
    %swap3A_634 = tpu.vector_load %arg5[%swap3A_632, %swap3A_633] {strides = array<i32>} : memref<8x384xf32, #tpu.memory_space<vmem>>, vector<1x16xf32>,
    %swap3A_635 = vector.shape_cast %swap3A_634 : vector<1x16xf32> to vector<16xf32>
    %swap3A_636 = vector.shape_cast %get3A_71 : vector<16xf32> to vector<1x16xf32>
    tpu.vector_store %arg5[%swap3A_632, %swap3A_633], %swap3A_636 {strides = array<i32>} : memref<8x384xf32, #tpu.memory_space<vmem>>, vector<1x16xf32>,
    %swap3A_637 = arith.constant 3 : i32
    %swap3A_638 = arith.index_cast %swap3A_637 : i32 to index
    %swap3A_639 = arith.constant 224 : index
    %swap3A_640 = tpu.vector_load %arg5[%swap3A_638, %swap3A_639] {strides = array<i32>} : memref<8x384xf32, #tpu.memory_space<vmem>>, vector<1x16xf32>,
    %swap3A_641 = vector.shape_cast %swap3A_640 : vector<1x16xf32> to vector<16xf32>
    %swap3A_642 = vector.shape_cast %get3A_76 : vector<16xf32> to vector<1x16xf32>
    tpu.vector_store %arg5[%swap3A_638, %swap3A_639], %swap3A_642 {strides = array<i32>} : memref<8x384xf32, #tpu.memory_space<vmem>>, vector<1x16xf32>,
    %swap3A_643 = arith.constant 3 : i32
    %swap3A_644 = arith.index_cast %swap3A_643 : i32 to index
    %swap3A_645 = arith.constant 240 : index
    %swap3A_646 = tpu.vector_load %arg5[%swap3A_644, %swap3A_645] {strides = array<i32>} : memref<8x384xf32, #tpu.memory_space<vmem>>, vector<1x16xf32>,
    %swap3A_647 = vector.shape_cast %swap3A_646 : vector<1x16xf32> to vector<16xf32>
    %swap3A_648 = vector.shape_cast %get3A_81 : vector<16xf32> to vector<1x16xf32>
    tpu.vector_store %arg5[%swap3A_644, %swap3A_645], %swap3A_648 {strides = array<i32>} : memref<8x384xf32, #tpu.memory_space<vmem>>, vector<1x16xf32>,
    %swap3A_649 = arith.constant 3 : i32
    %swap3A_650 = arith.index_cast %swap3A_649 : i32 to index
    %swap3A_651 = arith.constant 256 : index
    %swap3A_652 = tpu.vector_load %arg5[%swap3A_650, %swap3A_651] {strides = array<i32>} : memref<8x384xf32, #tpu.memory_space<vmem>>, vector<1x16xf32>,
    %swap3A_653 = vector.shape_cast %swap3A_652 : vector<1x16xf32> to vector<16xf32>
    %swap3A_654 = vector.shape_cast %get3A_86 : vector<16xf32> to vector<1x16xf32>
    tpu.vector_store %arg5[%swap3A_650, %swap3A_651], %swap3A_654 {strides = array<i32>} : memref<8x384xf32, #tpu.memory_space<vmem>>, vector<1x16xf32>,
    %swap3A_655 = arith.constant 3 : i32
    %swap3A_656 = arith.index_cast %swap3A_655 : i32 to index
    %swap3A_657 = arith.constant 272 : index
    %swap3A_658 = tpu.vector_load %arg5[%swap3A_656, %swap3A_657] {strides = array<i32>} : memref<8x384xf32, #tpu.memory_space<vmem>>, vector<1x16xf32>,
    %swap3A_659 = vector.shape_cast %swap3A_658 : vector<1x16xf32> to vector<16xf32>
    %swap3A_660 = vector.shape_cast %get3A_91 : vector<16xf32> to vector<1x16xf32>
    tpu.vector_store %arg5[%swap3A_656, %swap3A_657], %swap3A_660 {strides = array<i32>} : memref<8x384xf32, #tpu.memory_space<vmem>>, vector<1x16xf32>,
    %swap3A_661 = arith.constant 3 : i32
    %swap3A_662 = arith.index_cast %swap3A_661 : i32 to index
    %swap3A_663 = arith.constant 288 : index
    %swap3A_664 = tpu.vector_load %arg5[%swap3A_662, %swap3A_663] {strides = array<i32>} : memref<8x384xf32, #tpu.memory_space<vmem>>, vector<1x16xf32>,
    %swap3A_665 = vector.shape_cast %swap3A_664 : vector<1x16xf32> to vector<16xf32>
    %swap3A_666 = vector.shape_cast %get3A_96 : vector<16xf32> to vector<1x16xf32>
    tpu.vector_store %arg5[%swap3A_662, %swap3A_663], %swap3A_666 {strides = array<i32>} : memref<8x384xf32, #tpu.memory_space<vmem>>, vector<1x16xf32>,
    %swap3A_667 = arith.constant 3 : i32
    %swap3A_668 = arith.index_cast %swap3A_667 : i32 to index
    %swap3A_669 = arith.constant 304 : index
    %swap3A_670 = tpu.vector_load %arg5[%swap3A_668, %swap3A_669] {strides = array<i32>} : memref<8x384xf32, #tpu.memory_space<vmem>>, vector<1x16xf32>,
    %swap3A_671 = vector.shape_cast %swap3A_670 : vector<1x16xf32> to vector<16xf32>
    %swap3A_672 = vector.shape_cast %get3A_101 : vector<16xf32> to vector<1x16xf32>
    tpu.vector_store %arg5[%swap3A_668, %swap3A_669], %swap3A_672 {strides = array<i32>} : memref<8x384xf32, #tpu.memory_space<vmem>>, vector<1x16xf32>,
    %swap3A_673 = arith.constant 3 : i32
    %swap3A_674 = arith.index_cast %swap3A_673 : i32 to index
    %swap3A_675 = arith.constant 320 : index
    %swap3A_676 = tpu.vector_load %arg5[%swap3A_674, %swap3A_675] {strides = array<i32>} : memref<8x384xf32, #tpu.memory_space<vmem>>, vector<1x16xf32>,
    %swap3A_677 = vector.shape_cast %swap3A_676 : vector<1x16xf32> to vector<16xf32>
    %swap3A_678 = vector.shape_cast %get3A_106 : vector<16xf32> to vector<1x16xf32>
    tpu.vector_store %arg5[%swap3A_674, %swap3A_675], %swap3A_678 {strides = array<i32>} : memref<8x384xf32, #tpu.memory_space<vmem>>, vector<1x16xf32>,
    %swap3A_679 = arith.constant 3 : i32
    %swap3A_680 = arith.index_cast %swap3A_679 : i32 to index
    %swap3A_681 = arith.constant 336 : index
    %swap3A_682 = tpu.vector_load %arg5[%swap3A_680, %swap3A_681] {strides = array<i32>} : memref<8x384xf32, #tpu.memory_space<vmem>>, vector<1x16xf32>,
    %swap3A_683 = vector.shape_cast %swap3A_682 : vector<1x16xf32> to vector<16xf32>
    %swap3A_684 = vector.shape_cast %get3A_111 : vector<16xf32> to vector<1x16xf32>
    tpu.vector_store %arg5[%swap3A_680, %swap3A_681], %swap3A_684 {strides = array<i32>} : memref<8x384xf32, #tpu.memory_space<vmem>>, vector<1x16xf32>,
    %swap3A_685 = arith.constant 3 : i32
    %swap3A_686 = arith.index_cast %swap3A_685 : i32 to index
    %swap3A_687 = arith.constant 352 : index
    %swap3A_688 = tpu.vector_load %arg5[%swap3A_686, %swap3A_687] {strides = array<i32>} : memref<8x384xf32, #tpu.memory_space<vmem>>, vector<1x16xf32>,
    %swap3A_689 = vector.shape_cast %swap3A_688 : vector<1x16xf32> to vector<16xf32>
    %swap3A_690 = vector.shape_cast %get3A_116 : vector<16xf32> to vector<1x16xf32>
    tpu.vector_store %arg5[%swap3A_686, %swap3A_687], %swap3A_690 {strides = array<i32>} : memref<8x384xf32, #tpu.memory_space<vmem>>, vector<1x16xf32>,
    %swap3A_691 = arith.constant 3 : i32
    %swap3A_692 = arith.index_cast %swap3A_691 : i32 to index
    %swap3A_693 = arith.constant 368 : index
    %swap3A_694 = tpu.vector_load %arg5[%swap3A_692, %swap3A_693] {strides = array<i32>} : memref<8x384xf32, #tpu.memory_space<vmem>>, vector<1x16xf32>,
    %swap3A_695 = vector.shape_cast %swap3A_694 : vector<1x16xf32> to vector<16xf32>
    %swap3A_696 = vector.shape_cast %get3A_121 : vector<16xf32> to vector<1x16xf32>
    tpu.vector_store %arg5[%swap3A_692, %swap3A_693], %swap3A_696 {strides = array<i32>} : memref<8x384xf32, #tpu.memory_space<vmem>>, vector<1x16xf32>,
    %swap3A_697 = arith.constant 4 : i32
    %swap3A_698 = arith.index_cast %swap3A_697 : i32 to index
    %swap3A_699 = arith.constant 0 : index
    %swap3A_700 = tpu.vector_load %arg5[%swap3A_698, %swap3A_699] {strides = array<i32>} : memref<8x384xf32, #tpu.memory_space<vmem>>, vector<1x16xf32>,
    %swap3A_701 = vector.shape_cast %swap3A_700 : vector<1x16xf32> to vector<16xf32>
    %swap3A_702 = vector.shape_cast %get3A_6 : vector<16xf32> to vector<1x16xf32>
    tpu.vector_store %arg5[%swap3A_698, %swap3A_699], %swap3A_702 {strides = array<i32>} : memref<8x384xf32, #tpu.memory_space<vmem>>, vector<1x16xf32>,
    %swap3A_703 = arith.constant 4 : i32
    %swap3A_704 = arith.index_cast %swap3A_703 : i32 to index
    %swap3A_705 = arith.constant 16 : index
    %swap3A_706 = tpu.vector_load %arg5[%swap3A_704, %swap3A_705] {strides = array<i32>} : memref<8x384xf32, #tpu.memory_space<vmem>>, vector<1x16xf32>,
    %swap3A_707 = vector.shape_cast %swap3A_706 : vector<1x16xf32> to vector<16xf32>
    %swap3A_708 = vector.shape_cast %get3A_11 : vector<16xf32> to vector<1x16xf32>
    tpu.vector_store %arg5[%swap3A_704, %swap3A_705], %swap3A_708 {strides = array<i32>} : memref<8x384xf32, #tpu.memory_space<vmem>>, vector<1x16xf32>,
    %swap3A_709 = arith.constant 4 : i32
    %swap3A_710 = arith.index_cast %swap3A_709 : i32 to index
    %swap3A_711 = arith.constant 32 : index
    %swap3A_712 = tpu.vector_load %arg5[%swap3A_710, %swap3A_711] {strides = array<i32>} : memref<8x384xf32, #tpu.memory_space<vmem>>, vector<1x16xf32>,
    %swap3A_713 = vector.shape_cast %swap3A_712 : vector<1x16xf32> to vector<16xf32>
    %swap3A_714 = vector.shape_cast %get3A_16 : vector<16xf32> to vector<1x16xf32>
    tpu.vector_store %arg5[%swap3A_710, %swap3A_711], %swap3A_714 {strides = array<i32>} : memref<8x384xf32, #tpu.memory_space<vmem>>, vector<1x16xf32>,
    %swap3A_715 = arith.constant 4 : i32
    %swap3A_716 = arith.index_cast %swap3A_715 : i32 to index
    %swap3A_717 = arith.constant 48 : index
    %swap3A_718 = tpu.vector_load %arg5[%swap3A_716, %swap3A_717] {strides = array<i32>} : memref<8x384xf32, #tpu.memory_space<vmem>>, vector<1x16xf32>,
    %swap3A_719 = vector.shape_cast %swap3A_718 : vector<1x16xf32> to vector<16xf32>
    %swap3A_720 = vector.shape_cast %get3A_21 : vector<16xf32> to vector<1x16xf32>
    tpu.vector_store %arg5[%swap3A_716, %swap3A_717], %swap3A_720 {strides = array<i32>} : memref<8x384xf32, #tpu.memory_space<vmem>>, vector<1x16xf32>,
    %swap3A_721 = arith.constant 4 : i32
    %swap3A_722 = arith.index_cast %swap3A_721 : i32 to index
    %swap3A_723 = arith.constant 64 : index
    %swap3A_724 = tpu.vector_load %arg5[%swap3A_722, %swap3A_723] {strides = array<i32>} : memref<8x384xf32, #tpu.memory_space<vmem>>, vector<1x16xf32>,
    %swap3A_725 = vector.shape_cast %swap3A_724 : vector<1x16xf32> to vector<16xf32>
    %swap3A_726 = vector.shape_cast %get3A_26 : vector<16xf32> to vector<1x16xf32>
    tpu.vector_store %arg5[%swap3A_722, %swap3A_723], %swap3A_726 {strides = array<i32>} : memref<8x384xf32, #tpu.memory_space<vmem>>, vector<1x16xf32>,
    %swap3A_727 = arith.constant 4 : i32
    %swap3A_728 = arith.index_cast %swap3A_727 : i32 to index
    %swap3A_729 = arith.constant 80 : index
    %swap3A_730 = tpu.vector_load %arg5[%swap3A_728, %swap3A_729] {strides = array<i32>} : memref<8x384xf32, #tpu.memory_space<vmem>>, vector<1x16xf32>,
    %swap3A_731 = vector.shape_cast %swap3A_730 : vector<1x16xf32> to vector<16xf32>
    %swap3A_732 = vector.shape_cast %get3A_31 : vector<16xf32> to vector<1x16xf32>
    tpu.vector_store %arg5[%swap3A_728, %swap3A_729], %swap3A_732 {strides = array<i32>} : memref<8x384xf32, #tpu.memory_space<vmem>>, vector<1x16xf32>,
    %swap3A_733 = arith.constant 4 : i32
    %swap3A_734 = arith.index_cast %swap3A_733 : i32 to index
    %swap3A_735 = arith.constant 96 : index
    %swap3A_736 = tpu.vector_load %arg5[%swap3A_734, %swap3A_735] {strides = array<i32>} : memref<8x384xf32, #tpu.memory_space<vmem>>, vector<1x16xf32>,
    %swap3A_737 = vector.shape_cast %swap3A_736 : vector<1x16xf32> to vector<16xf32>
    %swap3A_738 = vector.shape_cast %get3A_36 : vector<16xf32> to vector<1x16xf32>
    tpu.vector_store %arg5[%swap3A_734, %swap3A_735], %swap3A_738 {strides = array<i32>} : memref<8x384xf32, #tpu.memory_space<vmem>>, vector<1x16xf32>,
    %swap3A_739 = arith.constant 4 : i32
    %swap3A_740 = arith.index_cast %swap3A_739 : i32 to index
    %swap3A_741 = arith.constant 112 : index
    %swap3A_742 = tpu.vector_load %arg5[%swap3A_740, %swap3A_741] {strides = array<i32>} : memref<8x384xf32, #tpu.memory_space<vmem>>, vector<1x16xf32>,
    %swap3A_743 = vector.shape_cast %swap3A_742 : vector<1x16xf32> to vector<16xf32>
    %swap3A_744 = vector.shape_cast %get3A_41 : vector<16xf32> to vector<1x16xf32>
    tpu.vector_store %arg5[%swap3A_740, %swap3A_741], %swap3A_744 {strides = array<i32>} : memref<8x384xf32, #tpu.memory_space<vmem>>, vector<1x16xf32>,
    %swap3A_745 = arith.constant 4 : i32
    %swap3A_746 = arith.index_cast %swap3A_745 : i32 to index
    %swap3A_747 = arith.constant 128 : index
    %swap3A_748 = tpu.vector_load %arg5[%swap3A_746, %swap3A_747] {strides = array<i32>} : memref<8x384xf32, #tpu.memory_space<vmem>>, vector<1x16xf32>,
    %swap3A_749 = vector.shape_cast %swap3A_748 : vector<1x16xf32> to vector<16xf32>
    %swap3A_750 = vector.shape_cast %get3A_46 : vector<16xf32> to vector<1x16xf32>
    tpu.vector_store %arg5[%swap3A_746, %swap3A_747], %swap3A_750 {strides = array<i32>} : memref<8x384xf32, #tpu.memory_space<vmem>>, vector<1x16xf32>,
    %swap3A_751 = arith.constant 4 : i32
    %swap3A_752 = arith.index_cast %swap3A_751 : i32 to index
    %swap3A_753 = arith.constant 144 : index
    %swap3A_754 = tpu.vector_load %arg5[%swap3A_752, %swap3A_753] {strides = array<i32>} : memref<8x384xf32, #tpu.memory_space<vmem>>, vector<1x16xf32>,
    %swap3A_755 = vector.shape_cast %swap3A_754 : vector<1x16xf32> to vector<16xf32>
    %swap3A_756 = vector.shape_cast %get3A_51 : vector<16xf32> to vector<1x16xf32>
    tpu.vector_store %arg5[%swap3A_752, %swap3A_753], %swap3A_756 {strides = array<i32>} : memref<8x384xf32, #tpu.memory_space<vmem>>, vector<1x16xf32>,
    %swap3A_757 = arith.constant 4 : i32
    %swap3A_758 = arith.index_cast %swap3A_757 : i32 to index
    %swap3A_759 = arith.constant 160 : index
    %swap3A_760 = tpu.vector_load %arg5[%swap3A_758, %swap3A_759] {strides = array<i32>} : memref<8x384xf32, #tpu.memory_space<vmem>>, vector<1x16xf32>,
    %swap3A_761 = vector.shape_cast %swap3A_760 : vector<1x16xf32> to vector<16xf32>
    %swap3A_762 = vector.shape_cast %get3A_56 : vector<16xf32> to vector<1x16xf32>
    tpu.vector_store %arg5[%swap3A_758, %swap3A_759], %swap3A_762 {strides = array<i32>} : memref<8x384xf32, #tpu.memory_space<vmem>>, vector<1x16xf32>,
    %swap3A_763 = arith.constant 4 : i32
    %swap3A_764 = arith.index_cast %swap3A_763 : i32 to index
    %swap3A_765 = arith.constant 176 : index
    %swap3A_766 = tpu.vector_load %arg5[%swap3A_764, %swap3A_765] {strides = array<i32>} : memref<8x384xf32, #tpu.memory_space<vmem>>, vector<1x16xf32>,
    %swap3A_767 = vector.shape_cast %swap3A_766 : vector<1x16xf32> to vector<16xf32>
    %swap3A_768 = vector.shape_cast %get3A_61 : vector<16xf32> to vector<1x16xf32>
    tpu.vector_store %arg5[%swap3A_764, %swap3A_765], %swap3A_768 {strides = array<i32>} : memref<8x384xf32, #tpu.memory_space<vmem>>, vector<1x16xf32>,
    %swap3A_769 = arith.constant 4 : i32
    %swap3A_770 = arith.index_cast %swap3A_769 : i32 to index
    %swap3A_771 = arith.constant 192 : index
    %swap3A_772 = tpu.vector_load %arg5[%swap3A_770, %swap3A_771] {strides = array<i32>} : memref<8x384xf32, #tpu.memory_space<vmem>>, vector<1x16xf32>,
    %swap3A_773 = vector.shape_cast %swap3A_772 : vector<1x16xf32> to vector<16xf32>
    %swap3A_774 = vector.shape_cast %get3A_66 : vector<16xf32> to vector<1x16xf32>
    tpu.vector_store %arg5[%swap3A_770, %swap3A_771], %swap3A_774 {strides = array<i32>} : memref<8x384xf32, #tpu.memory_space<vmem>>, vector<1x16xf32>,
    %swap3A_775 = arith.constant 4 : i32
    %swap3A_776 = arith.index_cast %swap3A_775 : i32 to index
    %swap3A_777 = arith.constant 208 : index
    %swap3A_778 = tpu.vector_load %arg5[%swap3A_776, %swap3A_777] {strides = array<i32>} : memref<8x384xf32, #tpu.memory_space<vmem>>, vector<1x16xf32>,
    %swap3A_779 = vector.shape_cast %swap3A_778 : vector<1x16xf32> to vector<16xf32>
    %swap3A_780 = vector.shape_cast %get3A_71 : vector<16xf32> to vector<1x16xf32>
    tpu.vector_store %arg5[%swap3A_776, %swap3A_777], %swap3A_780 {strides = array<i32>} : memref<8x384xf32, #tpu.memory_space<vmem>>, vector<1x16xf32>,
    %swap3A_781 = arith.constant 4 : i32
    %swap3A_782 = arith.index_cast %swap3A_781 : i32 to index
    %swap3A_783 = arith.constant 224 : index
    %swap3A_784 = tpu.vector_load %arg5[%swap3A_782, %swap3A_783] {strides = array<i32>} : memref<8x384xf32, #tpu.memory_space<vmem>>, vector<1x16xf32>,
    %swap3A_785 = vector.shape_cast %swap3A_784 : vector<1x16xf32> to vector<16xf32>
    %swap3A_786 = vector.shape_cast %get3A_76 : vector<16xf32> to vector<1x16xf32>
    tpu.vector_store %arg5[%swap3A_782, %swap3A_783], %swap3A_786 {strides = array<i32>} : memref<8x384xf32, #tpu.memory_space<vmem>>, vector<1x16xf32>,
    %swap3A_787 = arith.constant 4 : i32
    %swap3A_788 = arith.index_cast %swap3A_787 : i32 to index
    %swap3A_789 = arith.constant 240 : index
    %swap3A_790 = tpu.vector_load %arg5[%swap3A_788, %swap3A_789] {strides = array<i32>} : memref<8x384xf32, #tpu.memory_space<vmem>>, vector<1x16xf32>,
    %swap3A_791 = vector.shape_cast %swap3A_790 : vector<1x16xf32> to vector<16xf32>
    %swap3A_792 = vector.shape_cast %get3A_81 : vector<16xf32> to vector<1x16xf32>
    tpu.vector_store %arg5[%swap3A_788, %swap3A_789], %swap3A_792 {strides = array<i32>} : memref<8x384xf32, #tpu.memory_space<vmem>>, vector<1x16xf32>,
    %swap3A_793 = arith.constant 4 : i32
    %swap3A_794 = arith.index_cast %swap3A_793 : i32 to index
    %swap3A_795 = arith.constant 256 : index
    %swap3A_796 = tpu.vector_load %arg5[%swap3A_794, %swap3A_795] {strides = array<i32>} : memref<8x384xf32, #tpu.memory_space<vmem>>, vector<1x16xf32>,
    %swap3A_797 = vector.shape_cast %swap3A_796 : vector<1x16xf32> to vector<16xf32>
    %swap3A_798 = vector.shape_cast %get3A_86 : vector<16xf32> to vector<1x16xf32>
    tpu.vector_store %arg5[%swap3A_794, %swap3A_795], %swap3A_798 {strides = array<i32>} : memref<8x384xf32, #tpu.memory_space<vmem>>, vector<1x16xf32>,
    %swap3A_799 = arith.constant 4 : i32
    %swap3A_800 = arith.index_cast %swap3A_799 : i32 to index
    %swap3A_801 = arith.constant 272 : index
    %swap3A_802 = tpu.vector_load %arg5[%swap3A_800, %swap3A_801] {strides = array<i32>} : memref<8x384xf32, #tpu.memory_space<vmem>>, vector<1x16xf32>,
    %swap3A_803 = vector.shape_cast %swap3A_802 : vector<1x16xf32> to vector<16xf32>
    %swap3A_804 = vector.shape_cast %get3A_91 : vector<16xf32> to vector<1x16xf32>
    tpu.vector_store %arg5[%swap3A_800, %swap3A_801], %swap3A_804 {strides = array<i32>} : memref<8x384xf32, #tpu.memory_space<vmem>>, vector<1x16xf32>,
    %swap3A_805 = arith.constant 4 : i32
    %swap3A_806 = arith.index_cast %swap3A_805 : i32 to index
    %swap3A_807 = arith.constant 288 : index
    %swap3A_808 = tpu.vector_load %arg5[%swap3A_806, %swap3A_807] {strides = array<i32>} : memref<8x384xf32, #tpu.memory_space<vmem>>, vector<1x16xf32>,
    %swap3A_809 = vector.shape_cast %swap3A_808 : vector<1x16xf32> to vector<16xf32>
    %swap3A_810 = vector.shape_cast %get3A_96 : vector<16xf32> to vector<1x16xf32>
    tpu.vector_store %arg5[%swap3A_806, %swap3A_807], %swap3A_810 {strides = array<i32>} : memref<8x384xf32, #tpu.memory_space<vmem>>, vector<1x16xf32>,
    %swap3A_811 = arith.constant 4 : i32
    %swap3A_812 = arith.index_cast %swap3A_811 : i32 to index
    %swap3A_813 = arith.constant 304 : index
    %swap3A_814 = tpu.vector_load %arg5[%swap3A_812, %swap3A_813] {strides = array<i32>} : memref<8x384xf32, #tpu.memory_space<vmem>>, vector<1x16xf32>,
    %swap3A_815 = vector.shape_cast %swap3A_814 : vector<1x16xf32> to vector<16xf32>
    %swap3A_816 = vector.shape_cast %get3A_101 : vector<16xf32> to vector<1x16xf32>
    tpu.vector_store %arg5[%swap3A_812, %swap3A_813], %swap3A_816 {strides = array<i32>} : memref<8x384xf32, #tpu.memory_space<vmem>>, vector<1x16xf32>,
    %swap3A_817 = arith.constant 4 : i32
    %swap3A_818 = arith.index_cast %swap3A_817 : i32 to index
    %swap3A_819 = arith.constant 320 : index
    %swap3A_820 = tpu.vector_load %arg5[%swap3A_818, %swap3A_819] {strides = array<i32>} : memref<8x384xf32, #tpu.memory_space<vmem>>, vector<1x16xf32>,
    %swap3A_821 = vector.shape_cast %swap3A_820 : vector<1x16xf32> to vector<16xf32>
    %swap3A_822 = vector.shape_cast %get3A_106 : vector<16xf32> to vector<1x16xf32>
    tpu.vector_store %arg5[%swap3A_818, %swap3A_819], %swap3A_822 {strides = array<i32>} : memref<8x384xf32, #tpu.memory_space<vmem>>, vector<1x16xf32>,
    %swap3A_823 = arith.constant 4 : i32
    %swap3A_824 = arith.index_cast %swap3A_823 : i32 to index
    %swap3A_825 = arith.constant 336 : index
    %swap3A_826 = tpu.vector_load %arg5[%swap3A_824, %swap3A_825] {strides = array<i32>} : memref<8x384xf32, #tpu.memory_space<vmem>>, vector<1x16xf32>,
    %swap3A_827 = vector.shape_cast %swap3A_826 : vector<1x16xf32> to vector<16xf32>
    %swap3A_828 = vector.shape_cast %get3A_111 : vector<16xf32> to vector<1x16xf32>
    tpu.vector_store %arg5[%swap3A_824, %swap3A_825], %swap3A_828 {strides = array<i32>} : memref<8x384xf32, #tpu.memory_space<vmem>>, vector<1x16xf32>,
    %swap3A_829 = arith.constant 4 : i32
    %swap3A_830 = arith.index_cast %swap3A_829 : i32 to index
    %swap3A_831 = arith.constant 352 : index
    %swap3A_832 = tpu.vector_load %arg5[%swap3A_830, %swap3A_831] {strides = array<i32>} : memref<8x384xf32, #tpu.memory_space<vmem>>, vector<1x16xf32>,
    %swap3A_833 = vector.shape_cast %swap3A_832 : vector<1x16xf32> to vector<16xf32>
    %swap3A_834 = vector.shape_cast %get3A_116 : vector<16xf32> to vector<1x16xf32>
    tpu.vector_store %arg5[%swap3A_830, %swap3A_831], %swap3A_834 {strides = array<i32>} : memref<8x384xf32, #tpu.memory_space<vmem>>, vector<1x16xf32>,
    %swap3A_835 = arith.constant 4 : i32
    %swap3A_836 = arith.index_cast %swap3A_835 : i32 to index
    %swap3A_837 = arith.constant 368 : index
    %swap3A_838 = tpu.vector_load %arg5[%swap3A_836, %swap3A_837] {strides = array<i32>} : memref<8x384xf32, #tpu.memory_space<vmem>>, vector<1x16xf32>,
    %swap3A_839 = vector.shape_cast %swap3A_838 : vector<1x16xf32> to vector<16xf32>
    %swap3A_840 = vector.shape_cast %get3A_121 : vector<16xf32> to vector<1x16xf32>
    tpu.vector_store %arg5[%swap3A_836, %swap3A_837], %swap3A_840 {strides = array<i32>} : memref<8x384xf32, #tpu.memory_space<vmem>>, vector<1x16xf32>,
    %swap3A_841 = arith.constant 5 : i32
    %swap3A_842 = arith.index_cast %swap3A_841 : i32 to index
    %swap3A_843 = arith.constant 0 : index
    %swap3A_844 = tpu.vector_load %arg5[%swap3A_842, %swap3A_843] {strides = array<i32>} : memref<8x384xf32, #tpu.memory_space<vmem>>, vector<1x16xf32>,
    %swap3A_845 = vector.shape_cast %swap3A_844 : vector<1x16xf32> to vector<16xf32>
    %swap3A_846 = vector.shape_cast %get3A_6 : vector<16xf32> to vector<1x16xf32>
    tpu.vector_store %arg5[%swap3A_842, %swap3A_843], %swap3A_846 {strides = array<i32>} : memref<8x384xf32, #tpu.memory_space<vmem>>, vector<1x16xf32>,
    %swap3A_847 = arith.constant 5 : i32
    %swap3A_848 = arith.index_cast %swap3A_847 : i32 to index
    %swap3A_849 = arith.constant 16 : index
    %swap3A_850 = tpu.vector_load %arg5[%swap3A_848, %swap3A_849] {strides = array<i32>} : memref<8x384xf32, #tpu.memory_space<vmem>>, vector<1x16xf32>,
    %swap3A_851 = vector.shape_cast %swap3A_850 : vector<1x16xf32> to vector<16xf32>
    %swap3A_852 = vector.shape_cast %get3A_11 : vector<16xf32> to vector<1x16xf32>
    tpu.vector_store %arg5[%swap3A_848, %swap3A_849], %swap3A_852 {strides = array<i32>} : memref<8x384xf32, #tpu.memory_space<vmem>>, vector<1x16xf32>,
    %swap3A_853 = arith.constant 5 : i32
    %swap3A_854 = arith.index_cast %swap3A_853 : i32 to index
    %swap3A_855 = arith.constant 32 : index
    %swap3A_856 = tpu.vector_load %arg5[%swap3A_854, %swap3A_855] {strides = array<i32>} : memref<8x384xf32, #tpu.memory_space<vmem>>, vector<1x16xf32>,
    %swap3A_857 = vector.shape_cast %swap3A_856 : vector<1x16xf32> to vector<16xf32>
    %swap3A_858 = vector.shape_cast %get3A_16 : vector<16xf32> to vector<1x16xf32>
    tpu.vector_store %arg5[%swap3A_854, %swap3A_855], %swap3A_858 {strides = array<i32>} : memref<8x384xf32, #tpu.memory_space<vmem>>, vector<1x16xf32>,
    %swap3A_859 = arith.constant 5 : i32
    %swap3A_860 = arith.index_cast %swap3A_859 : i32 to index
    %swap3A_861 = arith.constant 48 : index
    %swap3A_862 = tpu.vector_load %arg5[%swap3A_860, %swap3A_861] {strides = array<i32>} : memref<8x384xf32, #tpu.memory_space<vmem>>, vector<1x16xf32>,
    %swap3A_863 = vector.shape_cast %swap3A_862 : vector<1x16xf32> to vector<16xf32>
    %swap3A_864 = vector.shape_cast %get3A_21 : vector<16xf32> to vector<1x16xf32>
    tpu.vector_store %arg5[%swap3A_860, %swap3A_861], %swap3A_864 {strides = array<i32>} : memref<8x384xf32, #tpu.memory_space<vmem>>, vector<1x16xf32>,
    %swap3A_865 = arith.constant 5 : i32
    %swap3A_866 = arith.index_cast %swap3A_865 : i32 to index
    %swap3A_867 = arith.constant 64 : index
    %swap3A_868 = tpu.vector_load %arg5[%swap3A_866, %swap3A_867] {strides = array<i32>} : memref<8x384xf32, #tpu.memory_space<vmem>>, vector<1x16xf32>,
    %swap3A_869 = vector.shape_cast %swap3A_868 : vector<1x16xf32> to vector<16xf32>
    %swap3A_870 = vector.shape_cast %get3A_26 : vector<16xf32> to vector<1x16xf32>
    tpu.vector_store %arg5[%swap3A_866, %swap3A_867], %swap3A_870 {strides = array<i32>} : memref<8x384xf32, #tpu.memory_space<vmem>>, vector<1x16xf32>,
    %swap3A_871 = arith.constant 5 : i32
    %swap3A_872 = arith.index_cast %swap3A_871 : i32 to index
    %swap3A_873 = arith.constant 80 : index
    %swap3A_874 = tpu.vector_load %arg5[%swap3A_872, %swap3A_873] {strides = array<i32>} : memref<8x384xf32, #tpu.memory_space<vmem>>, vector<1x16xf32>,
    %swap3A_875 = vector.shape_cast %swap3A_874 : vector<1x16xf32> to vector<16xf32>
    %swap3A_876 = vector.shape_cast %get3A_31 : vector<16xf32> to vector<1x16xf32>
    tpu.vector_store %arg5[%swap3A_872, %swap3A_873], %swap3A_876 {strides = array<i32>} : memref<8x384xf32, #tpu.memory_space<vmem>>, vector<1x16xf32>,
    %swap3A_877 = arith.constant 5 : i32
    %swap3A_878 = arith.index_cast %swap3A_877 : i32 to index
    %swap3A_879 = arith.constant 96 : index
    %swap3A_880 = tpu.vector_load %arg5[%swap3A_878, %swap3A_879] {strides = array<i32>} : memref<8x384xf32, #tpu.memory_space<vmem>>, vector<1x16xf32>,
    %swap3A_881 = vector.shape_cast %swap3A_880 : vector<1x16xf32> to vector<16xf32>
    %swap3A_882 = vector.shape_cast %get3A_36 : vector<16xf32> to vector<1x16xf32>
    tpu.vector_store %arg5[%swap3A_878, %swap3A_879], %swap3A_882 {strides = array<i32>} : memref<8x384xf32, #tpu.memory_space<vmem>>, vector<1x16xf32>,
    %swap3A_883 = arith.constant 5 : i32
    %swap3A_884 = arith.index_cast %swap3A_883 : i32 to index
    %swap3A_885 = arith.constant 112 : index
    %swap3A_886 = tpu.vector_load %arg5[%swap3A_884, %swap3A_885] {strides = array<i32>} : memref<8x384xf32, #tpu.memory_space<vmem>>, vector<1x16xf32>,
    %swap3A_887 = vector.shape_cast %swap3A_886 : vector<1x16xf32> to vector<16xf32>
    %swap3A_888 = vector.shape_cast %get3A_41 : vector<16xf32> to vector<1x16xf32>
    tpu.vector_store %arg5[%swap3A_884, %swap3A_885], %swap3A_888 {strides = array<i32>} : memref<8x384xf32, #tpu.memory_space<vmem>>, vector<1x16xf32>,
    %swap3A_889 = arith.constant 5 : i32
    %swap3A_890 = arith.index_cast %swap3A_889 : i32 to index
    %swap3A_891 = arith.constant 128 : index
    %swap3A_892 = tpu.vector_load %arg5[%swap3A_890, %swap3A_891] {strides = array<i32>} : memref<8x384xf32, #tpu.memory_space<vmem>>, vector<1x16xf32>,
    %swap3A_893 = vector.shape_cast %swap3A_892 : vector<1x16xf32> to vector<16xf32>
    %swap3A_894 = vector.shape_cast %get3A_46 : vector<16xf32> to vector<1x16xf32>
    tpu.vector_store %arg5[%swap3A_890, %swap3A_891], %swap3A_894 {strides = array<i32>} : memref<8x384xf32, #tpu.memory_space<vmem>>, vector<1x16xf32>,
    %swap3A_895 = arith.constant 5 : i32
    %swap3A_896 = arith.index_cast %swap3A_895 : i32 to index
    %swap3A_897 = arith.constant 144 : index
    %swap3A_898 = tpu.vector_load %arg5[%swap3A_896, %swap3A_897] {strides = array<i32>} : memref<8x384xf32, #tpu.memory_space<vmem>>, vector<1x16xf32>,
    %swap3A_899 = vector.shape_cast %swap3A_898 : vector<1x16xf32> to vector<16xf32>
    %swap3A_900 = vector.shape_cast %get3A_51 : vector<16xf32> to vector<1x16xf32>
    tpu.vector_store %arg5[%swap3A_896, %swap3A_897], %swap3A_900 {strides = array<i32>} : memref<8x384xf32, #tpu.memory_space<vmem>>, vector<1x16xf32>,
    %swap3A_901 = arith.constant 5 : i32
    %swap3A_902 = arith.index_cast %swap3A_901 : i32 to index
    %swap3A_903 = arith.constant 160 : index
    %swap3A_904 = tpu.vector_load %arg5[%swap3A_902, %swap3A_903] {strides = array<i32>} : memref<8x384xf32, #tpu.memory_space<vmem>>, vector<1x16xf32>,
    %swap3A_905 = vector.shape_cast %swap3A_904 : vector<1x16xf32> to vector<16xf32>
    %swap3A_906 = vector.shape_cast %get3A_56 : vector<16xf32> to vector<1x16xf32>
    tpu.vector_store %arg5[%swap3A_902, %swap3A_903], %swap3A_906 {strides = array<i32>} : memref<8x384xf32, #tpu.memory_space<vmem>>, vector<1x16xf32>,
    %swap3A_907 = arith.constant 5 : i32
    %swap3A_908 = arith.index_cast %swap3A_907 : i32 to index
    %swap3A_909 = arith.constant 176 : index
    %swap3A_910 = tpu.vector_load %arg5[%swap3A_908, %swap3A_909] {strides = array<i32>} : memref<8x384xf32, #tpu.memory_space<vmem>>, vector<1x16xf32>,
    %swap3A_911 = vector.shape_cast %swap3A_910 : vector<1x16xf32> to vector<16xf32>
    %swap3A_912 = vector.shape_cast %get3A_61 : vector<16xf32> to vector<1x16xf32>
    tpu.vector_store %arg5[%swap3A_908, %swap3A_909], %swap3A_912 {strides = array<i32>} : memref<8x384xf32, #tpu.memory_space<vmem>>, vector<1x16xf32>,
    %swap3A_913 = arith.constant 5 : i32
    %swap3A_914 = arith.index_cast %swap3A_913 : i32 to index
    %swap3A_915 = arith.constant 192 : index
    %swap3A_916 = tpu.vector_load %arg5[%swap3A_914, %swap3A_915] {strides = array<i32>} : memref<8x384xf32, #tpu.memory_space<vmem>>, vector<1x16xf32>,
    %swap3A_917 = vector.shape_cast %swap3A_916 : vector<1x16xf32> to vector<16xf32>
    %swap3A_918 = vector.shape_cast %get3A_66 : vector<16xf32> to vector<1x16xf32>
    tpu.vector_store %arg5[%swap3A_914, %swap3A_915], %swap3A_918 {strides = array<i32>} : memref<8x384xf32, #tpu.memory_space<vmem>>, vector<1x16xf32>,
    %swap3A_919 = arith.constant 5 : i32
    %swap3A_920 = arith.index_cast %swap3A_919 : i32 to index
    %swap3A_921 = arith.constant 208 : index
    %swap3A_922 = tpu.vector_load %arg5[%swap3A_920, %swap3A_921] {strides = array<i32>} : memref<8x384xf32, #tpu.memory_space<vmem>>, vector<1x16xf32>,
    %swap3A_923 = vector.shape_cast %swap3A_922 : vector<1x16xf32> to vector<16xf32>
    %swap3A_924 = vector.shape_cast %get3A_71 : vector<16xf32> to vector<1x16xf32>
    tpu.vector_store %arg5[%swap3A_920, %swap3A_921], %swap3A_924 {strides = array<i32>} : memref<8x384xf32, #tpu.memory_space<vmem>>, vector<1x16xf32>,
    %swap3A_925 = arith.constant 5 : i32
    %swap3A_926 = arith.index_cast %swap3A_925 : i32 to index
    %swap3A_927 = arith.constant 224 : index
    %swap3A_928 = tpu.vector_load %arg5[%swap3A_926, %swap3A_927] {strides = array<i32>} : memref<8x384xf32, #tpu.memory_space<vmem>>, vector<1x16xf32>,
    %swap3A_929 = vector.shape_cast %swap3A_928 : vector<1x16xf32> to vector<16xf32>
    %swap3A_930 = vector.shape_cast %get3A_76 : vector<16xf32> to vector<1x16xf32>
    tpu.vector_store %arg5[%swap3A_926, %swap3A_927], %swap3A_930 {strides = array<i32>} : memref<8x384xf32, #tpu.memory_space<vmem>>, vector<1x16xf32>,
    %swap3A_931 = arith.constant 5 : i32
    %swap3A_932 = arith.index_cast %swap3A_931 : i32 to index
    %swap3A_933 = arith.constant 240 : index
    %swap3A_934 = tpu.vector_load %arg5[%swap3A_932, %swap3A_933] {strides = array<i32>} : memref<8x384xf32, #tpu.memory_space<vmem>>, vector<1x16xf32>,
    %swap3A_935 = vector.shape_cast %swap3A_934 : vector<1x16xf32> to vector<16xf32>
    %swap3A_936 = vector.shape_cast %get3A_81 : vector<16xf32> to vector<1x16xf32>
    tpu.vector_store %arg5[%swap3A_932, %swap3A_933], %swap3A_936 {strides = array<i32>} : memref<8x384xf32, #tpu.memory_space<vmem>>, vector<1x16xf32>,
    %swap3A_937 = arith.constant 5 : i32
    %swap3A_938 = arith.index_cast %swap3A_937 : i32 to index
    %swap3A_939 = arith.constant 256 : index
    %swap3A_940 = tpu.vector_load %arg5[%swap3A_938, %swap3A_939] {strides = array<i32>} : memref<8x384xf32, #tpu.memory_space<vmem>>, vector<1x16xf32>,
    %swap3A_941 = vector.shape_cast %swap3A_940 : vector<1x16xf32> to vector<16xf32>
    %swap3A_942 = vector.shape_cast %get3A_86 : vector<16xf32> to vector<1x16xf32>
    tpu.vector_store %arg5[%swap3A_938, %swap3A_939], %swap3A_942 {strides = array<i32>} : memref<8x384xf32, #tpu.memory_space<vmem>>, vector<1x16xf32>,
    %swap3A_943 = arith.constant 5 : i32
    %swap3A_944 = arith.index_cast %swap3A_943 : i32 to index
    %swap3A_945 = arith.constant 272 : index
    %swap3A_946 = tpu.vector_load %arg5[%swap3A_944, %swap3A_945] {strides = array<i32>} : memref<8x384xf32, #tpu.memory_space<vmem>>, vector<1x16xf32>,
    %swap3A_947 = vector.shape_cast %swap3A_946 : vector<1x16xf32> to vector<16xf32>
    %swap3A_948 = vector.shape_cast %get3A_91 : vector<16xf32> to vector<1x16xf32>
    tpu.vector_store %arg5[%swap3A_944, %swap3A_945], %swap3A_948 {strides = array<i32>} : memref<8x384xf32, #tpu.memory_space<vmem>>, vector<1x16xf32>,
    %swap3A_949 = arith.constant 5 : i32
    %swap3A_950 = arith.index_cast %swap3A_949 : i32 to index
    %swap3A_951 = arith.constant 288 : index
    %swap3A_952 = tpu.vector_load %arg5[%swap3A_950, %swap3A_951] {strides = array<i32>} : memref<8x384xf32, #tpu.memory_space<vmem>>, vector<1x16xf32>,
    %swap3A_953 = vector.shape_cast %swap3A_952 : vector<1x16xf32> to vector<16xf32>
    %swap3A_954 = vector.shape_cast %get3A_96 : vector<16xf32> to vector<1x16xf32>
    tpu.vector_store %arg5[%swap3A_950, %swap3A_951], %swap3A_954 {strides = array<i32>} : memref<8x384xf32, #tpu.memory_space<vmem>>, vector<1x16xf32>,
    %swap3A_955 = arith.constant 5 : i32
    %swap3A_956 = arith.index_cast %swap3A_955 : i32 to index
    %swap3A_957 = arith.constant 304 : index
    %swap3A_958 = tpu.vector_load %arg5[%swap3A_956, %swap3A_957] {strides = array<i32>} : memref<8x384xf32, #tpu.memory_space<vmem>>, vector<1x16xf32>,
    %swap3A_959 = vector.shape_cast %swap3A_958 : vector<1x16xf32> to vector<16xf32>
    %swap3A_960 = vector.shape_cast %get3A_101 : vector<16xf32> to vector<1x16xf32>
    tpu.vector_store %arg5[%swap3A_956, %swap3A_957], %swap3A_960 {strides = array<i32>} : memref<8x384xf32, #tpu.memory_space<vmem>>, vector<1x16xf32>,
    %swap3A_961 = arith.constant 5 : i32
    %swap3A_962 = arith.index_cast %swap3A_961 : i32 to index
    %swap3A_963 = arith.constant 320 : index
    %swap3A_964 = tpu.vector_load %arg5[%swap3A_962, %swap3A_963] {strides = array<i32>} : memref<8x384xf32, #tpu.memory_space<vmem>>, vector<1x16xf32>,
    %swap3A_965 = vector.shape_cast %swap3A_964 : vector<1x16xf32> to vector<16xf32>
    %swap3A_966 = vector.shape_cast %get3A_106 : vector<16xf32> to vector<1x16xf32>
    tpu.vector_store %arg5[%swap3A_962, %swap3A_963], %swap3A_966 {strides = array<i32>} : memref<8x384xf32, #tpu.memory_space<vmem>>, vector<1x16xf32>,
    %swap3A_967 = arith.constant 5 : i32
    %swap3A_968 = arith.index_cast %swap3A_967 : i32 to index
    %swap3A_969 = arith.constant 336 : index
    %swap3A_970 = tpu.vector_load %arg5[%swap3A_968, %swap3A_969] {strides = array<i32>} : memref<8x384xf32, #tpu.memory_space<vmem>>, vector<1x16xf32>,
    %swap3A_971 = vector.shape_cast %swap3A_970 : vector<1x16xf32> to vector<16xf32>
    %swap3A_972 = vector.shape_cast %get3A_111 : vector<16xf32> to vector<1x16xf32>
    tpu.vector_store %arg5[%swap3A_968, %swap3A_969], %swap3A_972 {strides = array<i32>} : memref<8x384xf32, #tpu.memory_space<vmem>>, vector<1x16xf32>,
    %swap3A_973 = arith.constant 5 : i32
    %swap3A_974 = arith.index_cast %swap3A_973 : i32 to index
    %swap3A_975 = arith.constant 352 : index
    %swap3A_976 = tpu.vector_load %arg5[%swap3A_974, %swap3A_975] {strides = array<i32>} : memref<8x384xf32, #tpu.memory_space<vmem>>, vector<1x16xf32>,
    %swap3A_977 = vector.shape_cast %swap3A_976 : vector<1x16xf32> to vector<16xf32>
    %swap3A_978 = vector.shape_cast %get3A_116 : vector<16xf32> to vector<1x16xf32>
    tpu.vector_store %arg5[%swap3A_974, %swap3A_975], %swap3A_978 {strides = array<i32>} : memref<8x384xf32, #tpu.memory_space<vmem>>, vector<1x16xf32>,
    %swap3A_979 = arith.constant 5 : i32
    %swap3A_980 = arith.index_cast %swap3A_979 : i32 to index
    %swap3A_981 = arith.constant 368 : index
    %swap3A_982 = tpu.vector_load %arg5[%swap3A_980, %swap3A_981] {strides = array<i32>} : memref<8x384xf32, #tpu.memory_space<vmem>>, vector<1x16xf32>,
    %swap3A_983 = vector.shape_cast %swap3A_982 : vector<1x16xf32> to vector<16xf32>
    %swap3A_984 = vector.shape_cast %get3A_121 : vector<16xf32> to vector<1x16xf32>
    tpu.vector_store %arg5[%swap3A_980, %swap3A_981], %swap3A_984 {strides = array<i32>} : memref<8x384xf32, #tpu.memory_space<vmem>>, vector<1x16xf32>,
    %swap3A_985 = arith.constant 6 : i32
    %swap3A_986 = arith.index_cast %swap3A_985 : i32 to index
    %swap3A_987 = arith.constant 0 : index
    %swap3A_988 = tpu.vector_load %arg5[%swap3A_986, %swap3A_987] {strides = array<i32>} : memref<8x384xf32, #tpu.memory_space<vmem>>, vector<1x16xf32>,
    %swap3A_989 = vector.shape_cast %swap3A_988 : vector<1x16xf32> to vector<16xf32>
    %swap3A_990 = vector.shape_cast %get3A_6 : vector<16xf32> to vector<1x16xf32>
    tpu.vector_store %arg5[%swap3A_986, %swap3A_987], %swap3A_990 {strides = array<i32>} : memref<8x384xf32, #tpu.memory_space<vmem>>, vector<1x16xf32>,
    %swap3A_991 = arith.constant 6 : i32
    %swap3A_992 = arith.index_cast %swap3A_991 : i32 to index
    %swap3A_993 = arith.constant 16 : index
    %swap3A_994 = tpu.vector_load %arg5[%swap3A_992, %swap3A_993] {strides = array<i32>} : memref<8x384xf32, #tpu.memory_space<vmem>>, vector<1x16xf32>,
    %swap3A_995 = vector.shape_cast %swap3A_994 : vector<1x16xf32> to vector<16xf32>
    %swap3A_996 = vector.shape_cast %get3A_11 : vector<16xf32> to vector<1x16xf32>
    tpu.vector_store %arg5[%swap3A_992, %swap3A_993], %swap3A_996 {strides = array<i32>} : memref<8x384xf32, #tpu.memory_space<vmem>>, vector<1x16xf32>,
    %swap3A_997 = arith.constant 6 : i32
    %swap3A_998 = arith.index_cast %swap3A_997 : i32 to index
    %swap3A_999 = arith.constant 32 : index
    %swap3A_1000 = tpu.vector_load %arg5[%swap3A_998, %swap3A_999] {strides = array<i32>} : memref<8x384xf32, #tpu.memory_space<vmem>>, vector<1x16xf32>,
    %swap3A_1001 = vector.shape_cast %swap3A_1000 : vector<1x16xf32> to vector<16xf32>
    %swap3A_1002 = vector.shape_cast %get3A_16 : vector<16xf32> to vector<1x16xf32>
    tpu.vector_store %arg5[%swap3A_998, %swap3A_999], %swap3A_1002 {strides = array<i32>} : memref<8x384xf32, #tpu.memory_space<vmem>>, vector<1x16xf32>,
    %swap3A_1003 = arith.constant 6 : i32
    %swap3A_1004 = arith.index_cast %swap3A_1003 : i32 to index
    %swap3A_1005 = arith.constant 48 : index
    %swap3A_1006 = tpu.vector_load %arg5[%swap3A_1004, %swap3A_1005] {strides = array<i32>} : memref<8x384xf32, #tpu.memory_space<vmem>>, vector<1x16xf32>,
    %swap3A_1007 = vector.shape_cast %swap3A_1006 : vector<1x16xf32> to vector<16xf32>
    %swap3A_1008 = vector.shape_cast %get3A_21 : vector<16xf32> to vector<1x16xf32>
    tpu.vector_store %arg5[%swap3A_1004, %swap3A_1005], %swap3A_1008 {strides = array<i32>} : memref<8x384xf32, #tpu.memory_space<vmem>>, vector<1x16xf32>,
    %swap3A_1009 = arith.constant 6 : i32
    %swap3A_1010 = arith.index_cast %swap3A_1009 : i32 to index
    %swap3A_1011 = arith.constant 64 : index
    %swap3A_1012 = tpu.vector_load %arg5[%swap3A_1010, %swap3A_1011] {strides = array<i32>} : memref<8x384xf32, #tpu.memory_space<vmem>>, vector<1x16xf32>,
    %swap3A_1013 = vector.shape_cast %swap3A_1012 : vector<1x16xf32> to vector<16xf32>
    %swap3A_1014 = vector.shape_cast %get3A_26 : vector<16xf32> to vector<1x16xf32>
    tpu.vector_store %arg5[%swap3A_1010, %swap3A_1011], %swap3A_1014 {strides = array<i32>} : memref<8x384xf32, #tpu.memory_space<vmem>>, vector<1x16xf32>,
    %swap3A_1015 = arith.constant 6 : i32
    %swap3A_1016 = arith.index_cast %swap3A_1015 : i32 to index
    %swap3A_1017 = arith.constant 80 : index
    %swap3A_1018 = tpu.vector_load %arg5[%swap3A_1016, %swap3A_1017] {strides = array<i32>} : memref<8x384xf32, #tpu.memory_space<vmem>>, vector<1x16xf32>,
    %swap3A_1019 = vector.shape_cast %swap3A_1018 : vector<1x16xf32> to vector<16xf32>
    %swap3A_1020 = vector.shape_cast %get3A_31 : vector<16xf32> to vector<1x16xf32>
    tpu.vector_store %arg5[%swap3A_1016, %swap3A_1017], %swap3A_1020 {strides = array<i32>} : memref<8x384xf32, #tpu.memory_space<vmem>>, vector<1x16xf32>,
    %swap3A_1021 = arith.constant 6 : i32
    %swap3A_1022 = arith.index_cast %swap3A_1021 : i32 to index
    %swap3A_1023 = arith.constant 96 : index
    %swap3A_1024 = tpu.vector_load %arg5[%swap3A_1022, %swap3A_1023] {strides = array<i32>} : memref<8x384xf32, #tpu.memory_space<vmem>>, vector<1x16xf32>,
    %swap3A_1025 = vector.shape_cast %swap3A_1024 : vector<1x16xf32> to vector<16xf32>
    %swap3A_1026 = vector.shape_cast %get3A_36 : vector<16xf32> to vector<1x16xf32>
    tpu.vector_store %arg5[%swap3A_1022, %swap3A_1023], %swap3A_1026 {strides = array<i32>} : memref<8x384xf32, #tpu.memory_space<vmem>>, vector<1x16xf32>,
    %swap3A_1027 = arith.constant 6 : i32
    %swap3A_1028 = arith.index_cast %swap3A_1027 : i32 to index
    %swap3A_1029 = arith.constant 112 : index
    %swap3A_1030 = tpu.vector_load %arg5[%swap3A_1028, %swap3A_1029] {strides = array<i32>} : memref<8x384xf32, #tpu.memory_space<vmem>>, vector<1x16xf32>,
    %swap3A_1031 = vector.shape_cast %swap3A_1030 : vector<1x16xf32> to vector<16xf32>
    %swap3A_1032 = vector.shape_cast %get3A_41 : vector<16xf32> to vector<1x16xf32>
    tpu.vector_store %arg5[%swap3A_1028, %swap3A_1029], %swap3A_1032 {strides = array<i32>} : memref<8x384xf32, #tpu.memory_space<vmem>>, vector<1x16xf32>,
    %swap3A_1033 = arith.constant 6 : i32
    %swap3A_1034 = arith.index_cast %swap3A_1033 : i32 to index
    %swap3A_1035 = arith.constant 128 : index
    %swap3A_1036 = tpu.vector_load %arg5[%swap3A_1034, %swap3A_1035] {strides = array<i32>} : memref<8x384xf32, #tpu.memory_space<vmem>>, vector<1x16xf32>,
    %swap3A_1037 = vector.shape_cast %swap3A_1036 : vector<1x16xf32> to vector<16xf32>
    %swap3A_1038 = vector.shape_cast %get3A_46 : vector<16xf32> to vector<1x16xf32>
    tpu.vector_store %arg5[%swap3A_1034, %swap3A_1035], %swap3A_1038 {strides = array<i32>} : memref<8x384xf32, #tpu.memory_space<vmem>>, vector<1x16xf32>,
    %swap3A_1039 = arith.constant 6 : i32
    %swap3A_1040 = arith.index_cast %swap3A_1039 : i32 to index
    %swap3A_1041 = arith.constant 144 : index
    %swap3A_1042 = tpu.vector_load %arg5[%swap3A_1040, %swap3A_1041] {strides = array<i32>} : memref<8x384xf32, #tpu.memory_space<vmem>>, vector<1x16xf32>,
    %swap3A_1043 = vector.shape_cast %swap3A_1042 : vector<1x16xf32> to vector<16xf32>
    %swap3A_1044 = vector.shape_cast %get3A_51 : vector<16xf32> to vector<1x16xf32>
    tpu.vector_store %arg5[%swap3A_1040, %swap3A_1041], %swap3A_1044 {strides = array<i32>} : memref<8x384xf32, #tpu.memory_space<vmem>>, vector<1x16xf32>,
    %swap3A_1045 = arith.constant 6 : i32
    %swap3A_1046 = arith.index_cast %swap3A_1045 : i32 to index
    %swap3A_1047 = arith.constant 160 : index
    %swap3A_1048 = tpu.vector_load %arg5[%swap3A_1046, %swap3A_1047] {strides = array<i32>} : memref<8x384xf32, #tpu.memory_space<vmem>>, vector<1x16xf32>,
    %swap3A_1049 = vector.shape_cast %swap3A_1048 : vector<1x16xf32> to vector<16xf32>
    %swap3A_1050 = vector.shape_cast %get3A_56 : vector<16xf32> to vector<1x16xf32>
    tpu.vector_store %arg5[%swap3A_1046, %swap3A_1047], %swap3A_1050 {strides = array<i32>} : memref<8x384xf32, #tpu.memory_space<vmem>>, vector<1x16xf32>,
    %swap3A_1051 = arith.constant 6 : i32
    %swap3A_1052 = arith.index_cast %swap3A_1051 : i32 to index
    %swap3A_1053 = arith.constant 176 : index
    %swap3A_1054 = tpu.vector_load %arg5[%swap3A_1052, %swap3A_1053] {strides = array<i32>} : memref<8x384xf32, #tpu.memory_space<vmem>>, vector<1x16xf32>,
    %swap3A_1055 = vector.shape_cast %swap3A_1054 : vector<1x16xf32> to vector<16xf32>
    %swap3A_1056 = vector.shape_cast %get3A_61 : vector<16xf32> to vector<1x16xf32>
    tpu.vector_store %arg5[%swap3A_1052, %swap3A_1053], %swap3A_1056 {strides = array<i32>} : memref<8x384xf32, #tpu.memory_space<vmem>>, vector<1x16xf32>,
    %swap3A_1057 = arith.constant 6 : i32
    %swap3A_1058 = arith.index_cast %swap3A_1057 : i32 to index
    %swap3A_1059 = arith.constant 192 : index
    %swap3A_1060 = tpu.vector_load %arg5[%swap3A_1058, %swap3A_1059] {strides = array<i32>} : memref<8x384xf32, #tpu.memory_space<vmem>>, vector<1x16xf32>,
    %swap3A_1061 = vector.shape_cast %swap3A_1060 : vector<1x16xf32> to vector<16xf32>
    %swap3A_1062 = vector.shape_cast %get3A_66 : vector<16xf32> to vector<1x16xf32>
    tpu.vector_store %arg5[%swap3A_1058, %swap3A_1059], %swap3A_1062 {strides = array<i32>} : memref<8x384xf32, #tpu.memory_space<vmem>>, vector<1x16xf32>,
    %swap3A_1063 = arith.constant 6 : i32
    %swap3A_1064 = arith.index_cast %swap3A_1063 : i32 to index
    %swap3A_1065 = arith.constant 208 : index
    %swap3A_1066 = tpu.vector_load %arg5[%swap3A_1064, %swap3A_1065] {strides = array<i32>} : memref<8x384xf32, #tpu.memory_space<vmem>>, vector<1x16xf32>,
    %swap3A_1067 = vector.shape_cast %swap3A_1066 : vector<1x16xf32> to vector<16xf32>
    %swap3A_1068 = vector.shape_cast %get3A_71 : vector<16xf32> to vector<1x16xf32>
    tpu.vector_store %arg5[%swap3A_1064, %swap3A_1065], %swap3A_1068 {strides = array<i32>} : memref<8x384xf32, #tpu.memory_space<vmem>>, vector<1x16xf32>,
    %swap3A_1069 = arith.constant 6 : i32
    %swap3A_1070 = arith.index_cast %swap3A_1069 : i32 to index
    %swap3A_1071 = arith.constant 224 : index
    %swap3A_1072 = tpu.vector_load %arg5[%swap3A_1070, %swap3A_1071] {strides = array<i32>} : memref<8x384xf32, #tpu.memory_space<vmem>>, vector<1x16xf32>,
    %swap3A_1073 = vector.shape_cast %swap3A_1072 : vector<1x16xf32> to vector<16xf32>
    %swap3A_1074 = vector.shape_cast %get3A_76 : vector<16xf32> to vector<1x16xf32>
    tpu.vector_store %arg5[%swap3A_1070, %swap3A_1071], %swap3A_1074 {strides = array<i32>} : memref<8x384xf32, #tpu.memory_space<vmem>>, vector<1x16xf32>,
    %swap3A_1075 = arith.constant 6 : i32
    %swap3A_1076 = arith.index_cast %swap3A_1075 : i32 to index
    %swap3A_1077 = arith.constant 240 : index
    %swap3A_1078 = tpu.vector_load %arg5[%swap3A_1076, %swap3A_1077] {strides = array<i32>} : memref<8x384xf32, #tpu.memory_space<vmem>>, vector<1x16xf32>,
    %swap3A_1079 = vector.shape_cast %swap3A_1078 : vector<1x16xf32> to vector<16xf32>
    %swap3A_1080 = vector.shape_cast %get3A_81 : vector<16xf32> to vector<1x16xf32>
    tpu.vector_store %arg5[%swap3A_1076, %swap3A_1077], %swap3A_1080 {strides = array<i32>} : memref<8x384xf32, #tpu.memory_space<vmem>>, vector<1x16xf32>,
    %swap3A_1081 = arith.constant 6 : i32
    %swap3A_1082 = arith.index_cast %swap3A_1081 : i32 to index
    %swap3A_1083 = arith.constant 256 : index
    %swap3A_1084 = tpu.vector_load %arg5[%swap3A_1082, %swap3A_1083] {strides = array<i32>} : memref<8x384xf32, #tpu.memory_space<vmem>>, vector<1x16xf32>,
    %swap3A_1085 = vector.shape_cast %swap3A_1084 : vector<1x16xf32> to vector<16xf32>
    %swap3A_1086 = vector.shape_cast %get3A_86 : vector<16xf32> to vector<1x16xf32>
    tpu.vector_store %arg5[%swap3A_1082, %swap3A_1083], %swap3A_1086 {strides = array<i32>} : memref<8x384xf32, #tpu.memory_space<vmem>>, vector<1x16xf32>,
    %swap3A_1087 = arith.constant 6 : i32
    %swap3A_1088 = arith.index_cast %swap3A_1087 : i32 to index
    %swap3A_1089 = arith.constant 272 : index
    %swap3A_1090 = tpu.vector_load %arg5[%swap3A_1088, %swap3A_1089] {strides = array<i32>} : memref<8x384xf32, #tpu.memory_space<vmem>>, vector<1x16xf32>,
    %swap3A_1091 = vector.shape_cast %swap3A_1090 : vector<1x16xf32> to vector<16xf32>
    %swap3A_1092 = vector.shape_cast %get3A_91 : vector<16xf32> to vector<1x16xf32>
    tpu.vector_store %arg5[%swap3A_1088, %swap3A_1089], %swap3A_1092 {strides = array<i32>} : memref<8x384xf32, #tpu.memory_space<vmem>>, vector<1x16xf32>,
    %swap3A_1093 = arith.constant 6 : i32
    %swap3A_1094 = arith.index_cast %swap3A_1093 : i32 to index
    %swap3A_1095 = arith.constant 288 : index
    %swap3A_1096 = tpu.vector_load %arg5[%swap3A_1094, %swap3A_1095] {strides = array<i32>} : memref<8x384xf32, #tpu.memory_space<vmem>>, vector<1x16xf32>,
    %swap3A_1097 = vector.shape_cast %swap3A_1096 : vector<1x16xf32> to vector<16xf32>
    %swap3A_1098 = vector.shape_cast %get3A_96 : vector<16xf32> to vector<1x16xf32>
    tpu.vector_store %arg5[%swap3A_1094, %swap3A_1095], %swap3A_1098 {strides = array<i32>} : memref<8x384xf32, #tpu.memory_space<vmem>>, vector<1x16xf32>,
    %swap3A_1099 = arith.constant 6 : i32
    %swap3A_1100 = arith.index_cast %swap3A_1099 : i32 to index
    %swap3A_1101 = arith.constant 304 : index
    %swap3A_1102 = tpu.vector_load %arg5[%swap3A_1100, %swap3A_1101] {strides = array<i32>} : memref<8x384xf32, #tpu.memory_space<vmem>>, vector<1x16xf32>,
    %swap3A_1103 = vector.shape_cast %swap3A_1102 : vector<1x16xf32> to vector<16xf32>
    %swap3A_1104 = vector.shape_cast %get3A_101 : vector<16xf32> to vector<1x16xf32>
    tpu.vector_store %arg5[%swap3A_1100, %swap3A_1101], %swap3A_1104 {strides = array<i32>} : memref<8x384xf32, #tpu.memory_space<vmem>>, vector<1x16xf32>,
    %swap3A_1105 = arith.constant 6 : i32
    %swap3A_1106 = arith.index_cast %swap3A_1105 : i32 to index
    %swap3A_1107 = arith.constant 320 : index
    %swap3A_1108 = tpu.vector_load %arg5[%swap3A_1106, %swap3A_1107] {strides = array<i32>} : memref<8x384xf32, #tpu.memory_space<vmem>>, vector<1x16xf32>,
    %swap3A_1109 = vector.shape_cast %swap3A_1108 : vector<1x16xf32> to vector<16xf32>
    %swap3A_1110 = vector.shape_cast %get3A_106 : vector<16xf32> to vector<1x16xf32>
    tpu.vector_store %arg5[%swap3A_1106, %swap3A_1107], %swap3A_1110 {strides = array<i32>} : memref<8x384xf32, #tpu.memory_space<vmem>>, vector<1x16xf32>,
    %swap3A_1111 = arith.constant 6 : i32
    %swap3A_1112 = arith.index_cast %swap3A_1111 : i32 to index
    %swap3A_1113 = arith.constant 336 : index
    %swap3A_1114 = tpu.vector_load %arg5[%swap3A_1112, %swap3A_1113] {strides = array<i32>} : memref<8x384xf32, #tpu.memory_space<vmem>>, vector<1x16xf32>,
    %swap3A_1115 = vector.shape_cast %swap3A_1114 : vector<1x16xf32> to vector<16xf32>
    %swap3A_1116 = vector.shape_cast %get3A_111 : vector<16xf32> to vector<1x16xf32>
    tpu.vector_store %arg5[%swap3A_1112, %swap3A_1113], %swap3A_1116 {strides = array<i32>} : memref<8x384xf32, #tpu.memory_space<vmem>>, vector<1x16xf32>,
    %swap3A_1117 = arith.constant 6 : i32
    %swap3A_1118 = arith.index_cast %swap3A_1117 : i32 to index
    %swap3A_1119 = arith.constant 352 : index
    %swap3A_1120 = tpu.vector_load %arg5[%swap3A_1118, %swap3A_1119] {strides = array<i32>} : memref<8x384xf32, #tpu.memory_space<vmem>>, vector<1x16xf32>,
    %swap3A_1121 = vector.shape_cast %swap3A_1120 : vector<1x16xf32> to vector<16xf32>
    %swap3A_1122 = vector.shape_cast %get3A_116 : vector<16xf32> to vector<1x16xf32>
    tpu.vector_store %arg5[%swap3A_1118, %swap3A_1119], %swap3A_1122 {strides = array<i32>} : memref<8x384xf32, #tpu.memory_space<vmem>>, vector<1x16xf32>,
    %swap3A_1123 = arith.constant 6 : i32
    %swap3A_1124 = arith.index_cast %swap3A_1123 : i32 to index
    %swap3A_1125 = arith.constant 368 : index
    %swap3A_1126 = tpu.vector_load %arg5[%swap3A_1124, %swap3A_1125] {strides = array<i32>} : memref<8x384xf32, #tpu.memory_space<vmem>>, vector<1x16xf32>,
    %swap3A_1127 = vector.shape_cast %swap3A_1126 : vector<1x16xf32> to vector<16xf32>
    %swap3A_1128 = vector.shape_cast %get3A_121 : vector<16xf32> to vector<1x16xf32>
    tpu.vector_store %arg5[%swap3A_1124, %swap3A_1125], %swap3A_1128 {strides = array<i32>} : memref<8x384xf32, #tpu.memory_space<vmem>>, vector<1x16xf32>,
    %swap3A_1129 = arith.constant 7 : i32
    %swap3A_1130 = arith.index_cast %swap3A_1129 : i32 to index
    %swap3A_1131 = arith.constant 0 : index
    %swap3A_1132 = tpu.vector_load %arg5[%swap3A_1130, %swap3A_1131] {strides = array<i32>} : memref<8x384xf32, #tpu.memory_space<vmem>>, vector<1x16xf32>,
    %swap3A_1133 = vector.shape_cast %swap3A_1132 : vector<1x16xf32> to vector<16xf32>
    %swap3A_1134 = vector.shape_cast %get3A_6 : vector<16xf32> to vector<1x16xf32>
    tpu.vector_store %arg5[%swap3A_1130, %swap3A_1131], %swap3A_1134 {strides = array<i32>} : memref<8x384xf32, #tpu.memory_space<vmem>>, vector<1x16xf32>,
    %swap3A_1135 = arith.constant 7 : i32
    %swap3A_1136 = arith.index_cast %swap3A_1135 : i32 to index
    %swap3A_1137 = arith.constant 16 : index
    %swap3A_1138 = tpu.vector_load %arg5[%swap3A_1136, %swap3A_1137] {strides = array<i32>} : memref<8x384xf32, #tpu.memory_space<vmem>>, vector<1x16xf32>,
    %swap3A_1139 = vector.shape_cast %swap3A_1138 : vector<1x16xf32> to vector<16xf32>
    %swap3A_1140 = vector.shape_cast %get3A_11 : vector<16xf32> to vector<1x16xf32>
    tpu.vector_store %arg5[%swap3A_1136, %swap3A_1137], %swap3A_1140 {strides = array<i32>} : memref<8x384xf32, #tpu.memory_space<vmem>>, vector<1x16xf32>,
    %swap3A_1141 = arith.constant 7 : i32
    %swap3A_1142 = arith.index_cast %swap3A_1141 : i32 to index
    %swap3A_1143 = arith.constant 32 : index
    %swap3A_1144 = tpu.vector_load %arg5[%swap3A_1142, %swap3A_1143] {strides = array<i32>} : memref<8x384xf32, #tpu.memory_space<vmem>>, vector<1x16xf32>,
    %swap3A_1145 = vector.shape_cast %swap3A_1144 : vector<1x16xf32> to vector<16xf32>
    %swap3A_1146 = vector.shape_cast %get3A_16 : vector<16xf32> to vector<1x16xf32>
    tpu.vector_store %arg5[%swap3A_1142, %swap3A_1143], %swap3A_1146 {strides = array<i32>} : memref<8x384xf32, #tpu.memory_space<vmem>>, vector<1x16xf32>,
    %swap3A_1147 = arith.constant 7 : i32
    %swap3A_1148 = arith.index_cast %swap3A_1147 : i32 to index
    %swap3A_1149 = arith.constant 48 : index
    %swap3A_1150 = tpu.vector_load %arg5[%swap3A_1148, %swap3A_1149] {strides = array<i32>} : memref<8x384xf32, #tpu.memory_space<vmem>>, vector<1x16xf32>,
    %swap3A_1151 = vector.shape_cast %swap3A_1150 : vector<1x16xf32> to vector<16xf32>
    %swap3A_1152 = vector.shape_cast %get3A_21 : vector<16xf32> to vector<1x16xf32>
    tpu.vector_store %arg5[%swap3A_1148, %swap3A_1149], %swap3A_1152 {strides = array<i32>} : memref<8x384xf32, #tpu.memory_space<vmem>>, vector<1x16xf32>,
    %swap3A_1153 = arith.constant 7 : i32
    %swap3A_1154 = arith.index_cast %swap3A_1153 : i32 to index
    %swap3A_1155 = arith.constant 64 : index
    %swap3A_1156 = tpu.vector_load %arg5[%swap3A_1154, %swap3A_1155] {strides = array<i32>} : memref<8x384xf32, #tpu.memory_space<vmem>>, vector<1x16xf32>,
    %swap3A_1157 = vector.shape_cast %swap3A_1156 : vector<1x16xf32> to vector<16xf32>
    %swap3A_1158 = vector.shape_cast %get3A_26 : vector<16xf32> to vector<1x16xf32>
    tpu.vector_store %arg5[%swap3A_1154, %swap3A_1155], %swap3A_1158 {strides = array<i32>} : memref<8x384xf32, #tpu.memory_space<vmem>>, vector<1x16xf32>,
    %swap3A_1159 = arith.constant 7 : i32
    %swap3A_1160 = arith.index_cast %swap3A_1159 : i32 to index
    %swap3A_1161 = arith.constant 80 : index
    %swap3A_1162 = tpu.vector_load %arg5[%swap3A_1160, %swap3A_1161] {strides = array<i32>} : memref<8x384xf32, #tpu.memory_space<vmem>>, vector<1x16xf32>,
    %swap3A_1163 = vector.shape_cast %swap3A_1162 : vector<1x16xf32> to vector<16xf32>
    %swap3A_1164 = vector.shape_cast %get3A_31 : vector<16xf32> to vector<1x16xf32>
    tpu.vector_store %arg5[%swap3A_1160, %swap3A_1161], %swap3A_1164 {strides = array<i32>} : memref<8x384xf32, #tpu.memory_space<vmem>>, vector<1x16xf32>,
    %swap3A_1165 = arith.constant 7 : i32
    %swap3A_1166 = arith.index_cast %swap3A_1165 : i32 to index
    %swap3A_1167 = arith.constant 96 : index
    %swap3A_1168 = tpu.vector_load %arg5[%swap3A_1166, %swap3A_1167] {strides = array<i32>} : memref<8x384xf32, #tpu.memory_space<vmem>>, vector<1x16xf32>,
    %swap3A_1169 = vector.shape_cast %swap3A_1168 : vector<1x16xf32> to vector<16xf32>
    %swap3A_1170 = vector.shape_cast %get3A_36 : vector<16xf32> to vector<1x16xf32>
    tpu.vector_store %arg5[%swap3A_1166, %swap3A_1167], %swap3A_1170 {strides = array<i32>} : memref<8x384xf32, #tpu.memory_space<vmem>>, vector<1x16xf32>,
    %swap3A_1171 = arith.constant 7 : i32
    %swap3A_1172 = arith.index_cast %swap3A_1171 : i32 to index
    %swap3A_1173 = arith.constant 112 : index
    %swap3A_1174 = tpu.vector_load %arg5[%swap3A_1172, %swap3A_1173] {strides = array<i32>} : memref<8x384xf32, #tpu.memory_space<vmem>>, vector<1x16xf32>,
    %swap3A_1175 = vector.shape_cast %swap3A_1174 : vector<1x16xf32> to vector<16xf32>
    %swap3A_1176 = vector.shape_cast %get3A_41 : vector<16xf32> to vector<1x16xf32>
    tpu.vector_store %arg5[%swap3A_1172, %swap3A_1173], %swap3A_1176 {strides = array<i32>} : memref<8x384xf32, #tpu.memory_space<vmem>>, vector<1x16xf32>,
    %swap3A_1177 = arith.constant 7 : i32
    %swap3A_1178 = arith.index_cast %swap3A_1177 : i32 to index
    %swap3A_1179 = arith.constant 128 : index
    %swap3A_1180 = tpu.vector_load %arg5[%swap3A_1178, %swap3A_1179] {strides = array<i32>} : memref<8x384xf32, #tpu.memory_space<vmem>>, vector<1x16xf32>,
    %swap3A_1181 = vector.shape_cast %swap3A_1180 : vector<1x16xf32> to vector<16xf32>
    %swap3A_1182 = vector.shape_cast %get3A_46 : vector<16xf32> to vector<1x16xf32>
    tpu.vector_store %arg5[%swap3A_1178, %swap3A_1179], %swap3A_1182 {strides = array<i32>} : memref<8x384xf32, #tpu.memory_space<vmem>>, vector<1x16xf32>,
    %swap3A_1183 = arith.constant 7 : i32
    %swap3A_1184 = arith.index_cast %swap3A_1183 : i32 to index
    %swap3A_1185 = arith.constant 144 : index
    %swap3A_1186 = tpu.vector_load %arg5[%swap3A_1184, %swap3A_1185] {strides = array<i32>} : memref<8x384xf32, #tpu.memory_space<vmem>>, vector<1x16xf32>,
    %swap3A_1187 = vector.shape_cast %swap3A_1186 : vector<1x16xf32> to vector<16xf32>
    %swap3A_1188 = vector.shape_cast %get3A_51 : vector<16xf32> to vector<1x16xf32>
    tpu.vector_store %arg5[%swap3A_1184, %swap3A_1185], %swap3A_1188 {strides = array<i32>} : memref<8x384xf32, #tpu.memory_space<vmem>>, vector<1x16xf32>,
    %swap3A_1189 = arith.constant 7 : i32
    %swap3A_1190 = arith.index_cast %swap3A_1189 : i32 to index
    %swap3A_1191 = arith.constant 160 : index
    %swap3A_1192 = tpu.vector_load %arg5[%swap3A_1190, %swap3A_1191] {strides = array<i32>} : memref<8x384xf32, #tpu.memory_space<vmem>>, vector<1x16xf32>,
    %swap3A_1193 = vector.shape_cast %swap3A_1192 : vector<1x16xf32> to vector<16xf32>
    %swap3A_1194 = vector.shape_cast %get3A_56 : vector<16xf32> to vector<1x16xf32>
    tpu.vector_store %arg5[%swap3A_1190, %swap3A_1191], %swap3A_1194 {strides = array<i32>} : memref<8x384xf32, #tpu.memory_space<vmem>>, vector<1x16xf32>,
    %swap3A_1195 = arith.constant 7 : i32
    %swap3A_1196 = arith.index_cast %swap3A_1195 : i32 to index
    %swap3A_1197 = arith.constant 176 : index
    %swap3A_1198 = tpu.vector_load %arg5[%swap3A_1196, %swap3A_1197] {strides = array<i32>} : memref<8x384xf32, #tpu.memory_space<vmem>>, vector<1x16xf32>,
    %swap3A_1199 = vector.shape_cast %swap3A_1198 : vector<1x16xf32> to vector<16xf32>
    %swap3A_1200 = vector.shape_cast %get3A_61 : vector<16xf32> to vector<1x16xf32>
    tpu.vector_store %arg5[%swap3A_1196, %swap3A_1197], %swap3A_1200 {strides = array<i32>} : memref<8x384xf32, #tpu.memory_space<vmem>>, vector<1x16xf32>,
    %swap3A_1201 = arith.constant 7 : i32
    %swap3A_1202 = arith.index_cast %swap3A_1201 : i32 to index
    %swap3A_1203 = arith.constant 192 : index
    %swap3A_1204 = tpu.vector_load %arg5[%swap3A_1202, %swap3A_1203] {strides = array<i32>} : memref<8x384xf32, #tpu.memory_space<vmem>>, vector<1x16xf32>,
    %swap3A_1205 = vector.shape_cast %swap3A_1204 : vector<1x16xf32> to vector<16xf32>
    %swap3A_1206 = vector.shape_cast %get3A_66 : vector<16xf32> to vector<1x16xf32>
    tpu.vector_store %arg5[%swap3A_1202, %swap3A_1203], %swap3A_1206 {strides = array<i32>} : memref<8x384xf32, #tpu.memory_space<vmem>>, vector<1x16xf32>,
    %swap3A_1207 = arith.constant 7 : i32
    %swap3A_1208 = arith.index_cast %swap3A_1207 : i32 to index
    %swap3A_1209 = arith.constant 208 : index
    %swap3A_1210 = tpu.vector_load %arg5[%swap3A_1208, %swap3A_1209] {strides = array<i32>} : memref<8x384xf32, #tpu.memory_space<vmem>>, vector<1x16xf32>,
    %swap3A_1211 = vector.shape_cast %swap3A_1210 : vector<1x16xf32> to vector<16xf32>
    %swap3A_1212 = vector.shape_cast %get3A_71 : vector<16xf32> to vector<1x16xf32>
    tpu.vector_store %arg5[%swap3A_1208, %swap3A_1209], %swap3A_1212 {strides = array<i32>} : memref<8x384xf32, #tpu.memory_space<vmem>>, vector<1x16xf32>,
    %swap3A_1213 = arith.constant 7 : i32
    %swap3A_1214 = arith.index_cast %swap3A_1213 : i32 to index
    %swap3A_1215 = arith.constant 224 : index
    %swap3A_1216 = tpu.vector_load %arg5[%swap3A_1214, %swap3A_1215] {strides = array<i32>} : memref<8x384xf32, #tpu.memory_space<vmem>>, vector<1x16xf32>,
    %swap3A_1217 = vector.shape_cast %swap3A_1216 : vector<1x16xf32> to vector<16xf32>
    %swap3A_1218 = vector.shape_cast %get3A_76 : vector<16xf32> to vector<1x16xf32>
    tpu.vector_store %arg5[%swap3A_1214, %swap3A_1215], %swap3A_1218 {strides = array<i32>} : memref<8x384xf32, #tpu.memory_space<vmem>>, vector<1x16xf32>,
    %swap3A_1219 = arith.constant 7 : i32
    %swap3A_1220 = arith.index_cast %swap3A_1219 : i32 to index
    %swap3A_1221 = arith.constant 240 : index
    %swap3A_1222 = tpu.vector_load %arg5[%swap3A_1220, %swap3A_1221] {strides = array<i32>} : memref<8x384xf32, #tpu.memory_space<vmem>>, vector<1x16xf32>,
    %swap3A_1223 = vector.shape_cast %swap3A_1222 : vector<1x16xf32> to vector<16xf32>
    %swap3A_1224 = vector.shape_cast %get3A_81 : vector<16xf32> to vector<1x16xf32>
    tpu.vector_store %arg5[%swap3A_1220, %swap3A_1221], %swap3A_1224 {strides = array<i32>} : memref<8x384xf32, #tpu.memory_space<vmem>>, vector<1x16xf32>,
    %swap3A_1225 = arith.constant 7 : i32
    %swap3A_1226 = arith.index_cast %swap3A_1225 : i32 to index
    %swap3A_1227 = arith.constant 256 : index
    %swap3A_1228 = tpu.vector_load %arg5[%swap3A_1226, %swap3A_1227] {strides = array<i32>} : memref<8x384xf32, #tpu.memory_space<vmem>>, vector<1x16xf32>,
    %swap3A_1229 = vector.shape_cast %swap3A_1228 : vector<1x16xf32> to vector<16xf32>
    %swap3A_1230 = vector.shape_cast %get3A_86 : vector<16xf32> to vector<1x16xf32>
    tpu.vector_store %arg5[%swap3A_1226, %swap3A_1227], %swap3A_1230 {strides = array<i32>} : memref<8x384xf32, #tpu.memory_space<vmem>>, vector<1x16xf32>,
    %swap3A_1231 = arith.constant 7 : i32
    %swap3A_1232 = arith.index_cast %swap3A_1231 : i32 to index
    %swap3A_1233 = arith.constant 272 : index
    %swap3A_1234 = tpu.vector_load %arg5[%swap3A_1232, %swap3A_1233] {strides = array<i32>} : memref<8x384xf32, #tpu.memory_space<vmem>>, vector<1x16xf32>,
    %swap3A_1235 = vector.shape_cast %swap3A_1234 : vector<1x16xf32> to vector<16xf32>
    %swap3A_1236 = vector.shape_cast %get3A_91 : vector<16xf32> to vector<1x16xf32>
    tpu.vector_store %arg5[%swap3A_1232, %swap3A_1233], %swap3A_1236 {strides = array<i32>} : memref<8x384xf32, #tpu.memory_space<vmem>>, vector<1x16xf32>,
    %swap3A_1237 = arith.constant 7 : i32
    %swap3A_1238 = arith.index_cast %swap3A_1237 : i32 to index
    %swap3A_1239 = arith.constant 288 : index
    %swap3A_1240 = tpu.vector_load %arg5[%swap3A_1238, %swap3A_1239] {strides = array<i32>} : memref<8x384xf32, #tpu.memory_space<vmem>>, vector<1x16xf32>,
    %swap3A_1241 = vector.shape_cast %swap3A_1240 : vector<1x16xf32> to vector<16xf32>
    %swap3A_1242 = vector.shape_cast %get3A_96 : vector<16xf32> to vector<1x16xf32>
    tpu.vector_store %arg5[%swap3A_1238, %swap3A_1239], %swap3A_1242 {strides = array<i32>} : memref<8x384xf32, #tpu.memory_space<vmem>>, vector<1x16xf32>,
    %swap3A_1243 = arith.constant 7 : i32
    %swap3A_1244 = arith.index_cast %swap3A_1243 : i32 to index
    %swap3A_1245 = arith.constant 304 : index
    %swap3A_1246 = tpu.vector_load %arg5[%swap3A_1244, %swap3A_1245] {strides = array<i32>} : memref<8x384xf32, #tpu.memory_space<vmem>>, vector<1x16xf32>,
    %swap3A_1247 = vector.shape_cast %swap3A_1246 : vector<1x16xf32> to vector<16xf32>
    %swap3A_1248 = vector.shape_cast %get3A_101 : vector<16xf32> to vector<1x16xf32>
    tpu.vector_store %arg5[%swap3A_1244, %swap3A_1245], %swap3A_1248 {strides = array<i32>} : memref<8x384xf32, #tpu.memory_space<vmem>>, vector<1x16xf32>,
    %swap3A_1249 = arith.constant 7 : i32
    %swap3A_1250 = arith.index_cast %swap3A_1249 : i32 to index
    %swap3A_1251 = arith.constant 320 : index
    %swap3A_1252 = tpu.vector_load %arg5[%swap3A_1250, %swap3A_1251] {strides = array<i32>} : memref<8x384xf32, #tpu.memory_space<vmem>>, vector<1x16xf32>,
    %swap3A_1253 = vector.shape_cast %swap3A_1252 : vector<1x16xf32> to vector<16xf32>
    %swap3A_1254 = vector.shape_cast %get3A_106 : vector<16xf32> to vector<1x16xf32>
    tpu.vector_store %arg5[%swap3A_1250, %swap3A_1251], %swap3A_1254 {strides = array<i32>} : memref<8x384xf32, #tpu.memory_space<vmem>>, vector<1x16xf32>,
    %swap3A_1255 = arith.constant 7 : i32
    %swap3A_1256 = arith.index_cast %swap3A_1255 : i32 to index
    %swap3A_1257 = arith.constant 336 : index
    %swap3A_1258 = tpu.vector_load %arg5[%swap3A_1256, %swap3A_1257] {strides = array<i32>} : memref<8x384xf32, #tpu.memory_space<vmem>>, vector<1x16xf32>,
    %swap3A_1259 = vector.shape_cast %swap3A_1258 : vector<1x16xf32> to vector<16xf32>
    %swap3A_1260 = vector.shape_cast %get3A_111 : vector<16xf32> to vector<1x16xf32>
    tpu.vector_store %arg5[%swap3A_1256, %swap3A_1257], %swap3A_1260 {strides = array<i32>} : memref<8x384xf32, #tpu.memory_space<vmem>>, vector<1x16xf32>,
    %swap3A_1261 = arith.constant 7 : i32
    %swap3A_1262 = arith.index_cast %swap3A_1261 : i32 to index
    %swap3A_1263 = arith.constant 352 : index
    %swap3A_1264 = tpu.vector_load %arg5[%swap3A_1262, %swap3A_1263] {strides = array<i32>} : memref<8x384xf32, #tpu.memory_space<vmem>>, vector<1x16xf32>,
    %swap3A_1265 = vector.shape_cast %swap3A_1264 : vector<1x16xf32> to vector<16xf32>
    %swap3A_1266 = vector.shape_cast %get3A_116 : vector<16xf32> to vector<1x16xf32>
    tpu.vector_store %arg5[%swap3A_1262, %swap3A_1263], %swap3A_1266 {strides = array<i32>} : memref<8x384xf32, #tpu.memory_space<vmem>>, vector<1x16xf32>,
    %swap3A_1267 = arith.constant 7 : i32
    %swap3A_1268 = arith.index_cast %swap3A_1267 : i32 to index
    %swap3A_1269 = arith.constant 368 : index
    %swap3A_1270 = tpu.vector_load %arg5[%swap3A_1268, %swap3A_1269] {strides = array<i32>} : memref<8x384xf32, #tpu.memory_space<vmem>>, vector<1x16xf32>,
    %swap3A_1271 = vector.shape_cast %swap3A_1270 : vector<1x16xf32> to vector<16xf32>
    %swap3A_1272 = vector.shape_cast %get3A_121 : vector<16xf32> to vector<1x16xf32>
    tpu.vector_store %arg5[%swap3A_1268, %swap3A_1269], %swap3A_1272 {strides = array<i32>} : memref<8x384xf32, #tpu.memory_space<vmem>>, vector<1x16xf32>,
    %add3A_1273 = arith.constant 0 : i32
    %add3A_1274 = arith.addi %mul3A_2, %add3A_1273 : i32
    %mul3A_1275 = arith.constant 64 : i32
    %mul3A_1276 = arith.muli %add3A_1274, %mul3A_1275 : i32
    %add3A_1277 = arith.constant 0 : i32
    %add3A_1278 = arith.addi %mul3A_1276, %add3A_1277 : i32
    %dma_start3A = arith.constant 0 : i32
    %dma_start3A_1279 = tpu.memref_slice %arg3[%add3A_1278, %dma_start3A] : memref<4096x768xf32, #tpu.memory_space<hbm>> -> memref<8x384xf32, #tpu.memory_space<hbm>>
    %dma_start3A_1280 = arith.constant 0 : i32
    %dma_start3A_1281 = tpu.memref_slice %arg3[%add3A_1278, %dma_start3A_1280] : memref<4096x768xf32, #tpu.memory_space<hbm>> -> memref<8x384xf32, #tpu.memory_space<hbm>>
    tpu.enqueue_dma source(%arg5 : memref<8x384xf32, #tpu.memory_space<vmem>>) target(%dma_start3A_1281 : memref<8x384xf32, #tpu.memory_space<hbm>>) target_semaphore(%arg7 : memref<!tpu.dma_semaphore, #tpu.memory_space<semaphore_mem>>)
    %add3A_1282 = arith.constant 8 : i32
    %add3A_1283 = arith.addi %mul3A_1276, %add3A_1282 : i32
    %dma_start3A_1284 = arith.constant 0 : i32
    %dma_start3A_1285 = tpu.memref_slice %arg3[%add3A_1283, %dma_start3A_1284] : memref<4096x768xf32, #tpu.memory_space<hbm>> -> memref<8x384xf32, #tpu.memory_space<hbm>>
    %dma_start3A_1286 = arith.constant 0 : i32
    %dma_start3A_1287 = tpu.memref_slice %arg3[%add3A_1283, %dma_start3A_1286] : memref<4096x768xf32, #tpu.memory_space<hbm>> -> memref<8x384xf32, #tpu.memory_space<hbm>>
    tpu.enqueue_dma source(%arg5 : memref<8x384xf32, #tpu.memory_space<vmem>>) target(%dma_start3A_1287 : memref<8x384xf32, #tpu.memory_space<hbm>>) target_semaphore(%arg7 : memref<!tpu.dma_semaphore, #tpu.memory_space<semaphore_mem>>)
    %add3A_1288 = arith.constant 16 : i32
    %add3A_1289 = arith.addi %mul3A_1276, %add3A_1288 : i32
    %dma_start3A_1290 = arith.constant 0 : i32
    %dma_start3A_1291 = tpu.memref_slice %arg3[%add3A_1289, %dma_start3A_1290] : memref<4096x768xf32, #tpu.memory_space<hbm>> -> memref<8x384xf32, #tpu.memory_space<hbm>>
    %dma_start3A_1292 = arith.constant 0 : i32
    %dma_start3A_1293 = tpu.memref_slice %arg3[%add3A_1289, %dma_start3A_1292] : memref<4096x768xf32, #tpu.memory_space<hbm>> -> memref<8x384xf32, #tpu.memory_space<hbm>>
    tpu.enqueue_dma source(%arg5 : memref<8x384xf32, #tpu.memory_space<vmem>>) target(%dma_start3A_1293 : memref<8x384xf32, #tpu.memory_space<hbm>>) target_semaphore(%arg7 : memref<!tpu.dma_semaphore, #tpu.memory_space<semaphore_mem>>)
    %add3A_1294 = arith.constant 24 : i32
    %add3A_1295 = arith.addi %mul3A_1276, %add3A_1294 : i32
    %dma_start3A_1296 = arith.constant 0 : i32
    %dma_start3A_1297 = tpu.memref_slice %arg3[%add3A_1295, %dma_start3A_1296] : memref<4096x768xf32, #tpu.memory_space<hbm>> -> memref<8x384xf32, #tpu.memory_space<hbm>>
    %dma_start3A_1298 = arith.constant 0 : i32
    %dma_start3A_1299 = tpu.memref_slice %arg3[%add3A_1295, %dma_start3A_1298] : memref<4096x768xf32, #tpu.memory_space<hbm>> -> memref<8x384xf32, #tpu.memory_space<hbm>>
    tpu.enqueue_dma source(%arg5 : memref<8x384xf32, #tpu.memory_space<vmem>>) target(%dma_start3A_1299 : memref<8x384xf32, #tpu.memory_space<hbm>>) target_semaphore(%arg7 : memref<!tpu.dma_semaphore, #tpu.memory_space<semaphore_mem>>)
    %add3A_1300 = arith.constant 32 : i32
    %add3A_1301 = arith.addi %mul3A_1276, %add3A_1300 : i32
    %dma_start3A_1302 = arith.constant 0 : i32
    %dma_start3A_1303 = tpu.memref_slice %arg3[%add3A_1301, %dma_start3A_1302] : memref<4096x768xf32, #tpu.memory_space<hbm>> -> memref<8x384xf32, #tpu.memory_space<hbm>>
    %dma_start3A_1304 = arith.constant 0 : i32
    %dma_start3A_1305 = tpu.memref_slice %arg3[%add3A_1301, %dma_start3A_1304] : memref<4096x768xf32, #tpu.memory_space<hbm>> -> memref<8x384xf32, #tpu.memory_space<hbm>>
    tpu.enqueue_dma source(%arg5 : memref<8x384xf32, #tpu.memory_space<vmem>>) target(%dma_start3A_1305 : memref<8x384xf32, #tpu.memory_space<hbm>>) target_semaphore(%arg7 : memref<!tpu.dma_semaphore, #tpu.memory_space<semaphore_mem>>)
    %add3A_1306 = arith.constant 40 : i32
    %add3A_1307 = arith.addi %mul3A_1276, %add3A_1306 : i32
    %dma_start3A_1308 = arith.constant 0 : i32
    %dma_start3A_1309 = tpu.memref_slice %arg3[%add3A_1307, %dma_start3A_1308] : memref<4096x768xf32, #tpu.memory_space<hbm>> -> memref<8x384xf32, #tpu.memory_space<hbm>>
    %dma_start3A_1310 = arith.constant 0 : i32
    %dma_start3A_1311 = tpu.memref_slice %arg3[%add3A_1307, %dma_start3A_1310] : memref<4096x768xf32, #tpu.memory_space<hbm>> -> memref<8x384xf32, #tpu.memory_space<hbm>>
    tpu.enqueue_dma source(%arg5 : memref<8x384xf32, #tpu.memory_space<vmem>>) target(%dma_start3A_1311 : memref<8x384xf32, #tpu.memory_space<hbm>>) target_semaphore(%arg7 : memref<!tpu.dma_semaphore, #tpu.memory_space<semaphore_mem>>)
    %add3A_1312 = arith.constant 48 : i32
    %add3A_1313 = arith.addi %mul3A_1276, %add3A_1312 : i32
    %dma_start3A_1314 = arith.constant 0 : i32
    %dma_start3A_1315 = tpu.memref_slice %arg3[%add3A_1313, %dma_start3A_1314] : memref<4096x768xf32, #tpu.memory_space<hbm>> -> memref<8x384xf32, #tpu.memory_space<hbm>>
    %dma_start3A_1316 = arith.constant 0 : i32
    %dma_start3A_1317 = tpu.memref_slice %arg3[%add3A_1313, %dma_start3A_1316] : memref<4096x768xf32, #tpu.memory_space<hbm>> -> memref<8x384xf32, #tpu.memory_space<hbm>>
    tpu.enqueue_dma source(%arg5 : memref<8x384xf32, #tpu.memory_space<vmem>>) target(%dma_start3A_1317 : memref<8x384xf32, #tpu.memory_space<hbm>>) target_semaphore(%arg7 : memref<!tpu.dma_semaphore, #tpu.memory_space<semaphore_mem>>)
    %add3A_1318 = arith.constant 56 : i32
    %add3A_1319 = arith.addi %mul3A_1276, %add3A_1318 : i32
    %dma_start3A_1320 = arith.constant 0 : i32
    %dma_start3A_1321 = tpu.memref_slice %arg3[%add3A_1319, %dma_start3A_1320] : memref<4096x768xf32, #tpu.memory_space<hbm>> -> memref<8x384xf32, #tpu.memory_space<hbm>>
    %dma_start3A_1322 = arith.constant 0 : i32
    %dma_start3A_1323 = tpu.memref_slice %arg3[%add3A_1319, %dma_start3A_1322] : memref<4096x768xf32, #tpu.memory_space<hbm>> -> memref<8x384xf32, #tpu.memory_space<hbm>>
    tpu.enqueue_dma source(%arg5 : memref<8x384xf32, #tpu.memory_space<vmem>>) target(%dma_start3A_1323 : memref<8x384xf32, #tpu.memory_space<hbm>>) target_semaphore(%arg7 : memref<!tpu.dma_semaphore, #tpu.memory_space<semaphore_mem>>)
    %get3A_1324 = arith.constant 1 : i32
    %get3A_1325 = arith.index_cast %get3A_1324 : i32 to index
    %get3A_1326 = arith.constant 0 : index
    %get3A_1327 = tpu.vector_load %arg4[%get3A_1325, %get3A_1326] {strides = array<i32>} : memref<2x384xf32, #tpu.memory_space<vmem>>, vector<1x16xf32>,
    %get3A_1328 = vector.shape_cast %get3A_1327 : vector<1x16xf32> to vector<16xf32>
    %get3A_1329 = arith.constant 1 : i32
    %get3A_1330 = arith.index_cast %get3A_1329 : i32 to index
    %get3A_1331 = arith.constant 16 : index
    %get3A_1332 = tpu.vector_load %arg4[%get3A_1330, %get3A_1331] {strides = array<i32>} : memref<2x384xf32, #tpu.memory_space<vmem>>, vector<1x16xf32>,
    %get3A_1333 = vector.shape_cast %get3A_1332 : vector<1x16xf32> to vector<16xf32>
    %get3A_1334 = arith.constant 1 : i32
    %get3A_1335 = arith.index_cast %get3A_1334 : i32 to index
    %get3A_1336 = arith.constant 32 : index
    %get3A_1337 = tpu.vector_load %arg4[%get3A_1335, %get3A_1336] {strides = array<i32>} : memref<2x384xf32, #tpu.memory_space<vmem>>, vector<1x16xf32>,
    %get3A_1338 = vector.shape_cast %get3A_1337 : vector<1x16xf32> to vector<16xf32>
    %get3A_1339 = arith.constant 1 : i32
    %get3A_1340 = arith.index_cast %get3A_1339 : i32 to index
    %get3A_1341 = arith.constant 48 : index
    %get3A_1342 = tpu.vector_load %arg4[%get3A_1340, %get3A_1341] {strides = array<i32>} : memref<2x384xf32, #tpu.memory_space<vmem>>, vector<1x16xf32>,
    %get3A_1343 = vector.shape_cast %get3A_1342 : vector<1x16xf32> to vector<16xf32>
    %get3A_1344 = arith.constant 1 : i32
    %get3A_1345 = arith.index_cast %get3A_1344 : i32 to index
    %get3A_1346 = arith.constant 64 : index
    %get3A_1347 = tpu.vector_load %arg4[%get3A_1345, %get3A_1346] {strides = array<i32>} : memref<2x384xf32, #tpu.memory_space<vmem>>, vector<1x16xf32>,
    %get3A_1348 = vector.shape_cast %get3A_1347 : vector<1x16xf32> to vector<16xf32>
    %get3A_1349 = arith.constant 1 : i32
    %get3A_1350 = arith.index_cast %get3A_1349 : i32 to index
    %get3A_1351 = arith.constant 80 : index
    %get3A_1352 = tpu.vector_load %arg4[%get3A_1350, %get3A_1351] {strides = array<i32>} : memref<2x384xf32, #tpu.memory_space<vmem>>, vector<1x16xf32>,
    %get3A_1353 = vector.shape_cast %get3A_1352 : vector<1x16xf32> to vector<16xf32>
    %get3A_1354 = arith.constant 1 : i32
    %get3A_1355 = arith.index_cast %get3A_1354 : i32 to index
    %get3A_1356 = arith.constant 96 : index
    %get3A_1357 = tpu.vector_load %arg4[%get3A_1355, %get3A_1356] {strides = array<i32>} : memref<2x384xf32, #tpu.memory_space<vmem>>, vector<1x16xf32>,
    %get3A_1358 = vector.shape_cast %get3A_1357 : vector<1x16xf32> to vector<16xf32>
    %get3A_1359 = arith.constant 1 : i32
    %get3A_1360 = arith.index_cast %get3A_1359 : i32 to index
    %get3A_1361 = arith.constant 112 : index
    %get3A_1362 = tpu.vector_load %arg4[%get3A_1360, %get3A_1361] {strides = array<i32>} : memref<2x384xf32, #tpu.memory_space<vmem>>, vector<1x16xf32>,
    %get3A_1363 = vector.shape_cast %get3A_1362 : vector<1x16xf32> to vector<16xf32>
    %get3A_1364 = arith.constant 1 : i32
    %get3A_1365 = arith.index_cast %get3A_1364 : i32 to index
    %get3A_1366 = arith.constant 128 : index
    %get3A_1367 = tpu.vector_load %arg4[%get3A_1365, %get3A_1366] {strides = array<i32>} : memref<2x384xf32, #tpu.memory_space<vmem>>, vector<1x16xf32>,
    %get3A_1368 = vector.shape_cast %get3A_1367 : vector<1x16xf32> to vector<16xf32>
    %get3A_1369 = arith.constant 1 : i32
    %get3A_1370 = arith.index_cast %get3A_1369 : i32 to index
    %get3A_1371 = arith.constant 144 : index
    %get3A_1372 = tpu.vector_load %arg4[%get3A_1370, %get3A_1371] {strides = array<i32>} : memref<2x384xf32, #tpu.memory_space<vmem>>, vector<1x16xf32>,
    %get3A_1373 = vector.shape_cast %get3A_1372 : vector<1x16xf32> to vector<16xf32>
    %get3A_1374 = arith.constant 1 : i32
    %get3A_1375 = arith.index_cast %get3A_1374 : i32 to index
    %get3A_1376 = arith.constant 160 : index
    %get3A_1377 = tpu.vector_load %arg4[%get3A_1375, %get3A_1376] {strides = array<i32>} : memref<2x384xf32, #tpu.memory_space<vmem>>, vector<1x16xf32>,
    %get3A_1378 = vector.shape_cast %get3A_1377 : vector<1x16xf32> to vector<16xf32>
    %get3A_1379 = arith.constant 1 : i32
    %get3A_1380 = arith.index_cast %get3A_1379 : i32 to index
    %get3A_1381 = arith.constant 176 : index
    %get3A_1382 = tpu.vector_load %arg4[%get3A_1380, %get3A_1381] {strides = array<i32>} : memref<2x384xf32, #tpu.memory_space<vmem>>, vector<1x16xf32>,
    %get3A_1383 = vector.shape_cast %get3A_1382 : vector<1x16xf32> to vector<16xf32>
    %get3A_1384 = arith.constant 1 : i32
    %get3A_1385 = arith.index_cast %get3A_1384 : i32 to index
    %get3A_1386 = arith.constant 192 : index
    %get3A_1387 = tpu.vector_load %arg4[%get3A_1385, %get3A_1386] {strides = array<i32>} : memref<2x384xf32, #tpu.memory_space<vmem>>, vector<1x16xf32>,
    %get3A_1388 = vector.shape_cast %get3A_1387 : vector<1x16xf32> to vector<16xf32>
    %get3A_1389 = arith.constant 1 : i32
    %get3A_1390 = arith.index_cast %get3A_1389 : i32 to index
    %get3A_1391 = arith.constant 208 : index
    %get3A_1392 = tpu.vector_load %arg4[%get3A_1390, %get3A_1391] {strides = array<i32>} : memref<2x384xf32, #tpu.memory_space<vmem>>, vector<1x16xf32>,
    %get3A_1393 = vector.shape_cast %get3A_1392 : vector<1x16xf32> to vector<16xf32>
    %get3A_1394 = arith.constant 1 : i32
    %get3A_1395 = arith.index_cast %get3A_1394 : i32 to index
    %get3A_1396 = arith.constant 224 : index
    %get3A_1397 = tpu.vector_load %arg4[%get3A_1395, %get3A_1396] {strides = array<i32>} : memref<2x384xf32, #tpu.memory_space<vmem>>, vector<1x16xf32>,
    %get3A_1398 = vector.shape_cast %get3A_1397 : vector<1x16xf32> to vector<16xf32>
    %get3A_1399 = arith.constant 1 : i32
    %get3A_1400 = arith.index_cast %get3A_1399 : i32 to index
    %get3A_1401 = arith.constant 240 : index
    %get3A_1402 = tpu.vector_load %arg4[%get3A_1400, %get3A_1401] {strides = array<i32>} : memref<2x384xf32, #tpu.memory_space<vmem>>, vector<1x16xf32>,
    %get3A_1403 = vector.shape_cast %get3A_1402 : vector<1x16xf32> to vector<16xf32>
    %get3A_1404 = arith.constant 1 : i32
    %get3A_1405 = arith.index_cast %get3A_1404 : i32 to index
    %get3A_1406 = arith.constant 256 : index
    %get3A_1407 = tpu.vector_load %arg4[%get3A_1405, %get3A_1406] {strides = array<i32>} : memref<2x384xf32, #tpu.memory_space<vmem>>, vector<1x16xf32>,
    %get3A_1408 = vector.shape_cast %get3A_1407 : vector<1x16xf32> to vector<16xf32>
    %get3A_1409 = arith.constant 1 : i32
    %get3A_1410 = arith.index_cast %get3A_1409 : i32 to index
    %get3A_1411 = arith.constant 272 : index
    %get3A_1412 = tpu.vector_load %arg4[%get3A_1410, %get3A_1411] {strides = array<i32>} : memref<2x384xf32, #tpu.memory_space<vmem>>, vector<1x16xf32>,
    %get3A_1413 = vector.shape_cast %get3A_1412 : vector<1x16xf32> to vector<16xf32>
    %get3A_1414 = arith.constant 1 : i32
    %get3A_1415 = arith.index_cast %get3A_1414 : i32 to index
    %get3A_1416 = arith.constant 288 : index
    %get3A_1417 = tpu.vector_load %arg4[%get3A_1415, %get3A_1416] {strides = array<i32>} : memref<2x384xf32, #tpu.memory_space<vmem>>, vector<1x16xf32>,
    %get3A_1418 = vector.shape_cast %get3A_1417 : vector<1x16xf32> to vector<16xf32>
    %get3A_1419 = arith.constant 1 : i32
    %get3A_1420 = arith.index_cast %get3A_1419 : i32 to index
    %get3A_1421 = arith.constant 304 : index
    %get3A_1422 = tpu.vector_load %arg4[%get3A_1420, %get3A_1421] {strides = array<i32>} : memref<2x384xf32, #tpu.memory_space<vmem>>, vector<1x16xf32>,
    %get3A_1423 = vector.shape_cast %get3A_1422 : vector<1x16xf32> to vector<16xf32>
    %get3A_1424 = arith.constant 1 : i32
    %get3A_1425 = arith.index_cast %get3A_1424 : i32 to index
    %get3A_1426 = arith.constant 320 : index
    %get3A_1427 = tpu.vector_load %arg4[%get3A_1425, %get3A_1426] {strides = array<i32>} : memref<2x384xf32, #tpu.memory_space<vmem>>, vector<1x16xf32>,
    %get3A_1428 = vector.shape_cast %get3A_1427 : vector<1x16xf32> to vector<16xf32>
    %get3A_1429 = arith.constant 1 : i32
    %get3A_1430 = arith.index_cast %get3A_1429 : i32 to index
    %get3A_1431 = arith.constant 336 : index
    %get3A_1432 = tpu.vector_load %arg4[%get3A_1430, %get3A_1431] {strides = array<i32>} : memref<2x384xf32, #tpu.memory_space<vmem>>, vector<1x16xf32>,
    %get3A_1433 = vector.shape_cast %get3A_1432 : vector<1x16xf32> to vector<16xf32>
    %get3A_1434 = arith.constant 1 : i32
    %get3A_1435 = arith.index_cast %get3A_1434 : i32 to index
    %get3A_1436 = arith.constant 352 : index
    %get3A_1437 = tpu.vector_load %arg4[%get3A_1435, %get3A_1436] {strides = array<i32>} : memref<2x384xf32, #tpu.memory_space<vmem>>, vector<1x16xf32>,
    %get3A_1438 = vector.shape_cast %get3A_1437 : vector<1x16xf32> to vector<16xf32>
    %get3A_1439 = arith.constant 1 : i32
    %get3A_1440 = arith.index_cast %get3A_1439 : i32 to index
    %get3A_1441 = arith.constant 368 : index
    %get3A_1442 = tpu.vector_load %arg4[%get3A_1440, %get3A_1441] {strides = array<i32>} : memref<2x384xf32, #tpu.memory_space<vmem>>, vector<1x16xf32>,
    %get3A_1443 = vector.shape_cast %get3A_1442 : vector<1x16xf32> to vector<16xf32>
    %swap3A_1444 = arith.constant 0 : i32
    %swap3A_1445 = arith.index_cast %swap3A_1444 : i32 to index
    %swap3A_1446 = arith.constant 0 : index
    %swap3A_1447 = tpu.vector_load %arg6[%swap3A_1445, %swap3A_1446] {strides = array<i32>} : memref<8x384xf32, #tpu.memory_space<vmem>>, vector<1x16xf32>,
    %swap3A_1448 = vector.shape_cast %swap3A_1447 : vector<1x16xf32> to vector<16xf32>
    %swap3A_1449 = vector.shape_cast %get3A_1328 : vector<16xf32> to vector<1x16xf32>
    tpu.vector_store %arg6[%swap3A_1445, %swap3A_1446], %swap3A_1449 {strides = array<i32>} : memref<8x384xf32, #tpu.memory_space<vmem>>, vector<1x16xf32>,
    %swap3A_1450 = arith.constant 0 : i32
    %swap3A_1451 = arith.index_cast %swap3A_1450 : i32 to index
    %swap3A_1452 = arith.constant 16 : index
    %swap3A_1453 = tpu.vector_load %arg6[%swap3A_1451, %swap3A_1452] {strides = array<i32>} : memref<8x384xf32, #tpu.memory_space<vmem>>, vector<1x16xf32>,
    %swap3A_1454 = vector.shape_cast %swap3A_1453 : vector<1x16xf32> to vector<16xf32>
    %swap3A_1455 = vector.shape_cast %get3A_1333 : vector<16xf32> to vector<1x16xf32>
    tpu.vector_store %arg6[%swap3A_1451, %swap3A_1452], %swap3A_1455 {strides = array<i32>} : memref<8x384xf32, #tpu.memory_space<vmem>>, vector<1x16xf32>,
    %swap3A_1456 = arith.constant 0 : i32
    %swap3A_1457 = arith.index_cast %swap3A_1456 : i32 to index
    %swap3A_1458 = arith.constant 32 : index
    %swap3A_1459 = tpu.vector_load %arg6[%swap3A_1457, %swap3A_1458] {strides = array<i32>} : memref<8x384xf32, #tpu.memory_space<vmem>>, vector<1x16xf32>,
    %swap3A_1460 = vector.shape_cast %swap3A_1459 : vector<1x16xf32> to vector<16xf32>
    %swap3A_1461 = vector.shape_cast %get3A_1338 : vector<16xf32> to vector<1x16xf32>
    tpu.vector_store %arg6[%swap3A_1457, %swap3A_1458], %swap3A_1461 {strides = array<i32>} : memref<8x384xf32, #tpu.memory_space<vmem>>, vector<1x16xf32>,
    %swap3A_1462 = arith.constant 0 : i32
    %swap3A_1463 = arith.index_cast %swap3A_1462 : i32 to index
    %swap3A_1464 = arith.constant 48 : index
    %swap3A_1465 = tpu.vector_load %arg6[%swap3A_1463, %swap3A_1464] {strides = array<i32>} : memref<8x384xf32, #tpu.memory_space<vmem>>, vector<1x16xf32>,
    %swap3A_1466 = vector.shape_cast %swap3A_1465 : vector<1x16xf32> to vector<16xf32>
    %swap3A_1467 = vector.shape_cast %get3A_1343 : vector<16xf32> to vector<1x16xf32>
    tpu.vector_store %arg6[%swap3A_1463, %swap3A_1464], %swap3A_1467 {strides = array<i32>} : memref<8x384xf32, #tpu.memory_space<vmem>>, vector<1x16xf32>,
    %swap3A_1468 = arith.constant 0 : i32
    %swap3A_1469 = arith.index_cast %swap3A_1468 : i32 to index
    %swap3A_1470 = arith.constant 64 : index
    %swap3A_1471 = tpu.vector_load %arg6[%swap3A_1469, %swap3A_1470] {strides = array<i32>} : memref<8x384xf32, #tpu.memory_space<vmem>>, vector<1x16xf32>,
    %swap3A_1472 = vector.shape_cast %swap3A_1471 : vector<1x16xf32> to vector<16xf32>
    %swap3A_1473 = vector.shape_cast %get3A_1348 : vector<16xf32> to vector<1x16xf32>
    tpu.vector_store %arg6[%swap3A_1469, %swap3A_1470], %swap3A_1473 {strides = array<i32>} : memref<8x384xf32, #tpu.memory_space<vmem>>, vector<1x16xf32>,
    %swap3A_1474 = arith.constant 0 : i32
    %swap3A_1475 = arith.index_cast %swap3A_1474 : i32 to index
    %swap3A_1476 = arith.constant 80 : index
    %swap3A_1477 = tpu.vector_load %arg6[%swap3A_1475, %swap3A_1476] {strides = array<i32>} : memref<8x384xf32, #tpu.memory_space<vmem>>, vector<1x16xf32>,
    %swap3A_1478 = vector.shape_cast %swap3A_1477 : vector<1x16xf32> to vector<16xf32>
    %swap3A_1479 = vector.shape_cast %get3A_1353 : vector<16xf32> to vector<1x16xf32>
    tpu.vector_store %arg6[%swap3A_1475, %swap3A_1476], %swap3A_1479 {strides = array<i32>} : memref<8x384xf32, #tpu.memory_space<vmem>>, vector<1x16xf32>,
    %swap3A_1480 = arith.constant 0 : i32
    %swap3A_1481 = arith.index_cast %swap3A_1480 : i32 to index
    %swap3A_1482 = arith.constant 96 : index
    %swap3A_1483 = tpu.vector_load %arg6[%swap3A_1481, %swap3A_1482] {strides = array<i32>} : memref<8x384xf32, #tpu.memory_space<vmem>>, vector<1x16xf32>,
    %swap3A_1484 = vector.shape_cast %swap3A_1483 : vector<1x16xf32> to vector<16xf32>
    %swap3A_1485 = vector.shape_cast %get3A_1358 : vector<16xf32> to vector<1x16xf32>
    tpu.vector_store %arg6[%swap3A_1481, %swap3A_1482], %swap3A_1485 {strides = array<i32>} : memref<8x384xf32, #tpu.memory_space<vmem>>, vector<1x16xf32>,
    %swap3A_1486 = arith.constant 0 : i32
    %swap3A_1487 = arith.index_cast %swap3A_1486 : i32 to index
    %swap3A_1488 = arith.constant 112 : index
    %swap3A_1489 = tpu.vector_load %arg6[%swap3A_1487, %swap3A_1488] {strides = array<i32>} : memref<8x384xf32, #tpu.memory_space<vmem>>, vector<1x16xf32>,
    %swap3A_1490 = vector.shape_cast %swap3A_1489 : vector<1x16xf32> to vector<16xf32>
    %swap3A_1491 = vector.shape_cast %get3A_1363 : vector<16xf32> to vector<1x16xf32>
    tpu.vector_store %arg6[%swap3A_1487, %swap3A_1488], %swap3A_1491 {strides = array<i32>} : memref<8x384xf32, #tpu.memory_space<vmem>>, vector<1x16xf32>,
    %swap3A_1492 = arith.constant 0 : i32
    %swap3A_1493 = arith.index_cast %swap3A_1492 : i32 to index
    %swap3A_1494 = arith.constant 128 : index
    %swap3A_1495 = tpu.vector_load %arg6[%swap3A_1493, %swap3A_1494] {strides = array<i32>} : memref<8x384xf32, #tpu.memory_space<vmem>>, vector<1x16xf32>,
    %swap3A_1496 = vector.shape_cast %swap3A_1495 : vector<1x16xf32> to vector<16xf32>
    %swap3A_1497 = vector.shape_cast %get3A_1368 : vector<16xf32> to vector<1x16xf32>
    tpu.vector_store %arg6[%swap3A_1493, %swap3A_1494], %swap3A_1497 {strides = array<i32>} : memref<8x384xf32, #tpu.memory_space<vmem>>, vector<1x16xf32>,
    %swap3A_1498 = arith.constant 0 : i32
    %swap3A_1499 = arith.index_cast %swap3A_1498 : i32 to index
    %swap3A_1500 = arith.constant 144 : index
    %swap3A_1501 = tpu.vector_load %arg6[%swap3A_1499, %swap3A_1500] {strides = array<i32>} : memref<8x384xf32, #tpu.memory_space<vmem>>, vector<1x16xf32>,
    %swap3A_1502 = vector.shape_cast %swap3A_1501 : vector<1x16xf32> to vector<16xf32>
    %swap3A_1503 = vector.shape_cast %get3A_1373 : vector<16xf32> to vector<1x16xf32>
    tpu.vector_store %arg6[%swap3A_1499, %swap3A_1500], %swap3A_1503 {strides = array<i32>} : memref<8x384xf32, #tpu.memory_space<vmem>>, vector<1x16xf32>,
    %swap3A_1504 = arith.constant 0 : i32
    %swap3A_1505 = arith.index_cast %swap3A_1504 : i32 to index
    %swap3A_1506 = arith.constant 160 : index
    %swap3A_1507 = tpu.vector_load %arg6[%swap3A_1505, %swap3A_1506] {strides = array<i32>} : memref<8x384xf32, #tpu.memory_space<vmem>>, vector<1x16xf32>,
    %swap3A_1508 = vector.shape_cast %swap3A_1507 : vector<1x16xf32> to vector<16xf32>
    %swap3A_1509 = vector.shape_cast %get3A_1378 : vector<16xf32> to vector<1x16xf32>
    tpu.vector_store %arg6[%swap3A_1505, %swap3A_1506], %swap3A_1509 {strides = array<i32>} : memref<8x384xf32, #tpu.memory_space<vmem>>, vector<1x16xf32>,
    %swap3A_1510 = arith.constant 0 : i32
    %swap3A_1511 = arith.index_cast %swap3A_1510 : i32 to index
    %swap3A_1512 = arith.constant 176 : index
    %swap3A_1513 = tpu.vector_load %arg6[%swap3A_1511, %swap3A_1512] {strides = array<i32>} : memref<8x384xf32, #tpu.memory_space<vmem>>, vector<1x16xf32>,
    %swap3A_1514 = vector.shape_cast %swap3A_1513 : vector<1x16xf32> to vector<16xf32>
    %swap3A_1515 = vector.shape_cast %get3A_1383 : vector<16xf32> to vector<1x16xf32>
    tpu.vector_store %arg6[%swap3A_1511, %swap3A_1512], %swap3A_1515 {strides = array<i32>} : memref<8x384xf32, #tpu.memory_space<vmem>>, vector<1x16xf32>,
    %swap3A_1516 = arith.constant 0 : i32
    %swap3A_1517 = arith.index_cast %swap3A_1516 : i32 to index
    %swap3A_1518 = arith.constant 192 : index
    %swap3A_1519 = tpu.vector_load %arg6[%swap3A_1517, %swap3A_1518] {strides = array<i32>} : memref<8x384xf32, #tpu.memory_space<vmem>>, vector<1x16xf32>,
    %swap3A_1520 = vector.shape_cast %swap3A_1519 : vector<1x16xf32> to vector<16xf32>
    %swap3A_1521 = vector.shape_cast %get3A_1388 : vector<16xf32> to vector<1x16xf32>
    tpu.vector_store %arg6[%swap3A_1517, %swap3A_1518], %swap3A_1521 {strides = array<i32>} : memref<8x384xf32, #tpu.memory_space<vmem>>, vector<1x16xf32>,
    %swap3A_1522 = arith.constant 0 : i32
    %swap3A_1523 = arith.index_cast %swap3A_1522 : i32 to index
    %swap3A_1524 = arith.constant 208 : index
    %swap3A_1525 = tpu.vector_load %arg6[%swap3A_1523, %swap3A_1524] {strides = array<i32>} : memref<8x384xf32, #tpu.memory_space<vmem>>, vector<1x16xf32>,
    %swap3A_1526 = vector.shape_cast %swap3A_1525 : vector<1x16xf32> to vector<16xf32>
    %swap3A_1527 = vector.shape_cast %get3A_1393 : vector<16xf32> to vector<1x16xf32>
    tpu.vector_store %arg6[%swap3A_1523, %swap3A_1524], %swap3A_1527 {strides = array<i32>} : memref<8x384xf32, #tpu.memory_space<vmem>>, vector<1x16xf32>,
    %swap3A_1528 = arith.constant 0 : i32
    %swap3A_1529 = arith.index_cast %swap3A_1528 : i32 to index
    %swap3A_1530 = arith.constant 224 : index
    %swap3A_1531 = tpu.vector_load %arg6[%swap3A_1529, %swap3A_1530] {strides = array<i32>} : memref<8x384xf32, #tpu.memory_space<vmem>>, vector<1x16xf32>,
    %swap3A_1532 = vector.shape_cast %swap3A_1531 : vector<1x16xf32> to vector<16xf32>
    %swap3A_1533 = vector.shape_cast %get3A_1398 : vector<16xf32> to vector<1x16xf32>
    tpu.vector_store %arg6[%swap3A_1529, %swap3A_1530], %swap3A_1533 {strides = array<i32>} : memref<8x384xf32, #tpu.memory_space<vmem>>, vector<1x16xf32>,
    %swap3A_1534 = arith.constant 0 : i32
    %swap3A_1535 = arith.index_cast %swap3A_1534 : i32 to index
    %swap3A_1536 = arith.constant 240 : index
    %swap3A_1537 = tpu.vector_load %arg6[%swap3A_1535, %swap3A_1536] {strides = array<i32>} : memref<8x384xf32, #tpu.memory_space<vmem>>, vector<1x16xf32>,
    %swap3A_1538 = vector.shape_cast %swap3A_1537 : vector<1x16xf32> to vector<16xf32>
    %swap3A_1539 = vector.shape_cast %get3A_1403 : vector<16xf32> to vector<1x16xf32>
    tpu.vector_store %arg6[%swap3A_1535, %swap3A_1536], %swap3A_1539 {strides = array<i32>} : memref<8x384xf32, #tpu.memory_space<vmem>>, vector<1x16xf32>,
    %swap3A_1540 = arith.constant 0 : i32
    %swap3A_1541 = arith.index_cast %swap3A_1540 : i32 to index
    %swap3A_1542 = arith.constant 256 : index
    %swap3A_1543 = tpu.vector_load %arg6[%swap3A_1541, %swap3A_1542] {strides = array<i32>} : memref<8x384xf32, #tpu.memory_space<vmem>>, vector<1x16xf32>,
    %swap3A_1544 = vector.shape_cast %swap3A_1543 : vector<1x16xf32> to vector<16xf32>
    %swap3A_1545 = vector.shape_cast %get3A_1408 : vector<16xf32> to vector<1x16xf32>
    tpu.vector_store %arg6[%swap3A_1541, %swap3A_1542], %swap3A_1545 {strides = array<i32>} : memref<8x384xf32, #tpu.memory_space<vmem>>, vector<1x16xf32>,
    %swap3A_1546 = arith.constant 0 : i32
    %swap3A_1547 = arith.index_cast %swap3A_1546 : i32 to index
    %swap3A_1548 = arith.constant 272 : index
    %swap3A_1549 = tpu.vector_load %arg6[%swap3A_1547, %swap3A_1548] {strides = array<i32>} : memref<8x384xf32, #tpu.memory_space<vmem>>, vector<1x16xf32>,
    %swap3A_1550 = vector.shape_cast %swap3A_1549 : vector<1x16xf32> to vector<16xf32>
    %swap3A_1551 = vector.shape_cast %get3A_1413 : vector<16xf32> to vector<1x16xf32>
    tpu.vector_store %arg6[%swap3A_1547, %swap3A_1548], %swap3A_1551 {strides = array<i32>} : memref<8x384xf32, #tpu.memory_space<vmem>>, vector<1x16xf32>,
    %swap3A_1552 = arith.constant 0 : i32
    %swap3A_1553 = arith.index_cast %swap3A_1552 : i32 to index
    %swap3A_1554 = arith.constant 288 : index
    %swap3A_1555 = tpu.vector_load %arg6[%swap3A_1553, %swap3A_1554] {strides = array<i32>} : memref<8x384xf32, #tpu.memory_space<vmem>>, vector<1x16xf32>,
    %swap3A_1556 = vector.shape_cast %swap3A_1555 : vector<1x16xf32> to vector<16xf32>
    %swap3A_1557 = vector.shape_cast %get3A_1418 : vector<16xf32> to vector<1x16xf32>
    tpu.vector_store %arg6[%swap3A_1553, %swap3A_1554], %swap3A_1557 {strides = array<i32>} : memref<8x384xf32, #tpu.memory_space<vmem>>, vector<1x16xf32>,
    %swap3A_1558 = arith.constant 0 : i32
    %swap3A_1559 = arith.index_cast %swap3A_1558 : i32 to index
    %swap3A_1560 = arith.constant 304 : index
    %swap3A_1561 = tpu.vector_load %arg6[%swap3A_1559, %swap3A_1560] {strides = array<i32>} : memref<8x384xf32, #tpu.memory_space<vmem>>, vector<1x16xf32>,
    %swap3A_1562 = vector.shape_cast %swap3A_1561 : vector<1x16xf32> to vector<16xf32>
    %swap3A_1563 = vector.shape_cast %get3A_1423 : vector<16xf32> to vector<1x16xf32>
    tpu.vector_store %arg6[%swap3A_1559, %swap3A_1560], %swap3A_1563 {strides = array<i32>} : memref<8x384xf32, #tpu.memory_space<vmem>>, vector<1x16xf32>,
    %swap3A_1564 = arith.constant 0 : i32
    %swap3A_1565 = arith.index_cast %swap3A_1564 : i32 to index
    %swap3A_1566 = arith.constant 320 : index
    %swap3A_1567 = tpu.vector_load %arg6[%swap3A_1565, %swap3A_1566] {strides = array<i32>} : memref<8x384xf32, #tpu.memory_space<vmem>>, vector<1x16xf32>,
    %swap3A_1568 = vector.shape_cast %swap3A_1567 : vector<1x16xf32> to vector<16xf32>
    %swap3A_1569 = vector.shape_cast %get3A_1428 : vector<16xf32> to vector<1x16xf32>
    tpu.vector_store %arg6[%swap3A_1565, %swap3A_1566], %swap3A_1569 {strides = array<i32>} : memref<8x384xf32, #tpu.memory_space<vmem>>, vector<1x16xf32>,
    %swap3A_1570 = arith.constant 0 : i32
    %swap3A_1571 = arith.index_cast %swap3A_1570 : i32 to index
    %swap3A_1572 = arith.constant 336 : index
    %swap3A_1573 = tpu.vector_load %arg6[%swap3A_1571, %swap3A_1572] {strides = array<i32>} : memref<8x384xf32, #tpu.memory_space<vmem>>, vector<1x16xf32>,
    %swap3A_1574 = vector.shape_cast %swap3A_1573 : vector<1x16xf32> to vector<16xf32>
    %swap3A_1575 = vector.shape_cast %get3A_1433 : vector<16xf32> to vector<1x16xf32>
    tpu.vector_store %arg6[%swap3A_1571, %swap3A_1572], %swap3A_1575 {strides = array<i32>} : memref<8x384xf32, #tpu.memory_space<vmem>>, vector<1x16xf32>,
    %swap3A_1576 = arith.constant 0 : i32
    %swap3A_1577 = arith.index_cast %swap3A_1576 : i32 to index
    %swap3A_1578 = arith.constant 352 : index
    %swap3A_1579 = tpu.vector_load %arg6[%swap3A_1577, %swap3A_1578] {strides = array<i32>} : memref<8x384xf32, #tpu.memory_space<vmem>>, vector<1x16xf32>,
    %swap3A_1580 = vector.shape_cast %swap3A_1579 : vector<1x16xf32> to vector<16xf32>
    %swap3A_1581 = vector.shape_cast %get3A_1438 : vector<16xf32> to vector<1x16xf32>
    tpu.vector_store %arg6[%swap3A_1577, %swap3A_1578], %swap3A_1581 {strides = array<i32>} : memref<8x384xf32, #tpu.memory_space<vmem>>, vector<1x16xf32>,
    %swap3A_1582 = arith.constant 0 : i32
    %swap3A_1583 = arith.index_cast %swap3A_1582 : i32 to index
    %swap3A_1584 = arith.constant 368 : index
    %swap3A_1585 = tpu.vector_load %arg6[%swap3A_1583, %swap3A_1584] {strides = array<i32>} : memref<8x384xf32, #tpu.memory_space<vmem>>, vector<1x16xf32>,
    %swap3A_1586 = vector.shape_cast %swap3A_1585 : vector<1x16xf32> to vector<16xf32>
    %swap3A_1587 = vector.shape_cast %get3A_1443 : vector<16xf32> to vector<1x16xf32>
    tpu.vector_store %arg6[%swap3A_1583, %swap3A_1584], %swap3A_1587 {strides = array<i32>} : memref<8x384xf32, #tpu.memory_space<vmem>>, vector<1x16xf32>,
    %swap3A_1588 = arith.constant 1 : i32
    %swap3A_1589 = arith.index_cast %swap3A_1588 : i32 to index
    %swap3A_1590 = arith.constant 0 : index
    %swap3A_1591 = tpu.vector_load %arg6[%swap3A_1589, %swap3A_1590] {strides = array<i32>} : memref<8x384xf32, #tpu.memory_space<vmem>>, vector<1x16xf32>,
    %swap3A_1592 = vector.shape_cast %swap3A_1591 : vector<1x16xf32> to vector<16xf32>
    %swap3A_1593 = vector.shape_cast %get3A_1328 : vector<16xf32> to vector<1x16xf32>
    tpu.vector_store %arg6[%swap3A_1589, %swap3A_1590], %swap3A_1593 {strides = array<i32>} : memref<8x384xf32, #tpu.memory_space<vmem>>, vector<1x16xf32>,
    %swap3A_1594 = arith.constant 1 : i32
    %swap3A_1595 = arith.index_cast %swap3A_1594 : i32 to index
    %swap3A_1596 = arith.constant 16 : index
    %swap3A_1597 = tpu.vector_load %arg6[%swap3A_1595, %swap3A_1596] {strides = array<i32>} : memref<8x384xf32, #tpu.memory_space<vmem>>, vector<1x16xf32>,
    %swap3A_1598 = vector.shape_cast %swap3A_1597 : vector<1x16xf32> to vector<16xf32>
    %swap3A_1599 = vector.shape_cast %get3A_1333 : vector<16xf32> to vector<1x16xf32>
    tpu.vector_store %arg6[%swap3A_1595, %swap3A_1596], %swap3A_1599 {strides = array<i32>} : memref<8x384xf32, #tpu.memory_space<vmem>>, vector<1x16xf32>,
    %swap3A_1600 = arith.constant 1 : i32
    %swap3A_1601 = arith.index_cast %swap3A_1600 : i32 to index
    %swap3A_1602 = arith.constant 32 : index
    %swap3A_1603 = tpu.vector_load %arg6[%swap3A_1601, %swap3A_1602] {strides = array<i32>} : memref<8x384xf32, #tpu.memory_space<vmem>>, vector<1x16xf32>,
    %swap3A_1604 = vector.shape_cast %swap3A_1603 : vector<1x16xf32> to vector<16xf32>
    %swap3A_1605 = vector.shape_cast %get3A_1338 : vector<16xf32> to vector<1x16xf32>
    tpu.vector_store %arg6[%swap3A_1601, %swap3A_1602], %swap3A_1605 {strides = array<i32>} : memref<8x384xf32, #tpu.memory_space<vmem>>, vector<1x16xf32>,
    %swap3A_1606 = arith.constant 1 : i32
    %swap3A_1607 = arith.index_cast %swap3A_1606 : i32 to index
    %swap3A_1608 = arith.constant 48 : index
    %swap3A_1609 = tpu.vector_load %arg6[%swap3A_1607, %swap3A_1608] {strides = array<i32>} : memref<8x384xf32, #tpu.memory_space<vmem>>, vector<1x16xf32>,
    %swap3A_1610 = vector.shape_cast %swap3A_1609 : vector<1x16xf32> to vector<16xf32>
    %swap3A_1611 = vector.shape_cast %get3A_1343 : vector<16xf32> to vector<1x16xf32>
    tpu.vector_store %arg6[%swap3A_1607, %swap3A_1608], %swap3A_1611 {strides = array<i32>} : memref<8x384xf32, #tpu.memory_space<vmem>>, vector<1x16xf32>,
    %swap3A_1612 = arith.constant 1 : i32
    %swap3A_1613 = arith.index_cast %swap3A_1612 : i32 to index
    %swap3A_1614 = arith.constant 64 : index
    %swap3A_1615 = tpu.vector_load %arg6[%swap3A_1613, %swap3A_1614] {strides = array<i32>} : memref<8x384xf32, #tpu.memory_space<vmem>>, vector<1x16xf32>,
    %swap3A_1616 = vector.shape_cast %swap3A_1615 : vector<1x16xf32> to vector<16xf32>
    %swap3A_1617 = vector.shape_cast %get3A_1348 : vector<16xf32> to vector<1x16xf32>
    tpu.vector_store %arg6[%swap3A_1613, %swap3A_1614], %swap3A_1617 {strides = array<i32>} : memref<8x384xf32, #tpu.memory_space<vmem>>, vector<1x16xf32>,
    %swap3A_1618 = arith.constant 1 : i32
    %swap3A_1619 = arith.index_cast %swap3A_1618 : i32 to index
    %swap3A_1620 = arith.constant 80 : index
    %swap3A_1621 = tpu.vector_load %arg6[%swap3A_1619, %swap3A_1620] {strides = array<i32>} : memref<8x384xf32, #tpu.memory_space<vmem>>, vector<1x16xf32>,
    %swap3A_1622 = vector.shape_cast %swap3A_1621 : vector<1x16xf32> to vector<16xf32>
    %swap3A_1623 = vector.shape_cast %get3A_1353 : vector<16xf32> to vector<1x16xf32>
    tpu.vector_store %arg6[%swap3A_1619, %swap3A_1620], %swap3A_1623 {strides = array<i32>} : memref<8x384xf32, #tpu.memory_space<vmem>>, vector<1x16xf32>,
    %swap3A_1624 = arith.constant 1 : i32
    %swap3A_1625 = arith.index_cast %swap3A_1624 : i32 to index
    %swap3A_1626 = arith.constant 96 : index
    %swap3A_1627 = tpu.vector_load %arg6[%swap3A_1625, %swap3A_1626] {strides = array<i32>} : memref<8x384xf32, #tpu.memory_space<vmem>>, vector<1x16xf32>,
    %swap3A_1628 = vector.shape_cast %swap3A_1627 : vector<1x16xf32> to vector<16xf32>
    %swap3A_1629 = vector.shape_cast %get3A_1358 : vector<16xf32> to vector<1x16xf32>
    tpu.vector_store %arg6[%swap3A_1625, %swap3A_1626], %swap3A_1629 {strides = array<i32>} : memref<8x384xf32, #tpu.memory_space<vmem>>, vector<1x16xf32>,
    %swap3A_1630 = arith.constant 1 : i32
    %swap3A_1631 = arith.index_cast %swap3A_1630 : i32 to index
    %swap3A_1632 = arith.constant 112 : index
    %swap3A_1633 = tpu.vector_load %arg6[%swap3A_1631, %swap3A_1632] {strides = array<i32>} : memref<8x384xf32, #tpu.memory_space<vmem>>, vector<1x16xf32>,
    %swap3A_1634 = vector.shape_cast %swap3A_1633 : vector<1x16xf32> to vector<16xf32>
    %swap3A_1635 = vector.shape_cast %get3A_1363 : vector<16xf32> to vector<1x16xf32>
    tpu.vector_store %arg6[%swap3A_1631, %swap3A_1632], %swap3A_1635 {strides = array<i32>} : memref<8x384xf32, #tpu.memory_space<vmem>>, vector<1x16xf32>,
    %swap3A_1636 = arith.constant 1 : i32
    %swap3A_1637 = arith.index_cast %swap3A_1636 : i32 to index
    %swap3A_1638 = arith.constant 128 : index
    %swap3A_1639 = tpu.vector_load %arg6[%swap3A_1637, %swap3A_1638] {strides = array<i32>} : memref<8x384xf32, #tpu.memory_space<vmem>>, vector<1x16xf32>,
    %swap3A_1640 = vector.shape_cast %swap3A_1639 : vector<1x16xf32> to vector<16xf32>
    %swap3A_1641 = vector.shape_cast %get3A_1368 : vector<16xf32> to vector<1x16xf32>
    tpu.vector_store %arg6[%swap3A_1637, %swap3A_1638], %swap3A_1641 {strides = array<i32>} : memref<8x384xf32, #tpu.memory_space<vmem>>, vector<1x16xf32>,
    %swap3A_1642 = arith.constant 1 : i32
    %swap3A_1643 = arith.index_cast %swap3A_1642 : i32 to index
    %swap3A_1644 = arith.constant 144 : index
    %swap3A_1645 = tpu.vector_load %arg6[%swap3A_1643, %swap3A_1644] {strides = array<i32>} : memref<8x384xf32, #tpu.memory_space<vmem>>, vector<1x16xf32>,
    %swap3A_1646 = vector.shape_cast %swap3A_1645 : vector<1x16xf32> to vector<16xf32>
    %swap3A_1647 = vector.shape_cast %get3A_1373 : vector<16xf32> to vector<1x16xf32>
    tpu.vector_store %arg6[%swap3A_1643, %swap3A_1644], %swap3A_1647 {strides = array<i32>} : memref<8x384xf32, #tpu.memory_space<vmem>>, vector<1x16xf32>,
    %swap3A_1648 = arith.constant 1 : i32
    %swap3A_1649 = arith.index_cast %swap3A_1648 : i32 to index
    %swap3A_1650 = arith.constant 160 : index
    %swap3A_1651 = tpu.vector_load %arg6[%swap3A_1649, %swap3A_1650] {strides = array<i32>} : memref<8x384xf32, #tpu.memory_space<vmem>>, vector<1x16xf32>,
    %swap3A_1652 = vector.shape_cast %swap3A_1651 : vector<1x16xf32> to vector<16xf32>
    %swap3A_1653 = vector.shape_cast %get3A_1378 : vector<16xf32> to vector<1x16xf32>
    tpu.vector_store %arg6[%swap3A_1649, %swap3A_1650], %swap3A_1653 {strides = array<i32>} : memref<8x384xf32, #tpu.memory_space<vmem>>, vector<1x16xf32>,
    %swap3A_1654 = arith.constant 1 : i32
    %swap3A_1655 = arith.index_cast %swap3A_1654 : i32 to index
    %swap3A_1656 = arith.constant 176 : index
    %swap3A_1657 = tpu.vector_load %arg6[%swap3A_1655, %swap3A_1656] {strides = array<i32>} : memref<8x384xf32, #tpu.memory_space<vmem>>, vector<1x16xf32>,
    %swap3A_1658 = vector.shape_cast %swap3A_1657 : vector<1x16xf32> to vector<16xf32>
    %swap3A_1659 = vector.shape_cast %get3A_1383 : vector<16xf32> to vector<1x16xf32>
    tpu.vector_store %arg6[%swap3A_1655, %swap3A_1656], %swap3A_1659 {strides = array<i32>} : memref<8x384xf32, #tpu.memory_space<vmem>>, vector<1x16xf32>,
    %swap3A_1660 = arith.constant 1 : i32
    %swap3A_1661 = arith.index_cast %swap3A_1660 : i32 to index
    %swap3A_1662 = arith.constant 192 : index
    %swap3A_1663 = tpu.vector_load %arg6[%swap3A_1661, %swap3A_1662] {strides = array<i32>} : memref<8x384xf32, #tpu.memory_space<vmem>>, vector<1x16xf32>,
    %swap3A_1664 = vector.shape_cast %swap3A_1663 : vector<1x16xf32> to vector<16xf32>
    %swap3A_1665 = vector.shape_cast %get3A_1388 : vector<16xf32> to vector<1x16xf32>
    tpu.vector_store %arg6[%swap3A_1661, %swap3A_1662], %swap3A_1665 {strides = array<i32>} : memref<8x384xf32, #tpu.memory_space<vmem>>, vector<1x16xf32>,
    %swap3A_1666 = arith.constant 1 : i32
    %swap3A_1667 = arith.index_cast %swap3A_1666 : i32 to index
    %swap3A_1668 = arith.constant 208 : index
    %swap3A_1669 = tpu.vector_load %arg6[%swap3A_1667, %swap3A_1668] {strides = array<i32>} : memref<8x384xf32, #tpu.memory_space<vmem>>, vector<1x16xf32>,
    %swap3A_1670 = vector.shape_cast %swap3A_1669 : vector<1x16xf32> to vector<16xf32>
    %swap3A_1671 = vector.shape_cast %get3A_1393 : vector<16xf32> to vector<1x16xf32>
    tpu.vector_store %arg6[%swap3A_1667, %swap3A_1668], %swap3A_1671 {strides = array<i32>} : memref<8x384xf32, #tpu.memory_space<vmem>>, vector<1x16xf32>,
    %swap3A_1672 = arith.constant 1 : i32
    %swap3A_1673 = arith.index_cast %swap3A_1672 : i32 to index
    %swap3A_1674 = arith.constant 224 : index
    %swap3A_1675 = tpu.vector_load %arg6[%swap3A_1673, %swap3A_1674] {strides = array<i32>} : memref<8x384xf32, #tpu.memory_space<vmem>>, vector<1x16xf32>,
    %swap3A_1676 = vector.shape_cast %swap3A_1675 : vector<1x16xf32> to vector<16xf32>
    %swap3A_1677 = vector.shape_cast %get3A_1398 : vector<16xf32> to vector<1x16xf32>
    tpu.vector_store %arg6[%swap3A_1673, %swap3A_1674], %swap3A_1677 {strides = array<i32>} : memref<8x384xf32, #tpu.memory_space<vmem>>, vector<1x16xf32>,
    %swap3A_1678 = arith.constant 1 : i32
    %swap3A_1679 = arith.index_cast %swap3A_1678 : i32 to index
    %swap3A_1680 = arith.constant 240 : index
    %swap3A_1681 = tpu.vector_load %arg6[%swap3A_1679, %swap3A_1680] {strides = array<i32>} : memref<8x384xf32, #tpu.memory_space<vmem>>, vector<1x16xf32>,
    %swap3A_1682 = vector.shape_cast %swap3A_1681 : vector<1x16xf32> to vector<16xf32>
    %swap3A_1683 = vector.shape_cast %get3A_1403 : vector<16xf32> to vector<1x16xf32>
    tpu.vector_store %arg6[%swap3A_1679, %swap3A_1680], %swap3A_1683 {strides = array<i32>} : memref<8x384xf32, #tpu.memory_space<vmem>>, vector<1x16xf32>,
    %swap3A_1684 = arith.constant 1 : i32
    %swap3A_1685 = arith.index_cast %swap3A_1684 : i32 to index
    %swap3A_1686 = arith.constant 256 : index
    %swap3A_1687 = tpu.vector_load %arg6[%swap3A_1685, %swap3A_1686] {strides = array<i32>} : memref<8x384xf32, #tpu.memory_space<vmem>>, vector<1x16xf32>,
    %swap3A_1688 = vector.shape_cast %swap3A_1687 : vector<1x16xf32> to vector<16xf32>
    %swap3A_1689 = vector.shape_cast %get3A_1408 : vector<16xf32> to vector<1x16xf32>
    tpu.vector_store %arg6[%swap3A_1685, %swap3A_1686], %swap3A_1689 {strides = array<i32>} : memref<8x384xf32, #tpu.memory_space<vmem>>, vector<1x16xf32>,
    %swap3A_1690 = arith.constant 1 : i32
    %swap3A_1691 = arith.index_cast %swap3A_1690 : i32 to index
    %swap3A_1692 = arith.constant 272 : index
    %swap3A_1693 = tpu.vector_load %arg6[%swap3A_1691, %swap3A_1692] {strides = array<i32>} : memref<8x384xf32, #tpu.memory_space<vmem>>, vector<1x16xf32>,
    %swap3A_1694 = vector.shape_cast %swap3A_1693 : vector<1x16xf32> to vector<16xf32>
    %swap3A_1695 = vector.shape_cast %get3A_1413 : vector<16xf32> to vector<1x16xf32>
    tpu.vector_store %arg6[%swap3A_1691, %swap3A_1692], %swap3A_1695 {strides = array<i32>} : memref<8x384xf32, #tpu.memory_space<vmem>>, vector<1x16xf32>,
    %swap3A_1696 = arith.constant 1 : i32
    %swap3A_1697 = arith.index_cast %swap3A_1696 : i32 to index
    %swap3A_1698 = arith.constant 288 : index
    %swap3A_1699 = tpu.vector_load %arg6[%swap3A_1697, %swap3A_1698] {strides = array<i32>} : memref<8x384xf32, #tpu.memory_space<vmem>>, vector<1x16xf32>,
    %swap3A_1700 = vector.shape_cast %swap3A_1699 : vector<1x16xf32> to vector<16xf32>
    %swap3A_1701 = vector.shape_cast %get3A_1418 : vector<16xf32> to vector<1x16xf32>
    tpu.vector_store %arg6[%swap3A_1697, %swap3A_1698], %swap3A_1701 {strides = array<i32>} : memref<8x384xf32, #tpu.memory_space<vmem>>, vector<1x16xf32>,
    %swap3A_1702 = arith.constant 1 : i32
    %swap3A_1703 = arith.index_cast %swap3A_1702 : i32 to index
    %swap3A_1704 = arith.constant 304 : index
    %swap3A_1705 = tpu.vector_load %arg6[%swap3A_1703, %swap3A_1704] {strides = array<i32>} : memref<8x384xf32, #tpu.memory_space<vmem>>, vector<1x16xf32>,
    %swap3A_1706 = vector.shape_cast %swap3A_1705 : vector<1x16xf32> to vector<16xf32>
    %swap3A_1707 = vector.shape_cast %get3A_1423 : vector<16xf32> to vector<1x16xf32>
    tpu.vector_store %arg6[%swap3A_1703, %swap3A_1704], %swap3A_1707 {strides = array<i32>} : memref<8x384xf32, #tpu.memory_space<vmem>>, vector<1x16xf32>,
    %swap3A_1708 = arith.constant 1 : i32
    %swap3A_1709 = arith.index_cast %swap3A_1708 : i32 to index
    %swap3A_1710 = arith.constant 320 : index
    %swap3A_1711 = tpu.vector_load %arg6[%swap3A_1709, %swap3A_1710] {strides = array<i32>} : memref<8x384xf32, #tpu.memory_space<vmem>>, vector<1x16xf32>,
    %swap3A_1712 = vector.shape_cast %swap3A_1711 : vector<1x16xf32> to vector<16xf32>
    %swap3A_1713 = vector.shape_cast %get3A_1428 : vector<16xf32> to vector<1x16xf32>
    tpu.vector_store %arg6[%swap3A_1709, %swap3A_1710], %swap3A_1713 {strides = array<i32>} : memref<8x384xf32, #tpu.memory_space<vmem>>, vector<1x16xf32>,
    %swap3A_1714 = arith.constant 1 : i32
    %swap3A_1715 = arith.index_cast %swap3A_1714 : i32 to index
    %swap3A_1716 = arith.constant 336 : index
    %swap3A_1717 = tpu.vector_load %arg6[%swap3A_1715, %swap3A_1716] {strides = array<i32>} : memref<8x384xf32, #tpu.memory_space<vmem>>, vector<1x16xf32>,
    %swap3A_1718 = vector.shape_cast %swap3A_1717 : vector<1x16xf32> to vector<16xf32>
    %swap3A_1719 = vector.shape_cast %get3A_1433 : vector<16xf32> to vector<1x16xf32>
    tpu.vector_store %arg6[%swap3A_1715, %swap3A_1716], %swap3A_1719 {strides = array<i32>} : memref<8x384xf32, #tpu.memory_space<vmem>>, vector<1x16xf32>,
    %swap3A_1720 = arith.constant 1 : i32
    %swap3A_1721 = arith.index_cast %swap3A_1720 : i32 to index
    %swap3A_1722 = arith.constant 352 : index
    %swap3A_1723 = tpu.vector_load %arg6[%swap3A_1721, %swap3A_1722] {strides = array<i32>} : memref<8x384xf32, #tpu.memory_space<vmem>>, vector<1x16xf32>,
    %swap3A_1724 = vector.shape_cast %swap3A_1723 : vector<1x16xf32> to vector<16xf32>
    %swap3A_1725 = vector.shape_cast %get3A_1438 : vector<16xf32> to vector<1x16xf32>
    tpu.vector_store %arg6[%swap3A_1721, %swap3A_1722], %swap3A_1725 {strides = array<i32>} : memref<8x384xf32, #tpu.memory_space<vmem>>, vector<1x16xf32>,
    %swap3A_1726 = arith.constant 1 : i32
    %swap3A_1727 = arith.index_cast %swap3A_1726 : i32 to index
    %swap3A_1728 = arith.constant 368 : index
    %swap3A_1729 = tpu.vector_load %arg6[%swap3A_1727, %swap3A_1728] {strides = array<i32>} : memref<8x384xf32, #tpu.memory_space<vmem>>, vector<1x16xf32>,
    %swap3A_1730 = vector.shape_cast %swap3A_1729 : vector<1x16xf32> to vector<16xf32>
    %swap3A_1731 = vector.shape_cast %get3A_1443 : vector<16xf32> to vector<1x16xf32>
    tpu.vector_store %arg6[%swap3A_1727, %swap3A_1728], %swap3A_1731 {strides = array<i32>} : memref<8x384xf32, #tpu.memory_space<vmem>>, vector<1x16xf32>,
    %swap3A_1732 = arith.constant 2 : i32
    %swap3A_1733 = arith.index_cast %swap3A_1732 : i32 to index
    %swap3A_1734 = arith.constant 0 : index
    %swap3A_1735 = tpu.vector_load %arg6[%swap3A_1733, %swap3A_1734] {strides = array<i32>} : memref<8x384xf32, #tpu.memory_space<vmem>>, vector<1x16xf32>,
    %swap3A_1736 = vector.shape_cast %swap3A_1735 : vector<1x16xf32> to vector<16xf32>
    %swap3A_1737 = vector.shape_cast %get3A_1328 : vector<16xf32> to vector<1x16xf32>
    tpu.vector_store %arg6[%swap3A_1733, %swap3A_1734], %swap3A_1737 {strides = array<i32>} : memref<8x384xf32, #tpu.memory_space<vmem>>, vector<1x16xf32>,
    %swap3A_1738 = arith.constant 2 : i32
    %swap3A_1739 = arith.index_cast %swap3A_1738 : i32 to index
    %swap3A_1740 = arith.constant 16 : index
    %swap3A_1741 = tpu.vector_load %arg6[%swap3A_1739, %swap3A_1740] {strides = array<i32>} : memref<8x384xf32, #tpu.memory_space<vmem>>, vector<1x16xf32>,
    %swap3A_1742 = vector.shape_cast %swap3A_1741 : vector<1x16xf32> to vector<16xf32>
    %swap3A_1743 = vector.shape_cast %get3A_1333 : vector<16xf32> to vector<1x16xf32>
    tpu.vector_store %arg6[%swap3A_1739, %swap3A_1740], %swap3A_1743 {strides = array<i32>} : memref<8x384xf32, #tpu.memory_space<vmem>>, vector<1x16xf32>,
    %swap3A_1744 = arith.constant 2 : i32
    %swap3A_1745 = arith.index_cast %swap3A_1744 : i32 to index
    %swap3A_1746 = arith.constant 32 : index
    %swap3A_1747 = tpu.vector_load %arg6[%swap3A_1745, %swap3A_1746] {strides = array<i32>} : memref<8x384xf32, #tpu.memory_space<vmem>>, vector<1x16xf32>,
    %swap3A_1748 = vector.shape_cast %swap3A_1747 : vector<1x16xf32> to vector<16xf32>
    %swap3A_1749 = vector.shape_cast %get3A_1338 : vector<16xf32> to vector<1x16xf32>
    tpu.vector_store %arg6[%swap3A_1745, %swap3A_1746], %swap3A_1749 {strides = array<i32>} : memref<8x384xf32, #tpu.memory_space<vmem>>, vector<1x16xf32>,
    %swap3A_1750 = arith.constant 2 : i32
    %swap3A_1751 = arith.index_cast %swap3A_1750 : i32 to index
    %swap3A_1752 = arith.constant 48 : index
    %swap3A_1753 = tpu.vector_load %arg6[%swap3A_1751, %swap3A_1752] {strides = array<i32>} : memref<8x384xf32, #tpu.memory_space<vmem>>, vector<1x16xf32>,
    %swap3A_1754 = vector.shape_cast %swap3A_1753 : vector<1x16xf32> to vector<16xf32>
    %swap3A_1755 = vector.shape_cast %get3A_1343 : vector<16xf32> to vector<1x16xf32>
    tpu.vector_store %arg6[%swap3A_1751, %swap3A_1752], %swap3A_1755 {strides = array<i32>} : memref<8x384xf32, #tpu.memory_space<vmem>>, vector<1x16xf32>,
    %swap3A_1756 = arith.constant 2 : i32
    %swap3A_1757 = arith.index_cast %swap3A_1756 : i32 to index
    %swap3A_1758 = arith.constant 64 : index
    %swap3A_1759 = tpu.vector_load %arg6[%swap3A_1757, %swap3A_1758] {strides = array<i32>} : memref<8x384xf32, #tpu.memory_space<vmem>>, vector<1x16xf32>,
    %swap3A_1760 = vector.shape_cast %swap3A_1759 : vector<1x16xf32> to vector<16xf32>
    %swap3A_1761 = vector.shape_cast %get3A_1348 : vector<16xf32> to vector<1x16xf32>
    tpu.vector_store %arg6[%swap3A_1757, %swap3A_1758], %swap3A_1761 {strides = array<i32>} : memref<8x384xf32, #tpu.memory_space<vmem>>, vector<1x16xf32>,
    %swap3A_1762 = arith.constant 2 : i32
    %swap3A_1763 = arith.index_cast %swap3A_1762 : i32 to index
    %swap3A_1764 = arith.constant 80 : index
    %swap3A_1765 = tpu.vector_load %arg6[%swap3A_1763, %swap3A_1764] {strides = array<i32>} : memref<8x384xf32, #tpu.memory_space<vmem>>, vector<1x16xf32>,
    %swap3A_1766 = vector.shape_cast %swap3A_1765 : vector<1x16xf32> to vector<16xf32>
    %swap3A_1767 = vector.shape_cast %get3A_1353 : vector<16xf32> to vector<1x16xf32>
    tpu.vector_store %arg6[%swap3A_1763, %swap3A_1764], %swap3A_1767 {strides = array<i32>} : memref<8x384xf32, #tpu.memory_space<vmem>>, vector<1x16xf32>,
    %swap3A_1768 = arith.constant 2 : i32
    %swap3A_1769 = arith.index_cast %swap3A_1768 : i32 to index
    %swap3A_1770 = arith.constant 96 : index
    %swap3A_1771 = tpu.vector_load %arg6[%swap3A_1769, %swap3A_1770] {strides = array<i32>} : memref<8x384xf32, #tpu.memory_space<vmem>>, vector<1x16xf32>,
    %swap3A_1772 = vector.shape_cast %swap3A_1771 : vector<1x16xf32> to vector<16xf32>
    %swap3A_1773 = vector.shape_cast %get3A_1358 : vector<16xf32> to vector<1x16xf32>
    tpu.vector_store %arg6[%swap3A_1769, %swap3A_1770], %swap3A_1773 {strides = array<i32>} : memref<8x384xf32, #tpu.memory_space<vmem>>, vector<1x16xf32>,
    %swap3A_1774 = arith.constant 2 : i32
    %swap3A_1775 = arith.index_cast %swap3A_1774 : i32 to index
    %swap3A_1776 = arith.constant 112 : index
    %swap3A_1777 = tpu.vector_load %arg6[%swap3A_1775, %swap3A_1776] {strides = array<i32>} : memref<8x384xf32, #tpu.memory_space<vmem>>, vector<1x16xf32>,
    %swap3A_1778 = vector.shape_cast %swap3A_1777 : vector<1x16xf32> to vector<16xf32>
    %swap3A_1779 = vector.shape_cast %get3A_1363 : vector<16xf32> to vector<1x16xf32>
    tpu.vector_store %arg6[%swap3A_1775, %swap3A_1776], %swap3A_1779 {strides = array<i32>} : memref<8x384xf32, #tpu.memory_space<vmem>>, vector<1x16xf32>,
    %swap3A_1780 = arith.constant 2 : i32
    %swap3A_1781 = arith.index_cast %swap3A_1780 : i32 to index
    %swap3A_1782 = arith.constant 128 : index
    %swap3A_1783 = tpu.vector_load %arg6[%swap3A_1781, %swap3A_1782] {strides = array<i32>} : memref<8x384xf32, #tpu.memory_space<vmem>>, vector<1x16xf32>,
    %swap3A_1784 = vector.shape_cast %swap3A_1783 : vector<1x16xf32> to vector<16xf32>
    %swap3A_1785 = vector.shape_cast %get3A_1368 : vector<16xf32> to vector<1x16xf32>
    tpu.vector_store %arg6[%swap3A_1781, %swap3A_1782], %swap3A_1785 {strides = array<i32>} : memref<8x384xf32, #tpu.memory_space<vmem>>, vector<1x16xf32>,
    %swap3A_1786 = arith.constant 2 : i32
    %swap3A_1787 = arith.index_cast %swap3A_1786 : i32 to index
    %swap3A_1788 = arith.constant 144 : index
    %swap3A_1789 = tpu.vector_load %arg6[%swap3A_1787, %swap3A_1788] {strides = array<i32>} : memref<8x384xf32, #tpu.memory_space<vmem>>, vector<1x16xf32>,
    %swap3A_1790 = vector.shape_cast %swap3A_1789 : vector<1x16xf32> to vector<16xf32>
    %swap3A_1791 = vector.shape_cast %get3A_1373 : vector<16xf32> to vector<1x16xf32>
    tpu.vector_store %arg6[%swap3A_1787, %swap3A_1788], %swap3A_1791 {strides = array<i32>} : memref<8x384xf32, #tpu.memory_space<vmem>>, vector<1x16xf32>,
    %swap3A_1792 = arith.constant 2 : i32
    %swap3A_1793 = arith.index_cast %swap3A_1792 : i32 to index
    %swap3A_1794 = arith.constant 160 : index
    %swap3A_1795 = tpu.vector_load %arg6[%swap3A_1793, %swap3A_1794] {strides = array<i32>} : memref<8x384xf32, #tpu.memory_space<vmem>>, vector<1x16xf32>,
    %swap3A_1796 = vector.shape_cast %swap3A_1795 : vector<1x16xf32> to vector<16xf32>
    %swap3A_1797 = vector.shape_cast %get3A_1378 : vector<16xf32> to vector<1x16xf32>
    tpu.vector_store %arg6[%swap3A_1793, %swap3A_1794], %swap3A_1797 {strides = array<i32>} : memref<8x384xf32, #tpu.memory_space<vmem>>, vector<1x16xf32>,
    %swap3A_1798 = arith.constant 2 : i32
    %swap3A_1799 = arith.index_cast %swap3A_1798 : i32 to index
    %swap3A_1800 = arith.constant 176 : index
    %swap3A_1801 = tpu.vector_load %arg6[%swap3A_1799, %swap3A_1800] {strides = array<i32>} : memref<8x384xf32, #tpu.memory_space<vmem>>, vector<1x16xf32>,
    %swap3A_1802 = vector.shape_cast %swap3A_1801 : vector<1x16xf32> to vector<16xf32>
    %swap3A_1803 = vector.shape_cast %get3A_1383 : vector<16xf32> to vector<1x16xf32>
    tpu.vector_store %arg6[%swap3A_1799, %swap3A_1800], %swap3A_1803 {strides = array<i32>} : memref<8x384xf32, #tpu.memory_space<vmem>>, vector<1x16xf32>,
    %swap3A_1804 = arith.constant 2 : i32
    %swap3A_1805 = arith.index_cast %swap3A_1804 : i32 to index
    %swap3A_1806 = arith.constant 192 : index
    %swap3A_1807 = tpu.vector_load %arg6[%swap3A_1805, %swap3A_1806] {strides = array<i32>} : memref<8x384xf32, #tpu.memory_space<vmem>>, vector<1x16xf32>,
    %swap3A_1808 = vector.shape_cast %swap3A_1807 : vector<1x16xf32> to vector<16xf32>
    %swap3A_1809 = vector.shape_cast %get3A_1388 : vector<16xf32> to vector<1x16xf32>
    tpu.vector_store %arg6[%swap3A_1805, %swap3A_1806], %swap3A_1809 {strides = array<i32>} : memref<8x384xf32, #tpu.memory_space<vmem>>, vector<1x16xf32>,
    %swap3A_1810 = arith.constant 2 : i32
    %swap3A_1811 = arith.index_cast %swap3A_1810 : i32 to index
    %swap3A_1812 = arith.constant 208 : index
    %swap3A_1813 = tpu.vector_load %arg6[%swap3A_1811, %swap3A_1812] {strides = array<i32>} : memref<8x384xf32, #tpu.memory_space<vmem>>, vector<1x16xf32>,
    %swap3A_1814 = vector.shape_cast %swap3A_1813 : vector<1x16xf32> to vector<16xf32>
    %swap3A_1815 = vector.shape_cast %get3A_1393 : vector<16xf32> to vector<1x16xf32>
    tpu.vector_store %arg6[%swap3A_1811, %swap3A_1812], %swap3A_1815 {strides = array<i32>} : memref<8x384xf32, #tpu.memory_space<vmem>>, vector<1x16xf32>,
    %swap3A_1816 = arith.constant 2 : i32
    %swap3A_1817 = arith.index_cast %swap3A_1816 : i32 to index
    %swap3A_1818 = arith.constant 224 : index
    %swap3A_1819 = tpu.vector_load %arg6[%swap3A_1817, %swap3A_1818] {strides = array<i32>} : memref<8x384xf32, #tpu.memory_space<vmem>>, vector<1x16xf32>,
    %swap3A_1820 = vector.shape_cast %swap3A_1819 : vector<1x16xf32> to vector<16xf32>
    %swap3A_1821 = vector.shape_cast %get3A_1398 : vector<16xf32> to vector<1x16xf32>
    tpu.vector_store %arg6[%swap3A_1817, %swap3A_1818], %swap3A_1821 {strides = array<i32>} : memref<8x384xf32, #tpu.memory_space<vmem>>, vector<1x16xf32>,
    %swap3A_1822 = arith.constant 2 : i32
    %swap3A_1823 = arith.index_cast %swap3A_1822 : i32 to index
    %swap3A_1824 = arith.constant 240 : index
    %swap3A_1825 = tpu.vector_load %arg6[%swap3A_1823, %swap3A_1824] {strides = array<i32>} : memref<8x384xf32, #tpu.memory_space<vmem>>, vector<1x16xf32>,
    %swap3A_1826 = vector.shape_cast %swap3A_1825 : vector<1x16xf32> to vector<16xf32>
    %swap3A_1827 = vector.shape_cast %get3A_1403 : vector<16xf32> to vector<1x16xf32>
    tpu.vector_store %arg6[%swap3A_1823, %swap3A_1824], %swap3A_1827 {strides = array<i32>} : memref<8x384xf32, #tpu.memory_space<vmem>>, vector<1x16xf32>,
    %swap3A_1828 = arith.constant 2 : i32
    %swap3A_1829 = arith.index_cast %swap3A_1828 : i32 to index
    %swap3A_1830 = arith.constant 256 : index
    %swap3A_1831 = tpu.vector_load %arg6[%swap3A_1829, %swap3A_1830] {strides = array<i32>} : memref<8x384xf32, #tpu.memory_space<vmem>>, vector<1x16xf32>,
    %swap3A_1832 = vector.shape_cast %swap3A_1831 : vector<1x16xf32> to vector<16xf32>
    %swap3A_1833 = vector.shape_cast %get3A_1408 : vector<16xf32> to vector<1x16xf32>
    tpu.vector_store %arg6[%swap3A_1829, %swap3A_1830], %swap3A_1833 {strides = array<i32>} : memref<8x384xf32, #tpu.memory_space<vmem>>, vector<1x16xf32>,
    %swap3A_1834 = arith.constant 2 : i32
    %swap3A_1835 = arith.index_cast %swap3A_1834 : i32 to index
    %swap3A_1836 = arith.constant 272 : index
    %swap3A_1837 = tpu.vector_load %arg6[%swap3A_1835, %swap3A_1836] {strides = array<i32>} : memref<8x384xf32, #tpu.memory_space<vmem>>, vector<1x16xf32>,
    %swap3A_1838 = vector.shape_cast %swap3A_1837 : vector<1x16xf32> to vector<16xf32>
    %swap3A_1839 = vector.shape_cast %get3A_1413 : vector<16xf32> to vector<1x16xf32>
    tpu.vector_store %arg6[%swap3A_1835, %swap3A_1836], %swap3A_1839 {strides = array<i32>} : memref<8x384xf32, #tpu.memory_space<vmem>>, vector<1x16xf32>,
    %swap3A_1840 = arith.constant 2 : i32
    %swap3A_1841 = arith.index_cast %swap3A_1840 : i32 to index
    %swap3A_1842 = arith.constant 288 : index
    %swap3A_1843 = tpu.vector_load %arg6[%swap3A_1841, %swap3A_1842] {strides = array<i32>} : memref<8x384xf32, #tpu.memory_space<vmem>>, vector<1x16xf32>,
    %swap3A_1844 = vector.shape_cast %swap3A_1843 : vector<1x16xf32> to vector<16xf32>
    %swap3A_1845 = vector.shape_cast %get3A_1418 : vector<16xf32> to vector<1x16xf32>
    tpu.vector_store %arg6[%swap3A_1841, %swap3A_1842], %swap3A_1845 {strides = array<i32>} : memref<8x384xf32, #tpu.memory_space<vmem>>, vector<1x16xf32>,
    %swap3A_1846 = arith.constant 2 : i32
    %swap3A_1847 = arith.index_cast %swap3A_1846 : i32 to index
    %swap3A_1848 = arith.constant 304 : index
    %swap3A_1849 = tpu.vector_load %arg6[%swap3A_1847, %swap3A_1848] {strides = array<i32>} : memref<8x384xf32, #tpu.memory_space<vmem>>, vector<1x16xf32>,
    %swap3A_1850 = vector.shape_cast %swap3A_1849 : vector<1x16xf32> to vector<16xf32>
    %swap3A_1851 = vector.shape_cast %get3A_1423 : vector<16xf32> to vector<1x16xf32>
    tpu.vector_store %arg6[%swap3A_1847, %swap3A_1848], %swap3A_1851 {strides = array<i32>} : memref<8x384xf32, #tpu.memory_space<vmem>>, vector<1x16xf32>,
    %swap3A_1852 = arith.constant 2 : i32
    %swap3A_1853 = arith.index_cast %swap3A_1852 : i32 to index
    %swap3A_1854 = arith.constant 320 : index
    %swap3A_1855 = tpu.vector_load %arg6[%swap3A_1853, %swap3A_1854] {strides = array<i32>} : memref<8x384xf32, #tpu.memory_space<vmem>>, vector<1x16xf32>,
    %swap3A_1856 = vector.shape_cast %swap3A_1855 : vector<1x16xf32> to vector<16xf32>
    %swap3A_1857 = vector.shape_cast %get3A_1428 : vector<16xf32> to vector<1x16xf32>
    tpu.vector_store %arg6[%swap3A_1853, %swap3A_1854], %swap3A_1857 {strides = array<i32>} : memref<8x384xf32, #tpu.memory_space<vmem>>, vector<1x16xf32>,
    %swap3A_1858 = arith.constant 2 : i32
    %swap3A_1859 = arith.index_cast %swap3A_1858 : i32 to index
    %swap3A_1860 = arith.constant 336 : index
    %swap3A_1861 = tpu.vector_load %arg6[%swap3A_1859, %swap3A_1860] {strides = array<i32>} : memref<8x384xf32, #tpu.memory_space<vmem>>, vector<1x16xf32>,
    %swap3A_1862 = vector.shape_cast %swap3A_1861 : vector<1x16xf32> to vector<16xf32>
    %swap3A_1863 = vector.shape_cast %get3A_1433 : vector<16xf32> to vector<1x16xf32>
    tpu.vector_store %arg6[%swap3A_1859, %swap3A_1860], %swap3A_1863 {strides = array<i32>} : memref<8x384xf32, #tpu.memory_space<vmem>>, vector<1x16xf32>,
    %swap3A_1864 = arith.constant 2 : i32
    %swap3A_1865 = arith.index_cast %swap3A_1864 : i32 to index
    %swap3A_1866 = arith.constant 352 : index
    %swap3A_1867 = tpu.vector_load %arg6[%swap3A_1865, %swap3A_1866] {strides = array<i32>} : memref<8x384xf32, #tpu.memory_space<vmem>>, vector<1x16xf32>,
    %swap3A_1868 = vector.shape_cast %swap3A_1867 : vector<1x16xf32> to vector<16xf32>
    %swap3A_1869 = vector.shape_cast %get3A_1438 : vector<16xf32> to vector<1x16xf32>
    tpu.vector_store %arg6[%swap3A_1865, %swap3A_1866], %swap3A_1869 {strides = array<i32>} : memref<8x384xf32, #tpu.memory_space<vmem>>, vector<1x16xf32>,
    %swap3A_1870 = arith.constant 2 : i32
    %swap3A_1871 = arith.index_cast %swap3A_1870 : i32 to index
    %swap3A_1872 = arith.constant 368 : index
    %swap3A_1873 = tpu.vector_load %arg6[%swap3A_1871, %swap3A_1872] {strides = array<i32>} : memref<8x384xf32, #tpu.memory_space<vmem>>, vector<1x16xf32>,
    %swap3A_1874 = vector.shape_cast %swap3A_1873 : vector<1x16xf32> to vector<16xf32>
    %swap3A_1875 = vector.shape_cast %get3A_1443 : vector<16xf32> to vector<1x16xf32>
    tpu.vector_store %arg6[%swap3A_1871, %swap3A_1872], %swap3A_1875 {strides = array<i32>} : memref<8x384xf32, #tpu.memory_space<vmem>>, vector<1x16xf32>,
    %swap3A_1876 = arith.constant 3 : i32
    %swap3A_1877 = arith.index_cast %swap3A_1876 : i32 to index
    %swap3A_1878 = arith.constant 0 : index
    %swap3A_1879 = tpu.vector_load %arg6[%swap3A_1877, %swap3A_1878] {strides = array<i32>} : memref<8x384xf32, #tpu.memory_space<vmem>>, vector<1x16xf32>,
    %swap3A_1880 = vector.shape_cast %swap3A_1879 : vector<1x16xf32> to vector<16xf32>
    %swap3A_1881 = vector.shape_cast %get3A_1328 : vector<16xf32> to vector<1x16xf32>
    tpu.vector_store %arg6[%swap3A_1877, %swap3A_1878], %swap3A_1881 {strides = array<i32>} : memref<8x384xf32, #tpu.memory_space<vmem>>, vector<1x16xf32>,
    %swap3A_1882 = arith.constant 3 : i32
    %swap3A_1883 = arith.index_cast %swap3A_1882 : i32 to index
    %swap3A_1884 = arith.constant 16 : index
    %swap3A_1885 = tpu.vector_load %arg6[%swap3A_1883, %swap3A_1884] {strides = array<i32>} : memref<8x384xf32, #tpu.memory_space<vmem>>, vector<1x16xf32>,
    %swap3A_1886 = vector.shape_cast %swap3A_1885 : vector<1x16xf32> to vector<16xf32>
    %swap3A_1887 = vector.shape_cast %get3A_1333 : vector<16xf32> to vector<1x16xf32>
    tpu.vector_store %arg6[%swap3A_1883, %swap3A_1884], %swap3A_1887 {strides = array<i32>} : memref<8x384xf32, #tpu.memory_space<vmem>>, vector<1x16xf32>,
    %swap3A_1888 = arith.constant 3 : i32
    %swap3A_1889 = arith.index_cast %swap3A_1888 : i32 to index
    %swap3A_1890 = arith.constant 32 : index
    %swap3A_1891 = tpu.vector_load %arg6[%swap3A_1889, %swap3A_1890] {strides = array<i32>} : memref<8x384xf32, #tpu.memory_space<vmem>>, vector<1x16xf32>,
    %swap3A_1892 = vector.shape_cast %swap3A_1891 : vector<1x16xf32> to vector<16xf32>
    %swap3A_1893 = vector.shape_cast %get3A_1338 : vector<16xf32> to vector<1x16xf32>
    tpu.vector_store %arg6[%swap3A_1889, %swap3A_1890], %swap3A_1893 {strides = array<i32>} : memref<8x384xf32, #tpu.memory_space<vmem>>, vector<1x16xf32>,
    %swap3A_1894 = arith.constant 3 : i32
    %swap3A_1895 = arith.index_cast %swap3A_1894 : i32 to index
    %swap3A_1896 = arith.constant 48 : index
    %swap3A_1897 = tpu.vector_load %arg6[%swap3A_1895, %swap3A_1896] {strides = array<i32>} : memref<8x384xf32, #tpu.memory_space<vmem>>, vector<1x16xf32>,
    %swap3A_1898 = vector.shape_cast %swap3A_1897 : vector<1x16xf32> to vector<16xf32>
    %swap3A_1899 = vector.shape_cast %get3A_1343 : vector<16xf32> to vector<1x16xf32>
    tpu.vector_store %arg6[%swap3A_1895, %swap3A_1896], %swap3A_1899 {strides = array<i32>} : memref<8x384xf32, #tpu.memory_space<vmem>>, vector<1x16xf32>,
    %swap3A_1900 = arith.constant 3 : i32
    %swap3A_1901 = arith.index_cast %swap3A_1900 : i32 to index
    %swap3A_1902 = arith.constant 64 : index
    %swap3A_1903 = tpu.vector_load %arg6[%swap3A_1901, %swap3A_1902] {strides = array<i32>} : memref<8x384xf32, #tpu.memory_space<vmem>>, vector<1x16xf32>,
    %swap3A_1904 = vector.shape_cast %swap3A_1903 : vector<1x16xf32> to vector<16xf32>
    %swap3A_1905 = vector.shape_cast %get3A_1348 : vector<16xf32> to vector<1x16xf32>
    tpu.vector_store %arg6[%swap3A_1901, %swap3A_1902], %swap3A_1905 {strides = array<i32>} : memref<8x384xf32, #tpu.memory_space<vmem>>, vector<1x16xf32>,
    %swap3A_1906 = arith.constant 3 : i32
    %swap3A_1907 = arith.index_cast %swap3A_1906 : i32 to index
    %swap3A_1908 = arith.constant 80 : index
    %swap3A_1909 = tpu.vector_load %arg6[%swap3A_1907, %swap3A_1908] {strides = array<i32>} : memref<8x384xf32, #tpu.memory_space<vmem>>, vector<1x16xf32>,
    %swap3A_1910 = vector.shape_cast %swap3A_1909 : vector<1x16xf32> to vector<16xf32>
    %swap3A_1911 = vector.shape_cast %get3A_1353 : vector<16xf32> to vector<1x16xf32>
    tpu.vector_store %arg6[%swap3A_1907, %swap3A_1908], %swap3A_1911 {strides = array<i32>} : memref<8x384xf32, #tpu.memory_space<vmem>>, vector<1x16xf32>,
    %swap3A_1912 = arith.constant 3 : i32
    %swap3A_1913 = arith.index_cast %swap3A_1912 : i32 to index
    %swap3A_1914 = arith.constant 96 : index
    %swap3A_1915 = tpu.vector_load %arg6[%swap3A_1913, %swap3A_1914] {strides = array<i32>} : memref<8x384xf32, #tpu.memory_space<vmem>>, vector<1x16xf32>,
    %swap3A_1916 = vector.shape_cast %swap3A_1915 : vector<1x16xf32> to vector<16xf32>
    %swap3A_1917 = vector.shape_cast %get3A_1358 : vector<16xf32> to vector<1x16xf32>
    tpu.vector_store %arg6[%swap3A_1913, %swap3A_1914], %swap3A_1917 {strides = array<i32>} : memref<8x384xf32, #tpu.memory_space<vmem>>, vector<1x16xf32>,
    %swap3A_1918 = arith.constant 3 : i32
    %swap3A_1919 = arith.index_cast %swap3A_1918 : i32 to index
    %swap3A_1920 = arith.constant 112 : index
    %swap3A_1921 = tpu.vector_load %arg6[%swap3A_1919, %swap3A_1920] {strides = array<i32>} : memref<8x384xf32, #tpu.memory_space<vmem>>, vector<1x16xf32>,
    %swap3A_1922 = vector.shape_cast %swap3A_1921 : vector<1x16xf32> to vector<16xf32>
    %swap3A_1923 = vector.shape_cast %get3A_1363 : vector<16xf32> to vector<1x16xf32>
    tpu.vector_store %arg6[%swap3A_1919, %swap3A_1920], %swap3A_1923 {strides = array<i32>} : memref<8x384xf32, #tpu.memory_space<vmem>>, vector<1x16xf32>,
    %swap3A_1924 = arith.constant 3 : i32
    %swap3A_1925 = arith.index_cast %swap3A_1924 : i32 to index
    %swap3A_1926 = arith.constant 128 : index
    %swap3A_1927 = tpu.vector_load %arg6[%swap3A_1925, %swap3A_1926] {strides = array<i32>} : memref<8x384xf32, #tpu.memory_space<vmem>>, vector<1x16xf32>,
    %swap3A_1928 = vector.shape_cast %swap3A_1927 : vector<1x16xf32> to vector<16xf32>
    %swap3A_1929 = vector.shape_cast %get3A_1368 : vector<16xf32> to vector<1x16xf32>
    tpu.vector_store %arg6[%swap3A_1925, %swap3A_1926], %swap3A_1929 {strides = array<i32>} : memref<8x384xf32, #tpu.memory_space<vmem>>, vector<1x16xf32>,
    %swap3A_1930 = arith.constant 3 : i32
    %swap3A_1931 = arith.index_cast %swap3A_1930 : i32 to index
    %swap3A_1932 = arith.constant 144 : index
    %swap3A_1933 = tpu.vector_load %arg6[%swap3A_1931, %swap3A_1932] {strides = array<i32>} : memref<8x384xf32, #tpu.memory_space<vmem>>, vector<1x16xf32>,
    %swap3A_1934 = vector.shape_cast %swap3A_1933 : vector<1x16xf32> to vector<16xf32>
    %swap3A_1935 = vector.shape_cast %get3A_1373 : vector<16xf32> to vector<1x16xf32>
    tpu.vector_store %arg6[%swap3A_1931, %swap3A_1932], %swap3A_1935 {strides = array<i32>} : memref<8x384xf32, #tpu.memory_space<vmem>>, vector<1x16xf32>,
    %swap3A_1936 = arith.constant 3 : i32
    %swap3A_1937 = arith.index_cast %swap3A_1936 : i32 to index
    %swap3A_1938 = arith.constant 160 : index
    %swap3A_1939 = tpu.vector_load %arg6[%swap3A_1937, %swap3A_1938] {strides = array<i32>} : memref<8x384xf32, #tpu.memory_space<vmem>>, vector<1x16xf32>,
    %swap3A_1940 = vector.shape_cast %swap3A_1939 : vector<1x16xf32> to vector<16xf32>
    %swap3A_1941 = vector.shape_cast %get3A_1378 : vector<16xf32> to vector<1x16xf32>
    tpu.vector_store %arg6[%swap3A_1937, %swap3A_1938], %swap3A_1941 {strides = array<i32>} : memref<8x384xf32, #tpu.memory_space<vmem>>, vector<1x16xf32>,
    %swap3A_1942 = arith.constant 3 : i32
    %swap3A_1943 = arith.index_cast %swap3A_1942 : i32 to index
    %swap3A_1944 = arith.constant 176 : index
    %swap3A_1945 = tpu.vector_load %arg6[%swap3A_1943, %swap3A_1944] {strides = array<i32>} : memref<8x384xf32, #tpu.memory_space<vmem>>, vector<1x16xf32>,
    %swap3A_1946 = vector.shape_cast %swap3A_1945 : vector<1x16xf32> to vector<16xf32>
    %swap3A_1947 = vector.shape_cast %get3A_1383 : vector<16xf32> to vector<1x16xf32>
    tpu.vector_store %arg6[%swap3A_1943, %swap3A_1944], %swap3A_1947 {strides = array<i32>} : memref<8x384xf32, #tpu.memory_space<vmem>>, vector<1x16xf32>,
    %swap3A_1948 = arith.constant 3 : i32
    %swap3A_1949 = arith.index_cast %swap3A_1948 : i32 to index
    %swap3A_1950 = arith.constant 192 : index
    %swap3A_1951 = tpu.vector_load %arg6[%swap3A_1949, %swap3A_1950] {strides = array<i32>} : memref<8x384xf32, #tpu.memory_space<vmem>>, vector<1x16xf32>,
    %swap3A_1952 = vector.shape_cast %swap3A_1951 : vector<1x16xf32> to vector<16xf32>
    %swap3A_1953 = vector.shape_cast %get3A_1388 : vector<16xf32> to vector<1x16xf32>
    tpu.vector_store %arg6[%swap3A_1949, %swap3A_1950], %swap3A_1953 {strides = array<i32>} : memref<8x384xf32, #tpu.memory_space<vmem>>, vector<1x16xf32>,
    %swap3A_1954 = arith.constant 3 : i32
    %swap3A_1955 = arith.index_cast %swap3A_1954 : i32 to index
    %swap3A_1956 = arith.constant 208 : index
    %swap3A_1957 = tpu.vector_load %arg6[%swap3A_1955, %swap3A_1956] {strides = array<i32>} : memref<8x384xf32, #tpu.memory_space<vmem>>, vector<1x16xf32>,
    %swap3A_1958 = vector.shape_cast %swap3A_1957 : vector<1x16xf32> to vector<16xf32>
    %swap3A_1959 = vector.shape_cast %get3A_1393 : vector<16xf32> to vector<1x16xf32>
    tpu.vector_store %arg6[%swap3A_1955, %swap3A_1956], %swap3A_1959 {strides = array<i32>} : memref<8x384xf32, #tpu.memory_space<vmem>>, vector<1x16xf32>,
    %swap3A_1960 = arith.constant 3 : i32
    %swap3A_1961 = arith.index_cast %swap3A_1960 : i32 to index
    %swap3A_1962 = arith.constant 224 : index
    %swap3A_1963 = tpu.vector_load %arg6[%swap3A_1961, %swap3A_1962] {strides = array<i32>} : memref<8x384xf32, #tpu.memory_space<vmem>>, vector<1x16xf32>,
    %swap3A_1964 = vector.shape_cast %swap3A_1963 : vector<1x16xf32> to vector<16xf32>
    %swap3A_1965 = vector.shape_cast %get3A_1398 : vector<16xf32> to vector<1x16xf32>
    tpu.vector_store %arg6[%swap3A_1961, %swap3A_1962], %swap3A_1965 {strides = array<i32>} : memref<8x384xf32, #tpu.memory_space<vmem>>, vector<1x16xf32>,
    %swap3A_1966 = arith.constant 3 : i32
    %swap3A_1967 = arith.index_cast %swap3A_1966 : i32 to index
    %swap3A_1968 = arith.constant 240 : index
    %swap3A_1969 = tpu.vector_load %arg6[%swap3A_1967, %swap3A_1968] {strides = array<i32>} : memref<8x384xf32, #tpu.memory_space<vmem>>, vector<1x16xf32>,
    %swap3A_1970 = vector.shape_cast %swap3A_1969 : vector<1x16xf32> to vector<16xf32>
    %swap3A_1971 = vector.shape_cast %get3A_1403 : vector<16xf32> to vector<1x16xf32>
    tpu.vector_store %arg6[%swap3A_1967, %swap3A_1968], %swap3A_1971 {strides = array<i32>} : memref<8x384xf32, #tpu.memory_space<vmem>>, vector<1x16xf32>,
    %swap3A_1972 = arith.constant 3 : i32
    %swap3A_1973 = arith.index_cast %swap3A_1972 : i32 to index
    %swap3A_1974 = arith.constant 256 : index
    %swap3A_1975 = tpu.vector_load %arg6[%swap3A_1973, %swap3A_1974] {strides = array<i32>} : memref<8x384xf32, #tpu.memory_space<vmem>>, vector<1x16xf32>,
    %swap3A_1976 = vector.shape_cast %swap3A_1975 : vector<1x16xf32> to vector<16xf32>
    %swap3A_1977 = vector.shape_cast %get3A_1408 : vector<16xf32> to vector<1x16xf32>
    tpu.vector_store %arg6[%swap3A_1973, %swap3A_1974], %swap3A_1977 {strides = array<i32>} : memref<8x384xf32, #tpu.memory_space<vmem>>, vector<1x16xf32>,
    %swap3A_1978 = arith.constant 3 : i32
    %swap3A_1979 = arith.index_cast %swap3A_1978 : i32 to index
    %swap3A_1980 = arith.constant 272 : index
    %swap3A_1981 = tpu.vector_load %arg6[%swap3A_1979, %swap3A_1980] {strides = array<i32>} : memref<8x384xf32, #tpu.memory_space<vmem>>, vector<1x16xf32>,
    %swap3A_1982 = vector.shape_cast %swap3A_1981 : vector<1x16xf32> to vector<16xf32>
    %swap3A_1983 = vector.shape_cast %get3A_1413 : vector<16xf32> to vector<1x16xf32>
    tpu.vector_store %arg6[%swap3A_1979, %swap3A_1980], %swap3A_1983 {strides = array<i32>} : memref<8x384xf32, #tpu.memory_space<vmem>>, vector<1x16xf32>,
    %swap3A_1984 = arith.constant 3 : i32
    %swap3A_1985 = arith.index_cast %swap3A_1984 : i32 to index
    %swap3A_1986 = arith.constant 288 : index
    %swap3A_1987 = tpu.vector_load %arg6[%swap3A_1985, %swap3A_1986] {strides = array<i32>} : memref<8x384xf32, #tpu.memory_space<vmem>>, vector<1x16xf32>,
    %swap3A_1988 = vector.shape_cast %swap3A_1987 : vector<1x16xf32> to vector<16xf32>
    %swap3A_1989 = vector.shape_cast %get3A_1418 : vector<16xf32> to vector<1x16xf32>
    tpu.vector_store %arg6[%swap3A_1985, %swap3A_1986], %swap3A_1989 {strides = array<i32>} : memref<8x384xf32, #tpu.memory_space<vmem>>, vector<1x16xf32>,
    %swap3A_1990 = arith.constant 3 : i32
    %swap3A_1991 = arith.index_cast %swap3A_1990 : i32 to index
    %swap3A_1992 = arith.constant 304 : index
    %swap3A_1993 = tpu.vector_load %arg6[%swap3A_1991, %swap3A_1992] {strides = array<i32>} : memref<8x384xf32, #tpu.memory_space<vmem>>, vector<1x16xf32>,
    %swap3A_1994 = vector.shape_cast %swap3A_1993 : vector<1x16xf32> to vector<16xf32>
    %swap3A_1995 = vector.shape_cast %get3A_1423 : vector<16xf32> to vector<1x16xf32>
    tpu.vector_store %arg6[%swap3A_1991, %swap3A_1992], %swap3A_1995 {strides = array<i32>} : memref<8x384xf32, #tpu.memory_space<vmem>>, vector<1x16xf32>,
    %swap3A_1996 = arith.constant 3 : i32
    %swap3A_1997 = arith.index_cast %swap3A_1996 : i32 to index
    %swap3A_1998 = arith.constant 320 : index
    %swap3A_1999 = tpu.vector_load %arg6[%swap3A_1997, %swap3A_1998] {strides = array<i32>} : memref<8x384xf32, #tpu.memory_space<vmem>>, vector<1x16xf32>,
    %swap3A_2000 = vector.shape_cast %swap3A_1999 : vector<1x16xf32> to vector<16xf32>
    %swap3A_2001 = vector.shape_cast %get3A_1428 : vector<16xf32> to vector<1x16xf32>
    tpu.vector_store %arg6[%swap3A_1997, %swap3A_1998], %swap3A_2001 {strides = array<i32>} : memref<8x384xf32, #tpu.memory_space<vmem>>, vector<1x16xf32>,
    %swap3A_2002 = arith.constant 3 : i32
    %swap3A_2003 = arith.index_cast %swap3A_2002 : i32 to index
    %swap3A_2004 = arith.constant 336 : index
    %swap3A_2005 = tpu.vector_load %arg6[%swap3A_2003, %swap3A_2004] {strides = array<i32>} : memref<8x384xf32, #tpu.memory_space<vmem>>, vector<1x16xf32>,
    %swap3A_2006 = vector.shape_cast %swap3A_2005 : vector<1x16xf32> to vector<16xf32>
    %swap3A_2007 = vector.shape_cast %get3A_1433 : vector<16xf32> to vector<1x16xf32>
    tpu.vector_store %arg6[%swap3A_2003, %swap3A_2004], %swap3A_2007 {strides = array<i32>} : memref<8x384xf32, #tpu.memory_space<vmem>>, vector<1x16xf32>,
    %swap3A_2008 = arith.constant 3 : i32
    %swap3A_2009 = arith.index_cast %swap3A_2008 : i32 to index
    %swap3A_2010 = arith.constant 352 : index
    %swap3A_2011 = tpu.vector_load %arg6[%swap3A_2009, %swap3A_2010] {strides = array<i32>} : memref<8x384xf32, #tpu.memory_space<vmem>>, vector<1x16xf32>,
    %swap3A_2012 = vector.shape_cast %swap3A_2011 : vector<1x16xf32> to vector<16xf32>
    %swap3A_2013 = vector.shape_cast %get3A_1438 : vector<16xf32> to vector<1x16xf32>
    tpu.vector_store %arg6[%swap3A_2009, %swap3A_2010], %swap3A_2013 {strides = array<i32>} : memref<8x384xf32, #tpu.memory_space<vmem>>, vector<1x16xf32>,
    %swap3A_2014 = arith.constant 3 : i32
    %swap3A_2015 = arith.index_cast %swap3A_2014 : i32 to index
    %swap3A_2016 = arith.constant 368 : index
    %swap3A_2017 = tpu.vector_load %arg6[%swap3A_2015, %swap3A_2016] {strides = array<i32>} : memref<8x384xf32, #tpu.memory_space<vmem>>, vector<1x16xf32>,
    %swap3A_2018 = vector.shape_cast %swap3A_2017 : vector<1x16xf32> to vector<16xf32>
    %swap3A_2019 = vector.shape_cast %get3A_1443 : vector<16xf32> to vector<1x16xf32>
    tpu.vector_store %arg6[%swap3A_2015, %swap3A_2016], %swap3A_2019 {strides = array<i32>} : memref<8x384xf32, #tpu.memory_space<vmem>>, vector<1x16xf32>,
    %swap3A_2020 = arith.constant 4 : i32
    %swap3A_2021 = arith.index_cast %swap3A_2020 : i32 to index
    %swap3A_2022 = arith.constant 0 : index
    %swap3A_2023 = tpu.vector_load %arg6[%swap3A_2021, %swap3A_2022] {strides = array<i32>} : memref<8x384xf32, #tpu.memory_space<vmem>>, vector<1x16xf32>,
    %swap3A_2024 = vector.shape_cast %swap3A_2023 : vector<1x16xf32> to vector<16xf32>
    %swap3A_2025 = vector.shape_cast %get3A_1328 : vector<16xf32> to vector<1x16xf32>
    tpu.vector_store %arg6[%swap3A_2021, %swap3A_2022], %swap3A_2025 {strides = array<i32>} : memref<8x384xf32, #tpu.memory_space<vmem>>, vector<1x16xf32>,
    %swap3A_2026 = arith.constant 4 : i32
    %swap3A_2027 = arith.index_cast %swap3A_2026 : i32 to index
    %swap3A_2028 = arith.constant 16 : index
    %swap3A_2029 = tpu.vector_load %arg6[%swap3A_2027, %swap3A_2028] {strides = array<i32>} : memref<8x384xf32, #tpu.memory_space<vmem>>, vector<1x16xf32>,
    %swap3A_2030 = vector.shape_cast %swap3A_2029 : vector<1x16xf32> to vector<16xf32>
    %swap3A_2031 = vector.shape_cast %get3A_1333 : vector<16xf32> to vector<1x16xf32>
    tpu.vector_store %arg6[%swap3A_2027, %swap3A_2028], %swap3A_2031 {strides = array<i32>} : memref<8x384xf32, #tpu.memory_space<vmem>>, vector<1x16xf32>,
    %swap3A_2032 = arith.constant 4 : i32
    %swap3A_2033 = arith.index_cast %swap3A_2032 : i32 to index
    %swap3A_2034 = arith.constant 32 : index
    %swap3A_2035 = tpu.vector_load %arg6[%swap3A_2033, %swap3A_2034] {strides = array<i32>} : memref<8x384xf32, #tpu.memory_space<vmem>>, vector<1x16xf32>,
    %swap3A_2036 = vector.shape_cast %swap3A_2035 : vector<1x16xf32> to vector<16xf32>
    %swap3A_2037 = vector.shape_cast %get3A_1338 : vector<16xf32> to vector<1x16xf32>
    tpu.vector_store %arg6[%swap3A_2033, %swap3A_2034], %swap3A_2037 {strides = array<i32>} : memref<8x384xf32, #tpu.memory_space<vmem>>, vector<1x16xf32>,
    %swap3A_2038 = arith.constant 4 : i32
    %swap3A_2039 = arith.index_cast %swap3A_2038 : i32 to index
    %swap3A_2040 = arith.constant 48 : index
    %swap3A_2041 = tpu.vector_load %arg6[%swap3A_2039, %swap3A_2040] {strides = array<i32>} : memref<8x384xf32, #tpu.memory_space<vmem>>, vector<1x16xf32>,
    %swap3A_2042 = vector.shape_cast %swap3A_2041 : vector<1x16xf32> to vector<16xf32>
    %swap3A_2043 = vector.shape_cast %get3A_1343 : vector<16xf32> to vector<1x16xf32>
    tpu.vector_store %arg6[%swap3A_2039, %swap3A_2040], %swap3A_2043 {strides = array<i32>} : memref<8x384xf32, #tpu.memory_space<vmem>>, vector<1x16xf32>,
    %swap3A_2044 = arith.constant 4 : i32
    %swap3A_2045 = arith.index_cast %swap3A_2044 : i32 to index
    %swap3A_2046 = arith.constant 64 : index
    %swap3A_2047 = tpu.vector_load %arg6[%swap3A_2045, %swap3A_2046] {strides = array<i32>} : memref<8x384xf32, #tpu.memory_space<vmem>>, vector<1x16xf32>,
    %swap3A_2048 = vector.shape_cast %swap3A_2047 : vector<1x16xf32> to vector<16xf32>
    %swap3A_2049 = vector.shape_cast %get3A_1348 : vector<16xf32> to vector<1x16xf32>
    tpu.vector_store %arg6[%swap3A_2045, %swap3A_2046], %swap3A_2049 {strides = array<i32>} : memref<8x384xf32, #tpu.memory_space<vmem>>, vector<1x16xf32>,
    %swap3A_2050 = arith.constant 4 : i32
    %swap3A_2051 = arith.index_cast %swap3A_2050 : i32 to index
    %swap3A_2052 = arith.constant 80 : index
    %swap3A_2053 = tpu.vector_load %arg6[%swap3A_2051, %swap3A_2052] {strides = array<i32>} : memref<8x384xf32, #tpu.memory_space<vmem>>, vector<1x16xf32>,
    %swap3A_2054 = vector.shape_cast %swap3A_2053 : vector<1x16xf32> to vector<16xf32>
    %swap3A_2055 = vector.shape_cast %get3A_1353 : vector<16xf32> to vector<1x16xf32>
    tpu.vector_store %arg6[%swap3A_2051, %swap3A_2052], %swap3A_2055 {strides = array<i32>} : memref<8x384xf32, #tpu.memory_space<vmem>>, vector<1x16xf32>,
    %swap3A_2056 = arith.constant 4 : i32
    %swap3A_2057 = arith.index_cast %swap3A_2056 : i32 to index
    %swap3A_2058 = arith.constant 96 : index
    %swap3A_2059 = tpu.vector_load %arg6[%swap3A_2057, %swap3A_2058] {strides = array<i32>} : memref<8x384xf32, #tpu.memory_space<vmem>>, vector<1x16xf32>,
    %swap3A_2060 = vector.shape_cast %swap3A_2059 : vector<1x16xf32> to vector<16xf32>
    %swap3A_2061 = vector.shape_cast %get3A_1358 : vector<16xf32> to vector<1x16xf32>
    tpu.vector_store %arg6[%swap3A_2057, %swap3A_2058], %swap3A_2061 {strides = array<i32>} : memref<8x384xf32, #tpu.memory_space<vmem>>, vector<1x16xf32>,
    %swap3A_2062 = arith.constant 4 : i32
    %swap3A_2063 = arith.index_cast %swap3A_2062 : i32 to index
    %swap3A_2064 = arith.constant 112 : index
    %swap3A_2065 = tpu.vector_load %arg6[%swap3A_2063, %swap3A_2064] {strides = array<i32>} : memref<8x384xf32, #tpu.memory_space<vmem>>, vector<1x16xf32>,
    %swap3A_2066 = vector.shape_cast %swap3A_2065 : vector<1x16xf32> to vector<16xf32>
    %swap3A_2067 = vector.shape_cast %get3A_1363 : vector<16xf32> to vector<1x16xf32>
    tpu.vector_store %arg6[%swap3A_2063, %swap3A_2064], %swap3A_2067 {strides = array<i32>} : memref<8x384xf32, #tpu.memory_space<vmem>>, vector<1x16xf32>,
    %swap3A_2068 = arith.constant 4 : i32
    %swap3A_2069 = arith.index_cast %swap3A_2068 : i32 to index
    %swap3A_2070 = arith.constant 128 : index
    %swap3A_2071 = tpu.vector_load %arg6[%swap3A_2069, %swap3A_2070] {strides = array<i32>} : memref<8x384xf32, #tpu.memory_space<vmem>>, vector<1x16xf32>,
    %swap3A_2072 = vector.shape_cast %swap3A_2071 : vector<1x16xf32> to vector<16xf32>
    %swap3A_2073 = vector.shape_cast %get3A_1368 : vector<16xf32> to vector<1x16xf32>
    tpu.vector_store %arg6[%swap3A_2069, %swap3A_2070], %swap3A_2073 {strides = array<i32>} : memref<8x384xf32, #tpu.memory_space<vmem>>, vector<1x16xf32>,
    %swap3A_2074 = arith.constant 4 : i32
    %swap3A_2075 = arith.index_cast %swap3A_2074 : i32 to index
    %swap3A_2076 = arith.constant 144 : index
    %swap3A_2077 = tpu.vector_load %arg6[%swap3A_2075, %swap3A_2076] {strides = array<i32>} : memref<8x384xf32, #tpu.memory_space<vmem>>, vector<1x16xf32>,
    %swap3A_2078 = vector.shape_cast %swap3A_2077 : vector<1x16xf32> to vector<16xf32>
    %swap3A_2079 = vector.shape_cast %get3A_1373 : vector<16xf32> to vector<1x16xf32>
    tpu.vector_store %arg6[%swap3A_2075, %swap3A_2076], %swap3A_2079 {strides = array<i32>} : memref<8x384xf32, #tpu.memory_space<vmem>>, vector<1x16xf32>,
    %swap3A_2080 = arith.constant 4 : i32
    %swap3A_2081 = arith.index_cast %swap3A_2080 : i32 to index
    %swap3A_2082 = arith.constant 160 : index
    %swap3A_2083 = tpu.vector_load %arg6[%swap3A_2081, %swap3A_2082] {strides = array<i32>} : memref<8x384xf32, #tpu.memory_space<vmem>>, vector<1x16xf32>,
    %swap3A_2084 = vector.shape_cast %swap3A_2083 : vector<1x16xf32> to vector<16xf32>
    %swap3A_2085 = vector.shape_cast %get3A_1378 : vector<16xf32> to vector<1x16xf32>
    tpu.vector_store %arg6[%swap3A_2081, %swap3A_2082], %swap3A_2085 {strides = array<i32>} : memref<8x384xf32, #tpu.memory_space<vmem>>, vector<1x16xf32>,
    %swap3A_2086 = arith.constant 4 : i32
    %swap3A_2087 = arith.index_cast %swap3A_2086 : i32 to index
    %swap3A_2088 = arith.constant 176 : index
    %swap3A_2089 = tpu.vector_load %arg6[%swap3A_2087, %swap3A_2088] {strides = array<i32>} : memref<8x384xf32, #tpu.memory_space<vmem>>, vector<1x16xf32>,
    %swap3A_2090 = vector.shape_cast %swap3A_2089 : vector<1x16xf32> to vector<16xf32>
    %swap3A_2091 = vector.shape_cast %get3A_1383 : vector<16xf32> to vector<1x16xf32>
    tpu.vector_store %arg6[%swap3A_2087, %swap3A_2088], %swap3A_2091 {strides = array<i32>} : memref<8x384xf32, #tpu.memory_space<vmem>>, vector<1x16xf32>,
    %swap3A_2092 = arith.constant 4 : i32
    %swap3A_2093 = arith.index_cast %swap3A_2092 : i32 to index
    %swap3A_2094 = arith.constant 192 : index
    %swap3A_2095 = tpu.vector_load %arg6[%swap3A_2093, %swap3A_2094] {strides = array<i32>} : memref<8x384xf32, #tpu.memory_space<vmem>>, vector<1x16xf32>,
    %swap3A_2096 = vector.shape_cast %swap3A_2095 : vector<1x16xf32> to vector<16xf32>
    %swap3A_2097 = vector.shape_cast %get3A_1388 : vector<16xf32> to vector<1x16xf32>
    tpu.vector_store %arg6[%swap3A_2093, %swap3A_2094], %swap3A_2097 {strides = array<i32>} : memref<8x384xf32, #tpu.memory_space<vmem>>, vector<1x16xf32>,
    %swap3A_2098 = arith.constant 4 : i32
    %swap3A_2099 = arith.index_cast %swap3A_2098 : i32 to index
    %swap3A_2100 = arith.constant 208 : index
    %swap3A_2101 = tpu.vector_load %arg6[%swap3A_2099, %swap3A_2100] {strides = array<i32>} : memref<8x384xf32, #tpu.memory_space<vmem>>, vector<1x16xf32>,
    %swap3A_2102 = vector.shape_cast %swap3A_2101 : vector<1x16xf32> to vector<16xf32>
    %swap3A_2103 = vector.shape_cast %get3A_1393 : vector<16xf32> to vector<1x16xf32>
    tpu.vector_store %arg6[%swap3A_2099, %swap3A_2100], %swap3A_2103 {strides = array<i32>} : memref<8x384xf32, #tpu.memory_space<vmem>>, vector<1x16xf32>,
    %swap3A_2104 = arith.constant 4 : i32
    %swap3A_2105 = arith.index_cast %swap3A_2104 : i32 to index
    %swap3A_2106 = arith.constant 224 : index
    %swap3A_2107 = tpu.vector_load %arg6[%swap3A_2105, %swap3A_2106] {strides = array<i32>} : memref<8x384xf32, #tpu.memory_space<vmem>>, vector<1x16xf32>,
    %swap3A_2108 = vector.shape_cast %swap3A_2107 : vector<1x16xf32> to vector<16xf32>
    %swap3A_2109 = vector.shape_cast %get3A_1398 : vector<16xf32> to vector<1x16xf32>
    tpu.vector_store %arg6[%swap3A_2105, %swap3A_2106], %swap3A_2109 {strides = array<i32>} : memref<8x384xf32, #tpu.memory_space<vmem>>, vector<1x16xf32>,
    %swap3A_2110 = arith.constant 4 : i32
    %swap3A_2111 = arith.index_cast %swap3A_2110 : i32 to index
    %swap3A_2112 = arith.constant 240 : index
    %swap3A_2113 = tpu.vector_load %arg6[%swap3A_2111, %swap3A_2112] {strides = array<i32>} : memref<8x384xf32, #tpu.memory_space<vmem>>, vector<1x16xf32>,
    %swap3A_2114 = vector.shape_cast %swap3A_2113 : vector<1x16xf32> to vector<16xf32>
    %swap3A_2115 = vector.shape_cast %get3A_1403 : vector<16xf32> to vector<1x16xf32>
    tpu.vector_store %arg6[%swap3A_2111, %swap3A_2112], %swap3A_2115 {strides = array<i32>} : memref<8x384xf32, #tpu.memory_space<vmem>>, vector<1x16xf32>,
    %swap3A_2116 = arith.constant 4 : i32
    %swap3A_2117 = arith.index_cast %swap3A_2116 : i32 to index
    %swap3A_2118 = arith.constant 256 : index
    %swap3A_2119 = tpu.vector_load %arg6[%swap3A_2117, %swap3A_2118] {strides = array<i32>} : memref<8x384xf32, #tpu.memory_space<vmem>>, vector<1x16xf32>,
    %swap3A_2120 = vector.shape_cast %swap3A_2119 : vector<1x16xf32> to vector<16xf32>
    %swap3A_2121 = vector.shape_cast %get3A_1408 : vector<16xf32> to vector<1x16xf32>
    tpu.vector_store %arg6[%swap3A_2117, %swap3A_2118], %swap3A_2121 {strides = array<i32>} : memref<8x384xf32, #tpu.memory_space<vmem>>, vector<1x16xf32>,
    %swap3A_2122 = arith.constant 4 : i32
    %swap3A_2123 = arith.index_cast %swap3A_2122 : i32 to index
    %swap3A_2124 = arith.constant 272 : index
    %swap3A_2125 = tpu.vector_load %arg6[%swap3A_2123, %swap3A_2124] {strides = array<i32>} : memref<8x384xf32, #tpu.memory_space<vmem>>, vector<1x16xf32>,
    %swap3A_2126 = vector.shape_cast %swap3A_2125 : vector<1x16xf32> to vector<16xf32>
    %swap3A_2127 = vector.shape_cast %get3A_1413 : vector<16xf32> to vector<1x16xf32>
    tpu.vector_store %arg6[%swap3A_2123, %swap3A_2124], %swap3A_2127 {strides = array<i32>} : memref<8x384xf32, #tpu.memory_space<vmem>>, vector<1x16xf32>,
    %swap3A_2128 = arith.constant 4 : i32
    %swap3A_2129 = arith.index_cast %swap3A_2128 : i32 to index
    %swap3A_2130 = arith.constant 288 : index
    %swap3A_2131 = tpu.vector_load %arg6[%swap3A_2129, %swap3A_2130] {strides = array<i32>} : memref<8x384xf32, #tpu.memory_space<vmem>>, vector<1x16xf32>,
    %swap3A_2132 = vector.shape_cast %swap3A_2131 : vector<1x16xf32> to vector<16xf32>
    %swap3A_2133 = vector.shape_cast %get3A_1418 : vector<16xf32> to vector<1x16xf32>
    tpu.vector_store %arg6[%swap3A_2129, %swap3A_2130], %swap3A_2133 {strides = array<i32>} : memref<8x384xf32, #tpu.memory_space<vmem>>, vector<1x16xf32>,
    %swap3A_2134 = arith.constant 4 : i32
    %swap3A_2135 = arith.index_cast %swap3A_2134 : i32 to index
    %swap3A_2136 = arith.constant 304 : index
    %swap3A_2137 = tpu.vector_load %arg6[%swap3A_2135, %swap3A_2136] {strides = array<i32>} : memref<8x384xf32, #tpu.memory_space<vmem>>, vector<1x16xf32>,
    %swap3A_2138 = vector.shape_cast %swap3A_2137 : vector<1x16xf32> to vector<16xf32>
    %swap3A_2139 = vector.shape_cast %get3A_1423 : vector<16xf32> to vector<1x16xf32>
    tpu.vector_store %arg6[%swap3A_2135, %swap3A_2136], %swap3A_2139 {strides = array<i32>} : memref<8x384xf32, #tpu.memory_space<vmem>>, vector<1x16xf32>,
    %swap3A_2140 = arith.constant 4 : i32
    %swap3A_2141 = arith.index_cast %swap3A_2140 : i32 to index
    %swap3A_2142 = arith.constant 320 : index
    %swap3A_2143 = tpu.vector_load %arg6[%swap3A_2141, %swap3A_2142] {strides = array<i32>} : memref<8x384xf32, #tpu.memory_space<vmem>>, vector<1x16xf32>,
    %swap3A_2144 = vector.shape_cast %swap3A_2143 : vector<1x16xf32> to vector<16xf32>
    %swap3A_2145 = vector.shape_cast %get3A_1428 : vector<16xf32> to vector<1x16xf32>
    tpu.vector_store %arg6[%swap3A_2141, %swap3A_2142], %swap3A_2145 {strides = array<i32>} : memref<8x384xf32, #tpu.memory_space<vmem>>, vector<1x16xf32>,
    %swap3A_2146 = arith.constant 4 : i32
    %swap3A_2147 = arith.index_cast %swap3A_2146 : i32 to index
    %swap3A_2148 = arith.constant 336 : index
    %swap3A_2149 = tpu.vector_load %arg6[%swap3A_2147, %swap3A_2148] {strides = array<i32>} : memref<8x384xf32, #tpu.memory_space<vmem>>, vector<1x16xf32>,
    %swap3A_2150 = vector.shape_cast %swap3A_2149 : vector<1x16xf32> to vector<16xf32>
    %swap3A_2151 = vector.shape_cast %get3A_1433 : vector<16xf32> to vector<1x16xf32>
    tpu.vector_store %arg6[%swap3A_2147, %swap3A_2148], %swap3A_2151 {strides = array<i32>} : memref<8x384xf32, #tpu.memory_space<vmem>>, vector<1x16xf32>,
    %swap3A_2152 = arith.constant 4 : i32
    %swap3A_2153 = arith.index_cast %swap3A_2152 : i32 to index
    %swap3A_2154 = arith.constant 352 : index
    %swap3A_2155 = tpu.vector_load %arg6[%swap3A_2153, %swap3A_2154] {strides = array<i32>} : memref<8x384xf32, #tpu.memory_space<vmem>>, vector<1x16xf32>,
    %swap3A_2156 = vector.shape_cast %swap3A_2155 : vector<1x16xf32> to vector<16xf32>
    %swap3A_2157 = vector.shape_cast %get3A_1438 : vector<16xf32> to vector<1x16xf32>
    tpu.vector_store %arg6[%swap3A_2153, %swap3A_2154], %swap3A_2157 {strides = array<i32>} : memref<8x384xf32, #tpu.memory_space<vmem>>, vector<1x16xf32>,
    %swap3A_2158 = arith.constant 4 : i32
    %swap3A_2159 = arith.index_cast %swap3A_2158 : i32 to index
    %swap3A_2160 = arith.constant 368 : index
    %swap3A_2161 = tpu.vector_load %arg6[%swap3A_2159, %swap3A_2160] {strides = array<i32>} : memref<8x384xf32, #tpu.memory_space<vmem>>, vector<1x16xf32>,
    %swap3A_2162 = vector.shape_cast %swap3A_2161 : vector<1x16xf32> to vector<16xf32>
    %swap3A_2163 = vector.shape_cast %get3A_1443 : vector<16xf32> to vector<1x16xf32>
    tpu.vector_store %arg6[%swap3A_2159, %swap3A_2160], %swap3A_2163 {strides = array<i32>} : memref<8x384xf32, #tpu.memory_space<vmem>>, vector<1x16xf32>,
    %swap3A_2164 = arith.constant 5 : i32
    %swap3A_2165 = arith.index_cast %swap3A_2164 : i32 to index
    %swap3A_2166 = arith.constant 0 : index
    %swap3A_2167 = tpu.vector_load %arg6[%swap3A_2165, %swap3A_2166] {strides = array<i32>} : memref<8x384xf32, #tpu.memory_space<vmem>>, vector<1x16xf32>,
    %swap3A_2168 = vector.shape_cast %swap3A_2167 : vector<1x16xf32> to vector<16xf32>
    %swap3A_2169 = vector.shape_cast %get3A_1328 : vector<16xf32> to vector<1x16xf32>
    tpu.vector_store %arg6[%swap3A_2165, %swap3A_2166], %swap3A_2169 {strides = array<i32>} : memref<8x384xf32, #tpu.memory_space<vmem>>, vector<1x16xf32>,
    %swap3A_2170 = arith.constant 5 : i32
    %swap3A_2171 = arith.index_cast %swap3A_2170 : i32 to index
    %swap3A_2172 = arith.constant 16 : index
    %swap3A_2173 = tpu.vector_load %arg6[%swap3A_2171, %swap3A_2172] {strides = array<i32>} : memref<8x384xf32, #tpu.memory_space<vmem>>, vector<1x16xf32>,
    %swap3A_2174 = vector.shape_cast %swap3A_2173 : vector<1x16xf32> to vector<16xf32>
    %swap3A_2175 = vector.shape_cast %get3A_1333 : vector<16xf32> to vector<1x16xf32>
    tpu.vector_store %arg6[%swap3A_2171, %swap3A_2172], %swap3A_2175 {strides = array<i32>} : memref<8x384xf32, #tpu.memory_space<vmem>>, vector<1x16xf32>,
    %swap3A_2176 = arith.constant 5 : i32
    %swap3A_2177 = arith.index_cast %swap3A_2176 : i32 to index
    %swap3A_2178 = arith.constant 32 : index
    %swap3A_2179 = tpu.vector_load %arg6[%swap3A_2177, %swap3A_2178] {strides = array<i32>} : memref<8x384xf32, #tpu.memory_space<vmem>>, vector<1x16xf32>,
    %swap3A_2180 = vector.shape_cast %swap3A_2179 : vector<1x16xf32> to vector<16xf32>
    %swap3A_2181 = vector.shape_cast %get3A_1338 : vector<16xf32> to vector<1x16xf32>
    tpu.vector_store %arg6[%swap3A_2177, %swap3A_2178], %swap3A_2181 {strides = array<i32>} : memref<8x384xf32, #tpu.memory_space<vmem>>, vector<1x16xf32>,
    %swap3A_2182 = arith.constant 5 : i32
    %swap3A_2183 = arith.index_cast %swap3A_2182 : i32 to index
    %swap3A_2184 = arith.constant 48 : index
    %swap3A_2185 = tpu.vector_load %arg6[%swap3A_2183, %swap3A_2184] {strides = array<i32>} : memref<8x384xf32, #tpu.memory_space<vmem>>, vector<1x16xf32>,
    %swap3A_2186 = vector.shape_cast %swap3A_2185 : vector<1x16xf32> to vector<16xf32>
    %swap3A_2187 = vector.shape_cast %get3A_1343 : vector<16xf32> to vector<1x16xf32>
    tpu.vector_store %arg6[%swap3A_2183, %swap3A_2184], %swap3A_2187 {strides = array<i32>} : memref<8x384xf32, #tpu.memory_space<vmem>>, vector<1x16xf32>,
    %swap3A_2188 = arith.constant 5 : i32
    %swap3A_2189 = arith.index_cast %swap3A_2188 : i32 to index
    %swap3A_2190 = arith.constant 64 : index
    %swap3A_2191 = tpu.vector_load %arg6[%swap3A_2189, %swap3A_2190] {strides = array<i32>} : memref<8x384xf32, #tpu.memory_space<vmem>>, vector<1x16xf32>,
    %swap3A_2192 = vector.shape_cast %swap3A_2191 : vector<1x16xf32> to vector<16xf32>
    %swap3A_2193 = vector.shape_cast %get3A_1348 : vector<16xf32> to vector<1x16xf32>
    tpu.vector_store %arg6[%swap3A_2189, %swap3A_2190], %swap3A_2193 {strides = array<i32>} : memref<8x384xf32, #tpu.memory_space<vmem>>, vector<1x16xf32>,
    %swap3A_2194 = arith.constant 5 : i32
    %swap3A_2195 = arith.index_cast %swap3A_2194 : i32 to index
    %swap3A_2196 = arith.constant 80 : index
    %swap3A_2197 = tpu.vector_load %arg6[%swap3A_2195, %swap3A_2196] {strides = array<i32>} : memref<8x384xf32, #tpu.memory_space<vmem>>, vector<1x16xf32>,
    %swap3A_2198 = vector.shape_cast %swap3A_2197 : vector<1x16xf32> to vector<16xf32>
    %swap3A_2199 = vector.shape_cast %get3A_1353 : vector<16xf32> to vector<1x16xf32>
    tpu.vector_store %arg6[%swap3A_2195, %swap3A_2196], %swap3A_2199 {strides = array<i32>} : memref<8x384xf32, #tpu.memory_space<vmem>>, vector<1x16xf32>,
    %swap3A_2200 = arith.constant 5 : i32
    %swap3A_2201 = arith.index_cast %swap3A_2200 : i32 to index
    %swap3A_2202 = arith.constant 96 : index
    %swap3A_2203 = tpu.vector_load %arg6[%swap3A_2201, %swap3A_2202] {strides = array<i32>} : memref<8x384xf32, #tpu.memory_space<vmem>>, vector<1x16xf32>,
    %swap3A_2204 = vector.shape_cast %swap3A_2203 : vector<1x16xf32> to vector<16xf32>
    %swap3A_2205 = vector.shape_cast %get3A_1358 : vector<16xf32> to vector<1x16xf32>
    tpu.vector_store %arg6[%swap3A_2201, %swap3A_2202], %swap3A_2205 {strides = array<i32>} : memref<8x384xf32, #tpu.memory_space<vmem>>, vector<1x16xf32>,
    %swap3A_2206 = arith.constant 5 : i32
    %swap3A_2207 = arith.index_cast %swap3A_2206 : i32 to index
    %swap3A_2208 = arith.constant 112 : index
    %swap3A_2209 = tpu.vector_load %arg6[%swap3A_2207, %swap3A_2208] {strides = array<i32>} : memref<8x384xf32, #tpu.memory_space<vmem>>, vector<1x16xf32>,
    %swap3A_2210 = vector.shape_cast %swap3A_2209 : vector<1x16xf32> to vector<16xf32>
    %swap3A_2211 = vector.shape_cast %get3A_1363 : vector<16xf32> to vector<1x16xf32>
    tpu.vector_store %arg6[%swap3A_2207, %swap3A_2208], %swap3A_2211 {strides = array<i32>} : memref<8x384xf32, #tpu.memory_space<vmem>>, vector<1x16xf32>,
    %swap3A_2212 = arith.constant 5 : i32
    %swap3A_2213 = arith.index_cast %swap3A_2212 : i32 to index
    %swap3A_2214 = arith.constant 128 : index
    %swap3A_2215 = tpu.vector_load %arg6[%swap3A_2213, %swap3A_2214] {strides = array<i32>} : memref<8x384xf32, #tpu.memory_space<vmem>>, vector<1x16xf32>,
    %swap3A_2216 = vector.shape_cast %swap3A_2215 : vector<1x16xf32> to vector<16xf32>
    %swap3A_2217 = vector.shape_cast %get3A_1368 : vector<16xf32> to vector<1x16xf32>
    tpu.vector_store %arg6[%swap3A_2213, %swap3A_2214], %swap3A_2217 {strides = array<i32>} : memref<8x384xf32, #tpu.memory_space<vmem>>, vector<1x16xf32>,
    %swap3A_2218 = arith.constant 5 : i32
    %swap3A_2219 = arith.index_cast %swap3A_2218 : i32 to index
    %swap3A_2220 = arith.constant 144 : index
    %swap3A_2221 = tpu.vector_load %arg6[%swap3A_2219, %swap3A_2220] {strides = array<i32>} : memref<8x384xf32, #tpu.memory_space<vmem>>, vector<1x16xf32>,
    %swap3A_2222 = vector.shape_cast %swap3A_2221 : vector<1x16xf32> to vector<16xf32>
    %swap3A_2223 = vector.shape_cast %get3A_1373 : vector<16xf32> to vector<1x16xf32>
    tpu.vector_store %arg6[%swap3A_2219, %swap3A_2220], %swap3A_2223 {strides = array<i32>} : memref<8x384xf32, #tpu.memory_space<vmem>>, vector<1x16xf32>,
    %swap3A_2224 = arith.constant 5 : i32
    %swap3A_2225 = arith.index_cast %swap3A_2224 : i32 to index
    %swap3A_2226 = arith.constant 160 : index
    %swap3A_2227 = tpu.vector_load %arg6[%swap3A_2225, %swap3A_2226] {strides = array<i32>} : memref<8x384xf32, #tpu.memory_space<vmem>>, vector<1x16xf32>,
    %swap3A_2228 = vector.shape_cast %swap3A_2227 : vector<1x16xf32> to vector<16xf32>
    %swap3A_2229 = vector.shape_cast %get3A_1378 : vector<16xf32> to vector<1x16xf32>
    tpu.vector_store %arg6[%swap3A_2225, %swap3A_2226], %swap3A_2229 {strides = array<i32>} : memref<8x384xf32, #tpu.memory_space<vmem>>, vector<1x16xf32>,
    %swap3A_2230 = arith.constant 5 : i32
    %swap3A_2231 = arith.index_cast %swap3A_2230 : i32 to index
    %swap3A_2232 = arith.constant 176 : index
    %swap3A_2233 = tpu.vector_load %arg6[%swap3A_2231, %swap3A_2232] {strides = array<i32>} : memref<8x384xf32, #tpu.memory_space<vmem>>, vector<1x16xf32>,
    %swap3A_2234 = vector.shape_cast %swap3A_2233 : vector<1x16xf32> to vector<16xf32>
    %swap3A_2235 = vector.shape_cast %get3A_1383 : vector<16xf32> to vector<1x16xf32>
    tpu.vector_store %arg6[%swap3A_2231, %swap3A_2232], %swap3A_2235 {strides = array<i32>} : memref<8x384xf32, #tpu.memory_space<vmem>>, vector<1x16xf32>,
    %swap3A_2236 = arith.constant 5 : i32
    %swap3A_2237 = arith.index_cast %swap3A_2236 : i32 to index
    %swap3A_2238 = arith.constant 192 : index
    %swap3A_2239 = tpu.vector_load %arg6[%swap3A_2237, %swap3A_2238] {strides = array<i32>} : memref<8x384xf32, #tpu.memory_space<vmem>>, vector<1x16xf32>,
    %swap3A_2240 = vector.shape_cast %swap3A_2239 : vector<1x16xf32> to vector<16xf32>
    %swap3A_2241 = vector.shape_cast %get3A_1388 : vector<16xf32> to vector<1x16xf32>
    tpu.vector_store %arg6[%swap3A_2237, %swap3A_2238], %swap3A_2241 {strides = array<i32>} : memref<8x384xf32, #tpu.memory_space<vmem>>, vector<1x16xf32>,
    %swap3A_2242 = arith.constant 5 : i32
    %swap3A_2243 = arith.index_cast %swap3A_2242 : i32 to index
    %swap3A_2244 = arith.constant 208 : index
    %swap3A_2245 = tpu.vector_load %arg6[%swap3A_2243, %swap3A_2244] {strides = array<i32>} : memref<8x384xf32, #tpu.memory_space<vmem>>, vector<1x16xf32>,
    %swap3A_2246 = vector.shape_cast %swap3A_2245 : vector<1x16xf32> to vector<16xf32>
    %swap3A_2247 = vector.shape_cast %get3A_1393 : vector<16xf32> to vector<1x16xf32>
    tpu.vector_store %arg6[%swap3A_2243, %swap3A_2244], %swap3A_2247 {strides = array<i32>} : memref<8x384xf32, #tpu.memory_space<vmem>>, vector<1x16xf32>,
    %swap3A_2248 = arith.constant 5 : i32
    %swap3A_2249 = arith.index_cast %swap3A_2248 : i32 to index
    %swap3A_2250 = arith.constant 224 : index
    %swap3A_2251 = tpu.vector_load %arg6[%swap3A_2249, %swap3A_2250] {strides = array<i32>} : memref<8x384xf32, #tpu.memory_space<vmem>>, vector<1x16xf32>,
    %swap3A_2252 = vector.shape_cast %swap3A_2251 : vector<1x16xf32> to vector<16xf32>
    %swap3A_2253 = vector.shape_cast %get3A_1398 : vector<16xf32> to vector<1x16xf32>
    tpu.vector_store %arg6[%swap3A_2249, %swap3A_2250], %swap3A_2253 {strides = array<i32>} : memref<8x384xf32, #tpu.memory_space<vmem>>, vector<1x16xf32>,
    %swap3A_2254 = arith.constant 5 : i32
    %swap3A_2255 = arith.index_cast %swap3A_2254 : i32 to index
    %swap3A_2256 = arith.constant 240 : index
    %swap3A_2257 = tpu.vector_load %arg6[%swap3A_2255, %swap3A_2256] {strides = array<i32>} : memref<8x384xf32, #tpu.memory_space<vmem>>, vector<1x16xf32>,
    %swap3A_2258 = vector.shape_cast %swap3A_2257 : vector<1x16xf32> to vector<16xf32>
    %swap3A_2259 = vector.shape_cast %get3A_1403 : vector<16xf32> to vector<1x16xf32>
    tpu.vector_store %arg6[%swap3A_2255, %swap3A_2256], %swap3A_2259 {strides = array<i32>} : memref<8x384xf32, #tpu.memory_space<vmem>>, vector<1x16xf32>,
    %swap3A_2260 = arith.constant 5 : i32
    %swap3A_2261 = arith.index_cast %swap3A_2260 : i32 to index
    %swap3A_2262 = arith.constant 256 : index
    %swap3A_2263 = tpu.vector_load %arg6[%swap3A_2261, %swap3A_2262] {strides = array<i32>} : memref<8x384xf32, #tpu.memory_space<vmem>>, vector<1x16xf32>,
    %swap3A_2264 = vector.shape_cast %swap3A_2263 : vector<1x16xf32> to vector<16xf32>
    %swap3A_2265 = vector.shape_cast %get3A_1408 : vector<16xf32> to vector<1x16xf32>
    tpu.vector_store %arg6[%swap3A_2261, %swap3A_2262], %swap3A_2265 {strides = array<i32>} : memref<8x384xf32, #tpu.memory_space<vmem>>, vector<1x16xf32>,
    %swap3A_2266 = arith.constant 5 : i32
    %swap3A_2267 = arith.index_cast %swap3A_2266 : i32 to index
    %swap3A_2268 = arith.constant 272 : index
    %swap3A_2269 = tpu.vector_load %arg6[%swap3A_2267, %swap3A_2268] {strides = array<i32>} : memref<8x384xf32, #tpu.memory_space<vmem>>, vector<1x16xf32>,
    %swap3A_2270 = vector.shape_cast %swap3A_2269 : vector<1x16xf32> to vector<16xf32>
    %swap3A_2271 = vector.shape_cast %get3A_1413 : vector<16xf32> to vector<1x16xf32>
    tpu.vector_store %arg6[%swap3A_2267, %swap3A_2268], %swap3A_2271 {strides = array<i32>} : memref<8x384xf32, #tpu.memory_space<vmem>>, vector<1x16xf32>,
    %swap3A_2272 = arith.constant 5 : i32
    %swap3A_2273 = arith.index_cast %swap3A_2272 : i32 to index
    %swap3A_2274 = arith.constant 288 : index
    %swap3A_2275 = tpu.vector_load %arg6[%swap3A_2273, %swap3A_2274] {strides = array<i32>} : memref<8x384xf32, #tpu.memory_space<vmem>>, vector<1x16xf32>,
    %swap3A_2276 = vector.shape_cast %swap3A_2275 : vector<1x16xf32> to vector<16xf32>
    %swap3A_2277 = vector.shape_cast %get3A_1418 : vector<16xf32> to vector<1x16xf32>
    tpu.vector_store %arg6[%swap3A_2273, %swap3A_2274], %swap3A_2277 {strides = array<i32>} : memref<8x384xf32, #tpu.memory_space<vmem>>, vector<1x16xf32>,
    %swap3A_2278 = arith.constant 5 : i32
    %swap3A_2279 = arith.index_cast %swap3A_2278 : i32 to index
    %swap3A_2280 = arith.constant 304 : index
    %swap3A_2281 = tpu.vector_load %arg6[%swap3A_2279, %swap3A_2280] {strides = array<i32>} : memref<8x384xf32, #tpu.memory_space<vmem>>, vector<1x16xf32>,
    %swap3A_2282 = vector.shape_cast %swap3A_2281 : vector<1x16xf32> to vector<16xf32>
    %swap3A_2283 = vector.shape_cast %get3A_1423 : vector<16xf32> to vector<1x16xf32>
    tpu.vector_store %arg6[%swap3A_2279, %swap3A_2280], %swap3A_2283 {strides = array<i32>} : memref<8x384xf32, #tpu.memory_space<vmem>>, vector<1x16xf32>,
    %swap3A_2284 = arith.constant 5 : i32
    %swap3A_2285 = arith.index_cast %swap3A_2284 : i32 to index
    %swap3A_2286 = arith.constant 320 : index
    %swap3A_2287 = tpu.vector_load %arg6[%swap3A_2285, %swap3A_2286] {strides = array<i32>} : memref<8x384xf32, #tpu.memory_space<vmem>>, vector<1x16xf32>,
    %swap3A_2288 = vector.shape_cast %swap3A_2287 : vector<1x16xf32> to vector<16xf32>
    %swap3A_2289 = vector.shape_cast %get3A_1428 : vector<16xf32> to vector<1x16xf32>
    tpu.vector_store %arg6[%swap3A_2285, %swap3A_2286], %swap3A_2289 {strides = array<i32>} : memref<8x384xf32, #tpu.memory_space<vmem>>, vector<1x16xf32>,
    %swap3A_2290 = arith.constant 5 : i32
    %swap3A_2291 = arith.index_cast %swap3A_2290 : i32 to index
    %swap3A_2292 = arith.constant 336 : index
    %swap3A_2293 = tpu.vector_load %arg6[%swap3A_2291, %swap3A_2292] {strides = array<i32>} : memref<8x384xf32, #tpu.memory_space<vmem>>, vector<1x16xf32>,
    %swap3A_2294 = vector.shape_cast %swap3A_2293 : vector<1x16xf32> to vector<16xf32>
    %swap3A_2295 = vector.shape_cast %get3A_1433 : vector<16xf32> to vector<1x16xf32>
    tpu.vector_store %arg6[%swap3A_2291, %swap3A_2292], %swap3A_2295 {strides = array<i32>} : memref<8x384xf32, #tpu.memory_space<vmem>>, vector<1x16xf32>,
    %swap3A_2296 = arith.constant 5 : i32
    %swap3A_2297 = arith.index_cast %swap3A_2296 : i32 to index
    %swap3A_2298 = arith.constant 352 : index
    %swap3A_2299 = tpu.vector_load %arg6[%swap3A_2297, %swap3A_2298] {strides = array<i32>} : memref<8x384xf32, #tpu.memory_space<vmem>>, vector<1x16xf32>,
    %swap3A_2300 = vector.shape_cast %swap3A_2299 : vector<1x16xf32> to vector<16xf32>
    %swap3A_2301 = vector.shape_cast %get3A_1438 : vector<16xf32> to vector<1x16xf32>
    tpu.vector_store %arg6[%swap3A_2297, %swap3A_2298], %swap3A_2301 {strides = array<i32>} : memref<8x384xf32, #tpu.memory_space<vmem>>, vector<1x16xf32>,
    %swap3A_2302 = arith.constant 5 : i32
    %swap3A_2303 = arith.index_cast %swap3A_2302 : i32 to index
    %swap3A_2304 = arith.constant 368 : index
    %swap3A_2305 = tpu.vector_load %arg6[%swap3A_2303, %swap3A_2304] {strides = array<i32>} : memref<8x384xf32, #tpu.memory_space<vmem>>, vector<1x16xf32>,
    %swap3A_2306 = vector.shape_cast %swap3A_2305 : vector<1x16xf32> to vector<16xf32>
    %swap3A_2307 = vector.shape_cast %get3A_1443 : vector<16xf32> to vector<1x16xf32>
    tpu.vector_store %arg6[%swap3A_2303, %swap3A_2304], %swap3A_2307 {strides = array<i32>} : memref<8x384xf32, #tpu.memory_space<vmem>>, vector<1x16xf32>,
    %swap3A_2308 = arith.constant 6 : i32
    %swap3A_2309 = arith.index_cast %swap3A_2308 : i32 to index
    %swap3A_2310 = arith.constant 0 : index
    %swap3A_2311 = tpu.vector_load %arg6[%swap3A_2309, %swap3A_2310] {strides = array<i32>} : memref<8x384xf32, #tpu.memory_space<vmem>>, vector<1x16xf32>,
    %swap3A_2312 = vector.shape_cast %swap3A_2311 : vector<1x16xf32> to vector<16xf32>
    %swap3A_2313 = vector.shape_cast %get3A_1328 : vector<16xf32> to vector<1x16xf32>
    tpu.vector_store %arg6[%swap3A_2309, %swap3A_2310], %swap3A_2313 {strides = array<i32>} : memref<8x384xf32, #tpu.memory_space<vmem>>, vector<1x16xf32>,
    %swap3A_2314 = arith.constant 6 : i32
    %swap3A_2315 = arith.index_cast %swap3A_2314 : i32 to index
    %swap3A_2316 = arith.constant 16 : index
    %swap3A_2317 = tpu.vector_load %arg6[%swap3A_2315, %swap3A_2316] {strides = array<i32>} : memref<8x384xf32, #tpu.memory_space<vmem>>, vector<1x16xf32>,
    %swap3A_2318 = vector.shape_cast %swap3A_2317 : vector<1x16xf32> to vector<16xf32>
    %swap3A_2319 = vector.shape_cast %get3A_1333 : vector<16xf32> to vector<1x16xf32>
    tpu.vector_store %arg6[%swap3A_2315, %swap3A_2316], %swap3A_2319 {strides = array<i32>} : memref<8x384xf32, #tpu.memory_space<vmem>>, vector<1x16xf32>,
    %swap3A_2320 = arith.constant 6 : i32
    %swap3A_2321 = arith.index_cast %swap3A_2320 : i32 to index
    %swap3A_2322 = arith.constant 32 : index
    %swap3A_2323 = tpu.vector_load %arg6[%swap3A_2321, %swap3A_2322] {strides = array<i32>} : memref<8x384xf32, #tpu.memory_space<vmem>>, vector<1x16xf32>,
    %swap3A_2324 = vector.shape_cast %swap3A_2323 : vector<1x16xf32> to vector<16xf32>
    %swap3A_2325 = vector.shape_cast %get3A_1338 : vector<16xf32> to vector<1x16xf32>
    tpu.vector_store %arg6[%swap3A_2321, %swap3A_2322], %swap3A_2325 {strides = array<i32>} : memref<8x384xf32, #tpu.memory_space<vmem>>, vector<1x16xf32>,
    %swap3A_2326 = arith.constant 6 : i32
    %swap3A_2327 = arith.index_cast %swap3A_2326 : i32 to index
    %swap3A_2328 = arith.constant 48 : index
    %swap3A_2329 = tpu.vector_load %arg6[%swap3A_2327, %swap3A_2328] {strides = array<i32>} : memref<8x384xf32, #tpu.memory_space<vmem>>, vector<1x16xf32>,
    %swap3A_2330 = vector.shape_cast %swap3A_2329 : vector<1x16xf32> to vector<16xf32>
    %swap3A_2331 = vector.shape_cast %get3A_1343 : vector<16xf32> to vector<1x16xf32>
    tpu.vector_store %arg6[%swap3A_2327, %swap3A_2328], %swap3A_2331 {strides = array<i32>} : memref<8x384xf32, #tpu.memory_space<vmem>>, vector<1x16xf32>,
    %swap3A_2332 = arith.constant 6 : i32
    %swap3A_2333 = arith.index_cast %swap3A_2332 : i32 to index
    %swap3A_2334 = arith.constant 64 : index
    %swap3A_2335 = tpu.vector_load %arg6[%swap3A_2333, %swap3A_2334] {strides = array<i32>} : memref<8x384xf32, #tpu.memory_space<vmem>>, vector<1x16xf32>,
    %swap3A_2336 = vector.shape_cast %swap3A_2335 : vector<1x16xf32> to vector<16xf32>
    %swap3A_2337 = vector.shape_cast %get3A_1348 : vector<16xf32> to vector<1x16xf32>
    tpu.vector_store %arg6[%swap3A_2333, %swap3A_2334], %swap3A_2337 {strides = array<i32>} : memref<8x384xf32, #tpu.memory_space<vmem>>, vector<1x16xf32>,
    %swap3A_2338 = arith.constant 6 : i32
    %swap3A_2339 = arith.index_cast %swap3A_2338 : i32 to index
    %swap3A_2340 = arith.constant 80 : index
    %swap3A_2341 = tpu.vector_load %arg6[%swap3A_2339, %swap3A_2340] {strides = array<i32>} : memref<8x384xf32, #tpu.memory_space<vmem>>, vector<1x16xf32>,
    %swap3A_2342 = vector.shape_cast %swap3A_2341 : vector<1x16xf32> to vector<16xf32>
    %swap3A_2343 = vector.shape_cast %get3A_1353 : vector<16xf32> to vector<1x16xf32>
    tpu.vector_store %arg6[%swap3A_2339, %swap3A_2340], %swap3A_2343 {strides = array<i32>} : memref<8x384xf32, #tpu.memory_space<vmem>>, vector<1x16xf32>,
    %swap3A_2344 = arith.constant 6 : i32
    %swap3A_2345 = arith.index_cast %swap3A_2344 : i32 to index
    %swap3A_2346 = arith.constant 96 : index
    %swap3A_2347 = tpu.vector_load %arg6[%swap3A_2345, %swap3A_2346] {strides = array<i32>} : memref<8x384xf32, #tpu.memory_space<vmem>>, vector<1x16xf32>,
    %swap3A_2348 = vector.shape_cast %swap3A_2347 : vector<1x16xf32> to vector<16xf32>
    %swap3A_2349 = vector.shape_cast %get3A_1358 : vector<16xf32> to vector<1x16xf32>
    tpu.vector_store %arg6[%swap3A_2345, %swap3A_2346], %swap3A_2349 {strides = array<i32>} : memref<8x384xf32, #tpu.memory_space<vmem>>, vector<1x16xf32>,
    %swap3A_2350 = arith.constant 6 : i32
    %swap3A_2351 = arith.index_cast %swap3A_2350 : i32 to index
    %swap3A_2352 = arith.constant 112 : index
    %swap3A_2353 = tpu.vector_load %arg6[%swap3A_2351, %swap3A_2352] {strides = array<i32>} : memref<8x384xf32, #tpu.memory_space<vmem>>, vector<1x16xf32>,
    %swap3A_2354 = vector.shape_cast %swap3A_2353 : vector<1x16xf32> to vector<16xf32>
    %swap3A_2355 = vector.shape_cast %get3A_1363 : vector<16xf32> to vector<1x16xf32>
    tpu.vector_store %arg6[%swap3A_2351, %swap3A_2352], %swap3A_2355 {strides = array<i32>} : memref<8x384xf32, #tpu.memory_space<vmem>>, vector<1x16xf32>,
    %swap3A_2356 = arith.constant 6 : i32
    %swap3A_2357 = arith.index_cast %swap3A_2356 : i32 to index
    %swap3A_2358 = arith.constant 128 : index
    %swap3A_2359 = tpu.vector_load %arg6[%swap3A_2357, %swap3A_2358] {strides = array<i32>} : memref<8x384xf32, #tpu.memory_space<vmem>>, vector<1x16xf32>,
    %swap3A_2360 = vector.shape_cast %swap3A_2359 : vector<1x16xf32> to vector<16xf32>
    %swap3A_2361 = vector.shape_cast %get3A_1368 : vector<16xf32> to vector<1x16xf32>
    tpu.vector_store %arg6[%swap3A_2357, %swap3A_2358], %swap3A_2361 {strides = array<i32>} : memref<8x384xf32, #tpu.memory_space<vmem>>, vector<1x16xf32>,
    %swap3A_2362 = arith.constant 6 : i32
    %swap3A_2363 = arith.index_cast %swap3A_2362 : i32 to index
    %swap3A_2364 = arith.constant 144 : index
    %swap3A_2365 = tpu.vector_load %arg6[%swap3A_2363, %swap3A_2364] {strides = array<i32>} : memref<8x384xf32, #tpu.memory_space<vmem>>, vector<1x16xf32>,
    %swap3A_2366 = vector.shape_cast %swap3A_2365 : vector<1x16xf32> to vector<16xf32>
    %swap3A_2367 = vector.shape_cast %get3A_1373 : vector<16xf32> to vector<1x16xf32>
    tpu.vector_store %arg6[%swap3A_2363, %swap3A_2364], %swap3A_2367 {strides = array<i32>} : memref<8x384xf32, #tpu.memory_space<vmem>>, vector<1x16xf32>,
    %swap3A_2368 = arith.constant 6 : i32
    %swap3A_2369 = arith.index_cast %swap3A_2368 : i32 to index
    %swap3A_2370 = arith.constant 160 : index
    %swap3A_2371 = tpu.vector_load %arg6[%swap3A_2369, %swap3A_2370] {strides = array<i32>} : memref<8x384xf32, #tpu.memory_space<vmem>>, vector<1x16xf32>,
    %swap3A_2372 = vector.shape_cast %swap3A_2371 : vector<1x16xf32> to vector<16xf32>
    %swap3A_2373 = vector.shape_cast %get3A_1378 : vector<16xf32> to vector<1x16xf32>
    tpu.vector_store %arg6[%swap3A_2369, %swap3A_2370], %swap3A_2373 {strides = array<i32>} : memref<8x384xf32, #tpu.memory_space<vmem>>, vector<1x16xf32>,
    %swap3A_2374 = arith.constant 6 : i32
    %swap3A_2375 = arith.index_cast %swap3A_2374 : i32 to index
    %swap3A_2376 = arith.constant 176 : index
    %swap3A_2377 = tpu.vector_load %arg6[%swap3A_2375, %swap3A_2376] {strides = array<i32>} : memref<8x384xf32, #tpu.memory_space<vmem>>, vector<1x16xf32>,
    %swap3A_2378 = vector.shape_cast %swap3A_2377 : vector<1x16xf32> to vector<16xf32>
    %swap3A_2379 = vector.shape_cast %get3A_1383 : vector<16xf32> to vector<1x16xf32>
    tpu.vector_store %arg6[%swap3A_2375, %swap3A_2376], %swap3A_2379 {strides = array<i32>} : memref<8x384xf32, #tpu.memory_space<vmem>>, vector<1x16xf32>,
    %swap3A_2380 = arith.constant 6 : i32
    %swap3A_2381 = arith.index_cast %swap3A_2380 : i32 to index
    %swap3A_2382 = arith.constant 192 : index
    %swap3A_2383 = tpu.vector_load %arg6[%swap3A_2381, %swap3A_2382] {strides = array<i32>} : memref<8x384xf32, #tpu.memory_space<vmem>>, vector<1x16xf32>,
    %swap3A_2384 = vector.shape_cast %swap3A_2383 : vector<1x16xf32> to vector<16xf32>
    %swap3A_2385 = vector.shape_cast %get3A_1388 : vector<16xf32> to vector<1x16xf32>
    tpu.vector_store %arg6[%swap3A_2381, %swap3A_2382], %swap3A_2385 {strides = array<i32>} : memref<8x384xf32, #tpu.memory_space<vmem>>, vector<1x16xf32>,
    %swap3A_2386 = arith.constant 6 : i32
    %swap3A_2387 = arith.index_cast %swap3A_2386 : i32 to index
    %swap3A_2388 = arith.constant 208 : index
    %swap3A_2389 = tpu.vector_load %arg6[%swap3A_2387, %swap3A_2388] {strides = array<i32>} : memref<8x384xf32, #tpu.memory_space<vmem>>, vector<1x16xf32>,
    %swap3A_2390 = vector.shape_cast %swap3A_2389 : vector<1x16xf32> to vector<16xf32>
    %swap3A_2391 = vector.shape_cast %get3A_1393 : vector<16xf32> to vector<1x16xf32>
    tpu.vector_store %arg6[%swap3A_2387, %swap3A_2388], %swap3A_2391 {strides = array<i32>} : memref<8x384xf32, #tpu.memory_space<vmem>>, vector<1x16xf32>,
    %swap3A_2392 = arith.constant 6 : i32
    %swap3A_2393 = arith.index_cast %swap3A_2392 : i32 to index
    %swap3A_2394 = arith.constant 224 : index
    %swap3A_2395 = tpu.vector_load %arg6[%swap3A_2393, %swap3A_2394] {strides = array<i32>} : memref<8x384xf32, #tpu.memory_space<vmem>>, vector<1x16xf32>,
    %swap3A_2396 = vector.shape_cast %swap3A_2395 : vector<1x16xf32> to vector<16xf32>
    %swap3A_2397 = vector.shape_cast %get3A_1398 : vector<16xf32> to vector<1x16xf32>
    tpu.vector_store %arg6[%swap3A_2393, %swap3A_2394], %swap3A_2397 {strides = array<i32>} : memref<8x384xf32, #tpu.memory_space<vmem>>, vector<1x16xf32>,
    %swap3A_2398 = arith.constant 6 : i32
    %swap3A_2399 = arith.index_cast %swap3A_2398 : i32 to index
    %swap3A_2400 = arith.constant 240 : index
    %swap3A_2401 = tpu.vector_load %arg6[%swap3A_2399, %swap3A_2400] {strides = array<i32>} : memref<8x384xf32, #tpu.memory_space<vmem>>, vector<1x16xf32>,
    %swap3A_2402 = vector.shape_cast %swap3A_2401 : vector<1x16xf32> to vector<16xf32>
    %swap3A_2403 = vector.shape_cast %get3A_1403 : vector<16xf32> to vector<1x16xf32>
    tpu.vector_store %arg6[%swap3A_2399, %swap3A_2400], %swap3A_2403 {strides = array<i32>} : memref<8x384xf32, #tpu.memory_space<vmem>>, vector<1x16xf32>,
    %swap3A_2404 = arith.constant 6 : i32
    %swap3A_2405 = arith.index_cast %swap3A_2404 : i32 to index
    %swap3A_2406 = arith.constant 256 : index
    %swap3A_2407 = tpu.vector_load %arg6[%swap3A_2405, %swap3A_2406] {strides = array<i32>} : memref<8x384xf32, #tpu.memory_space<vmem>>, vector<1x16xf32>,
    %swap3A_2408 = vector.shape_cast %swap3A_2407 : vector<1x16xf32> to vector<16xf32>
    %swap3A_2409 = vector.shape_cast %get3A_1408 : vector<16xf32> to vector<1x16xf32>
    tpu.vector_store %arg6[%swap3A_2405, %swap3A_2406], %swap3A_2409 {strides = array<i32>} : memref<8x384xf32, #tpu.memory_space<vmem>>, vector<1x16xf32>,
    %swap3A_2410 = arith.constant 6 : i32
    %swap3A_2411 = arith.index_cast %swap3A_2410 : i32 to index
    %swap3A_2412 = arith.constant 272 : index
    %swap3A_2413 = tpu.vector_load %arg6[%swap3A_2411, %swap3A_2412] {strides = array<i32>} : memref<8x384xf32, #tpu.memory_space<vmem>>, vector<1x16xf32>,
    %swap3A_2414 = vector.shape_cast %swap3A_2413 : vector<1x16xf32> to vector<16xf32>
    %swap3A_2415 = vector.shape_cast %get3A_1413 : vector<16xf32> to vector<1x16xf32>
    tpu.vector_store %arg6[%swap3A_2411, %swap3A_2412], %swap3A_2415 {strides = array<i32>} : memref<8x384xf32, #tpu.memory_space<vmem>>, vector<1x16xf32>,
    %swap3A_2416 = arith.constant 6 : i32
    %swap3A_2417 = arith.index_cast %swap3A_2416 : i32 to index
    %swap3A_2418 = arith.constant 288 : index
    %swap3A_2419 = tpu.vector_load %arg6[%swap3A_2417, %swap3A_2418] {strides = array<i32>} : memref<8x384xf32, #tpu.memory_space<vmem>>, vector<1x16xf32>,
    %swap3A_2420 = vector.shape_cast %swap3A_2419 : vector<1x16xf32> to vector<16xf32>
    %swap3A_2421 = vector.shape_cast %get3A_1418 : vector<16xf32> to vector<1x16xf32>
    tpu.vector_store %arg6[%swap3A_2417, %swap3A_2418], %swap3A_2421 {strides = array<i32>} : memref<8x384xf32, #tpu.memory_space<vmem>>, vector<1x16xf32>,
    %swap3A_2422 = arith.constant 6 : i32
    %swap3A_2423 = arith.index_cast %swap3A_2422 : i32 to index
    %swap3A_2424 = arith.constant 304 : index
    %swap3A_2425 = tpu.vector_load %arg6[%swap3A_2423, %swap3A_2424] {strides = array<i32>} : memref<8x384xf32, #tpu.memory_space<vmem>>, vector<1x16xf32>,
    %swap3A_2426 = vector.shape_cast %swap3A_2425 : vector<1x16xf32> to vector<16xf32>
    %swap3A_2427 = vector.shape_cast %get3A_1423 : vector<16xf32> to vector<1x16xf32>
    tpu.vector_store %arg6[%swap3A_2423, %swap3A_2424], %swap3A_2427 {strides = array<i32>} : memref<8x384xf32, #tpu.memory_space<vmem>>, vector<1x16xf32>,
    %swap3A_2428 = arith.constant 6 : i32
    %swap3A_2429 = arith.index_cast %swap3A_2428 : i32 to index
    %swap3A_2430 = arith.constant 320 : index
    %swap3A_2431 = tpu.vector_load %arg6[%swap3A_2429, %swap3A_2430] {strides = array<i32>} : memref<8x384xf32, #tpu.memory_space<vmem>>, vector<1x16xf32>,
    %swap3A_2432 = vector.shape_cast %swap3A_2431 : vector<1x16xf32> to vector<16xf32>
    %swap3A_2433 = vector.shape_cast %get3A_1428 : vector<16xf32> to vector<1x16xf32>
    tpu.vector_store %arg6[%swap3A_2429, %swap3A_2430], %swap3A_2433 {strides = array<i32>} : memref<8x384xf32, #tpu.memory_space<vmem>>, vector<1x16xf32>,
    %swap3A_2434 = arith.constant 6 : i32
    %swap3A_2435 = arith.index_cast %swap3A_2434 : i32 to index
    %swap3A_2436 = arith.constant 336 : index
    %swap3A_2437 = tpu.vector_load %arg6[%swap3A_2435, %swap3A_2436] {strides = array<i32>} : memref<8x384xf32, #tpu.memory_space<vmem>>, vector<1x16xf32>,
    %swap3A_2438 = vector.shape_cast %swap3A_2437 : vector<1x16xf32> to vector<16xf32>
    %swap3A_2439 = vector.shape_cast %get3A_1433 : vector<16xf32> to vector<1x16xf32>
    tpu.vector_store %arg6[%swap3A_2435, %swap3A_2436], %swap3A_2439 {strides = array<i32>} : memref<8x384xf32, #tpu.memory_space<vmem>>, vector<1x16xf32>,
    %swap3A_2440 = arith.constant 6 : i32
    %swap3A_2441 = arith.index_cast %swap3A_2440 : i32 to index
    %swap3A_2442 = arith.constant 352 : index
    %swap3A_2443 = tpu.vector_load %arg6[%swap3A_2441, %swap3A_2442] {strides = array<i32>} : memref<8x384xf32, #tpu.memory_space<vmem>>, vector<1x16xf32>,
    %swap3A_2444 = vector.shape_cast %swap3A_2443 : vector<1x16xf32> to vector<16xf32>
    %swap3A_2445 = vector.shape_cast %get3A_1438 : vector<16xf32> to vector<1x16xf32>
    tpu.vector_store %arg6[%swap3A_2441, %swap3A_2442], %swap3A_2445 {strides = array<i32>} : memref<8x384xf32, #tpu.memory_space<vmem>>, vector<1x16xf32>,
    %swap3A_2446 = arith.constant 6 : i32
    %swap3A_2447 = arith.index_cast %swap3A_2446 : i32 to index
    %swap3A_2448 = arith.constant 368 : index
    %swap3A_2449 = tpu.vector_load %arg6[%swap3A_2447, %swap3A_2448] {strides = array<i32>} : memref<8x384xf32, #tpu.memory_space<vmem>>, vector<1x16xf32>,
    %swap3A_2450 = vector.shape_cast %swap3A_2449 : vector<1x16xf32> to vector<16xf32>
    %swap3A_2451 = vector.shape_cast %get3A_1443 : vector<16xf32> to vector<1x16xf32>
    tpu.vector_store %arg6[%swap3A_2447, %swap3A_2448], %swap3A_2451 {strides = array<i32>} : memref<8x384xf32, #tpu.memory_space<vmem>>, vector<1x16xf32>,
    %swap3A_2452 = arith.constant 7 : i32
    %swap3A_2453 = arith.index_cast %swap3A_2452 : i32 to index
    %swap3A_2454 = arith.constant 0 : index
    %swap3A_2455 = tpu.vector_load %arg6[%swap3A_2453, %swap3A_2454] {strides = array<i32>} : memref<8x384xf32, #tpu.memory_space<vmem>>, vector<1x16xf32>,
    %swap3A_2456 = vector.shape_cast %swap3A_2455 : vector<1x16xf32> to vector<16xf32>
    %swap3A_2457 = vector.shape_cast %get3A_1328 : vector<16xf32> to vector<1x16xf32>
    tpu.vector_store %arg6[%swap3A_2453, %swap3A_2454], %swap3A_2457 {strides = array<i32>} : memref<8x384xf32, #tpu.memory_space<vmem>>, vector<1x16xf32>,
    %swap3A_2458 = arith.constant 7 : i32
    %swap3A_2459 = arith.index_cast %swap3A_2458 : i32 to index
    %swap3A_2460 = arith.constant 16 : index
    %swap3A_2461 = tpu.vector_load %arg6[%swap3A_2459, %swap3A_2460] {strides = array<i32>} : memref<8x384xf32, #tpu.memory_space<vmem>>, vector<1x16xf32>,
    %swap3A_2462 = vector.shape_cast %swap3A_2461 : vector<1x16xf32> to vector<16xf32>
    %swap3A_2463 = vector.shape_cast %get3A_1333 : vector<16xf32> to vector<1x16xf32>
    tpu.vector_store %arg6[%swap3A_2459, %swap3A_2460], %swap3A_2463 {strides = array<i32>} : memref<8x384xf32, #tpu.memory_space<vmem>>, vector<1x16xf32>,
    %swap3A_2464 = arith.constant 7 : i32
    %swap3A_2465 = arith.index_cast %swap3A_2464 : i32 to index
    %swap3A_2466 = arith.constant 32 : index
    %swap3A_2467 = tpu.vector_load %arg6[%swap3A_2465, %swap3A_2466] {strides = array<i32>} : memref<8x384xf32, #tpu.memory_space<vmem>>, vector<1x16xf32>,
    %swap3A_2468 = vector.shape_cast %swap3A_2467 : vector<1x16xf32> to vector<16xf32>
    %swap3A_2469 = vector.shape_cast %get3A_1338 : vector<16xf32> to vector<1x16xf32>
    tpu.vector_store %arg6[%swap3A_2465, %swap3A_2466], %swap3A_2469 {strides = array<i32>} : memref<8x384xf32, #tpu.memory_space<vmem>>, vector<1x16xf32>,
    %swap3A_2470 = arith.constant 7 : i32
    %swap3A_2471 = arith.index_cast %swap3A_2470 : i32 to index
    %swap3A_2472 = arith.constant 48 : index
    %swap3A_2473 = tpu.vector_load %arg6[%swap3A_2471, %swap3A_2472] {strides = array<i32>} : memref<8x384xf32, #tpu.memory_space<vmem>>, vector<1x16xf32>,
    %swap3A_2474 = vector.shape_cast %swap3A_2473 : vector<1x16xf32> to vector<16xf32>
    %swap3A_2475 = vector.shape_cast %get3A_1343 : vector<16xf32> to vector<1x16xf32>
    tpu.vector_store %arg6[%swap3A_2471, %swap3A_2472], %swap3A_2475 {strides = array<i32>} : memref<8x384xf32, #tpu.memory_space<vmem>>, vector<1x16xf32>,
    %swap3A_2476 = arith.constant 7 : i32
    %swap3A_2477 = arith.index_cast %swap3A_2476 : i32 to index
    %swap3A_2478 = arith.constant 64 : index
    %swap3A_2479 = tpu.vector_load %arg6[%swap3A_2477, %swap3A_2478] {strides = array<i32>} : memref<8x384xf32, #tpu.memory_space<vmem>>, vector<1x16xf32>,
    %swap3A_2480 = vector.shape_cast %swap3A_2479 : vector<1x16xf32> to vector<16xf32>
    %swap3A_2481 = vector.shape_cast %get3A_1348 : vector<16xf32> to vector<1x16xf32>
    tpu.vector_store %arg6[%swap3A_2477, %swap3A_2478], %swap3A_2481 {strides = array<i32>} : memref<8x384xf32, #tpu.memory_space<vmem>>, vector<1x16xf32>,
    %swap3A_2482 = arith.constant 7 : i32
    %swap3A_2483 = arith.index_cast %swap3A_2482 : i32 to index
    %swap3A_2484 = arith.constant 80 : index
    %swap3A_2485 = tpu.vector_load %arg6[%swap3A_2483, %swap3A_2484] {strides = array<i32>} : memref<8x384xf32, #tpu.memory_space<vmem>>, vector<1x16xf32>,
    %swap3A_2486 = vector.shape_cast %swap3A_2485 : vector<1x16xf32> to vector<16xf32>
    %swap3A_2487 = vector.shape_cast %get3A_1353 : vector<16xf32> to vector<1x16xf32>
    tpu.vector_store %arg6[%swap3A_2483, %swap3A_2484], %swap3A_2487 {strides = array<i32>} : memref<8x384xf32, #tpu.memory_space<vmem>>, vector<1x16xf32>,
    %swap3A_2488 = arith.constant 7 : i32
    %swap3A_2489 = arith.index_cast %swap3A_2488 : i32 to index
    %swap3A_2490 = arith.constant 96 : index
    %swap3A_2491 = tpu.vector_load %arg6[%swap3A_2489, %swap3A_2490] {strides = array<i32>} : memref<8x384xf32, #tpu.memory_space<vmem>>, vector<1x16xf32>,
    %swap3A_2492 = vector.shape_cast %swap3A_2491 : vector<1x16xf32> to vector<16xf32>
    %swap3A_2493 = vector.shape_cast %get3A_1358 : vector<16xf32> to vector<1x16xf32>
    tpu.vector_store %arg6[%swap3A_2489, %swap3A_2490], %swap3A_2493 {strides = array<i32>} : memref<8x384xf32, #tpu.memory_space<vmem>>, vector<1x16xf32>,
    %swap3A_2494 = arith.constant 7 : i32
    %swap3A_2495 = arith.index_cast %swap3A_2494 : i32 to index
    %swap3A_2496 = arith.constant 112 : index
    %swap3A_2497 = tpu.vector_load %arg6[%swap3A_2495, %swap3A_2496] {strides = array<i32>} : memref<8x384xf32, #tpu.memory_space<vmem>>, vector<1x16xf32>,
    %swap3A_2498 = vector.shape_cast %swap3A_2497 : vector<1x16xf32> to vector<16xf32>
    %swap3A_2499 = vector.shape_cast %get3A_1363 : vector<16xf32> to vector<1x16xf32>
    tpu.vector_store %arg6[%swap3A_2495, %swap3A_2496], %swap3A_2499 {strides = array<i32>} : memref<8x384xf32, #tpu.memory_space<vmem>>, vector<1x16xf32>,
    %swap3A_2500 = arith.constant 7 : i32
    %swap3A_2501 = arith.index_cast %swap3A_2500 : i32 to index
    %swap3A_2502 = arith.constant 128 : index
    %swap3A_2503 = tpu.vector_load %arg6[%swap3A_2501, %swap3A_2502] {strides = array<i32>} : memref<8x384xf32, #tpu.memory_space<vmem>>, vector<1x16xf32>,
    %swap3A_2504 = vector.shape_cast %swap3A_2503 : vector<1x16xf32> to vector<16xf32>
    %swap3A_2505 = vector.shape_cast %get3A_1368 : vector<16xf32> to vector<1x16xf32>
    tpu.vector_store %arg6[%swap3A_2501, %swap3A_2502], %swap3A_2505 {strides = array<i32>} : memref<8x384xf32, #tpu.memory_space<vmem>>, vector<1x16xf32>,
    %swap3A_2506 = arith.constant 7 : i32
    %swap3A_2507 = arith.index_cast %swap3A_2506 : i32 to index
    %swap3A_2508 = arith.constant 144 : index
    %swap3A_2509 = tpu.vector_load %arg6[%swap3A_2507, %swap3A_2508] {strides = array<i32>} : memref<8x384xf32, #tpu.memory_space<vmem>>, vector<1x16xf32>,
    %swap3A_2510 = vector.shape_cast %swap3A_2509 : vector<1x16xf32> to vector<16xf32>
    %swap3A_2511 = vector.shape_cast %get3A_1373 : vector<16xf32> to vector<1x16xf32>
    tpu.vector_store %arg6[%swap3A_2507, %swap3A_2508], %swap3A_2511 {strides = array<i32>} : memref<8x384xf32, #tpu.memory_space<vmem>>, vector<1x16xf32>,
    %swap3A_2512 = arith.constant 7 : i32
    %swap3A_2513 = arith.index_cast %swap3A_2512 : i32 to index
    %swap3A_2514 = arith.constant 160 : index
    %swap3A_2515 = tpu.vector_load %arg6[%swap3A_2513, %swap3A_2514] {strides = array<i32>} : memref<8x384xf32, #tpu.memory_space<vmem>>, vector<1x16xf32>,
    %swap3A_2516 = vector.shape_cast %swap3A_2515 : vector<1x16xf32> to vector<16xf32>
    %swap3A_2517 = vector.shape_cast %get3A_1378 : vector<16xf32> to vector<1x16xf32>
    tpu.vector_store %arg6[%swap3A_2513, %swap3A_2514], %swap3A_2517 {strides = array<i32>} : memref<8x384xf32, #tpu.memory_space<vmem>>, vector<1x16xf32>,
    %swap3A_2518 = arith.constant 7 : i32
    %swap3A_2519 = arith.index_cast %swap3A_2518 : i32 to index
    %swap3A_2520 = arith.constant 176 : index
    %swap3A_2521 = tpu.vector_load %arg6[%swap3A_2519, %swap3A_2520] {strides = array<i32>} : memref<8x384xf32, #tpu.memory_space<vmem>>, vector<1x16xf32>,
    %swap3A_2522 = vector.shape_cast %swap3A_2521 : vector<1x16xf32> to vector<16xf32>
    %swap3A_2523 = vector.shape_cast %get3A_1383 : vector<16xf32> to vector<1x16xf32>
    tpu.vector_store %arg6[%swap3A_2519, %swap3A_2520], %swap3A_2523 {strides = array<i32>} : memref<8x384xf32, #tpu.memory_space<vmem>>, vector<1x16xf32>,
    %swap3A_2524 = arith.constant 7 : i32
    %swap3A_2525 = arith.index_cast %swap3A_2524 : i32 to index
    %swap3A_2526 = arith.constant 192 : index
    %swap3A_2527 = tpu.vector_load %arg6[%swap3A_2525, %swap3A_2526] {strides = array<i32>} : memref<8x384xf32, #tpu.memory_space<vmem>>, vector<1x16xf32>,
    %swap3A_2528 = vector.shape_cast %swap3A_2527 : vector<1x16xf32> to vector<16xf32>
    %swap3A_2529 = vector.shape_cast %get3A_1388 : vector<16xf32> to vector<1x16xf32>
    tpu.vector_store %arg6[%swap3A_2525, %swap3A_2526], %swap3A_2529 {strides = array<i32>} : memref<8x384xf32, #tpu.memory_space<vmem>>, vector<1x16xf32>,
    %swap3A_2530 = arith.constant 7 : i32
    %swap3A_2531 = arith.index_cast %swap3A_2530 : i32 to index
    %swap3A_2532 = arith.constant 208 : index
    %swap3A_2533 = tpu.vector_load %arg6[%swap3A_2531, %swap3A_2532] {strides = array<i32>} : memref<8x384xf32, #tpu.memory_space<vmem>>, vector<1x16xf32>,
    %swap3A_2534 = vector.shape_cast %swap3A_2533 : vector<1x16xf32> to vector<16xf32>
    %swap3A_2535 = vector.shape_cast %get3A_1393 : vector<16xf32> to vector<1x16xf32>
    tpu.vector_store %arg6[%swap3A_2531, %swap3A_2532], %swap3A_2535 {strides = array<i32>} : memref<8x384xf32, #tpu.memory_space<vmem>>, vector<1x16xf32>,
    %swap3A_2536 = arith.constant 7 : i32
    %swap3A_2537 = arith.index_cast %swap3A_2536 : i32 to index
    %swap3A_2538 = arith.constant 224 : index
    %swap3A_2539 = tpu.vector_load %arg6[%swap3A_2537, %swap3A_2538] {strides = array<i32>} : memref<8x384xf32, #tpu.memory_space<vmem>>, vector<1x16xf32>,
    %swap3A_2540 = vector.shape_cast %swap3A_2539 : vector<1x16xf32> to vector<16xf32>
    %swap3A_2541 = vector.shape_cast %get3A_1398 : vector<16xf32> to vector<1x16xf32>
    tpu.vector_store %arg6[%swap3A_2537, %swap3A_2538], %swap3A_2541 {strides = array<i32>} : memref<8x384xf32, #tpu.memory_space<vmem>>, vector<1x16xf32>,
    %swap3A_2542 = arith.constant 7 : i32
    %swap3A_2543 = arith.index_cast %swap3A_2542 : i32 to index
    %swap3A_2544 = arith.constant 240 : index
    %swap3A_2545 = tpu.vector_load %arg6[%swap3A_2543, %swap3A_2544] {strides = array<i32>} : memref<8x384xf32, #tpu.memory_space<vmem>>, vector<1x16xf32>,
    %swap3A_2546 = vector.shape_cast %swap3A_2545 : vector<1x16xf32> to vector<16xf32>
    %swap3A_2547 = vector.shape_cast %get3A_1403 : vector<16xf32> to vector<1x16xf32>
    tpu.vector_store %arg6[%swap3A_2543, %swap3A_2544], %swap3A_2547 {strides = array<i32>} : memref<8x384xf32, #tpu.memory_space<vmem>>, vector<1x16xf32>,
    %swap3A_2548 = arith.constant 7 : i32
    %swap3A_2549 = arith.index_cast %swap3A_2548 : i32 to index
    %swap3A_2550 = arith.constant 256 : index
    %swap3A_2551 = tpu.vector_load %arg6[%swap3A_2549, %swap3A_2550] {strides = array<i32>} : memref<8x384xf32, #tpu.memory_space<vmem>>, vector<1x16xf32>,
    %swap3A_2552 = vector.shape_cast %swap3A_2551 : vector<1x16xf32> to vector<16xf32>
    %swap3A_2553 = vector.shape_cast %get3A_1408 : vector<16xf32> to vector<1x16xf32>
    tpu.vector_store %arg6[%swap3A_2549, %swap3A_2550], %swap3A_2553 {strides = array<i32>} : memref<8x384xf32, #tpu.memory_space<vmem>>, vector<1x16xf32>,
    %swap3A_2554 = arith.constant 7 : i32
    %swap3A_2555 = arith.index_cast %swap3A_2554 : i32 to index
    %swap3A_2556 = arith.constant 272 : index
    %swap3A_2557 = tpu.vector_load %arg6[%swap3A_2555, %swap3A_2556] {strides = array<i32>} : memref<8x384xf32, #tpu.memory_space<vmem>>, vector<1x16xf32>,
    %swap3A_2558 = vector.shape_cast %swap3A_2557 : vector<1x16xf32> to vector<16xf32>
    %swap3A_2559 = vector.shape_cast %get3A_1413 : vector<16xf32> to vector<1x16xf32>
    tpu.vector_store %arg6[%swap3A_2555, %swap3A_2556], %swap3A_2559 {strides = array<i32>} : memref<8x384xf32, #tpu.memory_space<vmem>>, vector<1x16xf32>,
    %swap3A_2560 = arith.constant 7 : i32
    %swap3A_2561 = arith.index_cast %swap3A_2560 : i32 to index
    %swap3A_2562 = arith.constant 288 : index
    %swap3A_2563 = tpu.vector_load %arg6[%swap3A_2561, %swap3A_2562] {strides = array<i32>} : memref<8x384xf32, #tpu.memory_space<vmem>>, vector<1x16xf32>,
    %swap3A_2564 = vector.shape_cast %swap3A_2563 : vector<1x16xf32> to vector<16xf32>
    %swap3A_2565 = vector.shape_cast %get3A_1418 : vector<16xf32> to vector<1x16xf32>
    tpu.vector_store %arg6[%swap3A_2561, %swap3A_2562], %swap3A_2565 {strides = array<i32>} : memref<8x384xf32, #tpu.memory_space<vmem>>, vector<1x16xf32>,
    %swap3A_2566 = arith.constant 7 : i32
    %swap3A_2567 = arith.index_cast %swap3A_2566 : i32 to index
    %swap3A_2568 = arith.constant 304 : index
    %swap3A_2569 = tpu.vector_load %arg6[%swap3A_2567, %swap3A_2568] {strides = array<i32>} : memref<8x384xf32, #tpu.memory_space<vmem>>, vector<1x16xf32>,
    %swap3A_2570 = vector.shape_cast %swap3A_2569 : vector<1x16xf32> to vector<16xf32>
    %swap3A_2571 = vector.shape_cast %get3A_1423 : vector<16xf32> to vector<1x16xf32>
    tpu.vector_store %arg6[%swap3A_2567, %swap3A_2568], %swap3A_2571 {strides = array<i32>} : memref<8x384xf32, #tpu.memory_space<vmem>>, vector<1x16xf32>,
    %swap3A_2572 = arith.constant 7 : i32
    %swap3A_2573 = arith.index_cast %swap3A_2572 : i32 to index
    %swap3A_2574 = arith.constant 320 : index
    %swap3A_2575 = tpu.vector_load %arg6[%swap3A_2573, %swap3A_2574] {strides = array<i32>} : memref<8x384xf32, #tpu.memory_space<vmem>>, vector<1x16xf32>,
    %swap3A_2576 = vector.shape_cast %swap3A_2575 : vector<1x16xf32> to vector<16xf32>
    %swap3A_2577 = vector.shape_cast %get3A_1428 : vector<16xf32> to vector<1x16xf32>
    tpu.vector_store %arg6[%swap3A_2573, %swap3A_2574], %swap3A_2577 {strides = array<i32>} : memref<8x384xf32, #tpu.memory_space<vmem>>, vector<1x16xf32>,
    %swap3A_2578 = arith.constant 7 : i32
    %swap3A_2579 = arith.index_cast %swap3A_2578 : i32 to index
    %swap3A_2580 = arith.constant 336 : index
    %swap3A_2581 = tpu.vector_load %arg6[%swap3A_2579, %swap3A_2580] {strides = array<i32>} : memref<8x384xf32, #tpu.memory_space<vmem>>, vector<1x16xf32>,
    %swap3A_2582 = vector.shape_cast %swap3A_2581 : vector<1x16xf32> to vector<16xf32>
    %swap3A_2583 = vector.shape_cast %get3A_1433 : vector<16xf32> to vector<1x16xf32>
    tpu.vector_store %arg6[%swap3A_2579, %swap3A_2580], %swap3A_2583 {strides = array<i32>} : memref<8x384xf32, #tpu.memory_space<vmem>>, vector<1x16xf32>,
    %swap3A_2584 = arith.constant 7 : i32
    %swap3A_2585 = arith.index_cast %swap3A_2584 : i32 to index
    %swap3A_2586 = arith.constant 352 : index
    %swap3A_2587 = tpu.vector_load %arg6[%swap3A_2585, %swap3A_2586] {strides = array<i32>} : memref<8x384xf32, #tpu.memory_space<vmem>>, vector<1x16xf32>,
    %swap3A_2588 = vector.shape_cast %swap3A_2587 : vector<1x16xf32> to vector<16xf32>
    %swap3A_2589 = vector.shape_cast %get3A_1438 : vector<16xf32> to vector<1x16xf32>
    tpu.vector_store %arg6[%swap3A_2585, %swap3A_2586], %swap3A_2589 {strides = array<i32>} : memref<8x384xf32, #tpu.memory_space<vmem>>, vector<1x16xf32>,
    %swap3A_2590 = arith.constant 7 : i32
    %swap3A_2591 = arith.index_cast %swap3A_2590 : i32 to index
    %swap3A_2592 = arith.constant 368 : index
    %swap3A_2593 = tpu.vector_load %arg6[%swap3A_2591, %swap3A_2592] {strides = array<i32>} : memref<8x384xf32, #tpu.memory_space<vmem>>, vector<1x16xf32>,
    %swap3A_2594 = vector.shape_cast %swap3A_2593 : vector<1x16xf32> to vector<16xf32>
    %swap3A_2595 = vector.shape_cast %get3A_1443 : vector<16xf32> to vector<1x16xf32>
    tpu.vector_store %arg6[%swap3A_2591, %swap3A_2592], %swap3A_2595 {strides = array<i32>} : memref<8x384xf32, #tpu.memory_space<vmem>>, vector<1x16xf32>,
    %add3A_2596 = arith.constant 1 : i32
    %add3A_2597 = arith.addi %mul3A_2, %add3A_2596 : i32
    %mul3A_2598 = arith.constant 64 : i32
    %mul3A_2599 = arith.muli %add3A_2597, %mul3A_2598 : i32
    %add3A_2600 = arith.constant 0 : i32
    %add3A_2601 = arith.addi %mul3A_2599, %add3A_2600 : i32
    %dma_start3A_2602 = arith.constant 0 : i32
    %dma_start3A_2603 = tpu.memref_slice %arg3[%add3A_2601, %dma_start3A_2602] : memref<4096x768xf32, #tpu.memory_space<hbm>> -> memref<8x384xf32, #tpu.memory_space<hbm>>
    %dma_start3A_2604 = arith.constant 0 : i32
    %dma_start3A_2605 = tpu.memref_slice %arg3[%add3A_2601, %dma_start3A_2604] : memref<4096x768xf32, #tpu.memory_space<hbm>> -> memref<8x384xf32, #tpu.memory_space<hbm>>
    tpu.enqueue_dma source(%arg6 : memref<8x384xf32, #tpu.memory_space<vmem>>) target(%dma_start3A_2605 : memref<8x384xf32, #tpu.memory_space<hbm>>) target_semaphore(%arg7 : memref<!tpu.dma_semaphore, #tpu.memory_space<semaphore_mem>>)
    %add3A_2606 = arith.constant 8 : i32
    %add3A_2607 = arith.addi %mul3A_2599, %add3A_2606 : i32
    %dma_start3A_2608 = arith.constant 0 : i32
    %dma_start3A_2609 = tpu.memref_slice %arg3[%add3A_2607, %dma_start3A_2608] : memref<4096x768xf32, #tpu.memory_space<hbm>> -> memref<8x384xf32, #tpu.memory_space<hbm>>
    %dma_start3A_2610 = arith.constant 0 : i32
    %dma_start3A_2611 = tpu.memref_slice %arg3[%add3A_2607, %dma_start3A_2610] : memref<4096x768xf32, #tpu.memory_space<hbm>> -> memref<8x384xf32, #tpu.memory_space<hbm>>
    tpu.enqueue_dma source(%arg6 : memref<8x384xf32, #tpu.memory_space<vmem>>) target(%dma_start3A_2611 : memref<8x384xf32, #tpu.memory_space<hbm>>) target_semaphore(%arg7 : memref<!tpu.dma_semaphore, #tpu.memory_space<semaphore_mem>>)
    %add3A_2612 = arith.constant 16 : i32
    %add3A_2613 = arith.addi %mul3A_2599, %add3A_2612 : i32
    %dma_start3A_2614 = arith.constant 0 : i32
    %dma_start3A_2615 = tpu.memref_slice %arg3[%add3A_2613, %dma_start3A_2614] : memref<4096x768xf32, #tpu.memory_space<hbm>> -> memref<8x384xf32, #tpu.memory_space<hbm>>
    %dma_start3A_2616 = arith.constant 0 : i32
    %dma_start3A_2617 = tpu.memref_slice %arg3[%add3A_2613, %dma_start3A_2616] : memref<4096x768xf32, #tpu.memory_space<hbm>> -> memref<8x384xf32, #tpu.memory_space<hbm>>
    tpu.enqueue_dma source(%arg6 : memref<8x384xf32, #tpu.memory_space<vmem>>) target(%dma_start3A_2617 : memref<8x384xf32, #tpu.memory_space<hbm>>) target_semaphore(%arg7 : memref<!tpu.dma_semaphore, #tpu.memory_space<semaphore_mem>>)
    %add3A_2618 = arith.constant 24 : i32
    %add3A_2619 = arith.addi %mul3A_2599, %add3A_2618 : i32
    %dma_start3A_2620 = arith.constant 0 : i32
    %dma_start3A_2621 = tpu.memref_slice %arg3[%add3A_2619, %dma_start3A_2620] : memref<4096x768xf32, #tpu.memory_space<hbm>> -> memref<8x384xf32, #tpu.memory_space<hbm>>
    %dma_start3A_2622 = arith.constant 0 : i32
    %dma_start3A_2623 = tpu.memref_slice %arg3[%add3A_2619, %dma_start3A_2622] : memref<4096x768xf32, #tpu.memory_space<hbm>> -> memref<8x384xf32, #tpu.memory_space<hbm>>
    tpu.enqueue_dma source(%arg6 : memref<8x384xf32, #tpu.memory_space<vmem>>) target(%dma_start3A_2623 : memref<8x384xf32, #tpu.memory_space<hbm>>) target_semaphore(%arg7 : memref<!tpu.dma_semaphore, #tpu.memory_space<semaphore_mem>>)
    %add3A_2624 = arith.constant 32 : i32
    %add3A_2625 = arith.addi %mul3A_2599, %add3A_2624 : i32
    %dma_start3A_2626 = arith.constant 0 : i32
    %dma_start3A_2627 = tpu.memref_slice %arg3[%add3A_2625, %dma_start3A_2626] : memref<4096x768xf32, #tpu.memory_space<hbm>> -> memref<8x384xf32, #tpu.memory_space<hbm>>
    %dma_start3A_2628 = arith.constant 0 : i32
    %dma_start3A_2629 = tpu.memref_slice %arg3[%add3A_2625, %dma_start3A_2628] : memref<4096x768xf32, #tpu.memory_space<hbm>> -> memref<8x384xf32, #tpu.memory_space<hbm>>
    tpu.enqueue_dma source(%arg6 : memref<8x384xf32, #tpu.memory_space<vmem>>) target(%dma_start3A_2629 : memref<8x384xf32, #tpu.memory_space<hbm>>) target_semaphore(%arg7 : memref<!tpu.dma_semaphore, #tpu.memory_space<semaphore_mem>>)
    %add3A_2630 = arith.constant 40 : i32
    %add3A_2631 = arith.addi %mul3A_2599, %add3A_2630 : i32
    %dma_start3A_2632 = arith.constant 0 : i32
    %dma_start3A_2633 = tpu.memref_slice %arg3[%add3A_2631, %dma_start3A_2632] : memref<4096x768xf32, #tpu.memory_space<hbm>> -> memref<8x384xf32, #tpu.memory_space<hbm>>
    %dma_start3A_2634 = arith.constant 0 : i32
    %dma_start3A_2635 = tpu.memref_slice %arg3[%add3A_2631, %dma_start3A_2634] : memref<4096x768xf32, #tpu.memory_space<hbm>> -> memref<8x384xf32, #tpu.memory_space<hbm>>
    tpu.enqueue_dma source(%arg6 : memref<8x384xf32, #tpu.memory_space<vmem>>) target(%dma_start3A_2635 : memref<8x384xf32, #tpu.memory_space<hbm>>) target_semaphore(%arg7 : memref<!tpu.dma_semaphore, #tpu.memory_space<semaphore_mem>>)
    %add3A_2636 = arith.constant 48 : i32
    %add3A_2637 = arith.addi %mul3A_2599, %add3A_2636 : i32
    %dma_start3A_2638 = arith.constant 0 : i32
    %dma_start3A_2639 = tpu.memref_slice %arg3[%add3A_2637, %dma_start3A_2638] : memref<4096x768xf32, #tpu.memory_space<hbm>> -> memref<8x384xf32, #tpu.memory_space<hbm>>
    %dma_start3A_2640 = arith.constant 0 : i32
    %dma_start3A_2641 = tpu.memref_slice %arg3[%add3A_2637, %dma_start3A_2640] : memref<4096x768xf32, #tpu.memory_space<hbm>> -> memref<8x384xf32, #tpu.memory_space<hbm>>
    tpu.enqueue_dma source(%arg6 : memref<8x384xf32, #tpu.memory_space<vmem>>) target(%dma_start3A_2641 : memref<8x384xf32, #tpu.memory_space<hbm>>) target_semaphore(%arg7 : memref<!tpu.dma_semaphore, #tpu.memory_space<semaphore_mem>>)
    %add3A_2642 = arith.constant 56 : i32
    %add3A_2643 = arith.addi %mul3A_2599, %add3A_2642 : i32
    %dma_start3A_2644 = arith.constant 0 : i32
    %dma_start3A_2645 = tpu.memref_slice %arg3[%add3A_2643, %dma_start3A_2644] : memref<4096x768xf32, #tpu.memory_space<hbm>> -> memref<8x384xf32, #tpu.memory_space<hbm>>
    %dma_start3A_2646 = arith.constant 0 : i32
    %dma_start3A_2647 = tpu.memref_slice %arg3[%add3A_2643, %dma_start3A_2646] : memref<4096x768xf32, #tpu.memory_space<hbm>> -> memref<8x384xf32, #tpu.memory_space<hbm>>
    tpu.enqueue_dma source(%arg6 : memref<8x384xf32, #tpu.memory_space<vmem>>) target(%dma_start3A_2647 : memref<8x384xf32, #tpu.memory_space<hbm>>) target_semaphore(%arg7 : memref<!tpu.dma_semaphore, #tpu.memory_space<semaphore_mem>>)
    %dma_wait3A = arith.constant 0 : i32
    %dma_wait3A_2648 = tpu.memref_slice %arg3[%add3A_1278, %dma_wait3A] : memref<4096x768xf32, #tpu.memory_space<hbm>> -> memref<8x384xf32, #tpu.memory_space<hbm>>
    %dma_wait3A_2649 = arith.constant 0 : i32
    %dma_wait3A_2650 = tpu.memref_slice %arg3[%add3A_1278, %dma_wait3A_2649] : memref<4096x768xf32, #tpu.memory_space<hbm>> -> memref<8x384xf32, #tpu.memory_space<hbm>>
    tpu.wait_dma2 semaphore(%arg7 : memref<!tpu.dma_semaphore, #tpu.memory_space<semaphore_mem>>) src(%arg5 : memref<8x384xf32, #tpu.memory_space<vmem>>) dst(%dma_wait3A_2650 : memref<8x384xf32, #tpu.memory_space<hbm>>)
    %dma_wait3A_2651 = arith.constant 0 : i32
    %dma_wait3A_2652 = tpu.memref_slice %arg3[%add3A_1283, %dma_wait3A_2651] : memref<4096x768xf32, #tpu.memory_space<hbm>> -> memref<8x384xf32, #tpu.memory_space<hbm>>
    %dma_wait3A_2653 = arith.constant 0 : i32
    %dma_wait3A_2654 = tpu.memref_slice %arg3[%add3A_1283, %dma_wait3A_2653] : memref<4096x768xf32, #tpu.memory_space<hbm>> -> memref<8x384xf32, #tpu.memory_space<hbm>>
    tpu.wait_dma2 semaphore(%arg7 : memref<!tpu.dma_semaphore, #tpu.memory_space<semaphore_mem>>) src(%arg5 : memref<8x384xf32, #tpu.memory_space<vmem>>) dst(%dma_wait3A_2654 : memref<8x384xf32, #tpu.memory_space<hbm>>)
    %dma_wait3A_2655 = arith.constant 0 : i32
    %dma_wait3A_2656 = tpu.memref_slice %arg3[%add3A_1289, %dma_wait3A_2655] : memref<4096x768xf32, #tpu.memory_space<hbm>> -> memref<8x384xf32, #tpu.memory_space<hbm>>
    %dma_wait3A_2657 = arith.constant 0 : i32
    %dma_wait3A_2658 = tpu.memref_slice %arg3[%add3A_1289, %dma_wait3A_2657] : memref<4096x768xf32, #tpu.memory_space<hbm>> -> memref<8x384xf32, #tpu.memory_space<hbm>>
    tpu.wait_dma2 semaphore(%arg7 : memref<!tpu.dma_semaphore, #tpu.memory_space<semaphore_mem>>) src(%arg5 : memref<8x384xf32, #tpu.memory_space<vmem>>) dst(%dma_wait3A_2658 : memref<8x384xf32, #tpu.memory_space<hbm>>)
    %dma_wait3A_2659 = arith.constant 0 : i32
    %dma_wait3A_2660 = tpu.memref_slice %arg3[%add3A_1295, %dma_wait3A_2659] : memref<4096x768xf32, #tpu.memory_space<hbm>> -> memref<8x384xf32, #tpu.memory_space<hbm>>
    %dma_wait3A_2661 = arith.constant 0 : i32
    %dma_wait3A_2662 = tpu.memref_slice %arg3[%add3A_1295, %dma_wait3A_2661] : memref<4096x768xf32, #tpu.memory_space<hbm>> -> memref<8x384xf32, #tpu.memory_space<hbm>>
    tpu.wait_dma2 semaphore(%arg7 : memref<!tpu.dma_semaphore, #tpu.memory_space<semaphore_mem>>) src(%arg5 : memref<8x384xf32, #tpu.memory_space<vmem>>) dst(%dma_wait3A_2662 : memref<8x384xf32, #tpu.memory_space<hbm>>)
    %dma_wait3A_2663 = arith.constant 0 : i32
    %dma_wait3A_2664 = tpu.memref_slice %arg3[%add3A_1301, %dma_wait3A_2663] : memref<4096x768xf32, #tpu.memory_space<hbm>> -> memref<8x384xf32, #tpu.memory_space<hbm>>
    %dma_wait3A_2665 = arith.constant 0 : i32
    %dma_wait3A_2666 = tpu.memref_slice %arg3[%add3A_1301, %dma_wait3A_2665] : memref<4096x768xf32, #tpu.memory_space<hbm>> -> memref<8x384xf32, #tpu.memory_space<hbm>>
    tpu.wait_dma2 semaphore(%arg7 : memref<!tpu.dma_semaphore, #tpu.memory_space<semaphore_mem>>) src(%arg5 : memref<8x384xf32, #tpu.memory_space<vmem>>) dst(%dma_wait3A_2666 : memref<8x384xf32, #tpu.memory_space<hbm>>)
    %dma_wait3A_2667 = arith.constant 0 : i32
    %dma_wait3A_2668 = tpu.memref_slice %arg3[%add3A_1307, %dma_wait3A_2667] : memref<4096x768xf32, #tpu.memory_space<hbm>> -> memref<8x384xf32, #tpu.memory_space<hbm>>
    %dma_wait3A_2669 = arith.constant 0 : i32
    %dma_wait3A_2670 = tpu.memref_slice %arg3[%add3A_1307, %dma_wait3A_2669] : memref<4096x768xf32, #tpu.memory_space<hbm>> -> memref<8x384xf32, #tpu.memory_space<hbm>>
    tpu.wait_dma2 semaphore(%arg7 : memref<!tpu.dma_semaphore, #tpu.memory_space<semaphore_mem>>) src(%arg5 : memref<8x384xf32, #tpu.memory_space<vmem>>) dst(%dma_wait3A_2670 : memref<8x384xf32, #tpu.memory_space<hbm>>)
    %dma_wait3A_2671 = arith.constant 0 : i32
    %dma_wait3A_2672 = tpu.memref_slice %arg3[%add3A_1313, %dma_wait3A_2671] : memref<4096x768xf32, #tpu.memory_space<hbm>> -> memref<8x384xf32, #tpu.memory_space<hbm>>
    %dma_wait3A_2673 = arith.constant 0 : i32
    %dma_wait3A_2674 = tpu.memref_slice %arg3[%add3A_1313, %dma_wait3A_2673] : memref<4096x768xf32, #tpu.memory_space<hbm>> -> memref<8x384xf32, #tpu.memory_space<hbm>>
    tpu.wait_dma2 semaphore(%arg7 : memref<!tpu.dma_semaphore, #tpu.memory_space<semaphore_mem>>) src(%arg5 : memref<8x384xf32, #tpu.memory_space<vmem>>) dst(%dma_wait3A_2674 : memref<8x384xf32, #tpu.memory_space<hbm>>)
    %dma_wait3A_2675 = arith.constant 0 : i32
    %dma_wait3A_2676 = tpu.memref_slice %arg3[%add3A_1319, %dma_wait3A_2675] : memref<4096x768xf32, #tpu.memory_space<hbm>> -> memref<8x384xf32, #tpu.memory_space<hbm>>
    %dma_wait3A_2677 = arith.constant 0 : i32
    %dma_wait3A_2678 = tpu.memref_slice %arg3[%add3A_1319, %dma_wait3A_2677] : memref<4096x768xf32, #tpu.memory_space<hbm>> -> memref<8x384xf32, #tpu.memory_space<hbm>>
    tpu.wait_dma2 semaphore(%arg7 : memref<!tpu.dma_semaphore, #tpu.memory_space<semaphore_mem>>) src(%arg5 : memref<8x384xf32, #tpu.memory_space<vmem>>) dst(%dma_wait3A_2678 : memref<8x384xf32, #tpu.memory_space<hbm>>)
    %dma_wait3A_2679 = arith.constant 0 : i32
    %dma_wait3A_2680 = tpu.memref_slice %arg3[%add3A_2601, %dma_wait3A_2679] : memref<4096x768xf32, #tpu.memory_space<hbm>> -> memref<8x384xf32, #tpu.memory_space<hbm>>
    %dma_wait3A_2681 = arith.constant 0 : i32
    %dma_wait3A_2682 = tpu.memref_slice %arg3[%add3A_2601, %dma_wait3A_2681] : memref<4096x768xf32, #tpu.memory_space<hbm>> -> memref<8x384xf32, #tpu.memory_space<hbm>>
    tpu.wait_dma2 semaphore(%arg7 : memref<!tpu.dma_semaphore, #tpu.memory_space<semaphore_mem>>) src(%arg6 : memref<8x384xf32, #tpu.memory_space<vmem>>) dst(%dma_wait3A_2682 : memref<8x384xf32, #tpu.memory_space<hbm>>)
    %dma_wait3A_2683 = arith.constant 0 : i32
    %dma_wait3A_2684 = tpu.memref_slice %arg3[%add3A_2607, %dma_wait3A_2683] : memref<4096x768xf32, #tpu.memory_space<hbm>> -> memref<8x384xf32, #tpu.memory_space<hbm>>
    %dma_wait3A_2685 = arith.constant 0 : i32
    %dma_wait3A_2686 = tpu.memref_slice %arg3[%add3A_2607, %dma_wait3A_2685] : memref<4096x768xf32, #tpu.memory_space<hbm>> -> memref<8x384xf32, #tpu.memory_space<hbm>>
    tpu.wait_dma2 semaphore(%arg7 : memref<!tpu.dma_semaphore, #tpu.memory_space<semaphore_mem>>) src(%arg6 : memref<8x384xf32, #tpu.memory_space<vmem>>) dst(%dma_wait3A_2686 : memref<8x384xf32, #tpu.memory_space<hbm>>)
    %dma_wait3A_2687 = arith.constant 0 : i32
    %dma_wait3A_2688 = tpu.memref_slice %arg3[%add3A_2613, %dma_wait3A_2687] : memref<4096x768xf32, #tpu.memory_space<hbm>> -> memref<8x384xf32, #tpu.memory_space<hbm>>
    %dma_wait3A_2689 = arith.constant 0 : i32
    %dma_wait3A_2690 = tpu.memref_slice %arg3[%add3A_2613, %dma_wait3A_2689] : memref<4096x768xf32, #tpu.memory_space<hbm>> -> memref<8x384xf32, #tpu.memory_space<hbm>>
    tpu.wait_dma2 semaphore(%arg7 : memref<!tpu.dma_semaphore, #tpu.memory_space<semaphore_mem>>) src(%arg6 : memref<8x384xf32, #tpu.memory_space<vmem>>) dst(%dma_wait3A_2690 : memref<8x384xf32, #tpu.memory_space<hbm>>)
    %dma_wait3A_2691 = arith.constant 0 : i32
    %dma_wait3A_2692 = tpu.memref_slice %arg3[%add3A_2619, %dma_wait3A_2691] : memref<4096x768xf32, #tpu.memory_space<hbm>> -> memref<8x384xf32, #tpu.memory_space<hbm>>
    %dma_wait3A_2693 = arith.constant 0 : i32
    %dma_wait3A_2694 = tpu.memref_slice %arg3[%add3A_2619, %dma_wait3A_2693] : memref<4096x768xf32, #tpu.memory_space<hbm>> -> memref<8x384xf32, #tpu.memory_space<hbm>>
    tpu.wait_dma2 semaphore(%arg7 : memref<!tpu.dma_semaphore, #tpu.memory_space<semaphore_mem>>) src(%arg6 : memref<8x384xf32, #tpu.memory_space<vmem>>) dst(%dma_wait3A_2694 : memref<8x384xf32, #tpu.memory_space<hbm>>)
    %dma_wait3A_2695 = arith.constant 0 : i32
    %dma_wait3A_2696 = tpu.memref_slice %arg3[%add3A_2625, %dma_wait3A_2695] : memref<4096x768xf32, #tpu.memory_space<hbm>> -> memref<8x384xf32, #tpu.memory_space<hbm>>
    %dma_wait3A_2697 = arith.constant 0 : i32
    %dma_wait3A_2698 = tpu.memref_slice %arg3[%add3A_2625, %dma_wait3A_2697] : memref<4096x768xf32, #tpu.memory_space<hbm>> -> memref<8x384xf32, #tpu.memory_space<hbm>>
    tpu.wait_dma2 semaphore(%arg7 : memref<!tpu.dma_semaphore, #tpu.memory_space<semaphore_mem>>) src(%arg6 : memref<8x384xf32, #tpu.memory_space<vmem>>) dst(%dma_wait3A_2698 : memref<8x384xf32, #tpu.memory_space<hbm>>)
    %dma_wait3A_2699 = arith.constant 0 : i32
    %dma_wait3A_2700 = tpu.memref_slice %arg3[%add3A_2631, %dma_wait3A_2699] : memref<4096x768xf32, #tpu.memory_space<hbm>> -> memref<8x384xf32, #tpu.memory_space<hbm>>
    %dma_wait3A_2701 = arith.constant 0 : i32
    %dma_wait3A_2702 = tpu.memref_slice %arg3[%add3A_2631, %dma_wait3A_2701] : memref<4096x768xf32, #tpu.memory_space<hbm>> -> memref<8x384xf32, #tpu.memory_space<hbm>>
    tpu.wait_dma2 semaphore(%arg7 : memref<!tpu.dma_semaphore, #tpu.memory_space<semaphore_mem>>) src(%arg6 : memref<8x384xf32, #tpu.memory_space<vmem>>) dst(%dma_wait3A_2702 : memref<8x384xf32, #tpu.memory_space<hbm>>)
    %dma_wait3A_2703 = arith.constant 0 : i32
    %dma_wait3A_2704 = tpu.memref_slice %arg3[%add3A_2637, %dma_wait3A_2703] : memref<4096x768xf32, #tpu.memory_space<hbm>> -> memref<8x384xf32, #tpu.memory_space<hbm>>
    %dma_wait3A_2705 = arith.constant 0 : i32
    %dma_wait3A_2706 = tpu.memref_slice %arg3[%add3A_2637, %dma_wait3A_2705] : memref<4096x768xf32, #tpu.memory_space<hbm>> -> memref<8x384xf32, #tpu.memory_space<hbm>>
    tpu.wait_dma2 semaphore(%arg7 : memref<!tpu.dma_semaphore, #tpu.memory_space<semaphore_mem>>) src(%arg6 : memref<8x384xf32, #tpu.memory_space<vmem>>) dst(%dma_wait3A_2706 : memref<8x384xf32, #tpu.memory_space<hbm>>)
    %dma_wait3A_2707 = arith.constant 0 : i32
    %dma_wait3A_2708 = tpu.memref_slice %arg3[%add3A_2643, %dma_wait3A_2707] : memref<4096x768xf32, #tpu.memory_space<hbm>> -> memref<8x384xf32, #tpu.memory_space<hbm>>
    %dma_wait3A_2709 = arith.constant 0 : i32
    %dma_wait3A_2710 = tpu.memref_slice %arg3[%add3A_2643, %dma_wait3A_2709] : memref<4096x768xf32, #tpu.memory_space<hbm>> -> memref<8x384xf32, #tpu.memory_space<hbm>>
    tpu.wait_dma2 semaphore(%arg7 : memref<!tpu.dma_semaphore, #tpu.memory_space<semaphore_mem>>) src(%arg6 : memref<8x384xf32, #tpu.memory_space<vmem>>) dst(%dma_wait3A_2710 : memref<8x384xf32, #tpu.memory_space<hbm>>)
    return
  }
}

module attributes {stable_mosaic.version = 14 : i64} {
  func.func @col_half_body(%arg0: i32, %arg1: memref<64x384xf32, #tpu.memory_space<vmem>>, %arg2: memref<4096x768xf32, #tpu.memory_space<any>>, %arg3: memref<2048x384xf32, #tpu.memory_space<vmem>>) attributes {dimension_semantics = [#tpu.dimension_semantics<arbitrary>], iteration_bounds = array<i64: 2>, scalar_prefetch = 0 : i64, scratch_operands = 0 : i64, tpu.core_type = #tpu.core_type<tc>, window_params = [{pipeline_mode = #tpu.pipeline_mode<synchronous>, transform_indices = @transform_0, window_bounds = array<i64: 64, 384>}, {}, {transform_indices = @transform_2, window_bounds = array<i64: 2048, 384>}]} {
    %get3A = arith.constant 0 : index
    %get3A_0 = arith.constant 0 : index
    %get3A_1 = vector.load %arg1[%get3A, %get3A_0] : memref<64x384xf32, #tpu.memory_space<vmem>>, vector<64x384xf32>
    %swap3A = arith.constant 0 : index
    %swap3A_2 = arith.constant 0 : index
    %swap3A_3 = vector.load %arg3[%swap3A, %swap3A_2] : memref<2048x384xf32, #tpu.memory_space<vmem>>, vector<64x384xf32>
    tpu.vector_store %arg3[%swap3A, %swap3A_2], %get3A_1 {strides = array<i32>} : memref<2048x384xf32, #tpu.memory_space<vmem>>, vector<64x384xf32>,
    %get3A_4 = arith.constant 0 : index
    %get3A_5 = arith.constant 0 : index
    %get3A_6 = vector.load %arg1[%get3A_4, %get3A_5] : memref<64x384xf32, #tpu.memory_space<vmem>>, vector<64x384xf32>
    %swap3A_7 = arith.constant 64 : index
    %swap3A_8 = arith.constant 0 : index
    %swap3A_9 = vector.load %arg3[%swap3A_7, %swap3A_8] : memref<2048x384xf32, #tpu.memory_space<vmem>>, vector<64x384xf32>
    tpu.vector_store %arg3[%swap3A_7, %swap3A_8], %get3A_6 {strides = array<i32>} : memref<2048x384xf32, #tpu.memory_space<vmem>>, vector<64x384xf32>,
    %get3A_10 = arith.constant 0 : index
    %get3A_11 = arith.constant 0 : index
    %get3A_12 = vector.load %arg1[%get3A_10, %get3A_11] : memref<64x384xf32, #tpu.memory_space<vmem>>, vector<64x384xf32>
    %swap3A_13 = arith.constant 128 : index
    %swap3A_14 = arith.constant 0 : index
    %swap3A_15 = vector.load %arg3[%swap3A_13, %swap3A_14] : memref<2048x384xf32, #tpu.memory_space<vmem>>, vector<64x384xf32>
    tpu.vector_store %arg3[%swap3A_13, %swap3A_14], %get3A_12 {strides = array<i32>} : memref<2048x384xf32, #tpu.memory_space<vmem>>, vector<64x384xf32>,
    %get3A_16 = arith.constant 0 : index
    %get3A_17 = arith.constant 0 : index
    %get3A_18 = vector.load %arg1[%get3A_16, %get3A_17] : memref<64x384xf32, #tpu.memory_space<vmem>>, vector<64x384xf32>
    %swap3A_19 = arith.constant 192 : index
    %swap3A_20 = arith.constant 0 : index
    %swap3A_21 = vector.load %arg3[%swap3A_19, %swap3A_20] : memref<2048x384xf32, #tpu.memory_space<vmem>>, vector<64x384xf32>
    tpu.vector_store %arg3[%swap3A_19, %swap3A_20], %get3A_18 {strides = array<i32>} : memref<2048x384xf32, #tpu.memory_space<vmem>>, vector<64x384xf32>,
    %get3A_22 = arith.constant 0 : index
    %get3A_23 = arith.constant 0 : index
    %get3A_24 = vector.load %arg1[%get3A_22, %get3A_23] : memref<64x384xf32, #tpu.memory_space<vmem>>, vector<64x384xf32>
    %swap3A_25 = arith.constant 256 : index
    %swap3A_26 = arith.constant 0 : index
    %swap3A_27 = vector.load %arg3[%swap3A_25, %swap3A_26] : memref<2048x384xf32, #tpu.memory_space<vmem>>, vector<64x384xf32>
    tpu.vector_store %arg3[%swap3A_25, %swap3A_26], %get3A_24 {strides = array<i32>} : memref<2048x384xf32, #tpu.memory_space<vmem>>, vector<64x384xf32>,
    %get3A_28 = arith.constant 0 : index
    %get3A_29 = arith.constant 0 : index
    %get3A_30 = vector.load %arg1[%get3A_28, %get3A_29] : memref<64x384xf32, #tpu.memory_space<vmem>>, vector<64x384xf32>
    %swap3A_31 = arith.constant 320 : index
    %swap3A_32 = arith.constant 0 : index
    %swap3A_33 = vector.load %arg3[%swap3A_31, %swap3A_32] : memref<2048x384xf32, #tpu.memory_space<vmem>>, vector<64x384xf32>
    tpu.vector_store %arg3[%swap3A_31, %swap3A_32], %get3A_30 {strides = array<i32>} : memref<2048x384xf32, #tpu.memory_space<vmem>>, vector<64x384xf32>,
    %get3A_34 = arith.constant 0 : index
    %get3A_35 = arith.constant 0 : index
    %get3A_36 = vector.load %arg1[%get3A_34, %get3A_35] : memref<64x384xf32, #tpu.memory_space<vmem>>, vector<64x384xf32>
    %swap3A_37 = arith.constant 384 : index
    %swap3A_38 = arith.constant 0 : index
    %swap3A_39 = vector.load %arg3[%swap3A_37, %swap3A_38] : memref<2048x384xf32, #tpu.memory_space<vmem>>, vector<64x384xf32>
    tpu.vector_store %arg3[%swap3A_37, %swap3A_38], %get3A_36 {strides = array<i32>} : memref<2048x384xf32, #tpu.memory_space<vmem>>, vector<64x384xf32>,
    %get3A_40 = arith.constant 0 : index
    %get3A_41 = arith.constant 0 : index
    %get3A_42 = vector.load %arg1[%get3A_40, %get3A_41] : memref<64x384xf32, #tpu.memory_space<vmem>>, vector<64x384xf32>
    %swap3A_43 = arith.constant 448 : index
    %swap3A_44 = arith.constant 0 : index
    %swap3A_45 = vector.load %arg3[%swap3A_43, %swap3A_44] : memref<2048x384xf32, #tpu.memory_space<vmem>>, vector<64x384xf32>
    tpu.vector_store %arg3[%swap3A_43, %swap3A_44], %get3A_42 {strides = array<i32>} : memref<2048x384xf32, #tpu.memory_space<vmem>>, vector<64x384xf32>,
    %get3A_46 = arith.constant 0 : index
    %get3A_47 = arith.constant 0 : index
    %get3A_48 = vector.load %arg1[%get3A_46, %get3A_47] : memref<64x384xf32, #tpu.memory_space<vmem>>, vector<64x384xf32>
    %swap3A_49 = arith.constant 512 : index
    %swap3A_50 = arith.constant 0 : index
    %swap3A_51 = vector.load %arg3[%swap3A_49, %swap3A_50] : memref<2048x384xf32, #tpu.memory_space<vmem>>, vector<64x384xf32>
    tpu.vector_store %arg3[%swap3A_49, %swap3A_50], %get3A_48 {strides = array<i32>} : memref<2048x384xf32, #tpu.memory_space<vmem>>, vector<64x384xf32>,
    %get3A_52 = arith.constant 0 : index
    %get3A_53 = arith.constant 0 : index
    %get3A_54 = vector.load %arg1[%get3A_52, %get3A_53] : memref<64x384xf32, #tpu.memory_space<vmem>>, vector<64x384xf32>
    %swap3A_55 = arith.constant 576 : index
    %swap3A_56 = arith.constant 0 : index
    %swap3A_57 = vector.load %arg3[%swap3A_55, %swap3A_56] : memref<2048x384xf32, #tpu.memory_space<vmem>>, vector<64x384xf32>
    tpu.vector_store %arg3[%swap3A_55, %swap3A_56], %get3A_54 {strides = array<i32>} : memref<2048x384xf32, #tpu.memory_space<vmem>>, vector<64x384xf32>,
    %get3A_58 = arith.constant 0 : index
    %get3A_59 = arith.constant 0 : index
    %get3A_60 = vector.load %arg1[%get3A_58, %get3A_59] : memref<64x384xf32, #tpu.memory_space<vmem>>, vector<64x384xf32>
    %swap3A_61 = arith.constant 640 : index
    %swap3A_62 = arith.constant 0 : index
    %swap3A_63 = vector.load %arg3[%swap3A_61, %swap3A_62] : memref<2048x384xf32, #tpu.memory_space<vmem>>, vector<64x384xf32>
    tpu.vector_store %arg3[%swap3A_61, %swap3A_62], %get3A_60 {strides = array<i32>} : memref<2048x384xf32, #tpu.memory_space<vmem>>, vector<64x384xf32>,
    %get3A_64 = arith.constant 0 : index
    %get3A_65 = arith.constant 0 : index
    %get3A_66 = vector.load %arg1[%get3A_64, %get3A_65] : memref<64x384xf32, #tpu.memory_space<vmem>>, vector<64x384xf32>
    %swap3A_67 = arith.constant 704 : index
    %swap3A_68 = arith.constant 0 : index
    %swap3A_69 = vector.load %arg3[%swap3A_67, %swap3A_68] : memref<2048x384xf32, #tpu.memory_space<vmem>>, vector<64x384xf32>
    tpu.vector_store %arg3[%swap3A_67, %swap3A_68], %get3A_66 {strides = array<i32>} : memref<2048x384xf32, #tpu.memory_space<vmem>>, vector<64x384xf32>,
    %get3A_70 = arith.constant 0 : index
    %get3A_71 = arith.constant 0 : index
    %get3A_72 = vector.load %arg1[%get3A_70, %get3A_71] : memref<64x384xf32, #tpu.memory_space<vmem>>, vector<64x384xf32>
    %swap3A_73 = arith.constant 768 : index
    %swap3A_74 = arith.constant 0 : index
    %swap3A_75 = vector.load %arg3[%swap3A_73, %swap3A_74] : memref<2048x384xf32, #tpu.memory_space<vmem>>, vector<64x384xf32>
    tpu.vector_store %arg3[%swap3A_73, %swap3A_74], %get3A_72 {strides = array<i32>} : memref<2048x384xf32, #tpu.memory_space<vmem>>, vector<64x384xf32>,
    %get3A_76 = arith.constant 0 : index
    %get3A_77 = arith.constant 0 : index
    %get3A_78 = vector.load %arg1[%get3A_76, %get3A_77] : memref<64x384xf32, #tpu.memory_space<vmem>>, vector<64x384xf32>
    %swap3A_79 = arith.constant 832 : index
    %swap3A_80 = arith.constant 0 : index
    %swap3A_81 = vector.load %arg3[%swap3A_79, %swap3A_80] : memref<2048x384xf32, #tpu.memory_space<vmem>>, vector<64x384xf32>
    tpu.vector_store %arg3[%swap3A_79, %swap3A_80], %get3A_78 {strides = array<i32>} : memref<2048x384xf32, #tpu.memory_space<vmem>>, vector<64x384xf32>,
    %get3A_82 = arith.constant 0 : index
    %get3A_83 = arith.constant 0 : index
    %get3A_84 = vector.load %arg1[%get3A_82, %get3A_83] : memref<64x384xf32, #tpu.memory_space<vmem>>, vector<64x384xf32>
    %swap3A_85 = arith.constant 896 : index
    %swap3A_86 = arith.constant 0 : index
    %swap3A_87 = vector.load %arg3[%swap3A_85, %swap3A_86] : memref<2048x384xf32, #tpu.memory_space<vmem>>, vector<64x384xf32>
    tpu.vector_store %arg3[%swap3A_85, %swap3A_86], %get3A_84 {strides = array<i32>} : memref<2048x384xf32, #tpu.memory_space<vmem>>, vector<64x384xf32>,
    %get3A_88 = arith.constant 0 : index
    %get3A_89 = arith.constant 0 : index
    %get3A_90 = vector.load %arg1[%get3A_88, %get3A_89] : memref<64x384xf32, #tpu.memory_space<vmem>>, vector<64x384xf32>
    %swap3A_91 = arith.constant 960 : index
    %swap3A_92 = arith.constant 0 : index
    %swap3A_93 = vector.load %arg3[%swap3A_91, %swap3A_92] : memref<2048x384xf32, #tpu.memory_space<vmem>>, vector<64x384xf32>
    tpu.vector_store %arg3[%swap3A_91, %swap3A_92], %get3A_90 {strides = array<i32>} : memref<2048x384xf32, #tpu.memory_space<vmem>>, vector<64x384xf32>,
    %get3A_94 = arith.constant 0 : index
    %get3A_95 = arith.constant 0 : index
    %get3A_96 = vector.load %arg1[%get3A_94, %get3A_95] : memref<64x384xf32, #tpu.memory_space<vmem>>, vector<64x384xf32>
    %swap3A_97 = arith.constant 1024 : index
    %swap3A_98 = arith.constant 0 : index
    %swap3A_99 = vector.load %arg3[%swap3A_97, %swap3A_98] : memref<2048x384xf32, #tpu.memory_space<vmem>>, vector<64x384xf32>
    tpu.vector_store %arg3[%swap3A_97, %swap3A_98], %get3A_96 {strides = array<i32>} : memref<2048x384xf32, #tpu.memory_space<vmem>>, vector<64x384xf32>,
    %get3A_100 = arith.constant 0 : index
    %get3A_101 = arith.constant 0 : index
    %get3A_102 = vector.load %arg1[%get3A_100, %get3A_101] : memref<64x384xf32, #tpu.memory_space<vmem>>, vector<64x384xf32>
    %swap3A_103 = arith.constant 1088 : index
    %swap3A_104 = arith.constant 0 : index
    %swap3A_105 = vector.load %arg3[%swap3A_103, %swap3A_104] : memref<2048x384xf32, #tpu.memory_space<vmem>>, vector<64x384xf32>
    tpu.vector_store %arg3[%swap3A_103, %swap3A_104], %get3A_102 {strides = array<i32>} : memref<2048x384xf32, #tpu.memory_space<vmem>>, vector<64x384xf32>,
    %get3A_106 = arith.constant 0 : index
    %get3A_107 = arith.constant 0 : index
    %get3A_108 = vector.load %arg1[%get3A_106, %get3A_107] : memref<64x384xf32, #tpu.memory_space<vmem>>, vector<64x384xf32>
    %swap3A_109 = arith.constant 1152 : index
    %swap3A_110 = arith.constant 0 : index
    %swap3A_111 = vector.load %arg3[%swap3A_109, %swap3A_110] : memref<2048x384xf32, #tpu.memory_space<vmem>>, vector<64x384xf32>
    tpu.vector_store %arg3[%swap3A_109, %swap3A_110], %get3A_108 {strides = array<i32>} : memref<2048x384xf32, #tpu.memory_space<vmem>>, vector<64x384xf32>,
    %get3A_112 = arith.constant 0 : index
    %get3A_113 = arith.constant 0 : index
    %get3A_114 = vector.load %arg1[%get3A_112, %get3A_113] : memref<64x384xf32, #tpu.memory_space<vmem>>, vector<64x384xf32>
    %swap3A_115 = arith.constant 1216 : index
    %swap3A_116 = arith.constant 0 : index
    %swap3A_117 = vector.load %arg3[%swap3A_115, %swap3A_116] : memref<2048x384xf32, #tpu.memory_space<vmem>>, vector<64x384xf32>
    tpu.vector_store %arg3[%swap3A_115, %swap3A_116], %get3A_114 {strides = array<i32>} : memref<2048x384xf32, #tpu.memory_space<vmem>>, vector<64x384xf32>,
    %get3A_118 = arith.constant 0 : index
    %get3A_119 = arith.constant 0 : index
    %get3A_120 = vector.load %arg1[%get3A_118, %get3A_119] : memref<64x384xf32, #tpu.memory_space<vmem>>, vector<64x384xf32>
    %swap3A_121 = arith.constant 1280 : index
    %swap3A_122 = arith.constant 0 : index
    %swap3A_123 = vector.load %arg3[%swap3A_121, %swap3A_122] : memref<2048x384xf32, #tpu.memory_space<vmem>>, vector<64x384xf32>
    tpu.vector_store %arg3[%swap3A_121, %swap3A_122], %get3A_120 {strides = array<i32>} : memref<2048x384xf32, #tpu.memory_space<vmem>>, vector<64x384xf32>,
    %get3A_124 = arith.constant 0 : index
    %get3A_125 = arith.constant 0 : index
    %get3A_126 = vector.load %arg1[%get3A_124, %get3A_125] : memref<64x384xf32, #tpu.memory_space<vmem>>, vector<64x384xf32>
    %swap3A_127 = arith.constant 1344 : index
    %swap3A_128 = arith.constant 0 : index
    %swap3A_129 = vector.load %arg3[%swap3A_127, %swap3A_128] : memref<2048x384xf32, #tpu.memory_space<vmem>>, vector<64x384xf32>
    tpu.vector_store %arg3[%swap3A_127, %swap3A_128], %get3A_126 {strides = array<i32>} : memref<2048x384xf32, #tpu.memory_space<vmem>>, vector<64x384xf32>,
    %get3A_130 = arith.constant 0 : index
    %get3A_131 = arith.constant 0 : index
    %get3A_132 = vector.load %arg1[%get3A_130, %get3A_131] : memref<64x384xf32, #tpu.memory_space<vmem>>, vector<64x384xf32>
    %swap3A_133 = arith.constant 1408 : index
    %swap3A_134 = arith.constant 0 : index
    %swap3A_135 = vector.load %arg3[%swap3A_133, %swap3A_134] : memref<2048x384xf32, #tpu.memory_space<vmem>>, vector<64x384xf32>
    tpu.vector_store %arg3[%swap3A_133, %swap3A_134], %get3A_132 {strides = array<i32>} : memref<2048x384xf32, #tpu.memory_space<vmem>>, vector<64x384xf32>,
    %get3A_136 = arith.constant 0 : index
    %get3A_137 = arith.constant 0 : index
    %get3A_138 = vector.load %arg1[%get3A_136, %get3A_137] : memref<64x384xf32, #tpu.memory_space<vmem>>, vector<64x384xf32>
    %swap3A_139 = arith.constant 1472 : index
    %swap3A_140 = arith.constant 0 : index
    %swap3A_141 = vector.load %arg3[%swap3A_139, %swap3A_140] : memref<2048x384xf32, #tpu.memory_space<vmem>>, vector<64x384xf32>
    tpu.vector_store %arg3[%swap3A_139, %swap3A_140], %get3A_138 {strides = array<i32>} : memref<2048x384xf32, #tpu.memory_space<vmem>>, vector<64x384xf32>,
    %get3A_142 = arith.constant 0 : index
    %get3A_143 = arith.constant 0 : index
    %get3A_144 = vector.load %arg1[%get3A_142, %get3A_143] : memref<64x384xf32, #tpu.memory_space<vmem>>, vector<64x384xf32>
    %swap3A_145 = arith.constant 1536 : index
    %swap3A_146 = arith.constant 0 : index
    %swap3A_147 = vector.load %arg3[%swap3A_145, %swap3A_146] : memref<2048x384xf32, #tpu.memory_space<vmem>>, vector<64x384xf32>
    tpu.vector_store %arg3[%swap3A_145, %swap3A_146], %get3A_144 {strides = array<i32>} : memref<2048x384xf32, #tpu.memory_space<vmem>>, vector<64x384xf32>,
    %get3A_148 = arith.constant 0 : index
    %get3A_149 = arith.constant 0 : index
    %get3A_150 = vector.load %arg1[%get3A_148, %get3A_149] : memref<64x384xf32, #tpu.memory_space<vmem>>, vector<64x384xf32>
    %swap3A_151 = arith.constant 1600 : index
    %swap3A_152 = arith.constant 0 : index
    %swap3A_153 = vector.load %arg3[%swap3A_151, %swap3A_152] : memref<2048x384xf32, #tpu.memory_space<vmem>>, vector<64x384xf32>
    tpu.vector_store %arg3[%swap3A_151, %swap3A_152], %get3A_150 {strides = array<i32>} : memref<2048x384xf32, #tpu.memory_space<vmem>>, vector<64x384xf32>,
    %get3A_154 = arith.constant 0 : index
    %get3A_155 = arith.constant 0 : index
    %get3A_156 = vector.load %arg1[%get3A_154, %get3A_155] : memref<64x384xf32, #tpu.memory_space<vmem>>, vector<64x384xf32>
    %swap3A_157 = arith.constant 1664 : index
    %swap3A_158 = arith.constant 0 : index
    %swap3A_159 = vector.load %arg3[%swap3A_157, %swap3A_158] : memref<2048x384xf32, #tpu.memory_space<vmem>>, vector<64x384xf32>
    tpu.vector_store %arg3[%swap3A_157, %swap3A_158], %get3A_156 {strides = array<i32>} : memref<2048x384xf32, #tpu.memory_space<vmem>>, vector<64x384xf32>,
    %get3A_160 = arith.constant 0 : index
    %get3A_161 = arith.constant 0 : index
    %get3A_162 = vector.load %arg1[%get3A_160, %get3A_161] : memref<64x384xf32, #tpu.memory_space<vmem>>, vector<64x384xf32>
    %swap3A_163 = arith.constant 1728 : index
    %swap3A_164 = arith.constant 0 : index
    %swap3A_165 = vector.load %arg3[%swap3A_163, %swap3A_164] : memref<2048x384xf32, #tpu.memory_space<vmem>>, vector<64x384xf32>
    tpu.vector_store %arg3[%swap3A_163, %swap3A_164], %get3A_162 {strides = array<i32>} : memref<2048x384xf32, #tpu.memory_space<vmem>>, vector<64x384xf32>,
    %get3A_166 = arith.constant 0 : index
    %get3A_167 = arith.constant 0 : index
    %get3A_168 = vector.load %arg1[%get3A_166, %get3A_167] : memref<64x384xf32, #tpu.memory_space<vmem>>, vector<64x384xf32>
    %swap3A_169 = arith.constant 1792 : index
    %swap3A_170 = arith.constant 0 : index
    %swap3A_171 = vector.load %arg3[%swap3A_169, %swap3A_170] : memref<2048x384xf32, #tpu.memory_space<vmem>>, vector<64x384xf32>
    tpu.vector_store %arg3[%swap3A_169, %swap3A_170], %get3A_168 {strides = array<i32>} : memref<2048x384xf32, #tpu.memory_space<vmem>>, vector<64x384xf32>,
    %get3A_172 = arith.constant 0 : index
    %get3A_173 = arith.constant 0 : index
    %get3A_174 = vector.load %arg1[%get3A_172, %get3A_173] : memref<64x384xf32, #tpu.memory_space<vmem>>, vector<64x384xf32>
    %swap3A_175 = arith.constant 1856 : index
    %swap3A_176 = arith.constant 0 : index
    %swap3A_177 = vector.load %arg3[%swap3A_175, %swap3A_176] : memref<2048x384xf32, #tpu.memory_space<vmem>>, vector<64x384xf32>
    tpu.vector_store %arg3[%swap3A_175, %swap3A_176], %get3A_174 {strides = array<i32>} : memref<2048x384xf32, #tpu.memory_space<vmem>>, vector<64x384xf32>,
    %get3A_178 = arith.constant 0 : index
    %get3A_179 = arith.constant 0 : index
    %get3A_180 = vector.load %arg1[%get3A_178, %get3A_179] : memref<64x384xf32, #tpu.memory_space<vmem>>, vector<64x384xf32>
    %swap3A_181 = arith.constant 1920 : index
    %swap3A_182 = arith.constant 0 : index
    %swap3A_183 = vector.load %arg3[%swap3A_181, %swap3A_182] : memref<2048x384xf32, #tpu.memory_space<vmem>>, vector<64x384xf32>
    tpu.vector_store %arg3[%swap3A_181, %swap3A_182], %get3A_180 {strides = array<i32>} : memref<2048x384xf32, #tpu.memory_space<vmem>>, vector<64x384xf32>,
    %get3A_184 = arith.constant 0 : index
    %get3A_185 = arith.constant 0 : index
    %get3A_186 = vector.load %arg1[%get3A_184, %get3A_185] : memref<64x384xf32, #tpu.memory_space<vmem>>, vector<64x384xf32>
    %swap3A_187 = arith.constant 1984 : index
    %swap3A_188 = arith.constant 0 : index
    %swap3A_189 = vector.load %arg3[%swap3A_187, %swap3A_188] : memref<2048x384xf32, #tpu.memory_space<vmem>>, vector<64x384xf32>
    tpu.vector_store %arg3[%swap3A_187, %swap3A_188], %get3A_186 {strides = array<i32>} : memref<2048x384xf32, #tpu.memory_space<vmem>>, vector<64x384xf32>,
    return
  }
  func.func @transform_0(%arg0: i32) -> (i32, i32) {
    %c0_i32 = arith.constant 0 : i32
    %c0_i32_0 = arith.constant 0 : i32
    %c0_i32_1 = arith.constant 0 : i32
    return %c0_i32, %c0_i32_0 : i32, i32
  }
  func.func @transform_2(%arg0: i32) -> (i32, i32) {
    %c1_i32 = arith.constant 1 : i32
    %c0_i32 = arith.constant 0 : i32
    return %arg0, %c1_i32 : i32, i32
  }
}

</mosaic_0001>

<sc_bundles>
// kernel: kernel.4.cloned.1.call-start
scs
__scs_entry_jumppad:
0x0: {  	(pc) =	sbr.rel $0x88, $3  }
0x1: {  	(tag) =	ssettag $0x0;
	lr =	simm.s32 $0x1  }
0x2: {  	[smem:$0x3F9F] =	sst lr;
	_ =	strace $0xD0000000  }
0x3: {  	_ = 	snop  }
0x4: {  	_ = 	snop  }
0x5: {  	_ = 	snop  }
0x6: {  	_ = 	snop  }
0x7: {  	_ = 	snop  }
__scs_overlays_trampoline_lowered:
0x8: {  	[smem:$0x3FAE] =	sst s0  }
0x9: {  	[smem:$0x3FAF] =	sst s1  }
0xa: {  	[smem:$0x3FB0] =	sst s2  }
0xb: {  	[smem:$0x3FB1] =	sst s3  }
0xc: {  	[smem:$0x3FB2] =	sst s4  }
0xd: {  	[smem:$0x3FB3] =	sst s5  }
0xe: {  	[smem:$0x3FB4] =	sst s6  }
0xf: {  	[smem:$0x3FB5] =	sst s7  }
0x10: {  	[smem:$0x3FB6] =	sst s8  }
0x11: {  	[smem:$0x3FB7] =	sst s9;
	s0 =	simm.s32 @!p0 $0x0  }
0x12: {  	s1 =	sld [smem:$0x3F9D];
	s0 =	simm.s32 @p0 $0x1  }
0x13: {  	[smem:$0x3FB8] =	sst s0;
	s0 =	simm.s32 @!p1 $0x0  }
0x14: {  	s2 =	sld [smem:$0x3F9C];
	s0 =	simm.s32 @p1 $0x1  }
0x15: {  	[smem:$0x3FB9] =	sst s0;
	s0 =	simm.s32 @!p2 $0x0  }
0x16: {  	s3 =	sld [smem:$0x3FDB];
	s0 =	simm.s32 @p2 $0x1  }
0x17: {  	s4 =	simm.s32 $0x1BF5;
	[smem:$0x3FBB] =	sst s0  }
0x18: {  	s0 =	sld [smem:$0x3F9E];
	_ =	swait.ge [sflag:s4], $0x0  }
0x19: {  	s7 =	sld [smem:$0x3F9F]  }
0x1a: {  	s8 =	sadd.s32 $0xFFFFE003, lr  }
0x1b: {  	s9 =	sadd.s32 $0xFFFFFEF7, lr;
	s5 =	simm.s32 $0xFFFFFFFF;
	p2 =	slt.u32 s8, $0xFFFFF086  }
0x1c: {  	p1 =	slt.u32 s9, $0xF7A;
	s5 =	simm.s32 @!p2 $0x0  }
0x1d: {  	s5 =	simm.s32 @p1 $0x1;
	p0 =	seq.s32 s7, s2  }
0x1e: {  	s7 =	smul.u32 @!p0 $0xF7A, s2;
	p2 =	seq.s32 @!p0 s5, $0x0  }
0x1f: {  	s9 =	smul.u32 $0xF7A, s1;
	s8 =	simm.s32 @!p0 $0x1BF5;
	p2 =	por !p2, p0  }
0x20: {  	[sflag:s8] =	ssyncset.s32 @!p0 $0xFFFFF086;
	s6 =	sadd.s32 @!p0 s3, s7;
	s7 =	simm.s32 @!p0 $0x108  }
0x21: {  	s3 =	sadd.s32 s3, s9;
	s6 =	sadd.s32 @!p0 $0x88, s6;
	s7 =	simm.s32 @p2 $0x1082  }
0x22: {  	[simem:s7], [sflag:s8] =	dma.local @!p0 [hbm:s6], $0xF7A  }
0x23: {  	s9 =	sor.u32 $0xD0000000, s2;
	s6 =	simm.s32 $0x108;
	_ =	swait.ge @!p0 [sflag:s8], $0x0  }
0x24: {  	s3 =	sadd.s32 $0x88, s3;
	s6 =	simm.s32 @!p1 $0x1082;
	[sflag:s4] =	ssyncset.s32 $0xFFFFF086  }
0x25: {  	[simem:s6], [sflag:s4] =	dma.local [hbm:s3], $0xF7A  }
0x26: {  	[smem:$0x3F9F] =	sst s1;
	(tag) =	ssettag s2;
	_ =	strace s9  }
0x27: {  	s1 =	sld [smem:$0x3FAF]  }
0x28: {  	s2 =	sld [smem:$0x3FB0]  }
0x29: {  	s4 =	sld [smem:$0x3FB2]  }
0x2a: {  	p0 =	seq.s32 s5, $0x0;
	s5 =	sld [smem:$0x3FB3]  }
0x2b: {  	s6 =	sld [smem:$0x3FB4]  }
0x2c: {  	s7 =	sld [smem:$0x3FB5]  }
0x2d: {  	s3 =	simm.s32 $0x108;
	s8 =	sld [smem:$0x3FB6]  }
0x2e: {  	s3 =	simm.s32 @!p0 $0x1082;
	s9 =	sld [smem:$0x3FB7]  }
0x2f: {  	lr =	sadd.s32 s0, s3;
	s0 =	sld [smem:$0x3FAE]  }
0x30: {  	s3 =	sld [smem:$0x3FB1]  }
0x31: {  	[smem:$0x3FBA] =	sst s10  }
0x32: {  	s10 =	sld [smem:$0x3FB8];
	_ =	sdelay $0x3  }
0x33: {  	p0 =	seq.s32 s10, $0x1;
	s10 =	sld [smem:$0x3FBA];
	_ =	sdelay $0x3  }
0x34: {  	[smem:$0x3FBA] =	sst s10  }
0x35: {  	s10 =	sld [smem:$0x3FB9];
	_ =	sdelay $0x3  }
0x36: {  	p1 =	seq.s32 s10, $0x1;
	s10 =	sld [smem:$0x3FBA];
	_ =	sdelay $0x3  }
0x37: {  	[smem:$0x3FBA] =	sst s10  }
0x38: {  	s10 =	sld [smem:$0x3FBB]  }
0x39: {  	_ = 	snop;
	(pc) =	sbr.ind lr, $3  }
0x3a: {  	_ = 	snop  }
0x3b: {  	_ = 	snop  }
0x3c: {  	p2 =	seq.s32 s10, $0x1;
	s10 =	sld [smem:$0x3FBA]  }
0x3d: {  	_ =	shalt  }
0x3e: {  	_ =	shalt  }
0x3f: {  	_ =	shalt  }
0x40: {  	_ =	shalt  }
0x41: {  	_ =	shalt  }
0x42: {  	_ =	shalt  }
0x43: {  	_ =	shalt  }
0x44: {  	_ =	shalt  }
0x45: {  	_ =	shalt  }
0x46: {  	_ =	shalt  }
0x47: {  	_ =	shalt  }
0x48: {  	_ =	shalt  }
0x49: {  	_ =	shalt  }
0x4a: {  	_ =	shalt  }
0x4b: {  	_ =	shalt  }
0x4c: {  	_ =	shalt  }
0x4d: {  	_ =	shalt  }
0x4e: {  	_ =	shalt  }
0x4f: {  	_ =	shalt  }
0x50: {  	_ =	shalt  }
0x51: {  	_ =	shalt  }
0x52: {  	_ =	shalt  }
0x53: {  	_ =	shalt  }
0x54: {  	_ =	shalt  }
0x55: {  	_ =	shalt  }
0x56: {  	_ =	shalt  }
0x57: {  	_ =	shalt  }
0x58: {  	_ =	shalt  }
0x59: {  	_ =	shalt  }
0x5a: {  	_ =	shalt  }
0x5b: {  	_ =	shalt  }
0x5c: {  	_ =	shalt  }
0x5d: {  	_ =	shalt  }
0x5e: {  	_ =	shalt  }
0x5f: {  	_ =	shalt  }
0x60: {  	_ =	shalt  }
0x61: {  	_ =	shalt  }
0x62: {  	_ =	shalt  }
0x63: {  	_ =	shalt  }
0x64: {  	_ =	shalt  }
0x65: {  	_ =	shalt  }
0x66: {  	_ =	shalt  }
0x67: {  	_ =	shalt  }
0x68: {  	_ =	shalt  }
0x69: {  	_ =	shalt  }
0x6a: {  	_ =	shalt  }
0x6b: {  	_ =	shalt  }
0x6c: {  	_ =	shalt  }
0x6d: {  	_ =	shalt  }
0x6e: {  	_ =	shalt  }
0x6f: {  	_ =	shalt  }
0x70: {  	_ =	shalt  }
0x71: {  	_ =	shalt  }
0x72: {  	_ =	shalt  }
0x73: {  	_ =	shalt  }
0x74: {  	_ =	shalt  }
0x75: {  	_ =	shalt  }
0x76: {  	_ =	shalt  }
0x77: {  	_ =	shalt  }
0x78: {  	_ =	shalt  }
0x79: {  	_ =	shalt  }
0x7a: {  	_ =	shalt  }
0x7b: {  	_ =	shalt  }
0x7c: {  	_ =	shalt  }
0x7d: {  	_ =	shalt  }
0x7e: {  	_ =	shalt  }
0x7f: {  	_ =	shalt  }
0x80: {  	_ =	shalt  }
0x81: {  	_ =	shalt  }
0x82: {  	_ =	shalt  }
0x83: {  	_ =	shalt  }
0x84: {  	_ =	shalt  }
0x85: {  	_ =	shalt  }
0x86: {  	_ =	shalt  }
0x87: {  	_ =	shalt  }
.Lfunc_end0:
.L_simem_size_0:
called_computation_lowered:
.L_overlay_start_0:
0x88: {  	s2 =	sld [smem:$0x3FD9]  }
0x89: {  	s3 =	sld [smem:$0x3FFE];
	_ =	sdelay $0x1  }
0x8a: {  	s1 =	srdreg.scid  }
0x8b: {  	s0 =	sand.u32 $0x1, s1  }
0x8c: {  	s18 =	sshll.u32 s0, $0xA;
	s2 =	sadd.s32 s3, s2  }
0x8d: {  	s2 =	sadd.s32 s2, s18  }
0x8e: {  	[smem:$0x3FC6] =	sst s2  }
0x8f: {  	_ = 	snop  }
0x90: {  	s2 =	sld [smem:$0x3FC9]  }
0x91: {  	s19 =	sld [smem:$0x3FD0];
	(tm) =	ssettm $0x1  }
0x92: {  	s4 =	sld [smem:$0x3FFB];
	_ =	sdelay $0x3  }
0x93: {  	_ =	strace s4  }
0x94: {  	s4 =	sld [smem:$0x3FFC];
	_ =	sdelay $0x3  }
0x95: {  	_ =	strace s4  }
0x96: {  	s4 =	sld [smem:$0x3FFD];
	_ =	sdelay $0x3  }
0x97: {  	_ =	strace s4  }
0x98: {  	_ =	strace $0x8FFFFFFF  }
0x99: {  	s20 =	sld [smem:$0x3FDB];
	_ =	sdelay $0x1  }
0x9a: {  	s5 =	simm.s32 $_scs_section_size  }
0x9b: {  	s6 =	simm.s32 $_size__tile_overlayer_lowered;
	s7 =	simm.s32 $_tile_overlayer_lowered  }
0x9c: {  	s23 =	simm.s32 $0x1BFF;
	s22 =	sshll.u32 s7, $0x1;
	s4 =	sadd.s32 s5, s20  }
0x9d: {  	s8 =	simm.s32 $0x0;
	s21 =	sshll.u32 s6, $0x1;
	s6 =	sadd.s32 s22, s4  }
0x9e: {  	[timem:s8], [sflag:s23] =	dma.local [hbm:s6], s21  }
0x9f: {  	_ =	swait.ge [sflag:s23], s21  }
0xa0: {  	s5 =	ssub.s32 $0x0, s21;
	[sflag:s23] =	ssyncset.done $0x0  }
0xa1: {  	[sflag:s23] =	ssyncadd.s32 s5;
	_ =	sdelay $0x1  }
0xa2: {  	s24 =	simm.s32 $0x1B8B  }
0xa3: {  	_ =	swait.ge [sflag:s24], $0x1  }
0xa4: {  	[sflag:s24] =	ssyncset.done $0x0  }
0xa5: {  	s25 =	simm.s32 $0x1B8E;
	[sflag:s24] =	ssyncadd.s32 $0xFFFFFFFF  }
0xa6: {  	s26 =	simm.s32 $execute0_lowered;
	[smem:$0x3FD2] =	sst s25  }
0xa7: {  	s5 =	sshll.u32 s26, $0x1;
	_ =	strace $0x80000046;
	[dreg:$0x1] =	wrdreg $0xFFFFFFFF  }
0xa8: {  	s28 =	simm.s32 $_size_execute0_lowered;
	s4 =	sadd.s32 s4, s5;
	[dreg:$0x0] =	wrdreg $0x0  }
0xa9: {  	s5 =	sshll.u32 s28, $0x1;
	[dreg:$0x2] =	wrdreg s4  }
0xaa: {  	[dreg:$0x3] =	wrdreg s5  }
0xab: {  	[dreg:$0x4] =	wrdreg $0xC0  }
0xac: {  	_ =	task [dreg:s8], $0x5FFFF  }
0xad: {  	[dreg:$0x1] =	wrdreg $0xFFFFFFFF  }
0xae: {  	[dreg:$0x0] =	wrdreg $0x60  }
0xaf: {  	[dreg:$0x2] =	wrdreg s2  }
0xb0: {  	[dreg:$0x3] =	wrdreg s19  }
0xb1: {  	[dreg:$0x4] =	wrdreg $0x9  }
0xb2: {  	_ =	task.clear_ibuf [dreg:s8], $0x5FFFF;
	_ =	strace $0x90000046  }
0xb3: {  	s29 =	simm.s32 $0x9;
	_ =	strace $0x80000048  }
0xb4: {  	_ =	swait.ge [sflag:s29], $0x1  }
0xb5: {  	[sflag:s29] =	ssyncadd.s32 $0xFFFFFFFF  }
0xb6: {  	_ =	strace $0x90000048  }
0xb7: {  	_ =	sfence  }
0xb8: {  	s30 =	sld [smem:$0x0];
	_ =	sdelay $0x2  }
0xb9: {  	s31 =	sshll.u32 s1, $0xD;
	s1 =	sshrl.u32 s1, $0x2  }
0xba: {  	s3 =	sand.u32 $0x4000, s31;
	s1 =	sadd.s32 s1, s30  }
0xbb: {  	s0 =	sor.u32 s3, s0;
	s1 =	sshll.u32 s1, $0x11  }
0xbc: {  	s0 =	sor.u32 s1, s0  }
0xbd: {  	s0 =	sadd.s32 $0x8F2B, s0  }
0xbe: {  	[sflag:s0] =	ssyncadd.remote.s32 $0x1  }
0xbf: {  	_ =	sfence.sel $0xFFFF  }
0xc0: {  	[dreg:$0x0] =	wrdreg $0xFFFFFFFF;
	(pc) =	sbr.abs _section_cstart, $3  }
0xc1: {  	[dreg:$0x1] =	wrdreg $0xFFFFFFFF  }
0xc2: {  	_ =	task.clear_ibuf [dreg:s8], $0x2FFFF;
	_ =	strace $0x9FFFFFFF  }
0xc3: {  	(tm) =	ssettm $0x7FFFFFFF  }
tec
execute0_lowered:
.L_overlay_start_1:
0x0: {  	(tag) =	ssettag $0x1  }
0x1: {  	s3 =	rddreg [dreg:$0x0]  }
0x2: {  	s9 =	rddreg [dreg:$0x1];
	s2 =	srdreg.scid  }
0x3: {  	s1 =	stileid.u32;
	s0 =	rddreg [dreg:$0x2];
	s21 =	simm.s32 $0x100  }
0x4: {  	s22 =	simm.s32 $0x400;
	s23 =	simm.s32 $0x2;
	s24 =	simm.s32 $0x300  }
0x5: {  	s25 =	simm.s32 $0xF00;
	s26 =	simm.s32 $0x1;
	s4 =	sand.u32 $0x1, s2  }
0x6: {  	s5 =	sshll.u32 s1, $0x1;
	s2 =	simm.s32 $0x0;
	s6 =	sshrl.u32 s1, $0x1  }
0x7: {  	s5 =	sor.u32 s4, s5;
	[smem:$0x7FF] =	sst s2;
	s6 =	smul.u32 $0xC00, s6  }
0x8: {  	s4 =	ssub.s32 $0x2, s4;
	s7 =	sshll.u32 s5, $0x8;
	s31 =	smul.u32 $0x3000, s5  }
0x9: {  	s8 =	sshrl.u32 s4, $0x1;
	s10 =	smul.u32 $0x18000, s5;
	s7 =	sand.u32 $0x300, s7  }
0xa: {  	_ =	strace $0x80000047;
	s20 =	ssub.s32 s4, s8;
	s6 =	sor.u32 s6, s7  }
0xb: {  	s4 =	sadd.s32 s9, s31;
	s10 =	sshrl.u32 s10, $0x3;
	s20 =	smax.u32 s20, $0x1  }
0xc: {  	s6 =	sshrl.u32 s6, $0x3;
	s5 =	sadd.s32 $0x300, s4;
	s7 =	sadd.s32 $0x900, s4  }
0xd: {  	s8 =	sadd.s32 $0xC00, s4;
	s19 =	sadd.s32 s9, s10;
	s9 =	sadd.s32 $0xF00, s4  }
0xe: {  	s12 =	sadd.s32 $0x1800, s4;
	s3 =	sadd.s32 s3, s6;
	s6 =	sadd.s32 $0x600, s4  }
0xf: {  	s10 =	sadd.s32 $0x1200, s19;
	s11 =	sadd.s32 $0x1500, s19;
	s13 =	sadd.s32 $0x1B00, s19  }
0x10: {  	s14 =	sadd.s32 $0x1E00, s19;
	s15 =	sadd.s32 $0x2100, s19;
	s16 =	sadd.s32 $0x2400, s19  }
0x11: {  	s17 =	sadd.s32 $0x2700, s19;
	s18 =	sadd.s32 $0x2A00, s19;
	s19 =	sadd.s32 $0x2D00, s19  }
.LBB2_1:
0x12: {  	[tilespmem:s2], [sflag:$0x2] =	stream.strided.gather [hbm4b:s3+s21], $0x300, s22, s21, $0x38;
	[tilespmem:$0x1B00] =	vst v63  }
0x13: {  	_ =	swait.ge [sflag:s23], $0x300  }
0x14: {  	[sflag:s23] =	ssyncset.done $0x0  }
0x15: {  	[sflag:s23] =	ssyncadd.s32 $0xFFFFFD00  }
0x16: {  	v0 =	vld [tilespmem:$0x0]  }
0x17: {  	v1 =	vld [tilespmem:$0x10]  }
0x18: {  	v2 =	vld [tilespmem:$0x20]  }
0x19: {  	v3 =	vld [tilespmem:$0x30]  }
0x1a: {  	v4 =	vld [tilespmem:$0x40]  }
0x1b: {  	v5 =	vld [tilespmem:$0x50];
	[tilespmem:$0x300] =	vst v0  }
0x1c: {  	v6 =	vld [tilespmem:$0x60];
	[tilespmem:$0x310] =	vst v1  }
0x1d: {  	v7 =	vld [tilespmem:$0x70];
	[tilespmem:$0x320] =	vst v2  }
0x1e: {  	v8 =	vld [tilespmem:$0x100];
	[tilespmem:$0x330] =	vst v3  }
0x1f: {  	v9 =	vld [tilespmem:$0x110];
	[tilespmem:$0x340] =	vst v4  }
0x20: {  	v10 =	vld [tilespmem:$0x120];
	[tilespmem:$0x350] =	vst v5  }
0x21: {  	v11 =	vld [tilespmem:$0x130];
	[tilespmem:$0x360] =	vst v6  }
0x22: {  	v12 =	vld [tilespmem:$0x140];
	[tilespmem:$0x370] =	vst v7  }
0x23: {  	v13 =	vld [tilespmem:$0x150];
	[tilespmem:$0x700] =	vst v8  }
0x24: {  	v14 =	vld [tilespmem:$0x160];
	[tilespmem:$0x710] =	vst v9  }
0x25: {  	v15 =	vld [tilespmem:$0x170];
	[tilespmem:$0x720] =	vst v10  }
0x26: {  	v16 =	vld [tilespmem:$0x200];
	[tilespmem:$0x730] =	vst v11  }
0x27: {  	v17 =	vld [tilespmem:$0x210];
	[tilespmem:$0x740] =	vst v12  }
0x28: {  	v18 =	vld [tilespmem:$0x220];
	[tilespmem:$0x750] =	vst v13  }
0x29: {  	v19 =	vld [tilespmem:$0x230];
	[tilespmem:$0x760] =	vst v14  }
0x2a: {  	v20 =	vld [tilespmem:$0x240];
	[tilespmem:$0x770] =	vst v15  }
0x2b: {  	v21 =	vld [tilespmem:$0x250];
	[tilespmem:$0xB00] =	vst v16  }
0x2c: {  	v22 =	vld [tilespmem:$0x260];
	[tilespmem:$0xB10] =	vst v17  }
0x2d: {  	v23 =	vld [tilespmem:$0x270];
	[tilespmem:$0xB20] =	vst v18  }
0x2e: {  	[tilespmem:$0xB30] =	vst v19  }
0x2f: {  	[tilespmem:$0xB40] =	vst v20  }
0x30: {  	[tilespmem:$0xB50] =	vst v21  }
0x31: {  	[tilespmem:$0xB60] =	vst v22  }
0x32: {  	[tilespmem:$0xB70] =	vst v23  }
0x33: {  	[tilespmem:$0x380] =	vst v0  }
0x34: {  	[tilespmem:$0x390] =	vst v1  }
0x35: {  	[tilespmem:$0x3A0] =	vst v2  }
0x36: {  	[tilespmem:$0x3B0] =	vst v3  }
0x37: {  	[tilespmem:$0x3C0] =	vst v4  }
0x38: {  	[tilespmem:$0x3D0] =	vst v5  }
0x39: {  	[tilespmem:$0x3E0] =	vst v6  }
0x3a: {  	[tilespmem:$0x3F0] =	vst v7  }
0x3b: {  	[tilespmem:$0x780] =	vst v8  }
0x3c: {  	[tilespmem:$0x790] =	vst v9  }
0x3d: {  	[tilespmem:$0x7A0] =	vst v10  }
0x3e: {  	[tilespmem:$0x7B0] =	vst v11  }
0x3f: {  	[tilespmem:$0x7C0] =	vst v12  }
0x40: {  	[tilespmem:$0x7D0] =	vst v13  }
0x41: {  	[tilespmem:$0x7E0] =	vst v14  }
0x42: {  	[tilespmem:$0x7F0] =	vst v15  }
0x43: {  	[tilespmem:$0xB80] =	vst v16  }
0x44: {  	[tilespmem:$0xB90] =	vst v17  }
0x45: {  	[tilespmem:$0xBA0] =	vst v18  }
0x46: {  	[tilespmem:$0xBB0] =	vst v19  }
0x47: {  	[tilespmem:$0xBC0] =	vst v20  }
0x48: {  	[tilespmem:$0xBD0] =	vst v21  }
0x49: {  	[tilespmem:$0xBE0] =	vst v22  }
0x4a: {  	[tilespmem:$0xBF0] =	vst v23  }
0x4b: {  	[tilespmem:$0x400] =	vst v0  }
0x4c: {  	[tilespmem:$0x410] =	vst v1  }
0x4d: {  	[tilespmem:$0x420] =	vst v2  }
0x4e: {  	[tilespmem:$0x430] =	vst v3  }
0x4f: {  	[tilespmem:$0x440] =	vst v4  }
0x50: {  	[tilespmem:$0x450] =	vst v5  }
0x51: {  	[tilespmem:$0x460] =	vst v6  }
0x52: {  	[tilespmem:$0x470] =	vst v7  }
0x53: {  	[tilespmem:$0x800] =	vst v8  }
0x54: {  	[tilespmem:$0x810] =	vst v9  }
0x55: {  	[tilespmem:$0x820] =	vst v10  }
0x56: {  	[tilespmem:$0x830] =	vst v11  }
0x57: {  	[tilespmem:$0x840] =	vst v12  }
0x58: {  	[tilespmem:$0x850] =	vst v13  }
0x59: {  	[tilespmem:$0x860] =	vst v14  }
0x5a: {  	[tilespmem:$0x870] =	vst v15  }
0x5b: {  	[tilespmem:$0xC00] =	vst v16  }
0x5c: {  	[tilespmem:$0xC10] =	vst v17  }
0x5d: {  	[tilespmem:$0xC20] =	vst v18  }
0x5e: {  	[tilespmem:$0xC30] =	vst v19  }
0x5f: {  	[tilespmem:$0xC40] =	vst v20  }
0x60: {  	[tilespmem:$0xC50] =	vst v21  }
0x61: {  	[tilespmem:$0xC60] =	vst v22  }
0x62: {  	[tilespmem:$0xC70] =	vst v23  }
0x63: {  	[tilespmem:$0x480] =	vst v0  }
0x64: {  	[tilespmem:$0x490] =	vst v1  }
0x65: {  	[tilespmem:$0x4A0] =	vst v2  }
0x66: {  	[tilespmem:$0x4B0] =	vst v3  }
0x67: {  	[tilespmem:$0x4C0] =	vst v4  }
0x68: {  	[tilespmem:$0x4D0] =	vst v5  }
0x69: {  	[tilespmem:$0x4E0] =	vst v6  }
0x6a: {  	[tilespmem:$0x4F0] =	vst v7  }
0x6b: {  	[tilespmem:$0x880] =	vst v8  }
0x6c: {  	[tilespmem:$0x890] =	vst v9  }
0x6d: {  	[tilespmem:$0x8A0] =	vst v10  }
0x6e: {  	[tilespmem:$0x8B0] =	vst v11  }
0x6f: {  	[tilespmem:$0x8C0] =	vst v12  }
0x70: {  	[tilespmem:$0x8D0] =	vst v13  }
0x71: {  	[tilespmem:$0x8E0] =	vst v14  }
0x72: {  	[tilespmem:$0x8F0] =	vst v15  }
0x73: {  	[tilespmem:$0xC80] =	vst v16  }
0x74: {  	[tilespmem:$0xC90] =	vst v17  }
0x75: {  	[tilespmem:$0xCA0] =	vst v18  }
0x76: {  	[tilespmem:$0xCB0] =	vst v19  }
0x77: {  	[tilespmem:$0xCC0] =	vst v20  }
0x78: {  	[tilespmem:$0xCD0] =	vst v21  }
0x79: {  	[tilespmem:$0xCE0] =	vst v22  }
0x7a: {  	[tilespmem:$0xCF0] =	vst v23  }
0x7b: {  	[tilespmem:$0x500] =	vst v0  }
0x7c: {  	[tilespmem:$0x510] =	vst v1  }
0x7d: {  	[tilespmem:$0x520] =	vst v2  }
0x7e: {  	[tilespmem:$0x530] =	vst v3  }
0x7f: {  	[tilespmem:$0x540] =	vst v4  }
0x80: {  	[tilespmem:$0x550] =	vst v5  }
0x81: {  	[tilespmem:$0x560] =	vst v6  }
0x82: {  	[tilespmem:$0x570] =	vst v7  }
0x83: {  	[tilespmem:$0x900] =	vst v8  }
0x84: {  	[tilespmem:$0x910] =	vst v9  }
0x85: {  	[tilespmem:$0x920] =	vst v10  }
0x86: {  	[tilespmem:$0x930] =	vst v11  }
0x87: {  	[tilespmem:$0x940] =	vst v12  }
0x88: {  	[tilespmem:$0x950] =	vst v13  }
0x89: {  	[tilespmem:$0x960] =	vst v14  }
0x8a: {  	[tilespmem:$0x970] =	vst v15  }
0x8b: {  	[tilespmem:$0xD00] =	vst v16  }
0x8c: {  	[tilespmem:$0xD10] =	vst v17  }
0x8d: {  	[tilespmem:$0xD20] =	vst v18  }
0x8e: {  	[tilespmem:$0xD30] =	vst v19  }
0x8f: {  	[tilespmem:$0xD40] =	vst v20  }
0x90: {  	[tilespmem:$0xD50] =	vst v21  }
0x91: {  	[tilespmem:$0xD60] =	vst v22  }
0x92: {  	[tilespmem:$0xD70] =	vst v23  }
0x93: {  	[tilespmem:$0x580] =	vst v0  }
0x94: {  	[tilespmem:$0x590] =	vst v1  }
0x95: {  	[tilespmem:$0x5A0] =	vst v2  }
0x96: {  	[tilespmem:$0x5B0] =	vst v3  }
0x97: {  	[tilespmem:$0x5C0] =	vst v4  }
0x98: {  	[tilespmem:$0x5D0] =	vst v5  }
0x99: {  	[tilespmem:$0x5E0] =	vst v6  }
0x9a: {  	[tilespmem:$0x5F0] =	vst v7  }
0x9b: {  	[tilespmem:$0x980] =	vst v8  }
0x9c: {  	[tilespmem:$0x990] =	vst v9  }
0x9d: {  	[tilespmem:$0x9A0] =	vst v10  }
0x9e: {  	[tilespmem:$0x9B0] =	vst v11  }
0x9f: {  	[tilespmem:$0x9C0] =	vst v12  }
0xa0: {  	[tilespmem:$0x9D0] =	vst v13  }
0xa1: {  	[tilespmem:$0x9E0] =	vst v14  }
0xa2: {  	[tilespmem:$0x9F0] =	vst v15  }
0xa3: {  	[tilespmem:$0xD80] =	vst v16  }
0xa4: {  	[tilespmem:$0xD90] =	vst v17  }
0xa5: {  	[tilespmem:$0xDA0] =	vst v18  }
0xa6: {  	[tilespmem:$0xDB0] =	vst v19  }
0xa7: {  	[tilespmem:$0xDC0] =	vst v20  }
0xa8: {  	[tilespmem:$0xDD0] =	vst v21  }
0xa9: {  	[tilespmem:$0xDE0] =	vst v22  }
0xaa: {  	[tilespmem:$0xDF0] =	vst v23  }
0xab: {  	[tilespmem:$0x600] =	vst v0  }
0xac: {  	[tilespmem:$0x610] =	vst v1  }
0xad: {  	[tilespmem:$0x620] =	vst v2  }
0xae: {  	[tilespmem:$0x630] =	vst v3  }
0xaf: {  	[tilespmem:$0x640] =	vst v4  }
0xb0: {  	[tilespmem:$0x650] =	vst v5  }
0xb1: {  	[tilespmem:$0x660] =	vst v6  }
0xb2: {  	[tilespmem:$0x670] =	vst v7  }
0xb3: {  	[tilespmem:$0xA00] =	vst v8  }
0xb4: {  	[tilespmem:$0xA10] =	vst v9  }
0xb5: {  	[tilespmem:$0xA20] =	vst v10  }
0xb6: {  	[tilespmem:$0xA30] =	vst v11  }
0xb7: {  	[tilespmem:$0xA40] =	vst v12  }
0xb8: {  	[tilespmem:$0xA50] =	vst v13  }
0xb9: {  	[tilespmem:$0xA60] =	vst v14  }
0xba: {  	[tilespmem:$0xA70] =	vst v15  }
0xbb: {  	[tilespmem:$0xE00] =	vst v16  }
0xbc: {  	[tilespmem:$0xE10] =	vst v17  }
0xbd: {  	[tilespmem:$0xE20] =	vst v18  }
0xbe: {  	[tilespmem:$0xE30] =	vst v19  }
0xbf: {  	[tilespmem:$0xE40] =	vst v20  }
0xc0: {  	[tilespmem:$0xE50] =	vst v21  }
0xc1: {  	[tilespmem:$0xE60] =	vst v22  }
0xc2: {  	[tilespmem:$0xE70] =	vst v23  }
0xc3: {  	[tilespmem:$0x680] =	vst v0  }
0xc4: {  	[tilespmem:$0x690] =	vst v1  }
0xc5: {  	[tilespmem:$0x6A0] =	vst v2  }
0xc6: {  	[tilespmem:$0x6B0] =	vst v3  }
0xc7: {  	[tilespmem:$0x6C0] =	vst v4  }
0xc8: {  	[tilespmem:$0x6D0] =	vst v5  }
0xc9: {  	[tilespmem:$0x6E0] =	vst v6  }
0xca: {  	[tilespmem:$0x6F0] =	vst v7  }
0xcb: {  	[tilespmem:$0xA80] =	vst v8  }
0xcc: {  	[tilespmem:$0xA90] =	vst v9  }
0xcd: {  	[tilespmem:$0xAA0] =	vst v10  }
0xce: {  	[tilespmem:$0xAB0] =	vst v11  }
0xcf: {  	[tilespmem:$0xAC0] =	vst v12  }
0xd0: {  	[tilespmem:$0xAD0] =	vst v13  }
0xd1: {  	[tilespmem:$0xAE0] =	vst v14  }
0xd2: {  	[tilespmem:$0xAF0] =	vst v15  }
0xd3: {  	[tilespmem:$0xE80] =	vst v16  }
0xd4: {  	[tilespmem:$0xE90] =	vst v17  }
0xd5: {  	[tilespmem:$0xEA0] =	vst v18  }
0xd6: {  	[tilespmem:$0xEB0] =	vst v19  }
0xd7: {  	[tilespmem:$0xEC0] =	vst v20  }
0xd8: {  	[tilespmem:$0xED0] =	vst v21  }
0xd9: {  	[tilespmem:$0xEE0] =	vst v22  }
0xda: {  	[tilespmem:$0xEF0] =	vst v23  }
0xdb: {  	[hbm4b:s4+s2] =	stream.linear.scatter [tilespmem:s24], [sflag:$0x1], $0xC00, $0x38;
	[tilespmem:$0x1B00] =	vst v63  }
0xdc: {  	_ = 	snop  }
0xdd: {  	[hbm4b:s5+s2] =	stream.linear.scatter [tilespmem:s24], [sflag:$0x1], $0xC00, $0x38;
	[tilespmem:$0x1B00] =	vst v63  }
0xde: {  	_ = 	snop  }
0xdf: {  	[hbm4b:s6+s2] =	stream.linear.scatter [tilespmem:s24], [sflag:$0x1], $0xC00, $0x38;
	[tilespmem:$0x1B00] =	vst v63  }
0xe0: {  	_ = 	snop  }
0xe1: {  	[hbm4b:s7+s2] =	stream.linear.scatter [tilespmem:s24], [sflag:$0x1], $0xC00, $0x38;
	[tilespmem:$0x1B00] =	vst v63  }
0xe2: {  	_ = 	snop  }
0xe3: {  	[hbm4b:s8+s2] =	stream.linear.scatter [tilespmem:s24], [sflag:$0x1], $0xC00, $0x38;
	[tilespmem:$0x1B00] =	vst v63  }
0xe4: {  	_ = 	snop  }
0xe5: {  	[hbm4b:s9+s2] =	stream.linear.scatter [tilespmem:s24], [sflag:$0x1], $0xC00, $0x38;
	[tilespmem:$0x1B00] =	vst v63  }
0xe6: {  	_ = 	snop  }
0xe7: {  	[hbm4b:s10+s2] =	stream.linear.scatter [tilespmem:s24], [sflag:$0x1], $0xC00, $0x38;
	[tilespmem:$0x1B00] =	vst v63  }
0xe8: {  	_ = 	snop  }
0xe9: {  	[hbm4b:s11+s2] =	stream.linear.scatter [tilespmem:s24], [sflag:$0x1], $0xC00, $0x38;
	[tilespmem:$0x1B00] =	vst v63  }
0xea: {  	v40 =	vld [tilespmem:$0x80]  }
0xeb: {  	v41 =	vld [tilespmem:$0x90]  }
0xec: {  	v42 =	vld [tilespmem:$0xA0]  }
0xed: {  	v43 =	vld [tilespmem:$0xB0]  }
0xee: {  	v44 =	vld [tilespmem:$0xC0]  }
0xef: {  	v45 =	vld [tilespmem:$0xD0];
	[tilespmem:$0xF00] =	vst v40  }
0xf0: {  	v46 =	vld [tilespmem:$0xE0];
	[tilespmem:$0xF10] =	vst v41  }
0xf1: {  	v47 =	vld [tilespmem:$0xF0];
	[tilespmem:$0xF20] =	vst v42  }
0xf2: {  	v48 =	vld [tilespmem:$0x180];
	[tilespmem:$0xF30] =	vst v43  }
0xf3: {  	v49 =	vld [tilespmem:$0x190];
	[tilespmem:$0xF40] =	vst v44  }
0xf4: {  	v50 =	vld [tilespmem:$0x1A0];
	[tilespmem:$0xF50] =	vst v45  }
0xf5: {  	v51 =	vld [tilespmem:$0x1B0];
	[tilespmem:$0xF60] =	vst v46  }
0xf6: {  	v52 =	vld [tilespmem:$0x1C0];
	[tilespmem:$0xF70] =	vst v47  }
0xf7: {  	v53 =	vld [tilespmem:$0x1D0];
	[tilespmem:$0x1300] =	vst v48  }
0xf8: {  	v54 =	vld [tilespmem:$0x1E0];
	[tilespmem:$0x1310] =	vst v49  }
0xf9: {  	v55 =	vld [tilespmem:$0x1F0];
	[tilespmem:$0x1320] =	vst v50  }
0xfa: {  	v56 =	vld [tilespmem:$0x280];
	[tilespmem:$0x1330] =	vst v51  }
0xfb: {  	v57 =	vld [tilespmem:$0x290];
	[tilespmem:$0x1340] =	vst v52  }
0xfc: {  	v58 =	vld [tilespmem:$0x2A0];
	[tilespmem:$0x1350] =	vst v53  }
0xfd: {  	v59 =	vld [tilespmem:$0x2B0];
	[tilespmem:$0x1360] =	vst v54  }
0xfe: {  	v60 =	vld [tilespmem:$0x2C0];
	[tilespmem:$0x1370] =	vst v55  }
0xff: {  	v61 =	vld [tilespmem:$0x2D0];
	[tilespmem:$0x1700] =	vst v56  }
0x100: {  	v62 =	vld [tilespmem:$0x2E0];
	[tilespmem:$0x1710] =	vst v57  }
0x101: {  	v63 =	vld [tilespmem:$0x2F0];
	[tilespmem:$0x1720] =	vst v58  }
0x102: {  	[tilespmem:$0x1730] =	vst v59  }
0x103: {  	[tilespmem:$0x1740] =	vst v60  }
0x104: {  	[tilespmem:$0x1750] =	vst v61  }
0x105: {  	[tilespmem:$0x1760] =	vst v62  }
0x106: {  	[tilespmem:$0x1770] =	vst v63  }
0x107: {  	[tilespmem:$0xF80] =	vst v40  }
0x108: {  	[tilespmem:$0xF90] =	vst v41  }
0x109: {  	[tilespmem:$0xFA0] =	vst v42  }
0x10a: {  	[tilespmem:$0xFB0] =	vst v43  }
0x10b: {  	[tilespmem:$0xFC0] =	vst v44  }
0x10c: {  	[tilespmem:$0xFD0] =	vst v45  }
0x10d: {  	[tilespmem:$0xFE0] =	vst v46  }
0x10e: {  	[tilespmem:$0xFF0] =	vst v47  }
0x10f: {  	[tilespmem:$0x1380] =	vst v48  }
0x110: {  	[tilespmem:$0x1390] =	vst v49  }
0x111: {  	[tilespmem:$0x13A0] =	vst v50  }
0x112: {  	[tilespmem:$0x13B0] =	vst v51  }
0x113: {  	[tilespmem:$0x13C0] =	vst v52  }
0x114: {  	[tilespmem:$0x13D0] =	vst v53  }
0x115: {  	[tilespmem:$0x13E0] =	vst v54  }
0x116: {  	[tilespmem:$0x13F0] =	vst v55  }
0x117: {  	[tilespmem:$0x1780] =	vst v56  }
0x118: {  	[tilespmem:$0x1790] =	vst v57  }
0x119: {  	[tilespmem:$0x17A0] =	vst v58  }
0x11a: {  	[tilespmem:$0x17B0] =	vst v59  }
0x11b: {  	[tilespmem:$0x17C0] =	vst v60  }
0x11c: {  	[tilespmem:$0x17D0] =	vst v61  }
0x11d: {  	[tilespmem:$0x17E0] =	vst v62  }
0x11e: {  	[tilespmem:$0x17F0] =	vst v63  }
0x11f: {  	[tilespmem:$0x1000] =	vst v40  }
0x120: {  	[tilespmem:$0x1010] =	vst v41  }
0x121: {  	[tilespmem:$0x1020] =	vst v42  }
0x122: {  	[tilespmem:$0x1030] =	vst v43  }
0x123: {  	[tilespmem:$0x1040] =	vst v44  }
0x124: {  	[tilespmem:$0x1050] =	vst v45  }
0x125: {  	[tilespmem:$0x1060] =	vst v46  }
0x126: {  	[tilespmem:$0x1070] =	vst v47  }
0x127: {  	[tilespmem:$0x1400] =	vst v48  }
0x128: {  	[tilespmem:$0x1410] =	vst v49  }
0x129: {  	[tilespmem:$0x1420] =	vst v50  }
0x12a: {  	[tilespmem:$0x1430] =	vst v51  }
0x12b: {  	[tilespmem:$0x1440] =	vst v52  }
0x12c: {  	[tilespmem:$0x1450] =	vst v53  }
0x12d: {  	[tilespmem:$0x1460] =	vst v54  }
0x12e: {  	[tilespmem:$0x1470] =	vst v55  }
0x12f: {  	[tilespmem:$0x1800] =	vst v56  }
0x130: {  	[tilespmem:$0x1810] =	vst v57  }
0x131: {  	[tilespmem:$0x1820] =	vst v58  }
0x132: {  	[tilespmem:$0x1830] =	vst v59  }
0x133: {  	[tilespmem:$0x1840] =	vst v60  }
0x134: {  	[tilespmem:$0x1850] =	vst v61  }
0x135: {  	[tilespmem:$0x1860] =	vst v62  }
0x136: {  	[tilespmem:$0x1870] =	vst v63  }
0x137: {  	[tilespmem:$0x1080] =	vst v40  }
0x138: {  	[tilespmem:$0x1090] =	vst v41  }
0x139: {  	[tilespmem:$0x10A0] =	vst v42  }
0x13a: {  	[tilespmem:$0x10B0] =	vst v43  }
0x13b: {  	[tilespmem:$0x10C0] =	vst v44  }
0x13c: {  	[tilespmem:$0x10D0] =	vst v45  }
0x13d: {  	[tilespmem:$0x10E0] =	vst v46  }
0x13e: {  	[tilespmem:$0x10F0] =	vst v47  }
0x13f: {  	[tilespmem:$0x1480] =	vst v48  }
0x140: {  	[tilespmem:$0x1490] =	vst v49  }
0x141: {  	[tilespmem:$0x14A0] =	vst v50  }
0x142: {  	[tilespmem:$0x14B0] =	vst v51  }
0x143: {  	[tilespmem:$0x14C0] =	vst v52  }
0x144: {  	[tilespmem:$0x14D0] =	vst v53  }
0x145: {  	[tilespmem:$0x14E0] =	vst v54  }
0x146: {  	[tilespmem:$0x14F0] =	vst v55  }
0x147: {  	[tilespmem:$0x1880] =	vst v56  }
0x148: {  	[tilespmem:$0x1890] =	vst v57  }
0x149: {  	[tilespmem:$0x18A0] =	vst v58  }
0x14a: {  	[tilespmem:$0x18B0] =	vst v59  }
0x14b: {  	[tilespmem:$0x18C0] =	vst v60  }
0x14c: {  	[tilespmem:$0x18D0] =	vst v61  }
0x14d: {  	[tilespmem:$0x18E0] =	vst v62  }
0x14e: {  	[tilespmem:$0x18F0] =	vst v63  }
0x14f: {  	[tilespmem:$0x1100] =	vst v40  }
0x150: {  	[tilespmem:$0x1110] =	vst v41  }
0x151: {  	[tilespmem:$0x1120] =	vst v42  }
0x152: {  	[tilespmem:$0x1130] =	vst v43  }
0x153: {  	[tilespmem:$0x1140] =	vst v44  }
0x154: {  	[tilespmem:$0x1150] =	vst v45  }
0x155: {  	[tilespmem:$0x1160] =	vst v46  }
0x156: {  	[tilespmem:$0x1170] =	vst v47  }
0x157: {  	[tilespmem:$0x1500] =	vst v48  }
0x158: {  	[tilespmem:$0x1510] =	vst v49  }
0x159: {  	[tilespmem:$0x1520] =	vst v50  }
0x15a: {  	[tilespmem:$0x1530] =	vst v51  }
0x15b: {  	[tilespmem:$0x1540] =	vst v52  }
0x15c: {  	[tilespmem:$0x1550] =	vst v53  }
0x15d: {  	[tilespmem:$0x1560] =	vst v54  }
0x15e: {  	[tilespmem:$0x1570] =	vst v55  }
0x15f: {  	[tilespmem:$0x1900] =	vst v56  }
0x160: {  	[tilespmem:$0x1910] =	vst v57  }
0x161: {  	[tilespmem:$0x1920] =	vst v58  }
0x162: {  	[tilespmem:$0x1930] =	vst v59  }
0x163: {  	[tilespmem:$0x1940] =	vst v60  }
0x164: {  	[tilespmem:$0x1950] =	vst v61  }
0x165: {  	[tilespmem:$0x1960] =	vst v62  }
0x166: {  	[tilespmem:$0x1970] =	vst v63  }
0x167: {  	[tilespmem:$0x1180] =	vst v40  }
0x168: {  	[tilespmem:$0x1190] =	vst v41  }
0x169: {  	[tilespmem:$0x11A0] =	vst v42  }
0x16a: {  	[tilespmem:$0x11B0] =	vst v43  }
0x16b: {  	[tilespmem:$0x11C0] =	vst v44  }
0x16c: {  	[tilespmem:$0x11D0] =	vst v45  }
0x16d: {  	[tilespmem:$0x11E0] =	vst v46  }
0x16e: {  	[tilespmem:$0x11F0] =	vst v47  }
0x16f: {  	[tilespmem:$0x1580] =	vst v48  }
0x170: {  	[tilespmem:$0x1590] =	vst v49  }
0x171: {  	[tilespmem:$0x15A0] =	vst v50  }
0x172: {  	[tilespmem:$0x15B0] =	vst v51  }
0x173: {  	[tilespmem:$0x15C0] =	vst v52  }
0x174: {  	[tilespmem:$0x15D0] =	vst v53  }
0x175: {  	[tilespmem:$0x15E0] =	vst v54  }
0x176: {  	[tilespmem:$0x15F0] =	vst v55  }
0x177: {  	[tilespmem:$0x1980] =	vst v56  }
0x178: {  	[tilespmem:$0x1990] =	vst v57  }
0x179: {  	[tilespmem:$0x19A0] =	vst v58  }
0x17a: {  	[tilespmem:$0x19B0] =	vst v59  }
0x17b: {  	[tilespmem:$0x19C0] =	vst v60  }
0x17c: {  	[tilespmem:$0x19D0] =	vst v61  }
0x17d: {  	[tilespmem:$0x19E0] =	vst v62  }
0x17e: {  	[tilespmem:$0x19F0] =	vst v63  }
0x17f: {  	[tilespmem:$0x1200] =	vst v40  }
0x180: {  	[tilespmem:$0x1210] =	vst v41  }
0x181: {  	[tilespmem:$0x1220] =	vst v42  }
0x182: {  	[tilespmem:$0x1230] =	vst v43  }
0x183: {  	[tilespmem:$0x1240] =	vst v44  }
0x184: {  	[tilespmem:$0x1250] =	vst v45  }
0x185: {  	[tilespmem:$0x1260] =	vst v46  }
0x186: {  	[tilespmem:$0x1270] =	vst v47  }
0x187: {  	[tilespmem:$0x1600] =	vst v48  }
0x188: {  	[tilespmem:$0x1610] =	vst v49  }
0x189: {  	[tilespmem:$0x1620] =	vst v50  }
0x18a: {  	[tilespmem:$0x1630] =	vst v51  }
0x18b: {  	[tilespmem:$0x1640] =	vst v52  }
0x18c: {  	[tilespmem:$0x1650] =	vst v53  }
0x18d: {  	[tilespmem:$0x1660] =	vst v54  }
0x18e: {  	[tilespmem:$0x1670] =	vst v55  }
0x18f: {  	[tilespmem:$0x1A00] =	vst v56  }
0x190: {  	[tilespmem:$0x1A10] =	vst v57  }
0x191: {  	[tilespmem:$0x1A20] =	vst v58  }
0x192: {  	[tilespmem:$0x1A30] =	vst v59  }
0x193: {  	[tilespmem:$0x1A40] =	vst v60  }
0x194: {  	[tilespmem:$0x1A50] =	vst v61  }
0x195: {  	[tilespmem:$0x1A60] =	vst v62  }
0x196: {  	[tilespmem:$0x1A70] =	vst v63  }
0x197: {  	[tilespmem:$0x1280] =	vst v40  }
0x198: {  	[tilespmem:$0x1290] =	vst v41  }
0x199: {  	[tilespmem:$0x12A0] =	vst v42  }
0x19a: {  	[tilespmem:$0x12B0] =	vst v43  }
0x19b: {  	[tilespmem:$0x12C0] =	vst v44  }
0x19c: {  	[tilespmem:$0x12D0] =	vst v45  }
0x19d: {  	[tilespmem:$0x12E0] =	vst v46  }
0x19e: {  	[tilespmem:$0x12F0] =	vst v47  }
0x19f: {  	[tilespmem:$0x1680] =	vst v48  }
0x1a0: {  	[tilespmem:$0x1690] =	vst v49  }
0x1a1: {  	[tilespmem:$0x16A0] =	vst v50  }
0x1a2: {  	[tilespmem:$0x16B0] =	vst v51  }
0x1a3: {  	[tilespmem:$0x16C0] =	vst v52  }
0x1a4: {  	[tilespmem:$0x16D0] =	vst v53  }
0x1a5: {  	[tilespmem:$0x16E0] =	vst v54  }
0x1a6: {  	[tilespmem:$0x16F0] =	vst v55  }
0x1a7: {  	[tilespmem:$0x1A80] =	vst v56  }
0x1a8: {  	[tilespmem:$0x1A90] =	vst v57  }
0x1a9: {  	[tilespmem:$0x1AA0] =	vst v58  }
0x1aa: {  	[tilespmem:$0x1AB0] =	vst v59  }
0x1ab: {  	[tilespmem:$0x1AC0] =	vst v60  }
0x1ac: {  	[tilespmem:$0x1AD0] =	vst v61  }
0x1ad: {  	[tilespmem:$0x1AE0] =	vst v62  }
0x1ae: {  	[tilespmem:$0x1AF0] =	vst v63  }
0x1af: {  	[hbm4b:s12+s2] =	stream.linear.scatter [tilespmem:s25], [sflag:$0x1], $0xC00, $0x38;
	[tilespmem:$0x1B00] =	vst v63  }
0x1b0: {  	_ = 	snop  }
0x1b1: {  	[hbm4b:s13+s2] =	stream.linear.scatter [tilespmem:s25], [sflag:$0x1], $0xC00, $0x38;
	[tilespmem:$0x1B00] =	vst v63  }
0x1b2: {  	_ = 	snop  }
0x1b3: {  	[hbm4b:s14+s2] =	stream.linear.scatter [tilespmem:s25], [sflag:$0x1], $0xC00, $0x38;
	[tilespmem:$0x1B00] =	vst v63  }
0x1b4: {  	_ = 	snop  }
0x1b5: {  	[hbm4b:s15+s2] =	stream.linear.scatter [tilespmem:s25], [sflag:$0x1], $0xC00, $0x38;
	[tilespmem:$0x1B00] =	vst v63  }
0x1b6: {  	_ = 	snop  }
0x1b7: {  	[hbm4b:s16+s2] =	stream.linear.scatter [tilespmem:s25], [sflag:$0x1], $0xC00, $0x38;
	[tilespmem:$0x1B00] =	vst v63  }
0x1b8: {  	_ = 	snop  }
0x1b9: {  	[hbm4b:s17+s2] =	stream.linear.scatter [tilespmem:s25], [sflag:$0x1], $0xC00, $0x38;
	[tilespmem:$0x1B00] =	vst v63  }
0x1ba: {  	_ = 	snop  }
0x1bb: {  	[hbm4b:s18+s2] =	stream.linear.scatter [tilespmem:s25], [sflag:$0x1], $0xC00, $0x38;
	[tilespmem:$0x1B00] =	vst v63  }
0x1bc: {  	_ = 	snop  }
0x1bd: {  	[hbm4b:s19+s2] =	stream.linear.scatter [tilespmem:s25], [sflag:$0x1], $0xC00, $0x38;
	[tilespmem:$0x1B00] =	vst v63  }
0x1be: {  	_ =	swait.ge [sflag:s26], $0xC00  }
0x1bf: {  	[sflag:s26] =	ssyncset.done $0x0  }
0x1c0: {  	[sflag:s26] =	ssyncadd.s32 $0xFFFFF400  }
0x1c1: {  	_ =	swait.ge [sflag:s26], $0xC00  }
0x1c2: {  	[sflag:s26] =	ssyncset.done $0x0  }
0x1c3: {  	[sflag:s26] =	ssyncadd.s32 $0xFFFFF400  }
0x1c4: {  	_ =	swait.ge [sflag:s26], $0xC00  }
0x1c5: {  	[sflag:s26] =	ssyncset.done $0x0  }
0x1c6: {  	[sflag:s26] =	ssyncadd.s32 $0xFFFFF400  }
0x1c7: {  	_ =	swait.ge [sflag:s26], $0xC00  }
0x1c8: {  	[sflag:s26] =	ssyncset.done $0x0  }
0x1c9: {  	[sflag:s26] =	ssyncadd.s32 $0xFFFFF400  }
0x1ca: {  	_ =	swait.ge [sflag:s26], $0xC00  }
0x1cb: {  	[sflag:s26] =	ssyncset.done $0x0  }
0x1cc: {  	[sflag:s26] =	ssyncadd.s32 $0xFFFFF400  }
0x1cd: {  	_ =	swait.ge [sflag:s26], $0xC00  }
0x1ce: {  	[sflag:s26] =	ssyncset.done $0x0  }
0x1cf: {  	[sflag:s26] =	ssyncadd.s32 $0xFFFFF400  }
0x1d0: {  	_ =	swait.ge [sflag:s26], $0xC00  }
0x1d1: {  	[sflag:s26] =	ssyncset.done $0x0  }
0x1d2: {  	[sflag:s26] =	ssyncadd.s32 $0xFFFFF400  }
0x1d3: {  	_ =	swait.ge [sflag:s26], $0xC00  }
0x1d4: {  	[sflag:s26] =	ssyncset.done $0x0  }
0x1d5: {  	[sflag:s26] =	ssyncadd.s32 $0xFFFFF400  }
0x1d6: {  	_ =	swait.ge [sflag:s26], $0xC00  }
0x1d7: {  	[sflag:s26] =	ssyncset.done $0x0  }
0x1d8: {  	[sflag:s26] =	ssyncadd.s32 $0xFFFFF400  }
0x1d9: {  	_ =	swait.ge [sflag:s26], $0xC00  }
0x1da: {  	[sflag:s26] =	ssyncset.done $0x0  }
0x1db: {  	[sflag:s26] =	ssyncadd.s32 $0xFFFFF400  }
0x1dc: {  	_ =	swait.ge [sflag:s26], $0xC00  }
0x1dd: {  	[sflag:s26] =	ssyncset.done $0x0  }
0x1de: {  	[sflag:s26] =	ssyncadd.s32 $0xFFFFF400  }
0x1df: {  	_ =	swait.ge [sflag:s26], $0xC00  }
0x1e0: {  	[sflag:s26] =	ssyncset.done $0x0  }
0x1e1: {  	[sflag:s26] =	ssyncadd.s32 $0xFFFFF400  }
0x1e2: {  	_ =	swait.ge [sflag:s26], $0xC00  }
0x1e3: {  	[sflag:s26] =	ssyncset.done $0x0  }
0x1e4: {  	[sflag:s26] =	ssyncadd.s32 $0xFFFFF400  }
0x1e5: {  	_ =	swait.ge [sflag:s26], $0xC00  }
0x1e6: {  	[sflag:s26] =	ssyncset.done $0x0  }
0x1e7: {  	[sflag:s26] =	ssyncadd.s32 $0xFFFFF400  }
0x1e8: {  	p0 =	sne.s32 s20, $0x1;
	_ =	swait.ge [sflag:s26], $0xC00  }
.Ltmp0:
0x1e9: {  	[sflag:s26] =	ssyncset.done $0x0;
	(pc) =	sbr.rel @p0 .LBB2_1-.Ltmp0, $4  }
0x1ea: {  	[sflag:s26] =	ssyncadd.s32 $0xFFFFF400  }
0x1eb: {  	_ =	swait.ge [sflag:s26], $0xC00  }
0x1ec: {  	[sflag:s26] =	ssyncset.done $0x0  }
0x1ed: {  	s20 =	sadd.s32 $0xFFFFFFFF, s20;
	[sflag:s26] =	ssyncadd.s32 $0xFFFFF400  }
0x1ee: {  	_ =	sfence.sel $0x180000  }
0x1ef: {  	[bflag:$0x0] =	sbarrier.arrive $0xFFFF  }
0x1f0: {  	p0 =	sne.s32 s1, $0x0;
	_ =	strace $0x90000047  }
0x1f1: {  	s0 =	sadd.s32 @!p0 $0x100000, s0;
	[bflag:$0x2] =	sbarrier.arrive $0xFFFF  }
0x1f2: {  	[sflag:s0] =	ssyncadd.tile.s32 @!p0 $0x1;
	_ =	shalt  }
.Lfunc_end2:
_tile_overlayer_lowered:
.L_overlay_start_2:
0x1f3: {  	(tag) =	ssettag $0x2  }
0x1f4: {  	s0 =	rddreg [dreg:$0x0];
	s2 =	stileid.u32  }
0x1f5: {  	s1 =	rddreg [dreg:$0x1];
	p0 =	sne.s32 s2, $0x0  }
0x1f6: {  	s3 =	rddreg [dreg:$0x2];
	[bflag:$0x3] =	sbarrier.arrive $0xFFFF;
	s2 =	simm.s32 @!p0 $0x1C02  }
0x1f7: {  	[timem:s3], [sflag:s2] =	dma.local @!p0 [hbm:s0], s1  }
0x1f8: {  	s0 =	simm.s32 @!p0 $0x2  }
0x1f9: {  	_ =	swait.ge @!p0 [sflag:s0], s1  }
0x1fa: {  	s1 =	ssub.s32 @!p0 $0x0, s1;
	[sflag:s0] =	ssyncset.done @!p0 $0x0  }
0x1fb: {  	[sflag:s0] =	ssyncadd.s32 @!p0 s1  }
0x1fc: {  	[bflag:$0x3] =	sbarrier.arrive $0xFFFF  }
0x1fd: {  	_ =	shalt  }

</sc_bundles>
